<compile_context>
chip_gen: v7x
topology: tpu7x:2x2x1
jax: 0.10.2.dev20260603
libtpu: 0.0.44.dev20260713+nightly
codegen_flags: <defaults>
</compile_context>

<pallas_src>
import functools

import jax
import jax.numpy as jnp
from jax import lax
from jax.experimental import pallas as pl
from jax.experimental.pallas import tpu as pltpu
from jax.experimental.pallas import tpu_sc as plsc

N = 10000
D = 128
OUT = 64
NC = 2
NS = 16
NW = NC * NS
CHUNK = 64
CPW = 160
NBUF = 4
RPT = 632
ACC_ROWS = NS * RPT
E_PAD = NW * CPW * CHUNK

PCHUNK = 16
PCPW = E_PAD // (NW * PCHUNK)
PSLAB = 8
PNPH = PCPW // PSLAB
PNBUF = 2
HN = 5000
PAR = 5120
PAPT = PAR // NS
TRASH = 5100
GT = 10

_MESH = plsc.VectorSubcoreMesh(
    core_axis_name="c", subcore_axis_name="s", num_cores=NC, num_subcores=NS)


@functools.partial(
    pl.kernel,
    out_type=jax.ShapeDtypeStruct((NC, ACC_ROWS, D), jnp.float32),
    mesh=_MESH,
    scratch_types=[
        pltpu.VMEM((CPW, CHUNK), jnp.int32),
        pltpu.VMEM((CHUNK, D), jnp.float32),
        pltpu.VMEM_SHARED((ACC_ROWS, D), jnp.float32),
        [pltpu.SemaphoreType.DMA] * NBUF,
    ],
)
def _sc_degree(dst_hbm, ones_hbm, zeros_hbm, out_hbm, dstv, onesv, degsp,
               sems):
    c = lax.axis_index("c")
    s = lax.axis_index("s")
    wid = s * NC + c
    pltpu.sync_copy(dst_hbm.at[pl.ds(wid * CPW, CPW)], dstv)
    pltpu.sync_copy(ones_hbm, onesv)
    pltpu.sync_copy(zeros_hbm, degsp.at[pl.ds(s * RPT, RPT)])
    plsc.subcore_barrier()

    def body(g, _):
        for b in range(NBUF):
            pltpu.async_copy(onesv, degsp.at[dstv.at[g * NBUF + b]],
                             sems[b], add=True)
        for b in range(NBUF):
            pltpu.make_async_copy(
                onesv, degsp.at[dstv.at[g * NBUF + b]], sems[b]).wait()
        return 0

    lax.fori_loop(0, CPW // NBUF, body, 0)
    plsc.subcore_barrier()
    pltpu.sync_copy(degsp.at[pl.ds(s * RPT, RPT)],
                    out_hbm.at[c].at[pl.ds(s * RPT, RPT)])


@functools.partial(
    pl.kernel,
    out_type=jax.ShapeDtypeStruct((2, NC, PAR, D), jnp.float32),
    mesh=_MESH,
    scratch_types=[
        [pltpu.VMEM((PSLAB, PCHUNK), jnp.int32)] * 2,
        [pltpu.VMEM((PSLAB, PCHUNK), jnp.int32)] * 2,
        [pltpu.VMEM((PCHUNK, D), jnp.float32)] * PNBUF,
        pltpu.VMEM_SHARED((N, D), jnp.float32),
        pltpu.VMEM_SHARED((PAR, D), jnp.float32),
        [pltpu.SemaphoreType.DMA] * PNBUF,
        [pltpu.SemaphoreType.DMA] * PNBUF,
        [pltpu.SemaphoreType.DMA] * 2,
    ],
)
def _sc_propagate(g_hbm, src_hbm, dst0_hbm, dst1_hbm, zeros_hbm, out_hbm,
                  srcv, dstv, bufs, gsp, acc, gsems, ssems, slsems):
    c = lax.axis_index("c")
    s = lax.axis_index("s")
    wid = s * NC + c
    base = wid * PCPW

    @pl.when(s < GT)
    def _():
        pltpu.sync_copy(g_hbm.at[pl.ds(s * (N // GT), N // GT)],
                        gsp.at[pl.ds(s * (N // GT), N // GT)])

    for h in range(2):
        dst_hbm = dst0_hbm if h == 0 else dst1_hbm
        pltpu.sync_copy(zeros_hbm.at[pl.ds(0, PAPT)],
                        acc.at[pl.ds(s * PAPT, PAPT)])
        plsc.subcore_barrier()

        pltpu.async_copy(src_hbm.at[pl.ds(base, PSLAB)], srcv[0], slsems[0])
        pltpu.async_copy(dst_hbm.at[pl.ds(base, PSLAB)], dstv[0], slsems[0])

        def phase_pair(pp, _):
            for q in range(2):
                ph = pp * 2 + q
                off = base + ph * PSLAB
                pltpu.make_async_copy(src_hbm.at[pl.ds(off, PSLAB)],
                                      srcv[q], slsems[q]).wait()
                pltpu.make_async_copy(dst_hbm.at[pl.ds(off, PSLAB)],
                                      dstv[q], slsems[q]).wait()

                @pl.when(ph + 1 < PNPH)
                def _():
                    noff = base + (ph + 1) * PSLAB
                    pltpu.async_copy(src_hbm.at[pl.ds(noff, PSLAB)],
                                     srcv[1 - q], slsems[1 - q])
                    pltpu.async_copy(dst_hbm.at[pl.ds(noff, PSLAB)],
                                     dstv[1 - q], slsems[1 - q])

                for b in range(PNBUF):
                    pltpu.async_copy(gsp.at[srcv[q].at[b]], bufs[b],
                                     gsems[b])

                for j in range(PSLAB):
                    b = j % PNBUF
                    pltpu.make_async_copy(gsp.at[srcv[q].at[j]],
                                          bufs[b], gsems[b]).wait()
                    pltpu.async_copy(bufs[b], acc.at[dstv[q].at[j]],
                                     ssems[b], add=True)
                    if j + PNBUF < PSLAB:
                        pltpu.make_async_copy(bufs[b], acc.at[dstv[q].at[j]],
                                              ssems[b]).wait()
                        pltpu.async_copy(gsp.at[srcv[q].at[j + PNBUF]],
                                         bufs[b], gsems[b])
                for b in range(PNBUF):
                    j = PSLAB - PNBUF + b
                    pltpu.make_async_copy(bufs[b], acc.at[dstv[q].at[j]],
                                          ssems[b]).wait()
            return 0

        lax.fori_loop(0, PNPH // 2, phase_pair, 0)
        plsc.subcore_barrier()
        pltpu.sync_copy(acc.at[pl.ds(s * PAPT, PAPT)],
                        out_hbm.at[h].at[c].at[pl.ds(s * PAPT, PAPT)])


_RB = 1000


def _tc1_body(deg_ref, x_ref, w1_ref, g1_ref, dinv_ref):
    deg = deg_ref[0, :, 0:1] + deg_ref[1, :, 0:1] + 1.0
    dinv = lax.rsqrt(deg)
    dinv_ref[...] = dinv
    g1_ref[...] = jnp.dot(x_ref[...], w1_ref[...],
                          preferred_element_type=jnp.float32) * dinv


def _tc1(degp, x, w1):
    return pl.pallas_call(
        _tc1_body,
        grid=(N // _RB,),
        in_specs=[
            pl.BlockSpec((NC, _RB, D), lambda i: (0, i, 0)),
            pl.BlockSpec((_RB, D), lambda i: (i, 0)),
            pl.BlockSpec((D, D), lambda i: (0, 0)),
        ],
        out_specs=[
            pl.BlockSpec((_RB, D), lambda i: (i, 0)),
            pl.BlockSpec((_RB, 1), lambda i: (i, 0)),
        ],
        out_shape=[
            jax.ShapeDtypeStruct((N, D), jnp.float32),
            jax.ShapeDtypeStruct((N, 1), jnp.float32),
        ],
    )(degp, x, w1)


def _tc2_body(p1_ref, g1_ref, dinv_ref, b1_ref, wcat_ref, g2_ref):
    dinv = dinv_ref[...]
    z = jnp.maximum(
        dinv * (p1_ref[0, 0] + p1_ref[0, 1] + g1_ref[...]) + b1_ref[...], 0.0)
    g2_ref[...] = jnp.dot(z, wcat_ref[...],
                          preferred_element_type=jnp.float32) * dinv


_PHALF = pl.BlockSpec((1, NC, _RB, D), lambda i: (i // 5, 0, i % 5, 0))


def _tc2(p1, g1, dinv, b1, wcat):
    return pl.pallas_call(
        _tc2_body,
        grid=(N // _RB,),
        in_specs=[
            _PHALF,
            pl.BlockSpec((_RB, D), lambda i: (i, 0)),
            pl.BlockSpec((_RB, 1), lambda i: (i, 0)),
            pl.BlockSpec((1, D), lambda i: (0, 0)),
            pl.BlockSpec((D, D), lambda i: (0, 0)),
        ],
        out_specs=pl.BlockSpec((_RB, D), lambda i: (i, 0)),
        out_shape=jax.ShapeDtypeStruct((N, D), jnp.float32),
    )(p1, g1, dinv, b1, wcat)


def _tc3_body(p2_ref, g2_ref, dinv_ref, bcat_ref, out_ref):
    out_ref[...] = (dinv_ref[...] *
                    (p2_ref[0, 0] + p2_ref[0, 1] + g2_ref[...]) +
                    bcat_ref[...])


def _tc3(p2, g2, dinv, bcat):
    return pl.pallas_call(
        _tc3_body,
        grid=(N // _RB,),
        in_specs=[
            _PHALF,
            pl.BlockSpec((_RB, D), lambda i: (i, 0)),
            pl.BlockSpec((_RB, 1), lambda i: (i, 0)),
            pl.BlockSpec((1, D), lambda i: (0, 0)),
        ],
        out_specs=pl.BlockSpec((_RB, D), lambda i: (i, 0)),
        out_shape=jax.ShapeDtypeStruct((N, D), jnp.float32),
    )(p2, g2, dinv, bcat)


def kernel(x, edge_index, W1, b1, W_mu, b_mu, W_ls, b_ls):
    E = edge_index.shape[1]
    pad = E_PAD - E
    src_p = jnp.concatenate([edge_index[0], jnp.zeros((pad,), jnp.int32)])
    dst_p = jnp.concatenate([edge_index[1], jnp.full((pad,), N, jnp.int32)])
    dstdeg2d = dst_p.reshape(NW * CPW, CHUNK)
    srcp2d = src_p.reshape(NW * PCPW, PCHUNK)
    dst0_2d = jnp.where(dst_p < HN, dst_p, TRASH).reshape(NW * PCPW, PCHUNK)
    dst1_2d = jnp.where((dst_p >= HN) & (dst_p < N), dst_p - HN,
                        TRASH).reshape(NW * PCPW, PCHUNK)

    onesD = jnp.ones((CHUNK, D), jnp.float32)
    zerosD = jnp.zeros((RPT, D), jnp.float32)
    wcat = jnp.concatenate([W_mu, W_ls], axis=1)
    bcat = jnp.concatenate([b_mu, b_ls]).reshape(1, D)

    degp = _sc_degree(dstdeg2d, onesD, zerosD)
    g1, dinv = _tc1(degp, x, W1)
    p1 = _sc_propagate(g1, srcp2d, dst0_2d, dst1_2d, zerosD)
    g2 = _tc2(p1, g1, dinv, b1.reshape(1, D), wcat)
    p2 = _sc_propagate(g2, srcp2d, dst0_2d, dst1_2d, zerosD)
    out2 = _tc3(p2, g2, dinv, bcat)
    return (out2[:, :OUT], out2[:, OUT:])

# --- scband reference (transcript-rebuilt; emitter-appended) ---
"""Pipeline reference for scband-vgae-82042465288590 (READ-ONLY COPY).

The authoritative reference and input builder live on the scoring server;
editing this copy changes nothing except your own understanding.
"""

import jax, jax.numpy as jnp
import numpy as np

N = 10000
E = 320000
IN = 128
OUT = 64
HID = 2 * OUT  # 128


def setup_inputs(seed: int = 0) -> dict:
    key = jax.random.key(seed)
    ks = jax.random.split(key, 8)
    x = jax.random.normal(ks[0], (N, IN), dtype=jnp.float32)
    edge_index = jax.random.randint(ks[1], (2, E), 0, N, dtype=jnp.int32)
    W1 = jax.random.normal(ks[2], (IN, HID), dtype=jnp.float32) * (1.0 / np.sqrt(IN))
    b1 = jnp.zeros((HID,), dtype=jnp.float32)
    W_mu = jax.random.normal(ks[3], (HID, OUT), dtype=jnp.float32) * (1.0 / np.sqrt(HID))
    b_mu = jnp.zeros((OUT,), dtype=jnp.float32)
    W_ls = jax.random.normal(ks[4], (HID, OUT), dtype=jnp.float32) * (1.0 / np.sqrt(HID))
    b_ls = jnp.zeros((OUT,), dtype=jnp.float32)
    return {"x": x, "edge_index": edge_index, "W1": W1, "b1": b1,
            "W_mu": W_mu, "b_mu": b_mu, "W_ls": W_ls, "b_ls": b_ls}


def gcn_conv(x, edge_index, W, b):
    # GCNConv: h = W^T x, then propagate with sym-normalized adjacency incl. self loops
    n = x.shape[0]
    src = edge_index[0]
    dst = edge_index[1]
    loop = jnp.arange(n, dtype=src.dtype)
    src_all = jnp.concatenate([src, loop])
    dst_all = jnp.concatenate([dst, loop])
    deg = jax.ops.segment_sum(jnp.ones_like(dst_all, dtype=x.dtype), dst_all, num_segments=n)
    dinv = jnp.where(deg > 0, jax.lax.rsqrt(deg), 0.0)
    norm = dinv[src_all] * dinv[dst_all]
    h = x @ W
    msgs = h[src_all] * norm[:, None]
    out = jax.ops.segment_sum(msgs, dst_all, num_segments=n)
    return out + b


def reference(x, edge_index, W1, b1, W_mu, b_mu, W_ls, b_ls):
    # VariationalGCNEncoder forward (VGAE.encode in eval mode returns mu; we return (mu, logstd))
    h = jax.nn.relu(gcn_conv(x, edge_index, W1, b1))
    mu = gcn_conv(h, edge_index, W_mu, b_mu)
    logstd = gcn_conv(h, edge_index, W_ls, b_ls)
    return (mu, logstd)

if __name__ == "__main__":
    import jax
    _d = setup_inputs()
    print(jax.jit(kernel)(*tuple(_d.values())))

</pallas_src>

<mosaic_0001>
#map = affine_map<(d0, d1) -> (0, 0)>
#map1 = affine_map<(d0, d1) -> (0, 0, 0, 0)>
module attributes {stable_mosaic.version = 14 : i64} {
  func.func @_sc_propagate(%arg0: i32, %arg1: i32, %arg2: memref<10000x128xf32, #tpu.memory_space<hbm>>, %arg3: memref<20480x16xi32, #tpu.memory_space<hbm>>, %arg4: memref<20480x16xi32, #tpu.memory_space<hbm>>, %arg5: memref<20480x16xi32, #tpu.memory_space<hbm>>, %arg6: memref<632x128xf32, #tpu.memory_space<hbm>>, %arg7: memref<2x2x5120x128xf32, #tpu.memory_space<hbm>>, %arg8: memref<8x16xi32, #tpu.memory_space<vmem>>, %arg9: memref<8x16xi32, #tpu.memory_space<vmem>>, %arg10: memref<8x16xi32, #tpu.memory_space<vmem>>, %arg11: memref<8x16xi32, #tpu.memory_space<vmem>>, %arg12: memref<16x128xf32, #tpu.memory_space<vmem>>, %arg13: memref<16x128xf32, #tpu.memory_space<vmem>>, %arg14: memref<10000x128xf32, #tpu.memory_space<vmem_shared>>, %arg15: memref<5120x128xf32, #tpu.memory_space<vmem_shared>>, %arg16: memref<!tpu.dma_semaphore, #tpu.memory_space<semaphore_mem>>, %arg17: memref<!tpu.dma_semaphore, #tpu.memory_space<semaphore_mem>>, %arg18: memref<!tpu.dma_semaphore, #tpu.memory_space<semaphore_mem>>, %arg19: memref<!tpu.dma_semaphore, #tpu.memory_space<semaphore_mem>>, %arg20: memref<!tpu.dma_semaphore, #tpu.memory_space<semaphore_mem>>, %arg21: memref<!tpu.dma_semaphore, #tpu.memory_space<semaphore_mem>>) attributes {dimension_semantics = [#tpu.dimension_semantics<core_parallel>, #tpu.dimension_semantics<subcore_parallel>], iteration_bounds = array<i64: 2, 16>, scalar_prefetch = 0 : i64, scratch_operands = 14 : i64, tpu.core_type = #tpu.core_type<sc_vector_subcore>, window_params = [{transform_indices = #map}, {transform_indices = #map}, {transform_indices = #map}, {transform_indices = #map}, {transform_indices = #map}, {transform_indices = #map1}]} {
    %mul3A = arith.constant 2 : i32
    %mul3A_0 = arith.muli %arg1, %mul3A : i32
    %add3A = arith.addi %mul3A_0, %arg0 : i32
    %mul3A_1 = arith.constant 640 : i32
    %mul3A_2 = arith.muli %add3A, %mul3A_1 : i32
    %lt3A = arith.constant 10 : i32
    %lt3A_3 = arith.cmpi slt, %arg1, %lt3A : i32
    %convert_element_type3A = arith.extui %lt3A_3 : i1 to i32
    %cond3A = arith.constant 0 : i32
    %cond3A_4 = arith.cmpi ne, %convert_element_type3A, %cond3A : i32
    scf.if %cond3A_4 {
      %mul3A_49 = arith.constant 1000 : i32
      %mul3A_50 = arith.muli %arg1, %mul3A_49 : i32
      %mul3A_51 = arith.constant 1000 : i32
      %mul3A_52 = arith.muli %arg1, %mul3A_51 : i32
      "tpu.region"() ({
        %run_scoped3A_53 = tpu.sem_alloc : memref<!tpu.dma_semaphore, #tpu.memory_space<semaphore_mem>>
        %dma_start3A_54 = arith.constant 0 : i32
        %dma_start3A_55 = tpu.memref_slice %arg14[%mul3A_52, %dma_start3A_54] : memref<10000x128xf32, #tpu.memory_space<vmem_shared>> -> memref<1000x128xf32, #tpu.memory_space<vmem_shared>>
        %dma_start3A_56 = arith.constant 0 : i32
        %dma_start3A_57 = tpu.memref_slice %arg2[%mul3A_50, %dma_start3A_56] : memref<10000x128xf32, #tpu.memory_space<hbm>> -> memref<1000x128xf32, #tpu.memory_space<hbm>>
        tpu.enqueue_dma source(%dma_start3A_57 : memref<1000x128xf32, #tpu.memory_space<hbm>>) target(%dma_start3A_55 : memref<1000x128xf32, #tpu.memory_space<vmem_shared>>) target_semaphore(%run_scoped3A_53 : memref<!tpu.dma_semaphore, #tpu.memory_space<semaphore_mem>>)
        %dma_wait3A = arith.constant 0 : i32
        %dma_wait3A_58 = tpu.memref_slice %arg14[%mul3A_52, %dma_wait3A] : memref<10000x128xf32, #tpu.memory_space<vmem_shared>> -> memref<1000x128xf32, #tpu.memory_space<vmem_shared>>
        %dma_wait3A_59 = arith.constant 0 : i32
        %dma_wait3A_60 = tpu.memref_slice %arg2[%mul3A_50, %dma_wait3A_59] : memref<10000x128xf32, #tpu.memory_space<hbm>> -> memref<1000x128xf32, #tpu.memory_space<hbm>>
        tpu.wait_dma2 semaphore(%run_scoped3A_53 : memref<!tpu.dma_semaphore, #tpu.memory_space<semaphore_mem>>) src(%dma_wait3A_60 : memref<1000x128xf32, #tpu.memory_space<hbm>>) dst(%dma_wait3A_58 : memref<1000x128xf32, #tpu.memory_space<vmem_shared>>)
        tpu.yield
      }) : () -> ()
    } else {
    }
    %mul3A_5 = arith.constant 320 : i32
    %mul3A_6 = arith.muli %arg1, %mul3A_5 : i32
    "tpu.region"() ({
      %run_scoped3A_49 = tpu.sem_alloc : memref<!tpu.dma_semaphore, #tpu.memory_space<semaphore_mem>>
      %dma_start3A_50 = arith.constant 0 : i32
      %dma_start3A_51 = tpu.memref_slice %arg15[%mul3A_6, %dma_start3A_50] : memref<5120x128xf32, #tpu.memory_space<vmem_shared>> -> memref<320x128xf32, #tpu.memory_space<vmem_shared>>
      %dma_start3A_52 = arith.constant 0 : i32
      %dma_start3A_53 = arith.constant 0 : i32
      %dma_start3A_54 = tpu.memref_slice %arg6[%dma_start3A_52, %dma_start3A_53] : memref<632x128xf32, #tpu.memory_space<hbm>> -> memref<320x128xf32, #tpu.memory_space<hbm>>
      tpu.enqueue_dma source(%dma_start3A_54 : memref<320x128xf32, #tpu.memory_space<hbm>>) target(%dma_start3A_51 : memref<320x128xf32, #tpu.memory_space<vmem_shared>>) target_semaphore(%run_scoped3A_49 : memref<!tpu.dma_semaphore, #tpu.memory_space<semaphore_mem>>)
      %dma_wait3A = arith.constant 0 : i32
      %dma_wait3A_55 = tpu.memref_slice %arg15[%mul3A_6, %dma_wait3A] : memref<5120x128xf32, #tpu.memory_space<vmem_shared>> -> memref<320x128xf32, #tpu.memory_space<vmem_shared>>
      %dma_wait3A_56 = arith.constant 0 : i32
      %dma_wait3A_57 = arith.constant 0 : i32
      %dma_wait3A_58 = tpu.memref_slice %arg6[%dma_wait3A_56, %dma_wait3A_57] : memref<632x128xf32, #tpu.memory_space<hbm>> -> memref<320x128xf32, #tpu.memory_space<hbm>>
      tpu.wait_dma2 semaphore(%run_scoped3A_49 : memref<!tpu.dma_semaphore, #tpu.memory_space<semaphore_mem>>) src(%dma_wait3A_58 : memref<320x128xf32, #tpu.memory_space<hbm>>) dst(%dma_wait3A_55 : memref<320x128xf32, #tpu.memory_space<vmem_shared>>)
      tpu.yield
    }) : () -> ()
    %barrier3A = arith.constant 0 : index
    tpu.barrier barrier_id(%barrier3A)
    %dma_start3A = arith.constant 0 : i32
    %dma_start3A_7 = tpu.memref_slice %arg3[%mul3A_2, %dma_start3A] : memref<20480x16xi32, #tpu.memory_space<hbm>> -> memref<8x16xi32, #tpu.memory_space<hbm>>
    %dma_start3A_8 = arith.constant 0 : i32
    %dma_start3A_9 = tpu.memref_slice %arg3[%mul3A_2, %dma_start3A_8] : memref<20480x16xi32, #tpu.memory_space<hbm>> -> memref<8x16xi32, #tpu.memory_space<hbm>>
    tpu.enqueue_dma source(%dma_start3A_9 : memref<8x16xi32, #tpu.memory_space<hbm>>) target(%arg8 : memref<8x16xi32, #tpu.memory_space<vmem>>) target_semaphore(%arg20 : memref<!tpu.dma_semaphore, #tpu.memory_space<semaphore_mem>>)
    %dma_start3A_10 = arith.constant 0 : i32
    %dma_start3A_11 = tpu.memref_slice %arg4[%mul3A_2, %dma_start3A_10] : memref<20480x16xi32, #tpu.memory_space<hbm>> -> memref<8x16xi32, #tpu.memory_space<hbm>>
    %dma_start3A_12 = arith.constant 0 : i32
    %dma_start3A_13 = tpu.memref_slice %arg4[%mul3A_2, %dma_start3A_12] : memref<20480x16xi32, #tpu.memory_space<hbm>> -> memref<8x16xi32, #tpu.memory_space<hbm>>
    tpu.enqueue_dma source(%dma_start3A_13 : memref<8x16xi32, #tpu.memory_space<hbm>>) target(%arg10 : memref<8x16xi32, #tpu.memory_space<vmem>>) target_semaphore(%arg20 : memref<!tpu.dma_semaphore, #tpu.memory_space<semaphore_mem>>)
    %scan3A = arith.constant 0 : i32
    %scan3A_14 = arith.constant 0 : i32
    %scan3A_15 = arith.constant 40 : i32
    %scan3A_16 = arith.addi %scan3A_14, %scan3A_15 : i32
    %scan3A_17 = arith.constant 1 : i32
    %scan3A_18 = scf.for %scan3A_49 = %scan3A_14 to %scan3A_16 step %scan3A_17 iter_args(%scan3A_50 = %scan3A) -> (i32)  : i32 {
      %mul3A_51 = arith.constant 2 : i32
      %mul3A_52 = arith.muli %scan3A_49, %mul3A_51 : i32
      %add3A_53 = arith.constant 0 : i32
      %add3A_54 = arith.addi %mul3A_52, %add3A_53 : i32
      %mul3A_55 = arith.constant 8 : i32
      %mul3A_56 = arith.muli %add3A_54, %mul3A_55 : i32
      %add3A_57 = arith.addi %mul3A_2, %mul3A_56 : i32
      %dma_wait3A = arith.constant 0 : i32
      %dma_wait3A_58 = tpu.memref_slice %arg3[%add3A_57, %dma_wait3A] : memref<20480x16xi32, #tpu.memory_space<hbm>> -> memref<8x16xi32, #tpu.memory_space<hbm>>
      %dma_wait3A_59 = arith.constant 0 : i32
      %dma_wait3A_60 = tpu.memref_slice %arg3[%add3A_57, %dma_wait3A_59] : memref<20480x16xi32, #tpu.memory_space<hbm>> -> memref<8x16xi32, #tpu.memory_space<hbm>>
      tpu.wait_dma2 semaphore(%arg20 : memref<!tpu.dma_semaphore, #tpu.memory_space<semaphore_mem>>) src(%dma_wait3A_60 : memref<8x16xi32, #tpu.memory_space<hbm>>) dst(%arg8 : memref<8x16xi32, #tpu.memory_space<vmem>>)
      %dma_wait3A_61 = arith.constant 0 : i32
      %dma_wait3A_62 = tpu.memref_slice %arg4[%add3A_57, %dma_wait3A_61] : memref<20480x16xi32, #tpu.memory_space<hbm>> -> memref<8x16xi32, #tpu.memory_space<hbm>>
      %dma_wait3A_63 = arith.constant 0 : i32
      %dma_wait3A_64 = tpu.memref_slice %arg4[%add3A_57, %dma_wait3A_63] : memref<20480x16xi32, #tpu.memory_space<hbm>> -> memref<8x16xi32, #tpu.memory_space<hbm>>
      tpu.wait_dma2 semaphore(%arg20 : memref<!tpu.dma_semaphore, #tpu.memory_space<semaphore_mem>>) src(%dma_wait3A_64 : memref<8x16xi32, #tpu.memory_space<hbm>>) dst(%arg10 : memref<8x16xi32, #tpu.memory_space<vmem>>)
      %add3A_65 = arith.constant 1 : i32
      %add3A_66 = arith.addi %add3A_54, %add3A_65 : i32
      %lt3A_67 = arith.constant 80 : i32
      %lt3A_68 = arith.cmpi slt, %add3A_66, %lt3A_67 : i32
      %convert_element_type3A_69 = arith.extui %lt3A_68 : i1 to i32
      %cond3A_70 = arith.constant 0 : i32
      %cond3A_71 = arith.cmpi ne, %convert_element_type3A_69, %cond3A_70 : i32
      scf.if %cond3A_71 {
        %add3A_543 = arith.constant 1 : i32
        %add3A_544 = arith.addi %add3A_54, %add3A_543 : i32
        %mul3A_545 = arith.constant 8 : i32
        %mul3A_546 = arith.muli %add3A_544, %mul3A_545 : i32
        %add3A_547 = arith.addi %mul3A_2, %mul3A_546 : i32
        %dma_start3A_548 = arith.constant 0 : i32
        %dma_start3A_549 = tpu.memref_slice %arg3[%add3A_547, %dma_start3A_548] : memref<20480x16xi32, #tpu.memory_space<hbm>> -> memref<8x16xi32, #tpu.memory_space<hbm>>
        %dma_start3A_550 = arith.constant 0 : i32
        %dma_start3A_551 = tpu.memref_slice %arg3[%add3A_547, %dma_start3A_550] : memref<20480x16xi32, #tpu.memory_space<hbm>> -> memref<8x16xi32, #tpu.memory_space<hbm>>
        tpu.enqueue_dma source(%dma_start3A_551 : memref<8x16xi32, #tpu.memory_space<hbm>>) target(%arg9 : memref<8x16xi32, #tpu.memory_space<vmem>>) target_semaphore(%arg21 : memref<!tpu.dma_semaphore, #tpu.memory_space<semaphore_mem>>)
        %dma_start3A_552 = arith.constant 0 : i32
        %dma_start3A_553 = tpu.memref_slice %arg4[%add3A_547, %dma_start3A_552] : memref<20480x16xi32, #tpu.memory_space<hbm>> -> memref<8x16xi32, #tpu.memory_space<hbm>>
        %dma_start3A_554 = arith.constant 0 : i32
        %dma_start3A_555 = tpu.memref_slice %arg4[%add3A_547, %dma_start3A_554] : memref<20480x16xi32, #tpu.memory_space<hbm>> -> memref<8x16xi32, #tpu.memory_space<hbm>>
        tpu.enqueue_dma source(%dma_start3A_555 : memref<8x16xi32, #tpu.memory_space<hbm>>) target(%arg11 : memref<8x16xi32, #tpu.memory_space<vmem>>) target_semaphore(%arg21 : memref<!tpu.dma_semaphore, #tpu.memory_space<semaphore_mem>>)
      } else {
      }
      %dma_start3A_72 = arith.constant 0 : i32
      %dma_start3A_73 = arith.constant 0 : i32
      %dma_start3A_74 = tpu.memref_slice %arg8[%dma_start3A_72, %dma_start3A_73] : memref<8x16xi32, #tpu.memory_space<vmem>> -> memref<1x16xi32, #tpu.memory_space<vmem>>
      %dma_start3A_75 = tpu.memref_squeeze %dma_start3A_74 : memref<1x16xi32, #tpu.memory_space<vmem>> -> memref<16xi32, #tpu.memory_space<vmem>>
      %dma_start3A_76 = arith.constant 0 : i32
      %dma_start3A_77 = arith.constant 0 : i32
      %dma_start3A_78 = tpu.memref_slice %arg14[%dma_start3A_76, %dma_start3A_77] : memref<10000x128xf32, #tpu.memory_space<vmem_shared>> -> memref<10000x128xf32, #tpu.memory_space<vmem_shared>>
      tpu.enqueue_indirect_dma source(%dma_start3A_78 : memref<10000x128xf32, #tpu.memory_space<vmem_shared>>) target(%arg12 : memref<16x128xf32, #tpu.memory_space<vmem>>) offsets(%dma_start3A_75 : memref<16xi32, #tpu.memory_space<vmem>>) semaphore(%arg16 : memref<!tpu.dma_semaphore, #tpu.memory_space<semaphore_mem>>)
      %dma_start3A_79 = arith.constant 1 : i32
      %dma_start3A_80 = arith.constant 0 : i32
      %dma_start3A_81 = tpu.memref_slice %arg8[%dma_start3A_79, %dma_start3A_80] : memref<8x16xi32, #tpu.memory_space<vmem>> -> memref<1x16xi32, #tpu.memory_space<vmem>>
      %dma_start3A_82 = tpu.memref_squeeze %dma_start3A_81 : memref<1x16xi32, #tpu.memory_space<vmem>> -> memref<16xi32, #tpu.memory_space<vmem>>
      %dma_start3A_83 = arith.constant 0 : i32
      %dma_start3A_84 = arith.constant 0 : i32
      %dma_start3A_85 = tpu.memref_slice %arg14[%dma_start3A_83, %dma_start3A_84] : memref<10000x128xf32, #tpu.memory_space<vmem_shared>> -> memref<10000x128xf32, #tpu.memory_space<vmem_shared>>
      tpu.enqueue_indirect_dma source(%dma_start3A_85 : memref<10000x128xf32, #tpu.memory_space<vmem_shared>>) target(%arg13 : memref<16x128xf32, #tpu.memory_space<vmem>>) offsets(%dma_start3A_82 : memref<16xi32, #tpu.memory_space<vmem>>) semaphore(%arg17 : memref<!tpu.dma_semaphore, #tpu.memory_space<semaphore_mem>>)
      %dma_wait3A_86 = arith.constant 0 : i32
      %dma_wait3A_87 = arith.constant 0 : i32
      %dma_wait3A_88 = tpu.memref_slice %arg8[%dma_wait3A_86, %dma_wait3A_87] : memref<8x16xi32, #tpu.memory_space<vmem>> -> memref<1x16xi32, #tpu.memory_space<vmem>>
      %dma_wait3A_89 = tpu.memref_squeeze %dma_wait3A_88 : memref<1x16xi32, #tpu.memory_space<vmem>> -> memref<16xi32, #tpu.memory_space<vmem>>
      %dma_wait3A_90 = arith.constant 0 : i32
      %dma_wait3A_91 = arith.constant 0 : i32
      %dma_wait3A_92 = tpu.memref_slice %arg14[%dma_wait3A_90, %dma_wait3A_91] : memref<10000x128xf32, #tpu.memory_space<vmem_shared>> -> memref<10000x128xf32, #tpu.memory_space<vmem_shared>>
      tpu.wait_indirect_dma semaphore(%arg16 : memref<!tpu.dma_semaphore, #tpu.memory_space<semaphore_mem>>) src(%dma_wait3A_92 : memref<10000x128xf32, #tpu.memory_space<vmem_shared>>) dst(%arg12 : memref<16x128xf32, #tpu.memory_space<vmem>>)
      %dma_start3A_93 = arith.constant 0 : i32
      %dma_start3A_94 = arith.constant 0 : i32
      %dma_start3A_95 = tpu.memref_slice %arg10[%dma_start3A_93, %dma_start3A_94] : memref<8x16xi32, #tpu.memory_space<vmem>> -> memref<1x16xi32, #tpu.memory_space<vmem>>
      %dma_start3A_96 = tpu.memref_squeeze %dma_start3A_95 : memref<1x16xi32, #tpu.memory_space<vmem>> -> memref<16xi32, #tpu.memory_space<vmem>>
      %dma_start3A_97 = arith.constant 0 : i32
      %dma_start3A_98 = arith.constant 0 : i32
      %dma_start3A_99 = tpu.memref_slice %arg15[%dma_start3A_97, %dma_start3A_98] : memref<5120x128xf32, #tpu.memory_space<vmem_shared>> -> memref<5120x128xf32, #tpu.memory_space<vmem_shared>>
      tpu.enqueue_indirect_dma source(%arg12 : memref<16x128xf32, #tpu.memory_space<vmem>>) target(%dma_start3A_99 : memref<5120x128xf32, #tpu.memory_space<vmem_shared>>) offsets(%dma_start3A_96 : memref<16xi32, #tpu.memory_space<vmem>>) semaphore(%arg18 : memref<!tpu.dma_semaphore, #tpu.memory_space<semaphore_mem>>) {add = true}
      %dma_wait3A_100 = arith.constant 0 : i32
      %dma_wait3A_101 = arith.constant 0 : i32
      %dma_wait3A_102 = tpu.memref_slice %arg10[%dma_wait3A_100, %dma_wait3A_101] : memref<8x16xi32, #tpu.memory_space<vmem>> -> memref<1x16xi32, #tpu.memory_space<vmem>>
      %dma_wait3A_103 = tpu.memref_squeeze %dma_wait3A_102 : memref<1x16xi32, #tpu.memory_space<vmem>> -> memref<16xi32, #tpu.memory_space<vmem>>
      %dma_wait3A_104 = arith.constant 0 : i32
      %dma_wait3A_105 = arith.constant 0 : i32
      %dma_wait3A_106 = tpu.memref_slice %arg15[%dma_wait3A_104, %dma_wait3A_105] : memref<5120x128xf32, #tpu.memory_space<vmem_shared>> -> memref<5120x128xf32, #tpu.memory_space<vmem_shared>>
      tpu.wait_indirect_dma semaphore(%arg18 : memref<!tpu.dma_semaphore, #tpu.memory_space<semaphore_mem>>) src(%arg12 : memref<16x128xf32, #tpu.memory_space<vmem>>) dst(%dma_wait3A_106 : memref<5120x128xf32, #tpu.memory_space<vmem_shared>>)
      %dma_start3A_107 = arith.constant 2 : i32
      %dma_start3A_108 = arith.constant 0 : i32
      %dma_start3A_109 = tpu.memref_slice %arg8[%dma_start3A_107, %dma_start3A_108] : memref<8x16xi32, #tpu.memory_space<vmem>> -> memref<1x16xi32, #tpu.memory_space<vmem>>
      %dma_start3A_110 = tpu.memref_squeeze %dma_start3A_109 : memref<1x16xi32, #tpu.memory_space<vmem>> -> memref<16xi32, #tpu.memory_space<vmem>>
      %dma_start3A_111 = arith.constant 0 : i32
      %dma_start3A_112 = arith.constant 0 : i32
      %dma_start3A_113 = tpu.memref_slice %arg14[%dma_start3A_111, %dma_start3A_112] : memref<10000x128xf32, #tpu.memory_space<vmem_shared>> -> memref<10000x128xf32, #tpu.memory_space<vmem_shared>>
      tpu.enqueue_indirect_dma source(%dma_start3A_113 : memref<10000x128xf32, #tpu.memory_space<vmem_shared>>) target(%arg12 : memref<16x128xf32, #tpu.memory_space<vmem>>) offsets(%dma_start3A_110 : memref<16xi32, #tpu.memory_space<vmem>>) semaphore(%arg16 : memref<!tpu.dma_semaphore, #tpu.memory_space<semaphore_mem>>)
      %dma_wait3A_114 = arith.constant 1 : i32
      %dma_wait3A_115 = arith.constant 0 : i32
      %dma_wait3A_116 = tpu.memref_slice %arg8[%dma_wait3A_114, %dma_wait3A_115] : memref<8x16xi32, #tpu.memory_space<vmem>> -> memref<1x16xi32, #tpu.memory_space<vmem>>
      %dma_wait3A_117 = tpu.memref_squeeze %dma_wait3A_116 : memref<1x16xi32, #tpu.memory_space<vmem>> -> memref<16xi32, #tpu.memory_space<vmem>>
      %dma_wait3A_118 = arith.constant 0 : i32
      %dma_wait3A_119 = arith.constant 0 : i32
      %dma_wait3A_120 = tpu.memref_slice %arg14[%dma_wait3A_118, %dma_wait3A_119] : memref<10000x128xf32, #tpu.memory_space<vmem_shared>> -> memref<10000x128xf32, #tpu.memory_space<vmem_shared>>
      tpu.wait_indirect_dma semaphore(%arg17 : memref<!tpu.dma_semaphore, #tpu.memory_space<semaphore_mem>>) src(%dma_wait3A_120 : memref<10000x128xf32, #tpu.memory_space<vmem_shared>>) dst(%arg13 : memref<16x128xf32, #tpu.memory_space<vmem>>)
      %dma_start3A_121 = arith.constant 1 : i32
      %dma_start3A_122 = arith.constant 0 : i32
      %dma_start3A_123 = tpu.memref_slice %arg10[%dma_start3A_121, %dma_start3A_122] : memref<8x16xi32, #tpu.memory_space<vmem>> -> memref<1x16xi32, #tpu.memory_space<vmem>>
      %dma_start3A_124 = tpu.memref_squeeze %dma_start3A_123 : memref<1x16xi32, #tpu.memory_space<vmem>> -> memref<16xi32, #tpu.memory_space<vmem>>
      %dma_start3A_125 = arith.constant 0 : i32
      %dma_start3A_126 = arith.constant 0 : i32
      %dma_start3A_127 = tpu.memref_slice %arg15[%dma_start3A_125, %dma_start3A_126] : memref<5120x128xf32, #tpu.memory_space<vmem_shared>> -> memref<5120x128xf32, #tpu.memory_space<vmem_shared>>
      tpu.enqueue_indirect_dma source(%arg13 : memref<16x128xf32, #tpu.memory_space<vmem>>) target(%dma_start3A_127 : memref<5120x128xf32, #tpu.memory_space<vmem_shared>>) offsets(%dma_start3A_124 : memref<16xi32, #tpu.memory_space<vmem>>) semaphore(%arg19 : memref<!tpu.dma_semaphore, #tpu.memory_space<semaphore_mem>>) {add = true}
      %dma_wait3A_128 = arith.constant 1 : i32
      %dma_wait3A_129 = arith.constant 0 : i32
      %dma_wait3A_130 = tpu.memref_slice %arg10[%dma_wait3A_128, %dma_wait3A_129] : memref<8x16xi32, #tpu.memory_space<vmem>> -> memref<1x16xi32, #tpu.memory_space<vmem>>
      %dma_wait3A_131 = tpu.memref_squeeze %dma_wait3A_130 : memref<1x16xi32, #tpu.memory_space<vmem>> -> memref<16xi32, #tpu.memory_space<vmem>>
      %dma_wait3A_132 = arith.constant 0 : i32
      %dma_wait3A_133 = arith.constant 0 : i32
      %dma_wait3A_134 = tpu.memref_slice %arg15[%dma_wait3A_132, %dma_wait3A_133] : memref<5120x128xf32, #tpu.memory_space<vmem_shared>> -> memref<5120x128xf32, #tpu.memory_space<vmem_shared>>
      tpu.wait_indirect_dma semaphore(%arg19 : memref<!tpu.dma_semaphore, #tpu.memory_space<semaphore_mem>>) src(%arg13 : memref<16x128xf32, #tpu.memory_space<vmem>>) dst(%dma_wait3A_134 : memref<5120x128xf32, #tpu.memory_space<vmem_shared>>)
      %dma_start3A_135 = arith.constant 3 : i32
      %dma_start3A_136 = arith.constant 0 : i32
      %dma_start3A_137 = tpu.memref_slice %arg8[%dma_start3A_135, %dma_start3A_136] : memref<8x16xi32, #tpu.memory_space<vmem>> -> memref<1x16xi32, #tpu.memory_space<vmem>>
      %dma_start3A_138 = tpu.memref_squeeze %dma_start3A_137 : memref<1x16xi32, #tpu.memory_space<vmem>> -> memref<16xi32, #tpu.memory_space<vmem>>
      %dma_start3A_139 = arith.constant 0 : i32
      %dma_start3A_140 = arith.constant 0 : i32
      %dma_start3A_141 = tpu.memref_slice %arg14[%dma_start3A_139, %dma_start3A_140] : memref<10000x128xf32, #tpu.memory_space<vmem_shared>> -> memref<10000x128xf32, #tpu.memory_space<vmem_shared>>
      tpu.enqueue_indirect_dma source(%dma_start3A_141 : memref<10000x128xf32, #tpu.memory_space<vmem_shared>>) target(%arg13 : memref<16x128xf32, #tpu.memory_space<vmem>>) offsets(%dma_start3A_138 : memref<16xi32, #tpu.memory_space<vmem>>) semaphore(%arg17 : memref<!tpu.dma_semaphore, #tpu.memory_space<semaphore_mem>>)
      %dma_wait3A_142 = arith.constant 2 : i32
      %dma_wait3A_143 = arith.constant 0 : i32
      %dma_wait3A_144 = tpu.memref_slice %arg8[%dma_wait3A_142, %dma_wait3A_143] : memref<8x16xi32, #tpu.memory_space<vmem>> -> memref<1x16xi32, #tpu.memory_space<vmem>>
      %dma_wait3A_145 = tpu.memref_squeeze %dma_wait3A_144 : memref<1x16xi32, #tpu.memory_space<vmem>> -> memref<16xi32, #tpu.memory_space<vmem>>
      %dma_wait3A_146 = arith.constant 0 : i32
      %dma_wait3A_147 = arith.constant 0 : i32
      %dma_wait3A_148 = tpu.memref_slice %arg14[%dma_wait3A_146, %dma_wait3A_147] : memref<10000x128xf32, #tpu.memory_space<vmem_shared>> -> memref<10000x128xf32, #tpu.memory_space<vmem_shared>>
      tpu.wait_indirect_dma semaphore(%arg16 : memref<!tpu.dma_semaphore, #tpu.memory_space<semaphore_mem>>) src(%dma_wait3A_148 : memref<10000x128xf32, #tpu.memory_space<vmem_shared>>) dst(%arg12 : memref<16x128xf32, #tpu.memory_space<vmem>>)
      %dma_start3A_149 = arith.constant 2 : i32
      %dma_start3A_150 = arith.constant 0 : i32
      %dma_start3A_151 = tpu.memref_slice %arg10[%dma_start3A_149, %dma_start3A_150] : memref<8x16xi32, #tpu.memory_space<vmem>> -> memref<1x16xi32, #tpu.memory_space<vmem>>
      %dma_start3A_152 = tpu.memref_squeeze %dma_start3A_151 : memref<1x16xi32, #tpu.memory_space<vmem>> -> memref<16xi32, #tpu.memory_space<vmem>>
      %dma_start3A_153 = arith.constant 0 : i32
      %dma_start3A_154 = arith.constant 0 : i32
      %dma_start3A_155 = tpu.memref_slice %arg15[%dma_start3A_153, %dma_start3A_154] : memref<5120x128xf32, #tpu.memory_space<vmem_shared>> -> memref<5120x128xf32, #tpu.memory_space<vmem_shared>>
      tpu.enqueue_indirect_dma source(%arg12 : memref<16x128xf32, #tpu.memory_space<vmem>>) target(%dma_start3A_155 : memref<5120x128xf32, #tpu.memory_space<vmem_shared>>) offsets(%dma_start3A_152 : memref<16xi32, #tpu.memory_space<vmem>>) semaphore(%arg18 : memref<!tpu.dma_semaphore, #tpu.memory_space<semaphore_mem>>) {add = true}
      %dma_wait3A_156 = arith.constant 2 : i32
      %dma_wait3A_157 = arith.constant 0 : i32
      %dma_wait3A_158 = tpu.memref_slice %arg10[%dma_wait3A_156, %dma_wait3A_157] : memref<8x16xi32, #tpu.memory_space<vmem>> -> memref<1x16xi32, #tpu.memory_space<vmem>>
      %dma_wait3A_159 = tpu.memref_squeeze %dma_wait3A_158 : memref<1x16xi32, #tpu.memory_space<vmem>> -> memref<16xi32, #tpu.memory_space<vmem>>
      %dma_wait3A_160 = arith.constant 0 : i32
      %dma_wait3A_161 = arith.constant 0 : i32
      %dma_wait3A_162 = tpu.memref_slice %arg15[%dma_wait3A_160, %dma_wait3A_161] : memref<5120x128xf32, #tpu.memory_space<vmem_shared>> -> memref<5120x128xf32, #tpu.memory_space<vmem_shared>>
      tpu.wait_indirect_dma semaphore(%arg18 : memref<!tpu.dma_semaphore, #tpu.memory_space<semaphore_mem>>) src(%arg12 : memref<16x128xf32, #tpu.memory_space<vmem>>) dst(%dma_wait3A_162 : memref<5120x128xf32, #tpu.memory_space<vmem_shared>>)
      %dma_start3A_163 = arith.constant 4 : i32
      %dma_start3A_164 = arith.constant 0 : i32
      %dma_start3A_165 = tpu.memref_slice %arg8[%dma_start3A_163, %dma_start3A_164] : memref<8x16xi32, #tpu.memory_space<vmem>> -> memref<1x16xi32, #tpu.memory_space<vmem>>
      %dma_start3A_166 = tpu.memref_squeeze %dma_start3A_165 : memref<1x16xi32, #tpu.memory_space<vmem>> -> memref<16xi32, #tpu.memory_space<vmem>>
      %dma_start3A_167 = arith.constant 0 : i32
      %dma_start3A_168 = arith.constant 0 : i32
      %dma_start3A_169 = tpu.memref_slice %arg14[%dma_start3A_167, %dma_start3A_168] : memref<10000x128xf32, #tpu.memory_space<vmem_shared>> -> memref<10000x128xf32, #tpu.memory_space<vmem_shared>>
      tpu.enqueue_indirect_dma source(%dma_start3A_169 : memref<10000x128xf32, #tpu.memory_space<vmem_shared>>) target(%arg12 : memref<16x128xf32, #tpu.memory_space<vmem>>) offsets(%dma_start3A_166 : memref<16xi32, #tpu.memory_space<vmem>>) semaphore(%arg16 : memref<!tpu.dma_semaphore, #tpu.memory_space<semaphore_mem>>)
      %dma_wait3A_170 = arith.constant 3 : i32
      %dma_wait3A_171 = arith.constant 0 : i32
      %dma_wait3A_172 = tpu.memref_slice %arg8[%dma_wait3A_170, %dma_wait3A_171] : memref<8x16xi32, #tpu.memory_space<vmem>> -> memref<1x16xi32, #tpu.memory_space<vmem>>
      %dma_wait3A_173 = tpu.memref_squeeze %dma_wait3A_172 : memref<1x16xi32, #tpu.memory_space<vmem>> -> memref<16xi32, #tpu.memory_space<vmem>>
      %dma_wait3A_174 = arith.constant 0 : i32
      %dma_wait3A_175 = arith.constant 0 : i32
      %dma_wait3A_176 = tpu.memref_slice %arg14[%dma_wait3A_174, %dma_wait3A_175] : memref<10000x128xf32, #tpu.memory_space<vmem_shared>> -> memref<10000x128xf32, #tpu.memory_space<vmem_shared>>
      tpu.wait_indirect_dma semaphore(%arg17 : memref<!tpu.dma_semaphore, #tpu.memory_space<semaphore_mem>>) src(%dma_wait3A_176 : memref<10000x128xf32, #tpu.memory_space<vmem_shared>>) dst(%arg13 : memref<16x128xf32, #tpu.memory_space<vmem>>)
      %dma_start3A_177 = arith.constant 3 : i32
      %dma_start3A_178 = arith.constant 0 : i32
      %dma_start3A_179 = tpu.memref_slice %arg10[%dma_start3A_177, %dma_start3A_178] : memref<8x16xi32, #tpu.memory_space<vmem>> -> memref<1x16xi32, #tpu.memory_space<vmem>>
      %dma_start3A_180 = tpu.memref_squeeze %dma_start3A_179 : memref<1x16xi32, #tpu.memory_space<vmem>> -> memref<16xi32, #tpu.memory_space<vmem>>
      %dma_start3A_181 = arith.constant 0 : i32
      %dma_start3A_182 = arith.constant 0 : i32
      %dma_start3A_183 = tpu.memref_slice %arg15[%dma_start3A_181, %dma_start3A_182] : memref<5120x128xf32, #tpu.memory_space<vmem_shared>> -> memref<5120x128xf32, #tpu.memory_space<vmem_shared>>
      tpu.enqueue_indirect_dma source(%arg13 : memref<16x128xf32, #tpu.memory_space<vmem>>) target(%dma_start3A_183 : memref<5120x128xf32, #tpu.memory_space<vmem_shared>>) offsets(%dma_start3A_180 : memref<16xi32, #tpu.memory_space<vmem>>) semaphore(%arg19 : memref<!tpu.dma_semaphore, #tpu.memory_space<semaphore_mem>>) {add = true}
      %dma_wait3A_184 = arith.constant 3 : i32
      %dma_wait3A_185 = arith.constant 0 : i32
      %dma_wait3A_186 = tpu.memref_slice %arg10[%dma_wait3A_184, %dma_wait3A_185] : memref<8x16xi32, #tpu.memory_space<vmem>> -> memref<1x16xi32, #tpu.memory_space<vmem>>
      %dma_wait3A_187 = tpu.memref_squeeze %dma_wait3A_186 : memref<1x16xi32, #tpu.memory_space<vmem>> -> memref<16xi32, #tpu.memory_space<vmem>>
      %dma_wait3A_188 = arith.constant 0 : i32
      %dma_wait3A_189 = arith.constant 0 : i32
      %dma_wait3A_190 = tpu.memref_slice %arg15[%dma_wait3A_188, %dma_wait3A_189] : memref<5120x128xf32, #tpu.memory_space<vmem_shared>> -> memref<5120x128xf32, #tpu.memory_space<vmem_shared>>
      tpu.wait_indirect_dma semaphore(%arg19 : memref<!tpu.dma_semaphore, #tpu.memory_space<semaphore_mem>>) src(%arg13 : memref<16x128xf32, #tpu.memory_space<vmem>>) dst(%dma_wait3A_190 : memref<5120x128xf32, #tpu.memory_space<vmem_shared>>)
      %dma_start3A_191 = arith.constant 5 : i32
      %dma_start3A_192 = arith.constant 0 : i32
      %dma_start3A_193 = tpu.memref_slice %arg8[%dma_start3A_191, %dma_start3A_192] : memref<8x16xi32, #tpu.memory_space<vmem>> -> memref<1x16xi32, #tpu.memory_space<vmem>>
      %dma_start3A_194 = tpu.memref_squeeze %dma_start3A_193 : memref<1x16xi32, #tpu.memory_space<vmem>> -> memref<16xi32, #tpu.memory_space<vmem>>
      %dma_start3A_195 = arith.constant 0 : i32
      %dma_start3A_196 = arith.constant 0 : i32
      %dma_start3A_197 = tpu.memref_slice %arg14[%dma_start3A_195, %dma_start3A_196] : memref<10000x128xf32, #tpu.memory_space<vmem_shared>> -> memref<10000x128xf32, #tpu.memory_space<vmem_shared>>
      tpu.enqueue_indirect_dma source(%dma_start3A_197 : memref<10000x128xf32, #tpu.memory_space<vmem_shared>>) target(%arg13 : memref<16x128xf32, #tpu.memory_space<vmem>>) offsets(%dma_start3A_194 : memref<16xi32, #tpu.memory_space<vmem>>) semaphore(%arg17 : memref<!tpu.dma_semaphore, #tpu.memory_space<semaphore_mem>>)
      %dma_wait3A_198 = arith.constant 4 : i32
      %dma_wait3A_199 = arith.constant 0 : i32
      %dma_wait3A_200 = tpu.memref_slice %arg8[%dma_wait3A_198, %dma_wait3A_199] : memref<8x16xi32, #tpu.memory_space<vmem>> -> memref<1x16xi32, #tpu.memory_space<vmem>>
      %dma_wait3A_201 = tpu.memref_squeeze %dma_wait3A_200 : memref<1x16xi32, #tpu.memory_space<vmem>> -> memref<16xi32, #tpu.memory_space<vmem>>
      %dma_wait3A_202 = arith.constant 0 : i32
      %dma_wait3A_203 = arith.constant 0 : i32
      %dma_wait3A_204 = tpu.memref_slice %arg14[%dma_wait3A_202, %dma_wait3A_203] : memref<10000x128xf32, #tpu.memory_space<vmem_shared>> -> memref<10000x128xf32, #tpu.memory_space<vmem_shared>>
      tpu.wait_indirect_dma semaphore(%arg16 : memref<!tpu.dma_semaphore, #tpu.memory_space<semaphore_mem>>) src(%dma_wait3A_204 : memref<10000x128xf32, #tpu.memory_space<vmem_shared>>) dst(%arg12 : memref<16x128xf32, #tpu.memory_space<vmem>>)
      %dma_start3A_205 = arith.constant 4 : i32
      %dma_start3A_206 = arith.constant 0 : i32
      %dma_start3A_207 = tpu.memref_slice %arg10[%dma_start3A_205, %dma_start3A_206] : memref<8x16xi32, #tpu.memory_space<vmem>> -> memref<1x16xi32, #tpu.memory_space<vmem>>
      %dma_start3A_208 = tpu.memref_squeeze %dma_start3A_207 : memref<1x16xi32, #tpu.memory_space<vmem>> -> memref<16xi32, #tpu.memory_space<vmem>>
      %dma_start3A_209 = arith.constant 0 : i32
      %dma_start3A_210 = arith.constant 0 : i32
      %dma_start3A_211 = tpu.memref_slice %arg15[%dma_start3A_209, %dma_start3A_210] : memref<5120x128xf32, #tpu.memory_space<vmem_shared>> -> memref<5120x128xf32, #tpu.memory_space<vmem_shared>>
      tpu.enqueue_indirect_dma source(%arg12 : memref<16x128xf32, #tpu.memory_space<vmem>>) target(%dma_start3A_211 : memref<5120x128xf32, #tpu.memory_space<vmem_shared>>) offsets(%dma_start3A_208 : memref<16xi32, #tpu.memory_space<vmem>>) semaphore(%arg18 : memref<!tpu.dma_semaphore, #tpu.memory_space<semaphore_mem>>) {add = true}
      %dma_wait3A_212 = arith.constant 4 : i32
      %dma_wait3A_213 = arith.constant 0 : i32
      %dma_wait3A_214 = tpu.memref_slice %arg10[%dma_wait3A_212, %dma_wait3A_213] : memref<8x16xi32, #tpu.memory_space<vmem>> -> memref<1x16xi32, #tpu.memory_space<vmem>>
      %dma_wait3A_215 = tpu.memref_squeeze %dma_wait3A_214 : memref<1x16xi32, #tpu.memory_space<vmem>> -> memref<16xi32, #tpu.memory_space<vmem>>
      %dma_wait3A_216 = arith.constant 0 : i32
      %dma_wait3A_217 = arith.constant 0 : i32
      %dma_wait3A_218 = tpu.memref_slice %arg15[%dma_wait3A_216, %dma_wait3A_217] : memref<5120x128xf32, #tpu.memory_space<vmem_shared>> -> memref<5120x128xf32, #tpu.memory_space<vmem_shared>>
      tpu.wait_indirect_dma semaphore(%arg18 : memref<!tpu.dma_semaphore, #tpu.memory_space<semaphore_mem>>) src(%arg12 : memref<16x128xf32, #tpu.memory_space<vmem>>) dst(%dma_wait3A_218 : memref<5120x128xf32, #tpu.memory_space<vmem_shared>>)
      %dma_start3A_219 = arith.constant 6 : i32
      %dma_start3A_220 = arith.constant 0 : i32
      %dma_start3A_221 = tpu.memref_slice %arg8[%dma_start3A_219, %dma_start3A_220] : memref<8x16xi32, #tpu.memory_space<vmem>> -> memref<1x16xi32, #tpu.memory_space<vmem>>
      %dma_start3A_222 = tpu.memref_squeeze %dma_start3A_221 : memref<1x16xi32, #tpu.memory_space<vmem>> -> memref<16xi32, #tpu.memory_space<vmem>>
      %dma_start3A_223 = arith.constant 0 : i32
      %dma_start3A_224 = arith.constant 0 : i32
      %dma_start3A_225 = tpu.memref_slice %arg14[%dma_start3A_223, %dma_start3A_224] : memref<10000x128xf32, #tpu.memory_space<vmem_shared>> -> memref<10000x128xf32, #tpu.memory_space<vmem_shared>>
      tpu.enqueue_indirect_dma source(%dma_start3A_225 : memref<10000x128xf32, #tpu.memory_space<vmem_shared>>) target(%arg12 : memref<16x128xf32, #tpu.memory_space<vmem>>) offsets(%dma_start3A_222 : memref<16xi32, #tpu.memory_space<vmem>>) semaphore(%arg16 : memref<!tpu.dma_semaphore, #tpu.memory_space<semaphore_mem>>)
      %dma_wait3A_226 = arith.constant 5 : i32
      %dma_wait3A_227 = arith.constant 0 : i32
      %dma_wait3A_228 = tpu.memref_slice %arg8[%dma_wait3A_226, %dma_wait3A_227] : memref<8x16xi32, #tpu.memory_space<vmem>> -> memref<1x16xi32, #tpu.memory_space<vmem>>
      %dma_wait3A_229 = tpu.memref_squeeze %dma_wait3A_228 : memref<1x16xi32, #tpu.memory_space<vmem>> -> memref<16xi32, #tpu.memory_space<vmem>>
      %dma_wait3A_230 = arith.constant 0 : i32
      %dma_wait3A_231 = arith.constant 0 : i32
      %dma_wait3A_232 = tpu.memref_slice %arg14[%dma_wait3A_230, %dma_wait3A_231] : memref<10000x128xf32, #tpu.memory_space<vmem_shared>> -> memref<10000x128xf32, #tpu.memory_space<vmem_shared>>
      tpu.wait_indirect_dma semaphore(%arg17 : memref<!tpu.dma_semaphore, #tpu.memory_space<semaphore_mem>>) src(%dma_wait3A_232 : memref<10000x128xf32, #tpu.memory_space<vmem_shared>>) dst(%arg13 : memref<16x128xf32, #tpu.memory_space<vmem>>)
      %dma_start3A_233 = arith.constant 5 : i32
      %dma_start3A_234 = arith.constant 0 : i32
      %dma_start3A_235 = tpu.memref_slice %arg10[%dma_start3A_233, %dma_start3A_234] : memref<8x16xi32, #tpu.memory_space<vmem>> -> memref<1x16xi32, #tpu.memory_space<vmem>>
      %dma_start3A_236 = tpu.memref_squeeze %dma_start3A_235 : memref<1x16xi32, #tpu.memory_space<vmem>> -> memref<16xi32, #tpu.memory_space<vmem>>
      %dma_start3A_237 = arith.constant 0 : i32
      %dma_start3A_238 = arith.constant 0 : i32
      %dma_start3A_239 = tpu.memref_slice %arg15[%dma_start3A_237, %dma_start3A_238] : memref<5120x128xf32, #tpu.memory_space<vmem_shared>> -> memref<5120x128xf32, #tpu.memory_space<vmem_shared>>
      tpu.enqueue_indirect_dma source(%arg13 : memref<16x128xf32, #tpu.memory_space<vmem>>) target(%dma_start3A_239 : memref<5120x128xf32, #tpu.memory_space<vmem_shared>>) offsets(%dma_start3A_236 : memref<16xi32, #tpu.memory_space<vmem>>) semaphore(%arg19 : memref<!tpu.dma_semaphore, #tpu.memory_space<semaphore_mem>>) {add = true}
      %dma_wait3A_240 = arith.constant 5 : i32
      %dma_wait3A_241 = arith.constant 0 : i32
      %dma_wait3A_242 = tpu.memref_slice %arg10[%dma_wait3A_240, %dma_wait3A_241] : memref<8x16xi32, #tpu.memory_space<vmem>> -> memref<1x16xi32, #tpu.memory_space<vmem>>
      %dma_wait3A_243 = tpu.memref_squeeze %dma_wait3A_242 : memref<1x16xi32, #tpu.memory_space<vmem>> -> memref<16xi32, #tpu.memory_space<vmem>>
      %dma_wait3A_244 = arith.constant 0 : i32
      %dma_wait3A_245 = arith.constant 0 : i32
      %dma_wait3A_246 = tpu.memref_slice %arg15[%dma_wait3A_244, %dma_wait3A_245] : memref<5120x128xf32, #tpu.memory_space<vmem_shared>> -> memref<5120x128xf32, #tpu.memory_space<vmem_shared>>
      tpu.wait_indirect_dma semaphore(%arg19 : memref<!tpu.dma_semaphore, #tpu.memory_space<semaphore_mem>>) src(%arg13 : memref<16x128xf32, #tpu.memory_space<vmem>>) dst(%dma_wait3A_246 : memref<5120x128xf32, #tpu.memory_space<vmem_shared>>)
      %dma_start3A_247 = arith.constant 7 : i32
      %dma_start3A_248 = arith.constant 0 : i32
      %dma_start3A_249 = tpu.memref_slice %arg8[%dma_start3A_247, %dma_start3A_248] : memref<8x16xi32, #tpu.memory_space<vmem>> -> memref<1x16xi32, #tpu.memory_space<vmem>>
      %dma_start3A_250 = tpu.memref_squeeze %dma_start3A_249 : memref<1x16xi32, #tpu.memory_space<vmem>> -> memref<16xi32, #tpu.memory_space<vmem>>
      %dma_start3A_251 = arith.constant 0 : i32
      %dma_start3A_252 = arith.constant 0 : i32
      %dma_start3A_253 = tpu.memref_slice %arg14[%dma_start3A_251, %dma_start3A_252] : memref<10000x128xf32, #tpu.memory_space<vmem_shared>> -> memref<10000x128xf32, #tpu.memory_space<vmem_shared>>
      tpu.enqueue_indirect_dma source(%dma_start3A_253 : memref<10000x128xf32, #tpu.memory_space<vmem_shared>>) target(%arg13 : memref<16x128xf32, #tpu.memory_space<vmem>>) offsets(%dma_start3A_250 : memref<16xi32, #tpu.memory_space<vmem>>) semaphore(%arg17 : memref<!tpu.dma_semaphore, #tpu.memory_space<semaphore_mem>>)
      %dma_wait3A_254 = arith.constant 6 : i32
      %dma_wait3A_255 = arith.constant 0 : i32
      %dma_wait3A_256 = tpu.memref_slice %arg8[%dma_wait3A_254, %dma_wait3A_255] : memref<8x16xi32, #tpu.memory_space<vmem>> -> memref<1x16xi32, #tpu.memory_space<vmem>>
      %dma_wait3A_257 = tpu.memref_squeeze %dma_wait3A_256 : memref<1x16xi32, #tpu.memory_space<vmem>> -> memref<16xi32, #tpu.memory_space<vmem>>
      %dma_wait3A_258 = arith.constant 0 : i32
      %dma_wait3A_259 = arith.constant 0 : i32
      %dma_wait3A_260 = tpu.memref_slice %arg14[%dma_wait3A_258, %dma_wait3A_259] : memref<10000x128xf32, #tpu.memory_space<vmem_shared>> -> memref<10000x128xf32, #tpu.memory_space<vmem_shared>>
      tpu.wait_indirect_dma semaphore(%arg16 : memref<!tpu.dma_semaphore, #tpu.memory_space<semaphore_mem>>) src(%dma_wait3A_260 : memref<10000x128xf32, #tpu.memory_space<vmem_shared>>) dst(%arg12 : memref<16x128xf32, #tpu.memory_space<vmem>>)
      %dma_start3A_261 = arith.constant 6 : i32
      %dma_start3A_262 = arith.constant 0 : i32
      %dma_start3A_263 = tpu.memref_slice %arg10[%dma_start3A_261, %dma_start3A_262] : memref<8x16xi32, #tpu.memory_space<vmem>> -> memref<1x16xi32, #tpu.memory_space<vmem>>
      %dma_start3A_264 = tpu.memref_squeeze %dma_start3A_263 : memref<1x16xi32, #tpu.memory_space<vmem>> -> memref<16xi32, #tpu.memory_space<vmem>>
      %dma_start3A_265 = arith.constant 0 : i32
      %dma_start3A_266 = arith.constant 0 : i32
      %dma_start3A_267 = tpu.memref_slice %arg15[%dma_start3A_265, %dma_start3A_266] : memref<5120x128xf32, #tpu.memory_space<vmem_shared>> -> memref<5120x128xf32, #tpu.memory_space<vmem_shared>>
      tpu.enqueue_indirect_dma source(%arg12 : memref<16x128xf32, #tpu.memory_space<vmem>>) target(%dma_start3A_267 : memref<5120x128xf32, #tpu.memory_space<vmem_shared>>) offsets(%dma_start3A_264 : memref<16xi32, #tpu.memory_space<vmem>>) semaphore(%arg18 : memref<!tpu.dma_semaphore, #tpu.memory_space<semaphore_mem>>) {add = true}
      %dma_wait3A_268 = arith.constant 7 : i32
      %dma_wait3A_269 = arith.constant 0 : i32
      %dma_wait3A_270 = tpu.memref_slice %arg8[%dma_wait3A_268, %dma_wait3A_269] : memref<8x16xi32, #tpu.memory_space<vmem>> -> memref<1x16xi32, #tpu.memory_space<vmem>>
      %dma_wait3A_271 = tpu.memref_squeeze %dma_wait3A_270 : memref<1x16xi32, #tpu.memory_space<vmem>> -> memref<16xi32, #tpu.memory_space<vmem>>
      %dma_wait3A_272 = arith.constant 0 : i32
      %dma_wait3A_273 = arith.constant 0 : i32
      %dma_wait3A_274 = tpu.memref_slice %arg14[%dma_wait3A_272, %dma_wait3A_273] : memref<10000x128xf32, #tpu.memory_space<vmem_shared>> -> memref<10000x128xf32, #tpu.memory_space<vmem_shared>>
      tpu.wait_indirect_dma semaphore(%arg17 : memref<!tpu.dma_semaphore, #tpu.memory_space<semaphore_mem>>) src(%dma_wait3A_274 : memref<10000x128xf32, #tpu.memory_space<vmem_shared>>) dst(%arg13 : memref<16x128xf32, #tpu.memory_space<vmem>>)
      %dma_start3A_275 = arith.constant 7 : i32
      %dma_start3A_276 = arith.constant 0 : i32
      %dma_start3A_277 = tpu.memref_slice %arg10[%dma_start3A_275, %dma_start3A_276] : memref<8x16xi32, #tpu.memory_space<vmem>> -> memref<1x16xi32, #tpu.memory_space<vmem>>
      %dma_start3A_278 = tpu.memref_squeeze %dma_start3A_277 : memref<1x16xi32, #tpu.memory_space<vmem>> -> memref<16xi32, #tpu.memory_space<vmem>>
      %dma_start3A_279 = arith.constant 0 : i32
      %dma_start3A_280 = arith.constant 0 : i32
      %dma_start3A_281 = tpu.memref_slice %arg15[%dma_start3A_279, %dma_start3A_280] : memref<5120x128xf32, #tpu.memory_space<vmem_shared>> -> memref<5120x128xf32, #tpu.memory_space<vmem_shared>>
      tpu.enqueue_indirect_dma source(%arg13 : memref<16x128xf32, #tpu.memory_space<vmem>>) target(%dma_start3A_281 : memref<5120x128xf32, #tpu.memory_space<vmem_shared>>) offsets(%dma_start3A_278 : memref<16xi32, #tpu.memory_space<vmem>>) semaphore(%arg19 : memref<!tpu.dma_semaphore, #tpu.memory_space<semaphore_mem>>) {add = true}
      %dma_wait3A_282 = arith.constant 6 : i32
      %dma_wait3A_283 = arith.constant 0 : i32
      %dma_wait3A_284 = tpu.memref_slice %arg10[%dma_wait3A_282, %dma_wait3A_283] : memref<8x16xi32, #tpu.memory_space<vmem>> -> memref<1x16xi32, #tpu.memory_space<vmem>>
      %dma_wait3A_285 = tpu.memref_squeeze %dma_wait3A_284 : memref<1x16xi32, #tpu.memory_space<vmem>> -> memref<16xi32, #tpu.memory_space<vmem>>
      %dma_wait3A_286 = arith.constant 0 : i32
      %dma_wait3A_287 = arith.constant 0 : i32
      %dma_wait3A_288 = tpu.memref_slice %arg15[%dma_wait3A_286, %dma_wait3A_287] : memref<5120x128xf32, #tpu.memory_space<vmem_shared>> -> memref<5120x128xf32, #tpu.memory_space<vmem_shared>>
      tpu.wait_indirect_dma semaphore(%arg18 : memref<!tpu.dma_semaphore, #tpu.memory_space<semaphore_mem>>) src(%arg12 : memref<16x128xf32, #tpu.memory_space<vmem>>) dst(%dma_wait3A_288 : memref<5120x128xf32, #tpu.memory_space<vmem_shared>>)
      %dma_wait3A_289 = arith.constant 7 : i32
      %dma_wait3A_290 = arith.constant 0 : i32
      %dma_wait3A_291 = tpu.memref_slice %arg10[%dma_wait3A_289, %dma_wait3A_290] : memref<8x16xi32, #tpu.memory_space<vmem>> -> memref<1x16xi32, #tpu.memory_space<vmem>>
      %dma_wait3A_292 = tpu.memref_squeeze %dma_wait3A_291 : memref<1x16xi32, #tpu.memory_space<vmem>> -> memref<16xi32, #tpu.memory_space<vmem>>
      %dma_wait3A_293 = arith.constant 0 : i32
      %dma_wait3A_294 = arith.constant 0 : i32
      %dma_wait3A_295 = tpu.memref_slice %arg15[%dma_wait3A_293, %dma_wait3A_294] : memref<5120x128xf32, #tpu.memory_space<vmem_shared>> -> memref<5120x128xf32, #tpu.memory_space<vmem_shared>>
      tpu.wait_indirect_dma semaphore(%arg19 : memref<!tpu.dma_semaphore, #tpu.memory_space<semaphore_mem>>) src(%arg13 : memref<16x128xf32, #tpu.memory_space<vmem>>) dst(%dma_wait3A_295 : memref<5120x128xf32, #tpu.memory_space<vmem_shared>>)
      %mul3A_296 = arith.constant 2 : i32
      %mul3A_297 = arith.muli %scan3A_49, %mul3A_296 : i32
      %add3A_298 = arith.constant 1 : i32
      %add3A_299 = arith.addi %mul3A_297, %add3A_298 : i32
      %mul3A_300 = arith.constant 8 : i32
      %mul3A_301 = arith.muli %add3A_299, %mul3A_300 : i32
      %add3A_302 = arith.addi %mul3A_2, %mul3A_301 : i32
      %dma_wait3A_303 = arith.constant 0 : i32
      %dma_wait3A_304 = tpu.memref_slice %arg3[%add3A_302, %dma_wait3A_303] : memref<20480x16xi32, #tpu.memory_space<hbm>> -> memref<8x16xi32, #tpu.memory_space<hbm>>
      %dma_wait3A_305 = arith.constant 0 : i32
      %dma_wait3A_306 = tpu.memref_slice %arg3[%add3A_302, %dma_wait3A_305] : memref<20480x16xi32, #tpu.memory_space<hbm>> -> memref<8x16xi32, #tpu.memory_space<hbm>>
      tpu.wait_dma2 semaphore(%arg21 : memref<!tpu.dma_semaphore, #tpu.memory_space<semaphore_mem>>) src(%dma_wait3A_306 : memref<8x16xi32, #tpu.memory_space<hbm>>) dst(%arg9 : memref<8x16xi32, #tpu.memory_space<vmem>>)
      %dma_wait3A_307 = arith.constant 0 : i32
      %dma_wait3A_308 = tpu.memref_slice %arg4[%add3A_302, %dma_wait3A_307] : memref<20480x16xi32, #tpu.memory_space<hbm>> -> memref<8x16xi32, #tpu.memory_space<hbm>>
      %dma_wait3A_309 = arith.constant 0 : i32
      %dma_wait3A_310 = tpu.memref_slice %arg4[%add3A_302, %dma_wait3A_309] : memref<20480x16xi32, #tpu.memory_space<hbm>> -> memref<8x16xi32, #tpu.memory_space<hbm>>
      tpu.wait_dma2 semaphore(%arg21 : memref<!tpu.dma_semaphore, #tpu.memory_space<semaphore_mem>>) src(%dma_wait3A_310 : memref<8x16xi32, #tpu.memory_space<hbm>>) dst(%arg11 : memref<8x16xi32, #tpu.memory_space<vmem>>)
      %add3A_311 = arith.constant 1 : i32
      %add3A_312 = arith.addi %add3A_299, %add3A_311 : i32
      %lt3A_313 = arith.constant 80 : i32
      %lt3A_314 = arith.cmpi slt, %add3A_312, %lt3A_313 : i32
      %convert_element_type3A_315 = arith.extui %lt3A_314 : i1 to i32
      %cond3A_316 = arith.constant 0 : i32
      %cond3A_317 = arith.cmpi ne, %convert_element_type3A_315, %cond3A_316 : i32
      scf.if %cond3A_317 {
        %add3A_543 = arith.constant 1 : i32
        %add3A_544 = arith.addi %add3A_299, %add3A_543 : i32
        %mul3A_545 = arith.constant 8 : i32
        %mul3A_546 = arith.muli %add3A_544, %mul3A_545 : i32
        %add3A_547 = arith.addi %mul3A_2, %mul3A_546 : i32
        %dma_start3A_548 = arith.constant 0 : i32
        %dma_start3A_549 = tpu.memref_slice %arg3[%add3A_547, %dma_start3A_548] : memref<20480x16xi32, #tpu.memory_space<hbm>> -> memref<8x16xi32, #tpu.memory_space<hbm>>
        %dma_start3A_550 = arith.constant 0 : i32
        %dma_start3A_551 = tpu.memref_slice %arg3[%add3A_547, %dma_start3A_550] : memref<20480x16xi32, #tpu.memory_space<hbm>> -> memref<8x16xi32, #tpu.memory_space<hbm>>
        tpu.enqueue_dma source(%dma_start3A_551 : memref<8x16xi32, #tpu.memory_space<hbm>>) target(%arg8 : memref<8x16xi32, #tpu.memory_space<vmem>>) target_semaphore(%arg20 : memref<!tpu.dma_semaphore, #tpu.memory_space<semaphore_mem>>)
        %dma_start3A_552 = arith.constant 0 : i32
        %dma_start3A_553 = tpu.memref_slice %arg4[%add3A_547, %dma_start3A_552] : memref<20480x16xi32, #tpu.memory_space<hbm>> -> memref<8x16xi32, #tpu.memory_space<hbm>>
        %dma_start3A_554 = arith.constant 0 : i32
        %dma_start3A_555 = tpu.memref_slice %arg4[%add3A_547, %dma_start3A_554] : memref<20480x16xi32, #tpu.memory_space<hbm>> -> memref<8x16xi32, #tpu.memory_space<hbm>>
        tpu.enqueue_dma source(%dma_start3A_555 : memref<8x16xi32, #tpu.memory_space<hbm>>) target(%arg10 : memref<8x16xi32, #tpu.memory_space<vmem>>) target_semaphore(%arg20 : memref<!tpu.dma_semaphore, #tpu.memory_space<semaphore_mem>>)
      } else {
      }
      %dma_start3A_318 = arith.constant 0 : i32
      %dma_start3A_319 = arith.constant 0 : i32
      %dma_start3A_320 = tpu.memref_slice %arg9[%dma_start3A_318, %dma_start3A_319] : memref<8x16xi32, #tpu.memory_space<vmem>> -> memref<1x16xi32, #tpu.memory_space<vmem>>
      %dma_start3A_321 = tpu.memref_squeeze %dma_start3A_320 : memref<1x16xi32, #tpu.memory_space<vmem>> -> memref<16xi32, #tpu.memory_space<vmem>>
      %dma_start3A_322 = arith.constant 0 : i32
      %dma_start3A_323 = arith.constant 0 : i32
      %dma_start3A_324 = tpu.memref_slice %arg14[%dma_start3A_322, %dma_start3A_323] : memref<10000x128xf32, #tpu.memory_space<vmem_shared>> -> memref<10000x128xf32, #tpu.memory_space<vmem_shared>>
      tpu.enqueue_indirect_dma source(%dma_start3A_324 : memref<10000x128xf32, #tpu.memory_space<vmem_shared>>) target(%arg12 : memref<16x128xf32, #tpu.memory_space<vmem>>) offsets(%dma_start3A_321 : memref<16xi32, #tpu.memory_space<vmem>>) semaphore(%arg16 : memref<!tpu.dma_semaphore, #tpu.memory_space<semaphore_mem>>)
      %dma_start3A_325 = arith.constant 1 : i32
      %dma_start3A_326 = arith.constant 0 : i32
      %dma_start3A_327 = tpu.memref_slice %arg9[%dma_start3A_325, %dma_start3A_326] : memref<8x16xi32, #tpu.memory_space<vmem>> -> memref<1x16xi32, #tpu.memory_space<vmem>>
      %dma_start3A_328 = tpu.memref_squeeze %dma_start3A_327 : memref<1x16xi32, #tpu.memory_space<vmem>> -> memref<16xi32, #tpu.memory_space<vmem>>
      %dma_start3A_329 = arith.constant 0 : i32
      %dma_start3A_330 = arith.constant 0 : i32
      %dma_start3A_331 = tpu.memref_slice %arg14[%dma_start3A_329, %dma_start3A_330] : memref<10000x128xf32, #tpu.memory_space<vmem_shared>> -> memref<10000x128xf32, #tpu.memory_space<vmem_shared>>
      tpu.enqueue_indirect_dma source(%dma_start3A_331 : memref<10000x128xf32, #tpu.memory_space<vmem_shared>>) target(%arg13 : memref<16x128xf32, #tpu.memory_space<vmem>>) offsets(%dma_start3A_328 : memref<16xi32, #tpu.memory_space<vmem>>) semaphore(%arg17 : memref<!tpu.dma_semaphore, #tpu.memory_space<semaphore_mem>>)
      %dma_wait3A_332 = arith.constant 0 : i32
      %dma_wait3A_333 = arith.constant 0 : i32
      %dma_wait3A_334 = tpu.memref_slice %arg9[%dma_wait3A_332, %dma_wait3A_333] : memref<8x16xi32, #tpu.memory_space<vmem>> -> memref<1x16xi32, #tpu.memory_space<vmem>>
      %dma_wait3A_335 = tpu.memref_squeeze %dma_wait3A_334 : memref<1x16xi32, #tpu.memory_space<vmem>> -> memref<16xi32, #tpu.memory_space<vmem>>
      %dma_wait3A_336 = arith.constant 0 : i32
      %dma_wait3A_337 = arith.constant 0 : i32
      %dma_wait3A_338 = tpu.memref_slice %arg14[%dma_wait3A_336, %dma_wait3A_337] : memref<10000x128xf32, #tpu.memory_space<vmem_shared>> -> memref<10000x128xf32, #tpu.memory_space<vmem_shared>>
      tpu.wait_indirect_dma semaphore(%arg16 : memref<!tpu.dma_semaphore, #tpu.memory_space<semaphore_mem>>) src(%dma_wait3A_338 : memref<10000x128xf32, #tpu.memory_space<vmem_shared>>) dst(%arg12 : memref<16x128xf32, #tpu.memory_space<vmem>>)
      %dma_start3A_339 = arith.constant 0 : i32
      %dma_start3A_340 = arith.constant 0 : i32
      %dma_start3A_341 = tpu.memref_slice %arg11[%dma_start3A_339, %dma_start3A_340] : memref<8x16xi32, #tpu.memory_space<vmem>> -> memref<1x16xi32, #tpu.memory_space<vmem>>
      %dma_start3A_342 = tpu.memref_squeeze %dma_start3A_341 : memref<1x16xi32, #tpu.memory_space<vmem>> -> memref<16xi32, #tpu.memory_space<vmem>>
      %dma_start3A_343 = arith.constant 0 : i32
      %dma_start3A_344 = arith.constant 0 : i32
      %dma_start3A_345 = tpu.memref_slice %arg15[%dma_start3A_343, %dma_start3A_344] : memref<5120x128xf32, #tpu.memory_space<vmem_shared>> -> memref<5120x128xf32, #tpu.memory_space<vmem_shared>>
      tpu.enqueue_indirect_dma source(%arg12 : memref<16x128xf32, #tpu.memory_space<vmem>>) target(%dma_start3A_345 : memref<5120x128xf32, #tpu.memory_space<vmem_shared>>) offsets(%dma_start3A_342 : memref<16xi32, #tpu.memory_space<vmem>>) semaphore(%arg18 : memref<!tpu.dma_semaphore, #tpu.memory_space<semaphore_mem>>) {add = true}
      %dma_wait3A_346 = arith.constant 0 : i32
      %dma_wait3A_347 = arith.constant 0 : i32
      %dma_wait3A_348 = tpu.memref_slice %arg11[%dma_wait3A_346, %dma_wait3A_347] : memref<8x16xi32, #tpu.memory_space<vmem>> -> memref<1x16xi32, #tpu.memory_space<vmem>>
      %dma_wait3A_349 = tpu.memref_squeeze %dma_wait3A_348 : memref<1x16xi32, #tpu.memory_space<vmem>> -> memref<16xi32, #tpu.memory_space<vmem>>
      %dma_wait3A_350 = arith.constant 0 : i32
      %dma_wait3A_351 = arith.constant 0 : i32
      %dma_wait3A_352 = tpu.memref_slice %arg15[%dma_wait3A_350, %dma_wait3A_351] : memref<5120x128xf32, #tpu.memory_space<vmem_shared>> -> memref<5120x128xf32, #tpu.memory_space<vmem_shared>>
      tpu.wait_indirect_dma semaphore(%arg18 : memref<!tpu.dma_semaphore, #tpu.memory_space<semaphore_mem>>) src(%arg12 : memref<16x128xf32, #tpu.memory_space<vmem>>) dst(%dma_wait3A_352 : memref<5120x128xf32, #tpu.memory_space<vmem_shared>>)
      %dma_start3A_353 = arith.constant 2 : i32
      %dma_start3A_354 = arith.constant 0 : i32
      %dma_start3A_355 = tpu.memref_slice %arg9[%dma_start3A_353, %dma_start3A_354] : memref<8x16xi32, #tpu.memory_space<vmem>> -> memref<1x16xi32, #tpu.memory_space<vmem>>
      %dma_start3A_356 = tpu.memref_squeeze %dma_start3A_355 : memref<1x16xi32, #tpu.memory_space<vmem>> -> memref<16xi32, #tpu.memory_space<vmem>>
      %dma_start3A_357 = arith.constant 0 : i32
      %dma_start3A_358 = arith.constant 0 : i32
      %dma_start3A_359 = tpu.memref_slice %arg14[%dma_start3A_357, %dma_start3A_358] : memref<10000x128xf32, #tpu.memory_space<vmem_shared>> -> memref<10000x128xf32, #tpu.memory_space<vmem_shared>>
      tpu.enqueue_indirect_dma source(%dma_start3A_359 : memref<10000x128xf32, #tpu.memory_space<vmem_shared>>) target(%arg12 : memref<16x128xf32, #tpu.memory_space<vmem>>) offsets(%dma_start3A_356 : memref<16xi32, #tpu.memory_space<vmem>>) semaphore(%arg16 : memref<!tpu.dma_semaphore, #tpu.memory_space<semaphore_mem>>)
      %dma_wait3A_360 = arith.constant 1 : i32
      %dma_wait3A_361 = arith.constant 0 : i32
      %dma_wait3A_362 = tpu.memref_slice %arg9[%dma_wait3A_360, %dma_wait3A_361] : memref<8x16xi32, #tpu.memory_space<vmem>> -> memref<1x16xi32, #tpu.memory_space<vmem>>
      %dma_wait3A_363 = tpu.memref_squeeze %dma_wait3A_362 : memref<1x16xi32, #tpu.memory_space<vmem>> -> memref<16xi32, #tpu.memory_space<vmem>>
      %dma_wait3A_364 = arith.constant 0 : i32
      %dma_wait3A_365 = arith.constant 0 : i32
      %dma_wait3A_366 = tpu.memref_slice %arg14[%dma_wait3A_364, %dma_wait3A_365] : memref<10000x128xf32, #tpu.memory_space<vmem_shared>> -> memref<10000x128xf32, #tpu.memory_space<vmem_shared>>
      tpu.wait_indirect_dma semaphore(%arg17 : memref<!tpu.dma_semaphore, #tpu.memory_space<semaphore_mem>>) src(%dma_wait3A_366 : memref<10000x128xf32, #tpu.memory_space<vmem_shared>>) dst(%arg13 : memref<16x128xf32, #tpu.memory_space<vmem>>)
      %dma_start3A_367 = arith.constant 1 : i32
      %dma_start3A_368 = arith.constant 0 : i32
      %dma_start3A_369 = tpu.memref_slice %arg11[%dma_start3A_367, %dma_start3A_368] : memref<8x16xi32, #tpu.memory_space<vmem>> -> memref<1x16xi32, #tpu.memory_space<vmem>>
      %dma_start3A_370 = tpu.memref_squeeze %dma_start3A_369 : memref<1x16xi32, #tpu.memory_space<vmem>> -> memref<16xi32, #tpu.memory_space<vmem>>
      %dma_start3A_371 = arith.constant 0 : i32
      %dma_start3A_372 = arith.constant 0 : i32
      %dma_start3A_373 = tpu.memref_slice %arg15[%dma_start3A_371, %dma_start3A_372] : memref<5120x128xf32, #tpu.memory_space<vmem_shared>> -> memref<5120x128xf32, #tpu.memory_space<vmem_shared>>
      tpu.enqueue_indirect_dma source(%arg13 : memref<16x128xf32, #tpu.memory_space<vmem>>) target(%dma_start3A_373 : memref<5120x128xf32, #tpu.memory_space<vmem_shared>>) offsets(%dma_start3A_370 : memref<16xi32, #tpu.memory_space<vmem>>) semaphore(%arg19 : memref<!tpu.dma_semaphore, #tpu.memory_space<semaphore_mem>>) {add = true}
      %dma_wait3A_374 = arith.constant 1 : i32
      %dma_wait3A_375 = arith.constant 0 : i32
      %dma_wait3A_376 = tpu.memref_slice %arg11[%dma_wait3A_374, %dma_wait3A_375] : memref<8x16xi32, #tpu.memory_space<vmem>> -> memref<1x16xi32, #tpu.memory_space<vmem>>
      %dma_wait3A_377 = tpu.memref_squeeze %dma_wait3A_376 : memref<1x16xi32, #tpu.memory_space<vmem>> -> memref<16xi32, #tpu.memory_space<vmem>>
      %dma_wait3A_378 = arith.constant 0 : i32
      %dma_wait3A_379 = arith.constant 0 : i32
      %dma_wait3A_380 = tpu.memref_slice %arg15[%dma_wait3A_378, %dma_wait3A_379] : memref<5120x128xf32, #tpu.memory_space<vmem_shared>> -> memref<5120x128xf32, #tpu.memory_space<vmem_shared>>
      tpu.wait_indirect_dma semaphore(%arg19 : memref<!tpu.dma_semaphore, #tpu.memory_space<semaphore_mem>>) src(%arg13 : memref<16x128xf32, #tpu.memory_space<vmem>>) dst(%dma_wait3A_380 : memref<5120x128xf32, #tpu.memory_space<vmem_shared>>)
      %dma_start3A_381 = arith.constant 3 : i32
      %dma_start3A_382 = arith.constant 0 : i32
      %dma_start3A_383 = tpu.memref_slice %arg9[%dma_start3A_381, %dma_start3A_382] : memref<8x16xi32, #tpu.memory_space<vmem>> -> memref<1x16xi32, #tpu.memory_space<vmem>>
      %dma_start3A_384 = tpu.memref_squeeze %dma_start3A_383 : memref<1x16xi32, #tpu.memory_space<vmem>> -> memref<16xi32, #tpu.memory_space<vmem>>
      %dma_start3A_385 = arith.constant 0 : i32
      %dma_start3A_386 = arith.constant 0 : i32
      %dma_start3A_387 = tpu.memref_slice %arg14[%dma_start3A_385, %dma_start3A_386] : memref<10000x128xf32, #tpu.memory_space<vmem_shared>> -> memref<10000x128xf32, #tpu.memory_space<vmem_shared>>
      tpu.enqueue_indirect_dma source(%dma_start3A_387 : memref<10000x128xf32, #tpu.memory_space<vmem_shared>>) target(%arg13 : memref<16x128xf32, #tpu.memory_space<vmem>>) offsets(%dma_start3A_384 : memref<16xi32, #tpu.memory_space<vmem>>) semaphore(%arg17 : memref<!tpu.dma_semaphore, #tpu.memory_space<semaphore_mem>>)
      %dma_wait3A_388 = arith.constant 2 : i32
      %dma_wait3A_389 = arith.constant 0 : i32
      %dma_wait3A_390 = tpu.memref_slice %arg9[%dma_wait3A_388, %dma_wait3A_389] : memref<8x16xi32, #tpu.memory_space<vmem>> -> memref<1x16xi32, #tpu.memory_space<vmem>>
      %dma_wait3A_391 = tpu.memref_squeeze %dma_wait3A_390 : memref<1x16xi32, #tpu.memory_space<vmem>> -> memref<16xi32, #tpu.memory_space<vmem>>
      %dma_wait3A_392 = arith.constant 0 : i32
      %dma_wait3A_393 = arith.constant 0 : i32
      %dma_wait3A_394 = tpu.memref_slice %arg14[%dma_wait3A_392, %dma_wait3A_393] : memref<10000x128xf32, #tpu.memory_space<vmem_shared>> -> memref<10000x128xf32, #tpu.memory_space<vmem_shared>>
      tpu.wait_indirect_dma semaphore(%arg16 : memref<!tpu.dma_semaphore, #tpu.memory_space<semaphore_mem>>) src(%dma_wait3A_394 : memref<10000x128xf32, #tpu.memory_space<vmem_shared>>) dst(%arg12 : memref<16x128xf32, #tpu.memory_space<vmem>>)
      %dma_start3A_395 = arith.constant 2 : i32
      %dma_start3A_396 = arith.constant 0 : i32
      %dma_start3A_397 = tpu.memref_slice %arg11[%dma_start3A_395, %dma_start3A_396] : memref<8x16xi32, #tpu.memory_space<vmem>> -> memref<1x16xi32, #tpu.memory_space<vmem>>
      %dma_start3A_398 = tpu.memref_squeeze %dma_start3A_397 : memref<1x16xi32, #tpu.memory_space<vmem>> -> memref<16xi32, #tpu.memory_space<vmem>>
      %dma_start3A_399 = arith.constant 0 : i32
      %dma_start3A_400 = arith.constant 0 : i32
      %dma_start3A_401 = tpu.memref_slice %arg15[%dma_start3A_399, %dma_start3A_400] : memref<5120x128xf32, #tpu.memory_space<vmem_shared>> -> memref<5120x128xf32, #tpu.memory_space<vmem_shared>>
      tpu.enqueue_indirect_dma source(%arg12 : memref<16x128xf32, #tpu.memory_space<vmem>>) target(%dma_start3A_401 : memref<5120x128xf32, #tpu.memory_space<vmem_shared>>) offsets(%dma_start3A_398 : memref<16xi32, #tpu.memory_space<vmem>>) semaphore(%arg18 : memref<!tpu.dma_semaphore, #tpu.memory_space<semaphore_mem>>) {add = true}
      %dma_wait3A_402 = arith.constant 2 : i32
      %dma_wait3A_403 = arith.constant 0 : i32
      %dma_wait3A_404 = tpu.memref_slice %arg11[%dma_wait3A_402, %dma_wait3A_403] : memref<8x16xi32, #tpu.memory_space<vmem>> -> memref<1x16xi32, #tpu.memory_space<vmem>>
      %dma_wait3A_405 = tpu.memref_squeeze %dma_wait3A_404 : memref<1x16xi32, #tpu.memory_space<vmem>> -> memref<16xi32, #tpu.memory_space<vmem>>
      %dma_wait3A_406 = arith.constant 0 : i32
      %dma_wait3A_407 = arith.constant 0 : i32
      %dma_wait3A_408 = tpu.memref_slice %arg15[%dma_wait3A_406, %dma_wait3A_407] : memref<5120x128xf32, #tpu.memory_space<vmem_shared>> -> memref<5120x128xf32, #tpu.memory_space<vmem_shared>>
      tpu.wait_indirect_dma semaphore(%arg18 : memref<!tpu.dma_semaphore, #tpu.memory_space<semaphore_mem>>) src(%arg12 : memref<16x128xf32, #tpu.memory_space<vmem>>) dst(%dma_wait3A_408 : memref<5120x128xf32, #tpu.memory_space<vmem_shared>>)
      %dma_start3A_409 = arith.constant 4 : i32
      %dma_start3A_410 = arith.constant 0 : i32
      %dma_start3A_411 = tpu.memref_slice %arg9[%dma_start3A_409, %dma_start3A_410] : memref<8x16xi32, #tpu.memory_space<vmem>> -> memref<1x16xi32, #tpu.memory_space<vmem>>
      %dma_start3A_412 = tpu.memref_squeeze %dma_start3A_411 : memref<1x16xi32, #tpu.memory_space<vmem>> -> memref<16xi32, #tpu.memory_space<vmem>>
      %dma_start3A_413 = arith.constant 0 : i32
      %dma_start3A_414 = arith.constant 0 : i32
      %dma_start3A_415 = tpu.memref_slice %arg14[%dma_start3A_413, %dma_start3A_414] : memref<10000x128xf32, #tpu.memory_space<vmem_shared>> -> memref<10000x128xf32, #tpu.memory_space<vmem_shared>>
      tpu.enqueue_indirect_dma source(%dma_start3A_415 : memref<10000x128xf32, #tpu.memory_space<vmem_shared>>) target(%arg12 : memref<16x128xf32, #tpu.memory_space<vmem>>) offsets(%dma_start3A_412 : memref<16xi32, #tpu.memory_space<vmem>>) semaphore(%arg16 : memref<!tpu.dma_semaphore, #tpu.memory_space<semaphore_mem>>)
      %dma_wait3A_416 = arith.constant 3 : i32
      %dma_wait3A_417 = arith.constant 0 : i32
      %dma_wait3A_418 = tpu.memref_slice %arg9[%dma_wait3A_416, %dma_wait3A_417] : memref<8x16xi32, #tpu.memory_space<vmem>> -> memref<1x16xi32, #tpu.memory_space<vmem>>
      %dma_wait3A_419 = tpu.memref_squeeze %dma_wait3A_418 : memref<1x16xi32, #tpu.memory_space<vmem>> -> memref<16xi32, #tpu.memory_space<vmem>>
      %dma_wait3A_420 = arith.constant 0 : i32
      %dma_wait3A_421 = arith.constant 0 : i32
      %dma_wait3A_422 = tpu.memref_slice %arg14[%dma_wait3A_420, %dma_wait3A_421] : memref<10000x128xf32, #tpu.memory_space<vmem_shared>> -> memref<10000x128xf32, #tpu.memory_space<vmem_shared>>
      tpu.wait_indirect_dma semaphore(%arg17 : memref<!tpu.dma_semaphore, #tpu.memory_space<semaphore_mem>>) src(%dma_wait3A_422 : memref<10000x128xf32, #tpu.memory_space<vmem_shared>>) dst(%arg13 : memref<16x128xf32, #tpu.memory_space<vmem>>)
      %dma_start3A_423 = arith.constant 3 : i32
      %dma_start3A_424 = arith.constant 0 : i32
      %dma_start3A_425 = tpu.memref_slice %arg11[%dma_start3A_423, %dma_start3A_424] : memref<8x16xi32, #tpu.memory_space<vmem>> -> memref<1x16xi32, #tpu.memory_space<vmem>>
      %dma_start3A_426 = tpu.memref_squeeze %dma_start3A_425 : memref<1x16xi32, #tpu.memory_space<vmem>> -> memref<16xi32, #tpu.memory_space<vmem>>
      %dma_start3A_427 = arith.constant 0 : i32
      %dma_start3A_428 = arith.constant 0 : i32
      %dma_start3A_429 = tpu.memref_slice %arg15[%dma_start3A_427, %dma_start3A_428] : memref<5120x128xf32, #tpu.memory_space<vmem_shared>> -> memref<5120x128xf32, #tpu.memory_space<vmem_shared>>
      tpu.enqueue_indirect_dma source(%arg13 : memref<16x128xf32, #tpu.memory_space<vmem>>) target(%dma_start3A_429 : memref<5120x128xf32, #tpu.memory_space<vmem_shared>>) offsets(%dma_start3A_426 : memref<16xi32, #tpu.memory_space<vmem>>) semaphore(%arg19 : memref<!tpu.dma_semaphore, #tpu.memory_space<semaphore_mem>>) {add = true}
      %dma_wait3A_430 = arith.constant 3 : i32
      %dma_wait3A_431 = arith.constant 0 : i32
      %dma_wait3A_432 = tpu.memref_slice %arg11[%dma_wait3A_430, %dma_wait3A_431] : memref<8x16xi32, #tpu.memory_space<vmem>> -> memref<1x16xi32, #tpu.memory_space<vmem>>
      %dma_wait3A_433 = tpu.memref_squeeze %dma_wait3A_432 : memref<1x16xi32, #tpu.memory_space<vmem>> -> memref<16xi32, #tpu.memory_space<vmem>>
      %dma_wait3A_434 = arith.constant 0 : i32
      %dma_wait3A_435 = arith.constant 0 : i32
      %dma_wait3A_436 = tpu.memref_slice %arg15[%dma_wait3A_434, %dma_wait3A_435] : memref<5120x128xf32, #tpu.memory_space<vmem_shared>> -> memref<5120x128xf32, #tpu.memory_space<vmem_shared>>
      tpu.wait_indirect_dma semaphore(%arg19 : memref<!tpu.dma_semaphore, #tpu.memory_space<semaphore_mem>>) src(%arg13 : memref<16x128xf32, #tpu.memory_space<vmem>>) dst(%dma_wait3A_436 : memref<5120x128xf32, #tpu.memory_space<vmem_shared>>)
      %dma_start3A_437 = arith.constant 5 : i32
      %dma_start3A_438 = arith.constant 0 : i32
      %dma_start3A_439 = tpu.memref_slice %arg9[%dma_start3A_437, %dma_start3A_438] : memref<8x16xi32, #tpu.memory_space<vmem>> -> memref<1x16xi32, #tpu.memory_space<vmem>>
      %dma_start3A_440 = tpu.memref_squeeze %dma_start3A_439 : memref<1x16xi32, #tpu.memory_space<vmem>> -> memref<16xi32, #tpu.memory_space<vmem>>
      %dma_start3A_441 = arith.constant 0 : i32
      %dma_start3A_442 = arith.constant 0 : i32
      %dma_start3A_443 = tpu.memref_slice %arg14[%dma_start3A_441, %dma_start3A_442] : memref<10000x128xf32, #tpu.memory_space<vmem_shared>> -> memref<10000x128xf32, #tpu.memory_space<vmem_shared>>
      tpu.enqueue_indirect_dma source(%dma_start3A_443 : memref<10000x128xf32, #tpu.memory_space<vmem_shared>>) target(%arg13 : memref<16x128xf32, #tpu.memory_space<vmem>>) offsets(%dma_start3A_440 : memref<16xi32, #tpu.memory_space<vmem>>) semaphore(%arg17 : memref<!tpu.dma_semaphore, #tpu.memory_space<semaphore_mem>>)
      %dma_wait3A_444 = arith.constant 4 : i32
      %dma_wait3A_445 = arith.constant 0 : i32
      %dma_wait3A_446 = tpu.memref_slice %arg9[%dma_wait3A_444, %dma_wait3A_445] : memref<8x16xi32, #tpu.memory_space<vmem>> -> memref<1x16xi32, #tpu.memory_space<vmem>>
      %dma_wait3A_447 = tpu.memref_squeeze %dma_wait3A_446 : memref<1x16xi32, #tpu.memory_space<vmem>> -> memref<16xi32, #tpu.memory_space<vmem>>
      %dma_wait3A_448 = arith.constant 0 : i32
      %dma_wait3A_449 = arith.constant 0 : i32
      %dma_wait3A_450 = tpu.memref_slice %arg14[%dma_wait3A_448, %dma_wait3A_449] : memref<10000x128xf32, #tpu.memory_space<vmem_shared>> -> memref<10000x128xf32, #tpu.memory_space<vmem_shared>>
      tpu.wait_indirect_dma semaphore(%arg16 : memref<!tpu.dma_semaphore, #tpu.memory_space<semaphore_mem>>) src(%dma_wait3A_450 : memref<10000x128xf32, #tpu.memory_space<vmem_shared>>) dst(%arg12 : memref<16x128xf32, #tpu.memory_space<vmem>>)
      %dma_start3A_451 = arith.constant 4 : i32
      %dma_start3A_452 = arith.constant 0 : i32
      %dma_start3A_453 = tpu.memref_slice %arg11[%dma_start3A_451, %dma_start3A_452] : memref<8x16xi32, #tpu.memory_space<vmem>> -> memref<1x16xi32, #tpu.memory_space<vmem>>
      %dma_start3A_454 = tpu.memref_squeeze %dma_start3A_453 : memref<1x16xi32, #tpu.memory_space<vmem>> -> memref<16xi32, #tpu.memory_space<vmem>>
      %dma_start3A_455 = arith.constant 0 : i32
      %dma_start3A_456 = arith.constant 0 : i32
      %dma_start3A_457 = tpu.memref_slice %arg15[%dma_start3A_455, %dma_start3A_456] : memref<5120x128xf32, #tpu.memory_space<vmem_shared>> -> memref<5120x128xf32, #tpu.memory_space<vmem_shared>>
      tpu.enqueue_indirect_dma source(%arg12 : memref<16x128xf32, #tpu.memory_space<vmem>>) target(%dma_start3A_457 : memref<5120x128xf32, #tpu.memory_space<vmem_shared>>) offsets(%dma_start3A_454 : memref<16xi32, #tpu.memory_space<vmem>>) semaphore(%arg18 : memref<!tpu.dma_semaphore, #tpu.memory_space<semaphore_mem>>) {add = true}
      %dma_wait3A_458 = arith.constant 4 : i32
      %dma_wait3A_459 = arith.constant 0 : i32
      %dma_wait3A_460 = tpu.memref_slice %arg11[%dma_wait3A_458, %dma_wait3A_459] : memref<8x16xi32, #tpu.memory_space<vmem>> -> memref<1x16xi32, #tpu.memory_space<vmem>>
      %dma_wait3A_461 = tpu.memref_squeeze %dma_wait3A_460 : memref<1x16xi32, #tpu.memory_space<vmem>> -> memref<16xi32, #tpu.memory_space<vmem>>
      %dma_wait3A_462 = arith.constant 0 : i32
      %dma_wait3A_463 = arith.constant 0 : i32
      %dma_wait3A_464 = tpu.memref_slice %arg15[%dma_wait3A_462, %dma_wait3A_463] : memref<5120x128xf32, #tpu.memory_space<vmem_shared>> -> memref<5120x128xf32, #tpu.memory_space<vmem_shared>>
      tpu.wait_indirect_dma semaphore(%arg18 : memref<!tpu.dma_semaphore, #tpu.memory_space<semaphore_mem>>) src(%arg12 : memref<16x128xf32, #tpu.memory_space<vmem>>) dst(%dma_wait3A_464 : memref<5120x128xf32, #tpu.memory_space<vmem_shared>>)
      %dma_start3A_465 = arith.constant 6 : i32
      %dma_start3A_466 = arith.constant 0 : i32
      %dma_start3A_467 = tpu.memref_slice %arg9[%dma_start3A_465, %dma_start3A_466] : memref<8x16xi32, #tpu.memory_space<vmem>> -> memref<1x16xi32, #tpu.memory_space<vmem>>
      %dma_start3A_468 = tpu.memref_squeeze %dma_start3A_467 : memref<1x16xi32, #tpu.memory_space<vmem>> -> memref<16xi32, #tpu.memory_space<vmem>>
      %dma_start3A_469 = arith.constant 0 : i32
      %dma_start3A_470 = arith.constant 0 : i32
      %dma_start3A_471 = tpu.memref_slice %arg14[%dma_start3A_469, %dma_start3A_470] : memref<10000x128xf32, #tpu.memory_space<vmem_shared>> -> memref<10000x128xf32, #tpu.memory_space<vmem_shared>>
      tpu.enqueue_indirect_dma source(%dma_start3A_471 : memref<10000x128xf32, #tpu.memory_space<vmem_shared>>) target(%arg12 : memref<16x128xf32, #tpu.memory_space<vmem>>) offsets(%dma_start3A_468 : memref<16xi32, #tpu.memory_space<vmem>>) semaphore(%arg16 : memref<!tpu.dma_semaphore, #tpu.memory_space<semaphore_mem>>)
      %dma_wait3A_472 = arith.constant 5 : i32
      %dma_wait3A_473 = arith.constant 0 : i32
      %dma_wait3A_474 = tpu.memref_slice %arg9[%dma_wait3A_472, %dma_wait3A_473] : memref<8x16xi32, #tpu.memory_space<vmem>> -> memref<1x16xi32, #tpu.memory_space<vmem>>
      %dma_wait3A_475 = tpu.memref_squeeze %dma_wait3A_474 : memref<1x16xi32, #tpu.memory_space<vmem>> -> memref<16xi32, #tpu.memory_space<vmem>>
      %dma_wait3A_476 = arith.constant 0 : i32
      %dma_wait3A_477 = arith.constant 0 : i32
      %dma_wait3A_478 = tpu.memref_slice %arg14[%dma_wait3A_476, %dma_wait3A_477] : memref<10000x128xf32, #tpu.memory_space<vmem_shared>> -> memref<10000x128xf32, #tpu.memory_space<vmem_shared>>
      tpu.wait_indirect_dma semaphore(%arg17 : memref<!tpu.dma_semaphore, #tpu.memory_space<semaphore_mem>>) src(%dma_wait3A_478 : memref<10000x128xf32, #tpu.memory_space<vmem_shared>>) dst(%arg13 : memref<16x128xf32, #tpu.memory_space<vmem>>)
      %dma_start3A_479 = arith.constant 5 : i32
      %dma_start3A_480 = arith.constant 0 : i32
      %dma_start3A_481 = tpu.memref_slice %arg11[%dma_start3A_479, %dma_start3A_480] : memref<8x16xi32, #tpu.memory_space<vmem>> -> memref<1x16xi32, #tpu.memory_space<vmem>>
      %dma_start3A_482 = tpu.memref_squeeze %dma_start3A_481 : memref<1x16xi32, #tpu.memory_space<vmem>> -> memref<16xi32, #tpu.memory_space<vmem>>
      %dma_start3A_483 = arith.constant 0 : i32
      %dma_start3A_484 = arith.constant 0 : i32
      %dma_start3A_485 = tpu.memref_slice %arg15[%dma_start3A_483, %dma_start3A_484] : memref<5120x128xf32, #tpu.memory_space<vmem_shared>> -> memref<5120x128xf32, #tpu.memory_space<vmem_shared>>
      tpu.enqueue_indirect_dma source(%arg13 : memref<16x128xf32, #tpu.memory_space<vmem>>) target(%dma_start3A_485 : memref<5120x128xf32, #tpu.memory_space<vmem_shared>>) offsets(%dma_start3A_482 : memref<16xi32, #tpu.memory_space<vmem>>) semaphore(%arg19 : memref<!tpu.dma_semaphore, #tpu.memory_space<semaphore_mem>>) {add = true}
      %dma_wait3A_486 = arith.constant 5 : i32
      %dma_wait3A_487 = arith.constant 0 : i32
      %dma_wait3A_488 = tpu.memref_slice %arg11[%dma_wait3A_486, %dma_wait3A_487] : memref<8x16xi32, #tpu.memory_space<vmem>> -> memref<1x16xi32, #tpu.memory_space<vmem>>
      %dma_wait3A_489 = tpu.memref_squeeze %dma_wait3A_488 : memref<1x16xi32, #tpu.memory_space<vmem>> -> memref<16xi32, #tpu.memory_space<vmem>>
      %dma_wait3A_490 = arith.constant 0 : i32
      %dma_wait3A_491 = arith.constant 0 : i32
      %dma_wait3A_492 = tpu.memref_slice %arg15[%dma_wait3A_490, %dma_wait3A_491] : memref<5120x128xf32, #tpu.memory_space<vmem_shared>> -> memref<5120x128xf32, #tpu.memory_space<vmem_shared>>
      tpu.wait_indirect_dma semaphore(%arg19 : memref<!tpu.dma_semaphore, #tpu.memory_space<semaphore_mem>>) src(%arg13 : memref<16x128xf32, #tpu.memory_space<vmem>>) dst(%dma_wait3A_492 : memref<5120x128xf32, #tpu.memory_space<vmem_shared>>)
      %dma_start3A_493 = arith.constant 7 : i32
      %dma_start3A_494 = arith.constant 0 : i32
      %dma_start3A_495 = tpu.memref_slice %arg9[%dma_start3A_493, %dma_start3A_494] : memref<8x16xi32, #tpu.memory_space<vmem>> -> memref<1x16xi32, #tpu.memory_space<vmem>>
      %dma_start3A_496 = tpu.memref_squeeze %dma_start3A_495 : memref<1x16xi32, #tpu.memory_space<vmem>> -> memref<16xi32, #tpu.memory_space<vmem>>
      %dma_start3A_497 = arith.constant 0 : i32
      %dma_start3A_498 = arith.constant 0 : i32
      %dma_start3A_499 = tpu.memref_slice %arg14[%dma_start3A_497, %dma_start3A_498] : memref<10000x128xf32, #tpu.memory_space<vmem_shared>> -> memref<10000x128xf32, #tpu.memory_space<vmem_shared>>
      tpu.enqueue_indirect_dma source(%dma_start3A_499 : memref<10000x128xf32, #tpu.memory_space<vmem_shared>>) target(%arg13 : memref<16x128xf32, #tpu.memory_space<vmem>>) offsets(%dma_start3A_496 : memref<16xi32, #tpu.memory_space<vmem>>) semaphore(%arg17 : memref<!tpu.dma_semaphore, #tpu.memory_space<semaphore_mem>>)
      %dma_wait3A_500 = arith.constant 6 : i32
      %dma_wait3A_501 = arith.constant 0 : i32
      %dma_wait3A_502 = tpu.memref_slice %arg9[%dma_wait3A_500, %dma_wait3A_501] : memref<8x16xi32, #tpu.memory_space<vmem>> -> memref<1x16xi32, #tpu.memory_space<vmem>>
      %dma_wait3A_503 = tpu.memref_squeeze %dma_wait3A_502 : memref<1x16xi32, #tpu.memory_space<vmem>> -> memref<16xi32, #tpu.memory_space<vmem>>
      %dma_wait3A_504 = arith.constant 0 : i32
      %dma_wait3A_505 = arith.constant 0 : i32
      %dma_wait3A_506 = tpu.memref_slice %arg14[%dma_wait3A_504, %dma_wait3A_505] : memref<10000x128xf32, #tpu.memory_space<vmem_shared>> -> memref<10000x128xf32, #tpu.memory_space<vmem_shared>>
      tpu.wait_indirect_dma semaphore(%arg16 : memref<!tpu.dma_semaphore, #tpu.memory_space<semaphore_mem>>) src(%dma_wait3A_506 : memref<10000x128xf32, #tpu.memory_space<vmem_shared>>) dst(%arg12 : memref<16x128xf32, #tpu.memory_space<vmem>>)
      %dma_start3A_507 = arith.constant 6 : i32
      %dma_start3A_508 = arith.constant 0 : i32
      %dma_start3A_509 = tpu.memref_slice %arg11[%dma_start3A_507, %dma_start3A_508] : memref<8x16xi32, #tpu.memory_space<vmem>> -> memref<1x16xi32, #tpu.memory_space<vmem>>
      %dma_start3A_510 = tpu.memref_squeeze %dma_start3A_509 : memref<1x16xi32, #tpu.memory_space<vmem>> -> memref<16xi32, #tpu.memory_space<vmem>>
      %dma_start3A_511 = arith.constant 0 : i32
      %dma_start3A_512 = arith.constant 0 : i32
      %dma_start3A_513 = tpu.memref_slice %arg15[%dma_start3A_511, %dma_start3A_512] : memref<5120x128xf32, #tpu.memory_space<vmem_shared>> -> memref<5120x128xf32, #tpu.memory_space<vmem_shared>>
      tpu.enqueue_indirect_dma source(%arg12 : memref<16x128xf32, #tpu.memory_space<vmem>>) target(%dma_start3A_513 : memref<5120x128xf32, #tpu.memory_space<vmem_shared>>) offsets(%dma_start3A_510 : memref<16xi32, #tpu.memory_space<vmem>>) semaphore(%arg18 : memref<!tpu.dma_semaphore, #tpu.memory_space<semaphore_mem>>) {add = true}
      %dma_wait3A_514 = arith.constant 7 : i32
      %dma_wait3A_515 = arith.constant 0 : i32
      %dma_wait3A_516 = tpu.memref_slice %arg9[%dma_wait3A_514, %dma_wait3A_515] : memref<8x16xi32, #tpu.memory_space<vmem>> -> memref<1x16xi32, #tpu.memory_space<vmem>>
      %dma_wait3A_517 = tpu.memref_squeeze %dma_wait3A_516 : memref<1x16xi32, #tpu.memory_space<vmem>> -> memref<16xi32, #tpu.memory_space<vmem>>
      %dma_wait3A_518 = arith.constant 0 : i32
      %dma_wait3A_519 = arith.constant 0 : i32
      %dma_wait3A_520 = tpu.memref_slice %arg14[%dma_wait3A_518, %dma_wait3A_519] : memref<10000x128xf32, #tpu.memory_space<vmem_shared>> -> memref<10000x128xf32, #tpu.memory_space<vmem_shared>>
      tpu.wait_indirect_dma semaphore(%arg17 : memref<!tpu.dma_semaphore, #tpu.memory_space<semaphore_mem>>) src(%dma_wait3A_520 : memref<10000x128xf32, #tpu.memory_space<vmem_shared>>) dst(%arg13 : memref<16x128xf32, #tpu.memory_space<vmem>>)
      %dma_start3A_521 = arith.constant 7 : i32
      %dma_start3A_522 = arith.constant 0 : i32
      %dma_start3A_523 = tpu.memref_slice %arg11[%dma_start3A_521, %dma_start3A_522] : memref<8x16xi32, #tpu.memory_space<vmem>> -> memref<1x16xi32, #tpu.memory_space<vmem>>
      %dma_start3A_524 = tpu.memref_squeeze %dma_start3A_523 : memref<1x16xi32, #tpu.memory_space<vmem>> -> memref<16xi32, #tpu.memory_space<vmem>>
      %dma_start3A_525 = arith.constant 0 : i32
      %dma_start3A_526 = arith.constant 0 : i32
      %dma_start3A_527 = tpu.memref_slice %arg15[%dma_start3A_525, %dma_start3A_526] : memref<5120x128xf32, #tpu.memory_space<vmem_shared>> -> memref<5120x128xf32, #tpu.memory_space<vmem_shared>>
      tpu.enqueue_indirect_dma source(%arg13 : memref<16x128xf32, #tpu.memory_space<vmem>>) target(%dma_start3A_527 : memref<5120x128xf32, #tpu.memory_space<vmem_shared>>) offsets(%dma_start3A_524 : memref<16xi32, #tpu.memory_space<vmem>>) semaphore(%arg19 : memref<!tpu.dma_semaphore, #tpu.memory_space<semaphore_mem>>) {add = true}
      %dma_wait3A_528 = arith.constant 6 : i32
      %dma_wait3A_529 = arith.constant 0 : i32
      %dma_wait3A_530 = tpu.memref_slice %arg11[%dma_wait3A_528, %dma_wait3A_529] : memref<8x16xi32, #tpu.memory_space<vmem>> -> memref<1x16xi32, #tpu.memory_space<vmem>>
      %dma_wait3A_531 = tpu.memref_squeeze %dma_wait3A_530 : memref<1x16xi32, #tpu.memory_space<vmem>> -> memref<16xi32, #tpu.memory_space<vmem>>
      %dma_wait3A_532 = arith.constant 0 : i32
      %dma_wait3A_533 = arith.constant 0 : i32
      %dma_wait3A_534 = tpu.memref_slice %arg15[%dma_wait3A_532, %dma_wait3A_533] : memref<5120x128xf32, #tpu.memory_space<vmem_shared>> -> memref<5120x128xf32, #tpu.memory_space<vmem_shared>>
      tpu.wait_indirect_dma semaphore(%arg18 : memref<!tpu.dma_semaphore, #tpu.memory_space<semaphore_mem>>) src(%arg12 : memref<16x128xf32, #tpu.memory_space<vmem>>) dst(%dma_wait3A_534 : memref<5120x128xf32, #tpu.memory_space<vmem_shared>>)
      %dma_wait3A_535 = arith.constant 7 : i32
      %dma_wait3A_536 = arith.constant 0 : i32
      %dma_wait3A_537 = tpu.memref_slice %arg11[%dma_wait3A_535, %dma_wait3A_536] : memref<8x16xi32, #tpu.memory_space<vmem>> -> memref<1x16xi32, #tpu.memory_space<vmem>>
      %dma_wait3A_538 = tpu.memref_squeeze %dma_wait3A_537 : memref<1x16xi32, #tpu.memory_space<vmem>> -> memref<16xi32, #tpu.memory_space<vmem>>
      %dma_wait3A_539 = arith.constant 0 : i32
      %dma_wait3A_540 = arith.constant 0 : i32
      %dma_wait3A_541 = tpu.memref_slice %arg15[%dma_wait3A_539, %dma_wait3A_540] : memref<5120x128xf32, #tpu.memory_space<vmem_shared>> -> memref<5120x128xf32, #tpu.memory_space<vmem_shared>>
      tpu.wait_indirect_dma semaphore(%arg19 : memref<!tpu.dma_semaphore, #tpu.memory_space<semaphore_mem>>) src(%arg13 : memref<16x128xf32, #tpu.memory_space<vmem>>) dst(%dma_wait3A_541 : memref<5120x128xf32, #tpu.memory_space<vmem_shared>>)
      %scan3A_542 = arith.constant 0 : i32
      scf.yield %scan3A_542 : i32
    }
    %scan3A_19 = arith.constant 40 : i32
    %barrier3A_20 = arith.constant 0 : index
    tpu.barrier barrier_id(%barrier3A_20)
    %mul3A_21 = arith.constant 320 : i32
    %mul3A_22 = arith.muli %arg1, %mul3A_21 : i32
    %mul3A_23 = arith.constant 320 : i32
    %mul3A_24 = arith.muli %arg1, %mul3A_23 : i32
    %run_scoped3A = arith.constant 0 : i32
    "tpu.region"() ({
      %run_scoped3A_49 = tpu.sem_alloc : memref<!tpu.dma_semaphore, #tpu.memory_space<semaphore_mem>>
      %dma_start3A_50 = arith.constant 0 : i32
      %dma_start3A_51 = arith.constant 0 : i32
      %dma_start3A_52 = arith.constant 0 : i32
      %dma_start3A_53 = tpu.memref_slice %arg7[%run_scoped3A, %dma_start3A_50, %dma_start3A_51, %dma_start3A_52] : memref<2x2x5120x128xf32, #tpu.memory_space<hbm>> -> memref<1x2x5120x128xf32, #tpu.memory_space<hbm>>
      %dma_start3A_54 = tpu.memref_squeeze %dma_start3A_53 : memref<1x2x5120x128xf32, #tpu.memory_space<hbm>> -> memref<2x5120x128xf32, #tpu.memory_space<hbm>>
      %dma_start3A_55 = arith.constant 0 : i32
      %dma_start3A_56 = arith.constant 0 : i32
      %dma_start3A_57 = tpu.memref_slice %dma_start3A_54[%arg0, %dma_start3A_55, %dma_start3A_56] : memref<2x5120x128xf32, #tpu.memory_space<hbm>> -> memref<1x5120x128xf32, #tpu.memory_space<hbm>>
      %dma_start3A_58 = tpu.memref_squeeze %dma_start3A_57 : memref<1x5120x128xf32, #tpu.memory_space<hbm>> -> memref<5120x128xf32, #tpu.memory_space<hbm>>
      %dma_start3A_59 = arith.constant 0 : i32
      %dma_start3A_60 = tpu.memref_slice %dma_start3A_58[%mul3A_24, %dma_start3A_59] : memref<5120x128xf32, #tpu.memory_space<hbm>> -> memref<320x128xf32, #tpu.memory_space<hbm>>
      %dma_start3A_61 = arith.constant 0 : i32
      %dma_start3A_62 = tpu.memref_slice %arg15[%mul3A_22, %dma_start3A_61] : memref<5120x128xf32, #tpu.memory_space<vmem_shared>> -> memref<320x128xf32, #tpu.memory_space<vmem_shared>>
      tpu.enqueue_dma source(%dma_start3A_62 : memref<320x128xf32, #tpu.memory_space<vmem_shared>>) target(%dma_start3A_60 : memref<320x128xf32, #tpu.memory_space<hbm>>) target_semaphore(%run_scoped3A_49 : memref<!tpu.dma_semaphore, #tpu.memory_space<semaphore_mem>>)
      %dma_wait3A = arith.constant 0 : i32
      %dma_wait3A_63 = arith.constant 0 : i32
      %dma_wait3A_64 = arith.constant 0 : i32
      %dma_wait3A_65 = tpu.memref_slice %arg7[%run_scoped3A, %dma_wait3A, %dma_wait3A_63, %dma_wait3A_64] : memref<2x2x5120x128xf32, #tpu.memory_space<hbm>> -> memref<1x2x5120x128xf32, #tpu.memory_space<hbm>>
      %dma_wait3A_66 = tpu.memref_squeeze %dma_wait3A_65 : memref<1x2x5120x128xf32, #tpu.memory_space<hbm>> -> memref<2x5120x128xf32, #tpu.memory_space<hbm>>
      %dma_wait3A_67 = arith.constant 0 : i32
      %dma_wait3A_68 = arith.constant 0 : i32
      %dma_wait3A_69 = tpu.memref_slice %dma_wait3A_66[%arg0, %dma_wait3A_67, %dma_wait3A_68] : memref<2x5120x128xf32, #tpu.memory_space<hbm>> -> memref<1x5120x128xf32, #tpu.memory_space<hbm>>
      %dma_wait3A_70 = tpu.memref_squeeze %dma_wait3A_69 : memref<1x5120x128xf32, #tpu.memory_space<hbm>> -> memref<5120x128xf32, #tpu.memory_space<hbm>>
      %dma_wait3A_71 = arith.constant 0 : i32
      %dma_wait3A_72 = tpu.memref_slice %dma_wait3A_70[%mul3A_24, %dma_wait3A_71] : memref<5120x128xf32, #tpu.memory_space<hbm>> -> memref<320x128xf32, #tpu.memory_space<hbm>>
      %dma_wait3A_73 = arith.constant 0 : i32
      %dma_wait3A_74 = tpu.memref_slice %arg15[%mul3A_22, %dma_wait3A_73] : memref<5120x128xf32, #tpu.memory_space<vmem_shared>> -> memref<320x128xf32, #tpu.memory_space<vmem_shared>>
      tpu.wait_dma2 semaphore(%run_scoped3A_49 : memref<!tpu.dma_semaphore, #tpu.memory_space<semaphore_mem>>) src(%dma_wait3A_74 : memref<320x128xf32, #tpu.memory_space<vmem_shared>>) dst(%dma_wait3A_72 : memref<320x128xf32, #tpu.memory_space<hbm>>)
      tpu.yield
    }) : () -> ()
    %mul3A_25 = arith.constant 320 : i32
    %mul3A_26 = arith.muli %arg1, %mul3A_25 : i32
    "tpu.region"() ({
      %run_scoped3A_49 = tpu.sem_alloc : memref<!tpu.dma_semaphore, #tpu.memory_space<semaphore_mem>>
      %dma_start3A_50 = arith.constant 0 : i32
      %dma_start3A_51 = tpu.memref_slice %arg15[%mul3A_26, %dma_start3A_50] : memref<5120x128xf32, #tpu.memory_space<vmem_shared>> -> memref<320x128xf32, #tpu.memory_space<vmem_shared>>
      %dma_start3A_52 = arith.constant 0 : i32
      %dma_start3A_53 = arith.constant 0 : i32
      %dma_start3A_54 = tpu.memref_slice %arg6[%dma_start3A_52, %dma_start3A_53] : memref<632x128xf32, #tpu.memory_space<hbm>> -> memref<320x128xf32, #tpu.memory_space<hbm>>
      tpu.enqueue_dma source(%dma_start3A_54 : memref<320x128xf32, #tpu.memory_space<hbm>>) target(%dma_start3A_51 : memref<320x128xf32, #tpu.memory_space<vmem_shared>>) target_semaphore(%run_scoped3A_49 : memref<!tpu.dma_semaphore, #tpu.memory_space<semaphore_mem>>)
      %dma_wait3A = arith.constant 0 : i32
      %dma_wait3A_55 = tpu.memref_slice %arg15[%mul3A_26, %dma_wait3A] : memref<5120x128xf32, #tpu.memory_space<vmem_shared>> -> memref<320x128xf32, #tpu.memory_space<vmem_shared>>
      %dma_wait3A_56 = arith.constant 0 : i32
      %dma_wait3A_57 = arith.constant 0 : i32
      %dma_wait3A_58 = tpu.memref_slice %arg6[%dma_wait3A_56, %dma_wait3A_57] : memref<632x128xf32, #tpu.memory_space<hbm>> -> memref<320x128xf32, #tpu.memory_space<hbm>>
      tpu.wait_dma2 semaphore(%run_scoped3A_49 : memref<!tpu.dma_semaphore, #tpu.memory_space<semaphore_mem>>) src(%dma_wait3A_58 : memref<320x128xf32, #tpu.memory_space<hbm>>) dst(%dma_wait3A_55 : memref<320x128xf32, #tpu.memory_space<vmem_shared>>)
      tpu.yield
    }) : () -> ()
    %barrier3A_27 = arith.constant 0 : index
    tpu.barrier barrier_id(%barrier3A_27)
    %dma_start3A_28 = arith.constant 0 : i32
    %dma_start3A_29 = tpu.memref_slice %arg3[%mul3A_2, %dma_start3A_28] : memref<20480x16xi32, #tpu.memory_space<hbm>> -> memref<8x16xi32, #tpu.memory_space<hbm>>
    %dma_start3A_30 = arith.constant 0 : i32
    %dma_start3A_31 = tpu.memref_slice %arg3[%mul3A_2, %dma_start3A_30] : memref<20480x16xi32, #tpu.memory_space<hbm>> -> memref<8x16xi32, #tpu.memory_space<hbm>>
    tpu.enqueue_dma source(%dma_start3A_31 : memref<8x16xi32, #tpu.memory_space<hbm>>) target(%arg8 : memref<8x16xi32, #tpu.memory_space<vmem>>) target_semaphore(%arg20 : memref<!tpu.dma_semaphore, #tpu.memory_space<semaphore_mem>>)
    %dma_start3A_32 = arith.constant 0 : i32
    %dma_start3A_33 = tpu.memref_slice %arg5[%mul3A_2, %dma_start3A_32] : memref<20480x16xi32, #tpu.memory_space<hbm>> -> memref<8x16xi32, #tpu.memory_space<hbm>>
    %dma_start3A_34 = arith.constant 0 : i32
    %dma_start3A_35 = tpu.memref_slice %arg5[%mul3A_2, %dma_start3A_34] : memref<20480x16xi32, #tpu.memory_space<hbm>> -> memref<8x16xi32, #tpu.memory_space<hbm>>
    tpu.enqueue_dma source(%dma_start3A_35 : memref<8x16xi32, #tpu.memory_space<hbm>>) target(%arg10 : memref<8x16xi32, #tpu.memory_space<vmem>>) target_semaphore(%arg20 : memref<!tpu.dma_semaphore, #tpu.memory_space<semaphore_mem>>)
    %scan3A_36 = arith.constant 0 : i32
    %scan3A_37 = arith.constant 0 : i32
    %scan3A_38 = arith.constant 40 : i32
    %scan3A_39 = arith.addi %scan3A_37, %scan3A_38 : i32
    %scan3A_40 = arith.constant 1 : i32
    %scan3A_41 = scf.for %scan3A_49 = %scan3A_37 to %scan3A_39 step %scan3A_40 iter_args(%scan3A_50 = %scan3A_36) -> (i32)  : i32 {
      %mul3A_51 = arith.constant 2 : i32
      %mul3A_52 = arith.muli %scan3A_49, %mul3A_51 : i32
      %add3A_53 = arith.constant 0 : i32
      %add3A_54 = arith.addi %mul3A_52, %add3A_53 : i32
      %mul3A_55 = arith.constant 8 : i32
      %mul3A_56 = arith.muli %add3A_54, %mul3A_55 : i32
      %add3A_57 = arith.addi %mul3A_2, %mul3A_56 : i32
      %dma_wait3A = arith.constant 0 : i32
      %dma_wait3A_58 = tpu.memref_slice %arg3[%add3A_57, %dma_wait3A] : memref<20480x16xi32, #tpu.memory_space<hbm>> -> memref<8x16xi32, #tpu.memory_space<hbm>>
      %dma_wait3A_59 = arith.constant 0 : i32
      %dma_wait3A_60 = tpu.memref_slice %arg3[%add3A_57, %dma_wait3A_59] : memref<20480x16xi32, #tpu.memory_space<hbm>> -> memref<8x16xi32, #tpu.memory_space<hbm>>
      tpu.wait_dma2 semaphore(%arg20 : memref<!tpu.dma_semaphore, #tpu.memory_space<semaphore_mem>>) src(%dma_wait3A_60 : memref<8x16xi32, #tpu.memory_space<hbm>>) dst(%arg8 : memref<8x16xi32, #tpu.memory_space<vmem>>)
      %dma_wait3A_61 = arith.constant 0 : i32
      %dma_wait3A_62 = tpu.memref_slice %arg5[%add3A_57, %dma_wait3A_61] : memref<20480x16xi32, #tpu.memory_space<hbm>> -> memref<8x16xi32, #tpu.memory_space<hbm>>
      %dma_wait3A_63 = arith.constant 0 : i32
      %dma_wait3A_64 = tpu.memref_slice %arg5[%add3A_57, %dma_wait3A_63] : memref<20480x16xi32, #tpu.memory_space<hbm>> -> memref<8x16xi32, #tpu.memory_space<hbm>>
      tpu.wait_dma2 semaphore(%arg20 : memref<!tpu.dma_semaphore, #tpu.memory_space<semaphore_mem>>) src(%dma_wait3A_64 : memref<8x16xi32, #tpu.memory_space<hbm>>) dst(%arg10 : memref<8x16xi32, #tpu.memory_space<vmem>>)
      %add3A_65 = arith.constant 1 : i32
      %add3A_66 = arith.addi %add3A_54, %add3A_65 : i32
      %lt3A_67 = arith.constant 80 : i32
      %lt3A_68 = arith.cmpi slt, %add3A_66, %lt3A_67 : i32
      %convert_element_type3A_69 = arith.extui %lt3A_68 : i1 to i32
      %cond3A_70 = arith.constant 0 : i32
      %cond3A_71 = arith.cmpi ne, %convert_element_type3A_69, %cond3A_70 : i32
      scf.if %cond3A_71 {
        %add3A_543 = arith.constant 1 : i32
        %add3A_544 = arith.addi %add3A_54, %add3A_543 : i32
        %mul3A_545 = arith.constant 8 : i32
        %mul3A_546 = arith.muli %add3A_544, %mul3A_545 : i32
        %add3A_547 = arith.addi %mul3A_2, %mul3A_546 : i32
        %dma_start3A_548 = arith.constant 0 : i32
        %dma_start3A_549 = tpu.memref_slice %arg3[%add3A_547, %dma_start3A_548] : memref<20480x16xi32, #tpu.memory_space<hbm>> -> memref<8x16xi32, #tpu.memory_space<hbm>>
        %dma_start3A_550 = arith.constant 0 : i32
        %dma_start3A_551 = tpu.memref_slice %arg3[%add3A_547, %dma_start3A_550] : memref<20480x16xi32, #tpu.memory_space<hbm>> -> memref<8x16xi32, #tpu.memory_space<hbm>>
        tpu.enqueue_dma source(%dma_start3A_551 : memref<8x16xi32, #tpu.memory_space<hbm>>) target(%arg9 : memref<8x16xi32, #tpu.memory_space<vmem>>) target_semaphore(%arg21 : memref<!tpu.dma_semaphore, #tpu.memory_space<semaphore_mem>>)
        %dma_start3A_552 = arith.constant 0 : i32
        %dma_start3A_553 = tpu.memref_slice %arg5[%add3A_547, %dma_start3A_552] : memref<20480x16xi32, #tpu.memory_space<hbm>> -> memref<8x16xi32, #tpu.memory_space<hbm>>
        %dma_start3A_554 = arith.constant 0 : i32
        %dma_start3A_555 = tpu.memref_slice %arg5[%add3A_547, %dma_start3A_554] : memref<20480x16xi32, #tpu.memory_space<hbm>> -> memref<8x16xi32, #tpu.memory_space<hbm>>
        tpu.enqueue_dma source(%dma_start3A_555 : memref<8x16xi32, #tpu.memory_space<hbm>>) target(%arg11 : memref<8x16xi32, #tpu.memory_space<vmem>>) target_semaphore(%arg21 : memref<!tpu.dma_semaphore, #tpu.memory_space<semaphore_mem>>)
      } else {
      }
      %dma_start3A_72 = arith.constant 0 : i32
      %dma_start3A_73 = arith.constant 0 : i32
      %dma_start3A_74 = tpu.memref_slice %arg8[%dma_start3A_72, %dma_start3A_73] : memref<8x16xi32, #tpu.memory_space<vmem>> -> memref<1x16xi32, #tpu.memory_space<vmem>>
      %dma_start3A_75 = tpu.memref_squeeze %dma_start3A_74 : memref<1x16xi32, #tpu.memory_space<vmem>> -> memref<16xi32, #tpu.memory_space<vmem>>
      %dma_start3A_76 = arith.constant 0 : i32
      %dma_start3A_77 = arith.constant 0 : i32
      %dma_start3A_78 = tpu.memref_slice %arg14[%dma_start3A_76, %dma_start3A_77] : memref<10000x128xf32, #tpu.memory_space<vmem_shared>> -> memref<10000x128xf32, #tpu.memory_space<vmem_shared>>
      tpu.enqueue_indirect_dma source(%dma_start3A_78 : memref<10000x128xf32, #tpu.memory_space<vmem_shared>>) target(%arg12 : memref<16x128xf32, #tpu.memory_space<vmem>>) offsets(%dma_start3A_75 : memref<16xi32, #tpu.memory_space<vmem>>) semaphore(%arg16 : memref<!tpu.dma_semaphore, #tpu.memory_space<semaphore_mem>>)
      %dma_start3A_79 = arith.constant 1 : i32
      %dma_start3A_80 = arith.constant 0 : i32
      %dma_start3A_81 = tpu.memref_slice %arg8[%dma_start3A_79, %dma_start3A_80] : memref<8x16xi32, #tpu.memory_space<vmem>> -> memref<1x16xi32, #tpu.memory_space<vmem>>
      %dma_start3A_82 = tpu.memref_squeeze %dma_start3A_81 : memref<1x16xi32, #tpu.memory_space<vmem>> -> memref<16xi32, #tpu.memory_space<vmem>>
      %dma_start3A_83 = arith.constant 0 : i32
      %dma_start3A_84 = arith.constant 0 : i32
      %dma_start3A_85 = tpu.memref_slice %arg14[%dma_start3A_83, %dma_start3A_84] : memref<10000x128xf32, #tpu.memory_space<vmem_shared>> -> memref<10000x128xf32, #tpu.memory_space<vmem_shared>>
      tpu.enqueue_indirect_dma source(%dma_start3A_85 : memref<10000x128xf32, #tpu.memory_space<vmem_shared>>) target(%arg13 : memref<16x128xf32, #tpu.memory_space<vmem>>) offsets(%dma_start3A_82 : memref<16xi32, #tpu.memory_space<vmem>>) semaphore(%arg17 : memref<!tpu.dma_semaphore, #tpu.memory_space<semaphore_mem>>)
      %dma_wait3A_86 = arith.constant 0 : i32
      %dma_wait3A_87 = arith.constant 0 : i32
      %dma_wait3A_88 = tpu.memref_slice %arg8[%dma_wait3A_86, %dma_wait3A_87] : memref<8x16xi32, #tpu.memory_space<vmem>> -> memref<1x16xi32, #tpu.memory_space<vmem>>
      %dma_wait3A_89 = tpu.memref_squeeze %dma_wait3A_88 : memref<1x16xi32, #tpu.memory_space<vmem>> -> memref<16xi32, #tpu.memory_space<vmem>>
      %dma_wait3A_90 = arith.constant 0 : i32
      %dma_wait3A_91 = arith.constant 0 : i32
      %dma_wait3A_92 = tpu.memref_slice %arg14[%dma_wait3A_90, %dma_wait3A_91] : memref<10000x128xf32, #tpu.memory_space<vmem_shared>> -> memref<10000x128xf32, #tpu.memory_space<vmem_shared>>
      tpu.wait_indirect_dma semaphore(%arg16 : memref<!tpu.dma_semaphore, #tpu.memory_space<semaphore_mem>>) src(%dma_wait3A_92 : memref<10000x128xf32, #tpu.memory_space<vmem_shared>>) dst(%arg12 : memref<16x128xf32, #tpu.memory_space<vmem>>)
      %dma_start3A_93 = arith.constant 0 : i32
      %dma_start3A_94 = arith.constant 0 : i32
      %dma_start3A_95 = tpu.memref_slice %arg10[%dma_start3A_93, %dma_start3A_94] : memref<8x16xi32, #tpu.memory_space<vmem>> -> memref<1x16xi32, #tpu.memory_space<vmem>>
      %dma_start3A_96 = tpu.memref_squeeze %dma_start3A_95 : memref<1x16xi32, #tpu.memory_space<vmem>> -> memref<16xi32, #tpu.memory_space<vmem>>
      %dma_start3A_97 = arith.constant 0 : i32
      %dma_start3A_98 = arith.constant 0 : i32
      %dma_start3A_99 = tpu.memref_slice %arg15[%dma_start3A_97, %dma_start3A_98] : memref<5120x128xf32, #tpu.memory_space<vmem_shared>> -> memref<5120x128xf32, #tpu.memory_space<vmem_shared>>
      tpu.enqueue_indirect_dma source(%arg12 : memref<16x128xf32, #tpu.memory_space<vmem>>) target(%dma_start3A_99 : memref<5120x128xf32, #tpu.memory_space<vmem_shared>>) offsets(%dma_start3A_96 : memref<16xi32, #tpu.memory_space<vmem>>) semaphore(%arg18 : memref<!tpu.dma_semaphore, #tpu.memory_space<semaphore_mem>>) {add = true}
      %dma_wait3A_100 = arith.constant 0 : i32
      %dma_wait3A_101 = arith.constant 0 : i32
      %dma_wait3A_102 = tpu.memref_slice %arg10[%dma_wait3A_100, %dma_wait3A_101] : memref<8x16xi32, #tpu.memory_space<vmem>> -> memref<1x16xi32, #tpu.memory_space<vmem>>
      %dma_wait3A_103 = tpu.memref_squeeze %dma_wait3A_102 : memref<1x16xi32, #tpu.memory_space<vmem>> -> memref<16xi32, #tpu.memory_space<vmem>>
      %dma_wait3A_104 = arith.constant 0 : i32
      %dma_wait3A_105 = arith.constant 0 : i32
      %dma_wait3A_106 = tpu.memref_slice %arg15[%dma_wait3A_104, %dma_wait3A_105] : memref<5120x128xf32, #tpu.memory_space<vmem_shared>> -> memref<5120x128xf32, #tpu.memory_space<vmem_shared>>
      tpu.wait_indirect_dma semaphore(%arg18 : memref<!tpu.dma_semaphore, #tpu.memory_space<semaphore_mem>>) src(%arg12 : memref<16x128xf32, #tpu.memory_space<vmem>>) dst(%dma_wait3A_106 : memref<5120x128xf32, #tpu.memory_space<vmem_shared>>)
      %dma_start3A_107 = arith.constant 2 : i32
      %dma_start3A_108 = arith.constant 0 : i32
      %dma_start3A_109 = tpu.memref_slice %arg8[%dma_start3A_107, %dma_start3A_108] : memref<8x16xi32, #tpu.memory_space<vmem>> -> memref<1x16xi32, #tpu.memory_space<vmem>>
      %dma_start3A_110 = tpu.memref_squeeze %dma_start3A_109 : memref<1x16xi32, #tpu.memory_space<vmem>> -> memref<16xi32, #tpu.memory_space<vmem>>
      %dma_start3A_111 = arith.constant 0 : i32
      %dma_start3A_112 = arith.constant 0 : i32
      %dma_start3A_113 = tpu.memref_slice %arg14[%dma_start3A_111, %dma_start3A_112] : memref<10000x128xf32, #tpu.memory_space<vmem_shared>> -> memref<10000x128xf32, #tpu.memory_space<vmem_shared>>
      tpu.enqueue_indirect_dma source(%dma_start3A_113 : memref<10000x128xf32, #tpu.memory_space<vmem_shared>>) target(%arg12 : memref<16x128xf32, #tpu.memory_space<vmem>>) offsets(%dma_start3A_110 : memref<16xi32, #tpu.memory_space<vmem>>) semaphore(%arg16 : memref<!tpu.dma_semaphore, #tpu.memory_space<semaphore_mem>>)
      %dma_wait3A_114 = arith.constant 1 : i32
      %dma_wait3A_115 = arith.constant 0 : i32
      %dma_wait3A_116 = tpu.memref_slice %arg8[%dma_wait3A_114, %dma_wait3A_115] : memref<8x16xi32, #tpu.memory_space<vmem>> -> memref<1x16xi32, #tpu.memory_space<vmem>>
      %dma_wait3A_117 = tpu.memref_squeeze %dma_wait3A_116 : memref<1x16xi32, #tpu.memory_space<vmem>> -> memref<16xi32, #tpu.memory_space<vmem>>
      %dma_wait3A_118 = arith.constant 0 : i32
      %dma_wait3A_119 = arith.constant 0 : i32
      %dma_wait3A_120 = tpu.memref_slice %arg14[%dma_wait3A_118, %dma_wait3A_119] : memref<10000x128xf32, #tpu.memory_space<vmem_shared>> -> memref<10000x128xf32, #tpu.memory_space<vmem_shared>>
      tpu.wait_indirect_dma semaphore(%arg17 : memref<!tpu.dma_semaphore, #tpu.memory_space<semaphore_mem>>) src(%dma_wait3A_120 : memref<10000x128xf32, #tpu.memory_space<vmem_shared>>) dst(%arg13 : memref<16x128xf32, #tpu.memory_space<vmem>>)
      %dma_start3A_121 = arith.constant 1 : i32
      %dma_start3A_122 = arith.constant 0 : i32
      %dma_start3A_123 = tpu.memref_slice %arg10[%dma_start3A_121, %dma_start3A_122] : memref<8x16xi32, #tpu.memory_space<vmem>> -> memref<1x16xi32, #tpu.memory_space<vmem>>
      %dma_start3A_124 = tpu.memref_squeeze %dma_start3A_123 : memref<1x16xi32, #tpu.memory_space<vmem>> -> memref<16xi32, #tpu.memory_space<vmem>>
      %dma_start3A_125 = arith.constant 0 : i32
      %dma_start3A_126 = arith.constant 0 : i32
      %dma_start3A_127 = tpu.memref_slice %arg15[%dma_start3A_125, %dma_start3A_126] : memref<5120x128xf32, #tpu.memory_space<vmem_shared>> -> memref<5120x128xf32, #tpu.memory_space<vmem_shared>>
      tpu.enqueue_indirect_dma source(%arg13 : memref<16x128xf32, #tpu.memory_space<vmem>>) target(%dma_start3A_127 : memref<5120x128xf32, #tpu.memory_space<vmem_shared>>) offsets(%dma_start3A_124 : memref<16xi32, #tpu.memory_space<vmem>>) semaphore(%arg19 : memref<!tpu.dma_semaphore, #tpu.memory_space<semaphore_mem>>) {add = true}
      %dma_wait3A_128 = arith.constant 1 : i32
      %dma_wait3A_129 = arith.constant 0 : i32
      %dma_wait3A_130 = tpu.memref_slice %arg10[%dma_wait3A_128, %dma_wait3A_129] : memref<8x16xi32, #tpu.memory_space<vmem>> -> memref<1x16xi32, #tpu.memory_space<vmem>>
      %dma_wait3A_131 = tpu.memref_squeeze %dma_wait3A_130 : memref<1x16xi32, #tpu.memory_space<vmem>> -> memref<16xi32, #tpu.memory_space<vmem>>
      %dma_wait3A_132 = arith.constant 0 : i32
      %dma_wait3A_133 = arith.constant 0 : i32
      %dma_wait3A_134 = tpu.memref_slice %arg15[%dma_wait3A_132, %dma_wait3A_133] : memref<5120x128xf32, #tpu.memory_space<vmem_shared>> -> memref<5120x128xf32, #tpu.memory_space<vmem_shared>>
      tpu.wait_indirect_dma semaphore(%arg19 : memref<!tpu.dma_semaphore, #tpu.memory_space<semaphore_mem>>) src(%arg13 : memref<16x128xf32, #tpu.memory_space<vmem>>) dst(%dma_wait3A_134 : memref<5120x128xf32, #tpu.memory_space<vmem_shared>>)
      %dma_start3A_135 = arith.constant 3 : i32
      %dma_start3A_136 = arith.constant 0 : i32
      %dma_start3A_137 = tpu.memref_slice %arg8[%dma_start3A_135, %dma_start3A_136] : memref<8x16xi32, #tpu.memory_space<vmem>> -> memref<1x16xi32, #tpu.memory_space<vmem>>
      %dma_start3A_138 = tpu.memref_squeeze %dma_start3A_137 : memref<1x16xi32, #tpu.memory_space<vmem>> -> memref<16xi32, #tpu.memory_space<vmem>>
      %dma_start3A_139 = arith.constant 0 : i32
      %dma_start3A_140 = arith.constant 0 : i32
      %dma_start3A_141 = tpu.memref_slice %arg14[%dma_start3A_139, %dma_start3A_140] : memref<10000x128xf32, #tpu.memory_space<vmem_shared>> -> memref<10000x128xf32, #tpu.memory_space<vmem_shared>>
      tpu.enqueue_indirect_dma source(%dma_start3A_141 : memref<10000x128xf32, #tpu.memory_space<vmem_shared>>) target(%arg13 : memref<16x128xf32, #tpu.memory_space<vmem>>) offsets(%dma_start3A_138 : memref<16xi32, #tpu.memory_space<vmem>>) semaphore(%arg17 : memref<!tpu.dma_semaphore, #tpu.memory_space<semaphore_mem>>)
      %dma_wait3A_142 = arith.constant 2 : i32
      %dma_wait3A_143 = arith.constant 0 : i32
      %dma_wait3A_144 = tpu.memref_slice %arg8[%dma_wait3A_142, %dma_wait3A_143] : memref<8x16xi32, #tpu.memory_space<vmem>> -> memref<1x16xi32, #tpu.memory_space<vmem>>
      %dma_wait3A_145 = tpu.memref_squeeze %dma_wait3A_144 : memref<1x16xi32, #tpu.memory_space<vmem>> -> memref<16xi32, #tpu.memory_space<vmem>>
      %dma_wait3A_146 = arith.constant 0 : i32
      %dma_wait3A_147 = arith.constant 0 : i32
      %dma_wait3A_148 = tpu.memref_slice %arg14[%dma_wait3A_146, %dma_wait3A_147] : memref<10000x128xf32, #tpu.memory_space<vmem_shared>> -> memref<10000x128xf32, #tpu.memory_space<vmem_shared>>
      tpu.wait_indirect_dma semaphore(%arg16 : memref<!tpu.dma_semaphore, #tpu.memory_space<semaphore_mem>>) src(%dma_wait3A_148 : memref<10000x128xf32, #tpu.memory_space<vmem_shared>>) dst(%arg12 : memref<16x128xf32, #tpu.memory_space<vmem>>)
      %dma_start3A_149 = arith.constant 2 : i32
      %dma_start3A_150 = arith.constant 0 : i32
      %dma_start3A_151 = tpu.memref_slice %arg10[%dma_start3A_149, %dma_start3A_150] : memref<8x16xi32, #tpu.memory_space<vmem>> -> memref<1x16xi32, #tpu.memory_space<vmem>>
      %dma_start3A_152 = tpu.memref_squeeze %dma_start3A_151 : memref<1x16xi32, #tpu.memory_space<vmem>> -> memref<16xi32, #tpu.memory_space<vmem>>
      %dma_start3A_153 = arith.constant 0 : i32
      %dma_start3A_154 = arith.constant 0 : i32
      %dma_start3A_155 = tpu.memref_slice %arg15[%dma_start3A_153, %dma_start3A_154] : memref<5120x128xf32, #tpu.memory_space<vmem_shared>> -> memref<5120x128xf32, #tpu.memory_space<vmem_shared>>
      tpu.enqueue_indirect_dma source(%arg12 : memref<16x128xf32, #tpu.memory_space<vmem>>) target(%dma_start3A_155 : memref<5120x128xf32, #tpu.memory_space<vmem_shared>>) offsets(%dma_start3A_152 : memref<16xi32, #tpu.memory_space<vmem>>) semaphore(%arg18 : memref<!tpu.dma_semaphore, #tpu.memory_space<semaphore_mem>>) {add = true}
      %dma_wait3A_156 = arith.constant 2 : i32
      %dma_wait3A_157 = arith.constant 0 : i32
      %dma_wait3A_158 = tpu.memref_slice %arg10[%dma_wait3A_156, %dma_wait3A_157] : memref<8x16xi32, #tpu.memory_space<vmem>> -> memref<1x16xi32, #tpu.memory_space<vmem>>
      %dma_wait3A_159 = tpu.memref_squeeze %dma_wait3A_158 : memref<1x16xi32, #tpu.memory_space<vmem>> -> memref<16xi32, #tpu.memory_space<vmem>>
      %dma_wait3A_160 = arith.constant 0 : i32
      %dma_wait3A_161 = arith.constant 0 : i32
      %dma_wait3A_162 = tpu.memref_slice %arg15[%dma_wait3A_160, %dma_wait3A_161] : memref<5120x128xf32, #tpu.memory_space<vmem_shared>> -> memref<5120x128xf32, #tpu.memory_space<vmem_shared>>
      tpu.wait_indirect_dma semaphore(%arg18 : memref<!tpu.dma_semaphore, #tpu.memory_space<semaphore_mem>>) src(%arg12 : memref<16x128xf32, #tpu.memory_space<vmem>>) dst(%dma_wait3A_162 : memref<5120x128xf32, #tpu.memory_space<vmem_shared>>)
      %dma_start3A_163 = arith.constant 4 : i32
      %dma_start3A_164 = arith.constant 0 : i32
      %dma_start3A_165 = tpu.memref_slice %arg8[%dma_start3A_163, %dma_start3A_164] : memref<8x16xi32, #tpu.memory_space<vmem>> -> memref<1x16xi32, #tpu.memory_space<vmem>>
      %dma_start3A_166 = tpu.memref_squeeze %dma_start3A_165 : memref<1x16xi32, #tpu.memory_space<vmem>> -> memref<16xi32, #tpu.memory_space<vmem>>
      %dma_start3A_167 = arith.constant 0 : i32
      %dma_start3A_168 = arith.constant 0 : i32
      %dma_start3A_169 = tpu.memref_slice %arg14[%dma_start3A_167, %dma_start3A_168] : memref<10000x128xf32, #tpu.memory_space<vmem_shared>> -> memref<10000x128xf32, #tpu.memory_space<vmem_shared>>
      tpu.enqueue_indirect_dma source(%dma_start3A_169 : memref<10000x128xf32, #tpu.memory_space<vmem_shared>>) target(%arg12 : memref<16x128xf32, #tpu.memory_space<vmem>>) offsets(%dma_start3A_166 : memref<16xi32, #tpu.memory_space<vmem>>) semaphore(%arg16 : memref<!tpu.dma_semaphore, #tpu.memory_space<semaphore_mem>>)
      %dma_wait3A_170 = arith.constant 3 : i32
      %dma_wait3A_171 = arith.constant 0 : i32
      %dma_wait3A_172 = tpu.memref_slice %arg8[%dma_wait3A_170, %dma_wait3A_171] : memref<8x16xi32, #tpu.memory_space<vmem>> -> memref<1x16xi32, #tpu.memory_space<vmem>>
      %dma_wait3A_173 = tpu.memref_squeeze %dma_wait3A_172 : memref<1x16xi32, #tpu.memory_space<vmem>> -> memref<16xi32, #tpu.memory_space<vmem>>
      %dma_wait3A_174 = arith.constant 0 : i32
      %dma_wait3A_175 = arith.constant 0 : i32
      %dma_wait3A_176 = tpu.memref_slice %arg14[%dma_wait3A_174, %dma_wait3A_175] : memref<10000x128xf32, #tpu.memory_space<vmem_shared>> -> memref<10000x128xf32, #tpu.memory_space<vmem_shared>>
      tpu.wait_indirect_dma semaphore(%arg17 : memref<!tpu.dma_semaphore, #tpu.memory_space<semaphore_mem>>) src(%dma_wait3A_176 : memref<10000x128xf32, #tpu.memory_space<vmem_shared>>) dst(%arg13 : memref<16x128xf32, #tpu.memory_space<vmem>>)
      %dma_start3A_177 = arith.constant 3 : i32
      %dma_start3A_178 = arith.constant 0 : i32
      %dma_start3A_179 = tpu.memref_slice %arg10[%dma_start3A_177, %dma_start3A_178] : memref<8x16xi32, #tpu.memory_space<vmem>> -> memref<1x16xi32, #tpu.memory_space<vmem>>
      %dma_start3A_180 = tpu.memref_squeeze %dma_start3A_179 : memref<1x16xi32, #tpu.memory_space<vmem>> -> memref<16xi32, #tpu.memory_space<vmem>>
      %dma_start3A_181 = arith.constant 0 : i32
      %dma_start3A_182 = arith.constant 0 : i32
      %dma_start3A_183 = tpu.memref_slice %arg15[%dma_start3A_181, %dma_start3A_182] : memref<5120x128xf32, #tpu.memory_space<vmem_shared>> -> memref<5120x128xf32, #tpu.memory_space<vmem_shared>>
      tpu.enqueue_indirect_dma source(%arg13 : memref<16x128xf32, #tpu.memory_space<vmem>>) target(%dma_start3A_183 : memref<5120x128xf32, #tpu.memory_space<vmem_shared>>) offsets(%dma_start3A_180 : memref<16xi32, #tpu.memory_space<vmem>>) semaphore(%arg19 : memref<!tpu.dma_semaphore, #tpu.memory_space<semaphore_mem>>) {add = true}
      %dma_wait3A_184 = arith.constant 3 : i32
      %dma_wait3A_185 = arith.constant 0 : i32
      %dma_wait3A_186 = tpu.memref_slice %arg10[%dma_wait3A_184, %dma_wait3A_185] : memref<8x16xi32, #tpu.memory_space<vmem>> -> memref<1x16xi32, #tpu.memory_space<vmem>>
      %dma_wait3A_187 = tpu.memref_squeeze %dma_wait3A_186 : memref<1x16xi32, #tpu.memory_space<vmem>> -> memref<16xi32, #tpu.memory_space<vmem>>
      %dma_wait3A_188 = arith.constant 0 : i32
      %dma_wait3A_189 = arith.constant 0 : i32
      %dma_wait3A_190 = tpu.memref_slice %arg15[%dma_wait3A_188, %dma_wait3A_189] : memref<5120x128xf32, #tpu.memory_space<vmem_shared>> -> memref<5120x128xf32, #tpu.memory_space<vmem_shared>>
      tpu.wait_indirect_dma semaphore(%arg19 : memref<!tpu.dma_semaphore, #tpu.memory_space<semaphore_mem>>) src(%arg13 : memref<16x128xf32, #tpu.memory_space<vmem>>) dst(%dma_wait3A_190 : memref<5120x128xf32, #tpu.memory_space<vmem_shared>>)
      %dma_start3A_191 = arith.constant 5 : i32
      %dma_start3A_192 = arith.constant 0 : i32
      %dma_start3A_193 = tpu.memref_slice %arg8[%dma_start3A_191, %dma_start3A_192] : memref<8x16xi32, #tpu.memory_space<vmem>> -> memref<1x16xi32, #tpu.memory_space<vmem>>
      %dma_start3A_194 = tpu.memref_squeeze %dma_start3A_193 : memref<1x16xi32, #tpu.memory_space<vmem>> -> memref<16xi32, #tpu.memory_space<vmem>>
      %dma_start3A_195 = arith.constant 0 : i32
      %dma_start3A_196 = arith.constant 0 : i32
      %dma_start3A_197 = tpu.memref_slice %arg14[%dma_start3A_195, %dma_start3A_196] : memref<10000x128xf32, #tpu.memory_space<vmem_shared>> -> memref<10000x128xf32, #tpu.memory_space<vmem_shared>>
      tpu.enqueue_indirect_dma source(%dma_start3A_197 : memref<10000x128xf32, #tpu.memory_space<vmem_shared>>) target(%arg13 : memref<16x128xf32, #tpu.memory_space<vmem>>) offsets(%dma_start3A_194 : memref<16xi32, #tpu.memory_space<vmem>>) semaphore(%arg17 : memref<!tpu.dma_semaphore, #tpu.memory_space<semaphore_mem>>)
      %dma_wait3A_198 = arith.constant 4 : i32
      %dma_wait3A_199 = arith.constant 0 : i32
      %dma_wait3A_200 = tpu.memref_slice %arg8[%dma_wait3A_198, %dma_wait3A_199] : memref<8x16xi32, #tpu.memory_space<vmem>> -> memref<1x16xi32, #tpu.memory_space<vmem>>
      %dma_wait3A_201 = tpu.memref_squeeze %dma_wait3A_200 : memref<1x16xi32, #tpu.memory_space<vmem>> -> memref<16xi32, #tpu.memory_space<vmem>>
      %dma_wait3A_202 = arith.constant 0 : i32
      %dma_wait3A_203 = arith.constant 0 : i32
      %dma_wait3A_204 = tpu.memref_slice %arg14[%dma_wait3A_202, %dma_wait3A_203] : memref<10000x128xf32, #tpu.memory_space<vmem_shared>> -> memref<10000x128xf32, #tpu.memory_space<vmem_shared>>
      tpu.wait_indirect_dma semaphore(%arg16 : memref<!tpu.dma_semaphore, #tpu.memory_space<semaphore_mem>>) src(%dma_wait3A_204 : memref<10000x128xf32, #tpu.memory_space<vmem_shared>>) dst(%arg12 : memref<16x128xf32, #tpu.memory_space<vmem>>)
      %dma_start3A_205 = arith.constant 4 : i32
      %dma_start3A_206 = arith.constant 0 : i32
      %dma_start3A_207 = tpu.memref_slice %arg10[%dma_start3A_205, %dma_start3A_206] : memref<8x16xi32, #tpu.memory_space<vmem>> -> memref<1x16xi32, #tpu.memory_space<vmem>>
      %dma_start3A_208 = tpu.memref_squeeze %dma_start3A_207 : memref<1x16xi32, #tpu.memory_space<vmem>> -> memref<16xi32, #tpu.memory_space<vmem>>
      %dma_start3A_209 = arith.constant 0 : i32
      %dma_start3A_210 = arith.constant 0 : i32
      %dma_start3A_211 = tpu.memref_slice %arg15[%dma_start3A_209, %dma_start3A_210] : memref<5120x128xf32, #tpu.memory_space<vmem_shared>> -> memref<5120x128xf32, #tpu.memory_space<vmem_shared>>
      tpu.enqueue_indirect_dma source(%arg12 : memref<16x128xf32, #tpu.memory_space<vmem>>) target(%dma_start3A_211 : memref<5120x128xf32, #tpu.memory_space<vmem_shared>>) offsets(%dma_start3A_208 : memref<16xi32, #tpu.memory_space<vmem>>) semaphore(%arg18 : memref<!tpu.dma_semaphore, #tpu.memory_space<semaphore_mem>>) {add = true}
      %dma_wait3A_212 = arith.constant 4 : i32
      %dma_wait3A_213 = arith.constant 0 : i32
      %dma_wait3A_214 = tpu.memref_slice %arg10[%dma_wait3A_212, %dma_wait3A_213] : memref<8x16xi32, #tpu.memory_space<vmem>> -> memref<1x16xi32, #tpu.memory_space<vmem>>
      %dma_wait3A_215 = tpu.memref_squeeze %dma_wait3A_214 : memref<1x16xi32, #tpu.memory_space<vmem>> -> memref<16xi32, #tpu.memory_space<vmem>>
      %dma_wait3A_216 = arith.constant 0 : i32
      %dma_wait3A_217 = arith.constant 0 : i32
      %dma_wait3A_218 = tpu.memref_slice %arg15[%dma_wait3A_216, %dma_wait3A_217] : memref<5120x128xf32, #tpu.memory_space<vmem_shared>> -> memref<5120x128xf32, #tpu.memory_space<vmem_shared>>
      tpu.wait_indirect_dma semaphore(%arg18 : memref<!tpu.dma_semaphore, #tpu.memory_space<semaphore_mem>>) src(%arg12 : memref<16x128xf32, #tpu.memory_space<vmem>>) dst(%dma_wait3A_218 : memref<5120x128xf32, #tpu.memory_space<vmem_shared>>)
      %dma_start3A_219 = arith.constant 6 : i32
      %dma_start3A_220 = arith.constant 0 : i32
      %dma_start3A_221 = tpu.memref_slice %arg8[%dma_start3A_219, %dma_start3A_220] : memref<8x16xi32, #tpu.memory_space<vmem>> -> memref<1x16xi32, #tpu.memory_space<vmem>>
      %dma_start3A_222 = tpu.memref_squeeze %dma_start3A_221 : memref<1x16xi32, #tpu.memory_space<vmem>> -> memref<16xi32, #tpu.memory_space<vmem>>
      %dma_start3A_223 = arith.constant 0 : i32
      %dma_start3A_224 = arith.constant 0 : i32
      %dma_start3A_225 = tpu.memref_slice %arg14[%dma_start3A_223, %dma_start3A_224] : memref<10000x128xf32, #tpu.memory_space<vmem_shared>> -> memref<10000x128xf32, #tpu.memory_space<vmem_shared>>
      tpu.enqueue_indirect_dma source(%dma_start3A_225 : memref<10000x128xf32, #tpu.memory_space<vmem_shared>>) target(%arg12 : memref<16x128xf32, #tpu.memory_space<vmem>>) offsets(%dma_start3A_222 : memref<16xi32, #tpu.memory_space<vmem>>) semaphore(%arg16 : memref<!tpu.dma_semaphore, #tpu.memory_space<semaphore_mem>>)
      %dma_wait3A_226 = arith.constant 5 : i32
      %dma_wait3A_227 = arith.constant 0 : i32
      %dma_wait3A_228 = tpu.memref_slice %arg8[%dma_wait3A_226, %dma_wait3A_227] : memref<8x16xi32, #tpu.memory_space<vmem>> -> memref<1x16xi32, #tpu.memory_space<vmem>>
      %dma_wait3A_229 = tpu.memref_squeeze %dma_wait3A_228 : memref<1x16xi32, #tpu.memory_space<vmem>> -> memref<16xi32, #tpu.memory_space<vmem>>
      %dma_wait3A_230 = arith.constant 0 : i32
      %dma_wait3A_231 = arith.constant 0 : i32
      %dma_wait3A_232 = tpu.memref_slice %arg14[%dma_wait3A_230, %dma_wait3A_231] : memref<10000x128xf32, #tpu.memory_space<vmem_shared>> -> memref<10000x128xf32, #tpu.memory_space<vmem_shared>>
      tpu.wait_indirect_dma semaphore(%arg17 : memref<!tpu.dma_semaphore, #tpu.memory_space<semaphore_mem>>) src(%dma_wait3A_232 : memref<10000x128xf32, #tpu.memory_space<vmem_shared>>) dst(%arg13 : memref<16x128xf32, #tpu.memory_space<vmem>>)
      %dma_start3A_233 = arith.constant 5 : i32
      %dma_start3A_234 = arith.constant 0 : i32
      %dma_start3A_235 = tpu.memref_slice %arg10[%dma_start3A_233, %dma_start3A_234] : memref<8x16xi32, #tpu.memory_space<vmem>> -> memref<1x16xi32, #tpu.memory_space<vmem>>
      %dma_start3A_236 = tpu.memref_squeeze %dma_start3A_235 : memref<1x16xi32, #tpu.memory_space<vmem>> -> memref<16xi32, #tpu.memory_space<vmem>>
      %dma_start3A_237 = arith.constant 0 : i32
      %dma_start3A_238 = arith.constant 0 : i32
      %dma_start3A_239 = tpu.memref_slice %arg15[%dma_start3A_237, %dma_start3A_238] : memref<5120x128xf32, #tpu.memory_space<vmem_shared>> -> memref<5120x128xf32, #tpu.memory_space<vmem_shared>>
      tpu.enqueue_indirect_dma source(%arg13 : memref<16x128xf32, #tpu.memory_space<vmem>>) target(%dma_start3A_239 : memref<5120x128xf32, #tpu.memory_space<vmem_shared>>) offsets(%dma_start3A_236 : memref<16xi32, #tpu.memory_space<vmem>>) semaphore(%arg19 : memref<!tpu.dma_semaphore, #tpu.memory_space<semaphore_mem>>) {add = true}
      %dma_wait3A_240 = arith.constant 5 : i32
      %dma_wait3A_241 = arith.constant 0 : i32
      %dma_wait3A_242 = tpu.memref_slice %arg10[%dma_wait3A_240, %dma_wait3A_241] : memref<8x16xi32, #tpu.memory_space<vmem>> -> memref<1x16xi32, #tpu.memory_space<vmem>>
      %dma_wait3A_243 = tpu.memref_squeeze %dma_wait3A_242 : memref<1x16xi32, #tpu.memory_space<vmem>> -> memref<16xi32, #tpu.memory_space<vmem>>
      %dma_wait3A_244 = arith.constant 0 : i32
      %dma_wait3A_245 = arith.constant 0 : i32
      %dma_wait3A_246 = tpu.memref_slice %arg15[%dma_wait3A_244, %dma_wait3A_245] : memref<5120x128xf32, #tpu.memory_space<vmem_shared>> -> memref<5120x128xf32, #tpu.memory_space<vmem_shared>>
      tpu.wait_indirect_dma semaphore(%arg19 : memref<!tpu.dma_semaphore, #tpu.memory_space<semaphore_mem>>) src(%arg13 : memref<16x128xf32, #tpu.memory_space<vmem>>) dst(%dma_wait3A_246 : memref<5120x128xf32, #tpu.memory_space<vmem_shared>>)
      %dma_start3A_247 = arith.constant 7 : i32
      %dma_start3A_248 = arith.constant 0 : i32
      %dma_start3A_249 = tpu.memref_slice %arg8[%dma_start3A_247, %dma_start3A_248] : memref<8x16xi32, #tpu.memory_space<vmem>> -> memref<1x16xi32, #tpu.memory_space<vmem>>
      %dma_start3A_250 = tpu.memref_squeeze %dma_start3A_249 : memref<1x16xi32, #tpu.memory_space<vmem>> -> memref<16xi32, #tpu.memory_space<vmem>>
      %dma_start3A_251 = arith.constant 0 : i32
      %dma_start3A_252 = arith.constant 0 : i32
      %dma_start3A_253 = tpu.memref_slice %arg14[%dma_start3A_251, %dma_start3A_252] : memref<10000x128xf32, #tpu.memory_space<vmem_shared>> -> memref<10000x128xf32, #tpu.memory_space<vmem_shared>>
      tpu.enqueue_indirect_dma source(%dma_start3A_253 : memref<10000x128xf32, #tpu.memory_space<vmem_shared>>) target(%arg13 : memref<16x128xf32, #tpu.memory_space<vmem>>) offsets(%dma_start3A_250 : memref<16xi32, #tpu.memory_space<vmem>>) semaphore(%arg17 : memref<!tpu.dma_semaphore, #tpu.memory_space<semaphore_mem>>)
      %dma_wait3A_254 = arith.constant 6 : i32
      %dma_wait3A_255 = arith.constant 0 : i32
      %dma_wait3A_256 = tpu.memref_slice %arg8[%dma_wait3A_254, %dma_wait3A_255] : memref<8x16xi32, #tpu.memory_space<vmem>> -> memref<1x16xi32, #tpu.memory_space<vmem>>
      %dma_wait3A_257 = tpu.memref_squeeze %dma_wait3A_256 : memref<1x16xi32, #tpu.memory_space<vmem>> -> memref<16xi32, #tpu.memory_space<vmem>>
      %dma_wait3A_258 = arith.constant 0 : i32
      %dma_wait3A_259 = arith.constant 0 : i32
      %dma_wait3A_260 = tpu.memref_slice %arg14[%dma_wait3A_258, %dma_wait3A_259] : memref<10000x128xf32, #tpu.memory_space<vmem_shared>> -> memref<10000x128xf32, #tpu.memory_space<vmem_shared>>
      tpu.wait_indirect_dma semaphore(%arg16 : memref<!tpu.dma_semaphore, #tpu.memory_space<semaphore_mem>>) src(%dma_wait3A_260 : memref<10000x128xf32, #tpu.memory_space<vmem_shared>>) dst(%arg12 : memref<16x128xf32, #tpu.memory_space<vmem>>)
      %dma_start3A_261 = arith.constant 6 : i32
      %dma_start3A_262 = arith.constant 0 : i32
      %dma_start3A_263 = tpu.memref_slice %arg10[%dma_start3A_261, %dma_start3A_262] : memref<8x16xi32, #tpu.memory_space<vmem>> -> memref<1x16xi32, #tpu.memory_space<vmem>>
      %dma_start3A_264 = tpu.memref_squeeze %dma_start3A_263 : memref<1x16xi32, #tpu.memory_space<vmem>> -> memref<16xi32, #tpu.memory_space<vmem>>
      %dma_start3A_265 = arith.constant 0 : i32
      %dma_start3A_266 = arith.constant 0 : i32
      %dma_start3A_267 = tpu.memref_slice %arg15[%dma_start3A_265, %dma_start3A_266] : memref<5120x128xf32, #tpu.memory_space<vmem_shared>> -> memref<5120x128xf32, #tpu.memory_space<vmem_shared>>
      tpu.enqueue_indirect_dma source(%arg12 : memref<16x128xf32, #tpu.memory_space<vmem>>) target(%dma_start3A_267 : memref<5120x128xf32, #tpu.memory_space<vmem_shared>>) offsets(%dma_start3A_264 : memref<16xi32, #tpu.memory_space<vmem>>) semaphore(%arg18 : memref<!tpu.dma_semaphore, #tpu.memory_space<semaphore_mem>>) {add = true}
      %dma_wait3A_268 = arith.constant 7 : i32
      %dma_wait3A_269 = arith.constant 0 : i32
      %dma_wait3A_270 = tpu.memref_slice %arg8[%dma_wait3A_268, %dma_wait3A_269] : memref<8x16xi32, #tpu.memory_space<vmem>> -> memref<1x16xi32, #tpu.memory_space<vmem>>
      %dma_wait3A_271 = tpu.memref_squeeze %dma_wait3A_270 : memref<1x16xi32, #tpu.memory_space<vmem>> -> memref<16xi32, #tpu.memory_space<vmem>>
      %dma_wait3A_272 = arith.constant 0 : i32
      %dma_wait3A_273 = arith.constant 0 : i32
      %dma_wait3A_274 = tpu.memref_slice %arg14[%dma_wait3A_272, %dma_wait3A_273] : memref<10000x128xf32, #tpu.memory_space<vmem_shared>> -> memref<10000x128xf32, #tpu.memory_space<vmem_shared>>
      tpu.wait_indirect_dma semaphore(%arg17 : memref<!tpu.dma_semaphore, #tpu.memory_space<semaphore_mem>>) src(%dma_wait3A_274 : memref<10000x128xf32, #tpu.memory_space<vmem_shared>>) dst(%arg13 : memref<16x128xf32, #tpu.memory_space<vmem>>)
      %dma_start3A_275 = arith.constant 7 : i32
      %dma_start3A_276 = arith.constant 0 : i32
      %dma_start3A_277 = tpu.memref_slice %arg10[%dma_start3A_275, %dma_start3A_276] : memref<8x16xi32, #tpu.memory_space<vmem>> -> memref<1x16xi32, #tpu.memory_space<vmem>>
      %dma_start3A_278 = tpu.memref_squeeze %dma_start3A_277 : memref<1x16xi32, #tpu.memory_space<vmem>> -> memref<16xi32, #tpu.memory_space<vmem>>
      %dma_start3A_279 = arith.constant 0 : i32
      %dma_start3A_280 = arith.constant 0 : i32
      %dma_start3A_281 = tpu.memref_slice %arg15[%dma_start3A_279, %dma_start3A_280] : memref<5120x128xf32, #tpu.memory_space<vmem_shared>> -> memref<5120x128xf32, #tpu.memory_space<vmem_shared>>
      tpu.enqueue_indirect_dma source(%arg13 : memref<16x128xf32, #tpu.memory_space<vmem>>) target(%dma_start3A_281 : memref<5120x128xf32, #tpu.memory_space<vmem_shared>>) offsets(%dma_start3A_278 : memref<16xi32, #tpu.memory_space<vmem>>) semaphore(%arg19 : memref<!tpu.dma_semaphore, #tpu.memory_space<semaphore_mem>>) {add = true}
      %dma_wait3A_282 = arith.constant 6 : i32
      %dma_wait3A_283 = arith.constant 0 : i32
      %dma_wait3A_284 = tpu.memref_slice %arg10[%dma_wait3A_282, %dma_wait3A_283] : memref<8x16xi32, #tpu.memory_space<vmem>> -> memref<1x16xi32, #tpu.memory_space<vmem>>
      %dma_wait3A_285 = tpu.memref_squeeze %dma_wait3A_284 : memref<1x16xi32, #tpu.memory_space<vmem>> -> memref<16xi32, #tpu.memory_space<vmem>>
      %dma_wait3A_286 = arith.constant 0 : i32
      %dma_wait3A_287 = arith.constant 0 : i32
      %dma_wait3A_288 = tpu.memref_slice %arg15[%dma_wait3A_286, %dma_wait3A_287] : memref<5120x128xf32, #tpu.memory_space<vmem_shared>> -> memref<5120x128xf32, #tpu.memory_space<vmem_shared>>
      tpu.wait_indirect_dma semaphore(%arg18 : memref<!tpu.dma_semaphore, #tpu.memory_space<semaphore_mem>>) src(%arg12 : memref<16x128xf32, #tpu.memory_space<vmem>>) dst(%dma_wait3A_288 : memref<5120x128xf32, #tpu.memory_space<vmem_shared>>)
      %dma_wait3A_289 = arith.constant 7 : i32
      %dma_wait3A_290 = arith.constant 0 : i32
      %dma_wait3A_291 = tpu.memref_slice %arg10[%dma_wait3A_289, %dma_wait3A_290] : memref<8x16xi32, #tpu.memory_space<vmem>> -> memref<1x16xi32, #tpu.memory_space<vmem>>
      %dma_wait3A_292 = tpu.memref_squeeze %dma_wait3A_291 : memref<1x16xi32, #tpu.memory_space<vmem>> -> memref<16xi32, #tpu.memory_space<vmem>>
      %dma_wait3A_293 = arith.constant 0 : i32
      %dma_wait3A_294 = arith.constant 0 : i32
      %dma_wait3A_295 = tpu.memref_slice %arg15[%dma_wait3A_293, %dma_wait3A_294] : memref<5120x128xf32, #tpu.memory_space<vmem_shared>> -> memref<5120x128xf32, #tpu.memory_space<vmem_shared>>
      tpu.wait_indirect_dma semaphore(%arg19 : memref<!tpu.dma_semaphore, #tpu.memory_space<semaphore_mem>>) src(%arg13 : memref<16x128xf32, #tpu.memory_space<vmem>>) dst(%dma_wait3A_295 : memref<5120x128xf32, #tpu.memory_space<vmem_shared>>)
      %mul3A_296 = arith.constant 2 : i32
      %mul3A_297 = arith.muli %scan3A_49, %mul3A_296 : i32
      %add3A_298 = arith.constant 1 : i32
      %add3A_299 = arith.addi %mul3A_297, %add3A_298 : i32
      %mul3A_300 = arith.constant 8 : i32
      %mul3A_301 = arith.muli %add3A_299, %mul3A_300 : i32
      %add3A_302 = arith.addi %mul3A_2, %mul3A_301 : i32
      %dma_wait3A_303 = arith.constant 0 : i32
      %dma_wait3A_304 = tpu.memref_slice %arg3[%add3A_302, %dma_wait3A_303] : memref<20480x16xi32, #tpu.memory_space<hbm>> -> memref<8x16xi32, #tpu.memory_space<hbm>>
      %dma_wait3A_305 = arith.constant 0 : i32
      %dma_wait3A_306 = tpu.memref_slice %arg3[%add3A_302, %dma_wait3A_305] : memref<20480x16xi32, #tpu.memory_space<hbm>> -> memref<8x16xi32, #tpu.memory_space<hbm>>
      tpu.wait_dma2 semaphore(%arg21 : memref<!tpu.dma_semaphore, #tpu.memory_space<semaphore_mem>>) src(%dma_wait3A_306 : memref<8x16xi32, #tpu.memory_space<hbm>>) dst(%arg9 : memref<8x16xi32, #tpu.memory_space<vmem>>)
      %dma_wait3A_307 = arith.constant 0 : i32
      %dma_wait3A_308 = tpu.memref_slice %arg5[%add3A_302, %dma_wait3A_307] : memref<20480x16xi32, #tpu.memory_space<hbm>> -> memref<8x16xi32, #tpu.memory_space<hbm>>
      %dma_wait3A_309 = arith.constant 0 : i32
      %dma_wait3A_310 = tpu.memref_slice %arg5[%add3A_302, %dma_wait3A_309] : memref<20480x16xi32, #tpu.memory_space<hbm>> -> memref<8x16xi32, #tpu.memory_space<hbm>>
      tpu.wait_dma2 semaphore(%arg21 : memref<!tpu.dma_semaphore, #tpu.memory_space<semaphore_mem>>) src(%dma_wait3A_310 : memref<8x16xi32, #tpu.memory_space<hbm>>) dst(%arg11 : memref<8x16xi32, #tpu.memory_space<vmem>>)
      %add3A_311 = arith.constant 1 : i32
      %add3A_312 = arith.addi %add3A_299, %add3A_311 : i32
      %lt3A_313 = arith.constant 80 : i32
      %lt3A_314 = arith.cmpi slt, %add3A_312, %lt3A_313 : i32
      %convert_element_type3A_315 = arith.extui %lt3A_314 : i1 to i32
      %cond3A_316 = arith.constant 0 : i32
      %cond3A_317 = arith.cmpi ne, %convert_element_type3A_315, %cond3A_316 : i32
      scf.if %cond3A_317 {
        %add3A_543 = arith.constant 1 : i32
        %add3A_544 = arith.addi %add3A_299, %add3A_543 : i32
        %mul3A_545 = arith.constant 8 : i32
        %mul3A_546 = arith.muli %add3A_544, %mul3A_545 : i32
        %add3A_547 = arith.addi %mul3A_2, %mul3A_546 : i32
        %dma_start3A_548 = arith.constant 0 : i32
        %dma_start3A_549 = tpu.memref_slice %arg3[%add3A_547, %dma_start3A_548] : memref<20480x16xi32, #tpu.memory_space<hbm>> -> memref<8x16xi32, #tpu.memory_space<hbm>>
        %dma_start3A_550 = arith.constant 0 : i32
        %dma_start3A_551 = tpu.memref_slice %arg3[%add3A_547, %dma_start3A_550] : memref<20480x16xi32, #tpu.memory_space<hbm>> -> memref<8x16xi32, #tpu.memory_space<hbm>>
        tpu.enqueue_dma source(%dma_start3A_551 : memref<8x16xi32, #tpu.memory_space<hbm>>) target(%arg8 : memref<8x16xi32, #tpu.memory_space<vmem>>) target_semaphore(%arg20 : memref<!tpu.dma_semaphore, #tpu.memory_space<semaphore_mem>>)
        %dma_start3A_552 = arith.constant 0 : i32
        %dma_start3A_553 = tpu.memref_slice %arg5[%add3A_547, %dma_start3A_552] : memref<20480x16xi32, #tpu.memory_space<hbm>> -> memref<8x16xi32, #tpu.memory_space<hbm>>
        %dma_start3A_554 = arith.constant 0 : i32
        %dma_start3A_555 = tpu.memref_slice %arg5[%add3A_547, %dma_start3A_554] : memref<20480x16xi32, #tpu.memory_space<hbm>> -> memref<8x16xi32, #tpu.memory_space<hbm>>
        tpu.enqueue_dma source(%dma_start3A_555 : memref<8x16xi32, #tpu.memory_space<hbm>>) target(%arg10 : memref<8x16xi32, #tpu.memory_space<vmem>>) target_semaphore(%arg20 : memref<!tpu.dma_semaphore, #tpu.memory_space<semaphore_mem>>)
      } else {
      }
      %dma_start3A_318 = arith.constant 0 : i32
      %dma_start3A_319 = arith.constant 0 : i32
      %dma_start3A_320 = tpu.memref_slice %arg9[%dma_start3A_318, %dma_start3A_319] : memref<8x16xi32, #tpu.memory_space<vmem>> -> memref<1x16xi32, #tpu.memory_space<vmem>>
      %dma_start3A_321 = tpu.memref_squeeze %dma_start3A_320 : memref<1x16xi32, #tpu.memory_space<vmem>> -> memref<16xi32, #tpu.memory_space<vmem>>
      %dma_start3A_322 = arith.constant 0 : i32
      %dma_start3A_323 = arith.constant 0 : i32
      %dma_start3A_324 = tpu.memref_slice %arg14[%dma_start3A_322, %dma_start3A_323] : memref<10000x128xf32, #tpu.memory_space<vmem_shared>> -> memref<10000x128xf32, #tpu.memory_space<vmem_shared>>
      tpu.enqueue_indirect_dma source(%dma_start3A_324 : memref<10000x128xf32, #tpu.memory_space<vmem_shared>>) target(%arg12 : memref<16x128xf32, #tpu.memory_space<vmem>>) offsets(%dma_start3A_321 : memref<16xi32, #tpu.memory_space<vmem>>) semaphore(%arg16 : memref<!tpu.dma_semaphore, #tpu.memory_space<semaphore_mem>>)
      %dma_start3A_325 = arith.constant 1 : i32
      %dma_start3A_326 = arith.constant 0 : i32
      %dma_start3A_327 = tpu.memref_slice %arg9[%dma_start3A_325, %dma_start3A_326] : memref<8x16xi32, #tpu.memory_space<vmem>> -> memref<1x16xi32, #tpu.memory_space<vmem>>
      %dma_start3A_328 = tpu.memref_squeeze %dma_start3A_327 : memref<1x16xi32, #tpu.memory_space<vmem>> -> memref<16xi32, #tpu.memory_space<vmem>>
      %dma_start3A_329 = arith.constant 0 : i32
      %dma_start3A_330 = arith.constant 0 : i32
      %dma_start3A_331 = tpu.memref_slice %arg14[%dma_start3A_329, %dma_start3A_330] : memref<10000x128xf32, #tpu.memory_space<vmem_shared>> -> memref<10000x128xf32, #tpu.memory_space<vmem_shared>>
      tpu.enqueue_indirect_dma source(%dma_start3A_331 : memref<10000x128xf32, #tpu.memory_space<vmem_shared>>) target(%arg13 : memref<16x128xf32, #tpu.memory_space<vmem>>) offsets(%dma_start3A_328 : memref<16xi32, #tpu.memory_space<vmem>>) semaphore(%arg17 : memref<!tpu.dma_semaphore, #tpu.memory_space<semaphore_mem>>)
      %dma_wait3A_332 = arith.constant 0 : i32
      %dma_wait3A_333 = arith.constant 0 : i32
      %dma_wait3A_334 = tpu.memref_slice %arg9[%dma_wait3A_332, %dma_wait3A_333] : memref<8x16xi32, #tpu.memory_space<vmem>> -> memref<1x16xi32, #tpu.memory_space<vmem>>
      %dma_wait3A_335 = tpu.memref_squeeze %dma_wait3A_334 : memref<1x16xi32, #tpu.memory_space<vmem>> -> memref<16xi32, #tpu.memory_space<vmem>>
      %dma_wait3A_336 = arith.constant 0 : i32
      %dma_wait3A_337 = arith.constant 0 : i32
      %dma_wait3A_338 = tpu.memref_slice %arg14[%dma_wait3A_336, %dma_wait3A_337] : memref<10000x128xf32, #tpu.memory_space<vmem_shared>> -> memref<10000x128xf32, #tpu.memory_space<vmem_shared>>
      tpu.wait_indirect_dma semaphore(%arg16 : memref<!tpu.dma_semaphore, #tpu.memory_space<semaphore_mem>>) src(%dma_wait3A_338 : memref<10000x128xf32, #tpu.memory_space<vmem_shared>>) dst(%arg12 : memref<16x128xf32, #tpu.memory_space<vmem>>)
      %dma_start3A_339 = arith.constant 0 : i32
      %dma_start3A_340 = arith.constant 0 : i32
      %dma_start3A_341 = tpu.memref_slice %arg11[%dma_start3A_339, %dma_start3A_340] : memref<8x16xi32, #tpu.memory_space<vmem>> -> memref<1x16xi32, #tpu.memory_space<vmem>>
      %dma_start3A_342 = tpu.memref_squeeze %dma_start3A_341 : memref<1x16xi32, #tpu.memory_space<vmem>> -> memref<16xi32, #tpu.memory_space<vmem>>
      %dma_start3A_343 = arith.constant 0 : i32
      %dma_start3A_344 = arith.constant 0 : i32
      %dma_start3A_345 = tpu.memref_slice %arg15[%dma_start3A_343, %dma_start3A_344] : memref<5120x128xf32, #tpu.memory_space<vmem_shared>> -> memref<5120x128xf32, #tpu.memory_space<vmem_shared>>
      tpu.enqueue_indirect_dma source(%arg12 : memref<16x128xf32, #tpu.memory_space<vmem>>) target(%dma_start3A_345 : memref<5120x128xf32, #tpu.memory_space<vmem_shared>>) offsets(%dma_start3A_342 : memref<16xi32, #tpu.memory_space<vmem>>) semaphore(%arg18 : memref<!tpu.dma_semaphore, #tpu.memory_space<semaphore_mem>>) {add = true}
      %dma_wait3A_346 = arith.constant 0 : i32
      %dma_wait3A_347 = arith.constant 0 : i32
      %dma_wait3A_348 = tpu.memref_slice %arg11[%dma_wait3A_346, %dma_wait3A_347] : memref<8x16xi32, #tpu.memory_space<vmem>> -> memref<1x16xi32, #tpu.memory_space<vmem>>
      %dma_wait3A_349 = tpu.memref_squeeze %dma_wait3A_348 : memref<1x16xi32, #tpu.memory_space<vmem>> -> memref<16xi32, #tpu.memory_space<vmem>>
      %dma_wait3A_350 = arith.constant 0 : i32
      %dma_wait3A_351 = arith.constant 0 : i32
      %dma_wait3A_352 = tpu.memref_slice %arg15[%dma_wait3A_350, %dma_wait3A_351] : memref<5120x128xf32, #tpu.memory_space<vmem_shared>> -> memref<5120x128xf32, #tpu.memory_space<vmem_shared>>
      tpu.wait_indirect_dma semaphore(%arg18 : memref<!tpu.dma_semaphore, #tpu.memory_space<semaphore_mem>>) src(%arg12 : memref<16x128xf32, #tpu.memory_space<vmem>>) dst(%dma_wait3A_352 : memref<5120x128xf32, #tpu.memory_space<vmem_shared>>)
      %dma_start3A_353 = arith.constant 2 : i32
      %dma_start3A_354 = arith.constant 0 : i32
      %dma_start3A_355 = tpu.memref_slice %arg9[%dma_start3A_353, %dma_start3A_354] : memref<8x16xi32, #tpu.memory_space<vmem>> -> memref<1x16xi32, #tpu.memory_space<vmem>>
      %dma_start3A_356 = tpu.memref_squeeze %dma_start3A_355 : memref<1x16xi32, #tpu.memory_space<vmem>> -> memref<16xi32, #tpu.memory_space<vmem>>
      %dma_start3A_357 = arith.constant 0 : i32
      %dma_start3A_358 = arith.constant 0 : i32
      %dma_start3A_359 = tpu.memref_slice %arg14[%dma_start3A_357, %dma_start3A_358] : memref<10000x128xf32, #tpu.memory_space<vmem_shared>> -> memref<10000x128xf32, #tpu.memory_space<vmem_shared>>
      tpu.enqueue_indirect_dma source(%dma_start3A_359 : memref<10000x128xf32, #tpu.memory_space<vmem_shared>>) target(%arg12 : memref<16x128xf32, #tpu.memory_space<vmem>>) offsets(%dma_start3A_356 : memref<16xi32, #tpu.memory_space<vmem>>) semaphore(%arg16 : memref<!tpu.dma_semaphore, #tpu.memory_space<semaphore_mem>>)
      %dma_wait3A_360 = arith.constant 1 : i32
      %dma_wait3A_361 = arith.constant 0 : i32
      %dma_wait3A_362 = tpu.memref_slice %arg9[%dma_wait3A_360, %dma_wait3A_361] : memref<8x16xi32, #tpu.memory_space<vmem>> -> memref<1x16xi32, #tpu.memory_space<vmem>>
      %dma_wait3A_363 = tpu.memref_squeeze %dma_wait3A_362 : memref<1x16xi32, #tpu.memory_space<vmem>> -> memref<16xi32, #tpu.memory_space<vmem>>
      %dma_wait3A_364 = arith.constant 0 : i32
      %dma_wait3A_365 = arith.constant 0 : i32
      %dma_wait3A_366 = tpu.memref_slice %arg14[%dma_wait3A_364, %dma_wait3A_365] : memref<10000x128xf32, #tpu.memory_space<vmem_shared>> -> memref<10000x128xf32, #tpu.memory_space<vmem_shared>>
      tpu.wait_indirect_dma semaphore(%arg17 : memref<!tpu.dma_semaphore, #tpu.memory_space<semaphore_mem>>) src(%dma_wait3A_366 : memref<10000x128xf32, #tpu.memory_space<vmem_shared>>) dst(%arg13 : memref<16x128xf32, #tpu.memory_space<vmem>>)
      %dma_start3A_367 = arith.constant 1 : i32
      %dma_start3A_368 = arith.constant 0 : i32
      %dma_start3A_369 = tpu.memref_slice %arg11[%dma_start3A_367, %dma_start3A_368] : memref<8x16xi32, #tpu.memory_space<vmem>> -> memref<1x16xi32, #tpu.memory_space<vmem>>
      %dma_start3A_370 = tpu.memref_squeeze %dma_start3A_369 : memref<1x16xi32, #tpu.memory_space<vmem>> -> memref<16xi32, #tpu.memory_space<vmem>>
      %dma_start3A_371 = arith.constant 0 : i32
      %dma_start3A_372 = arith.constant 0 : i32
      %dma_start3A_373 = tpu.memref_slice %arg15[%dma_start3A_371, %dma_start3A_372] : memref<5120x128xf32, #tpu.memory_space<vmem_shared>> -> memref<5120x128xf32, #tpu.memory_space<vmem_shared>>
      tpu.enqueue_indirect_dma source(%arg13 : memref<16x128xf32, #tpu.memory_space<vmem>>) target(%dma_start3A_373 : memref<5120x128xf32, #tpu.memory_space<vmem_shared>>) offsets(%dma_start3A_370 : memref<16xi32, #tpu.memory_space<vmem>>) semaphore(%arg19 : memref<!tpu.dma_semaphore, #tpu.memory_space<semaphore_mem>>) {add = true}
      %dma_wait3A_374 = arith.constant 1 : i32
      %dma_wait3A_375 = arith.constant 0 : i32
      %dma_wait3A_376 = tpu.memref_slice %arg11[%dma_wait3A_374, %dma_wait3A_375] : memref<8x16xi32, #tpu.memory_space<vmem>> -> memref<1x16xi32, #tpu.memory_space<vmem>>
      %dma_wait3A_377 = tpu.memref_squeeze %dma_wait3A_376 : memref<1x16xi32, #tpu.memory_space<vmem>> -> memref<16xi32, #tpu.memory_space<vmem>>
      %dma_wait3A_378 = arith.constant 0 : i32
      %dma_wait3A_379 = arith.constant 0 : i32
      %dma_wait3A_380 = tpu.memref_slice %arg15[%dma_wait3A_378, %dma_wait3A_379] : memref<5120x128xf32, #tpu.memory_space<vmem_shared>> -> memref<5120x128xf32, #tpu.memory_space<vmem_shared>>
      tpu.wait_indirect_dma semaphore(%arg19 : memref<!tpu.dma_semaphore, #tpu.memory_space<semaphore_mem>>) src(%arg13 : memref<16x128xf32, #tpu.memory_space<vmem>>) dst(%dma_wait3A_380 : memref<5120x128xf32, #tpu.memory_space<vmem_shared>>)
      %dma_start3A_381 = arith.constant 3 : i32
      %dma_start3A_382 = arith.constant 0 : i32
      %dma_start3A_383 = tpu.memref_slice %arg9[%dma_start3A_381, %dma_start3A_382] : memref<8x16xi32, #tpu.memory_space<vmem>> -> memref<1x16xi32, #tpu.memory_space<vmem>>
      %dma_start3A_384 = tpu.memref_squeeze %dma_start3A_383 : memref<1x16xi32, #tpu.memory_space<vmem>> -> memref<16xi32, #tpu.memory_space<vmem>>
      %dma_start3A_385 = arith.constant 0 : i32
      %dma_start3A_386 = arith.constant 0 : i32
      %dma_start3A_387 = tpu.memref_slice %arg14[%dma_start3A_385, %dma_start3A_386] : memref<10000x128xf32, #tpu.memory_space<vmem_shared>> -> memref<10000x128xf32, #tpu.memory_space<vmem_shared>>
      tpu.enqueue_indirect_dma source(%dma_start3A_387 : memref<10000x128xf32, #tpu.memory_space<vmem_shared>>) target(%arg13 : memref<16x128xf32, #tpu.memory_space<vmem>>) offsets(%dma_start3A_384 : memref<16xi32, #tpu.memory_space<vmem>>) semaphore(%arg17 : memref<!tpu.dma_semaphore, #tpu.memory_space<semaphore_mem>>)
      %dma_wait3A_388 = arith.constant 2 : i32
      %dma_wait3A_389 = arith.constant 0 : i32
      %dma_wait3A_390 = tpu.memref_slice %arg9[%dma_wait3A_388, %dma_wait3A_389] : memref<8x16xi32, #tpu.memory_space<vmem>> -> memref<1x16xi32, #tpu.memory_space<vmem>>
      %dma_wait3A_391 = tpu.memref_squeeze %dma_wait3A_390 : memref<1x16xi32, #tpu.memory_space<vmem>> -> memref<16xi32, #tpu.memory_space<vmem>>
      %dma_wait3A_392 = arith.constant 0 : i32
      %dma_wait3A_393 = arith.constant 0 : i32
      %dma_wait3A_394 = tpu.memref_slice %arg14[%dma_wait3A_392, %dma_wait3A_393] : memref<10000x128xf32, #tpu.memory_space<vmem_shared>> -> memref<10000x128xf32, #tpu.memory_space<vmem_shared>>
      tpu.wait_indirect_dma semaphore(%arg16 : memref<!tpu.dma_semaphore, #tpu.memory_space<semaphore_mem>>) src(%dma_wait3A_394 : memref<10000x128xf32, #tpu.memory_space<vmem_shared>>) dst(%arg12 : memref<16x128xf32, #tpu.memory_space<vmem>>)
      %dma_start3A_395 = arith.constant 2 : i32
      %dma_start3A_396 = arith.constant 0 : i32
      %dma_start3A_397 = tpu.memref_slice %arg11[%dma_start3A_395, %dma_start3A_396] : memref<8x16xi32, #tpu.memory_space<vmem>> -> memref<1x16xi32, #tpu.memory_space<vmem>>
      %dma_start3A_398 = tpu.memref_squeeze %dma_start3A_397 : memref<1x16xi32, #tpu.memory_space<vmem>> -> memref<16xi32, #tpu.memory_space<vmem>>
      %dma_start3A_399 = arith.constant 0 : i32
      %dma_start3A_400 = arith.constant 0 : i32
      %dma_start3A_401 = tpu.memref_slice %arg15[%dma_start3A_399, %dma_start3A_400] : memref<5120x128xf32, #tpu.memory_space<vmem_shared>> -> memref<5120x128xf32, #tpu.memory_space<vmem_shared>>
      tpu.enqueue_indirect_dma source(%arg12 : memref<16x128xf32, #tpu.memory_space<vmem>>) target(%dma_start3A_401 : memref<5120x128xf32, #tpu.memory_space<vmem_shared>>) offsets(%dma_start3A_398 : memref<16xi32, #tpu.memory_space<vmem>>) semaphore(%arg18 : memref<!tpu.dma_semaphore, #tpu.memory_space<semaphore_mem>>) {add = true}
      %dma_wait3A_402 = arith.constant 2 : i32
      %dma_wait3A_403 = arith.constant 0 : i32
      %dma_wait3A_404 = tpu.memref_slice %arg11[%dma_wait3A_402, %dma_wait3A_403] : memref<8x16xi32, #tpu.memory_space<vmem>> -> memref<1x16xi32, #tpu.memory_space<vmem>>
      %dma_wait3A_405 = tpu.memref_squeeze %dma_wait3A_404 : memref<1x16xi32, #tpu.memory_space<vmem>> -> memref<16xi32, #tpu.memory_space<vmem>>
      %dma_wait3A_406 = arith.constant 0 : i32
      %dma_wait3A_407 = arith.constant 0 : i32
      %dma_wait3A_408 = tpu.memref_slice %arg15[%dma_wait3A_406, %dma_wait3A_407] : memref<5120x128xf32, #tpu.memory_space<vmem_shared>> -> memref<5120x128xf32, #tpu.memory_space<vmem_shared>>
      tpu.wait_indirect_dma semaphore(%arg18 : memref<!tpu.dma_semaphore, #tpu.memory_space<semaphore_mem>>) src(%arg12 : memref<16x128xf32, #tpu.memory_space<vmem>>) dst(%dma_wait3A_408 : memref<5120x128xf32, #tpu.memory_space<vmem_shared>>)
      %dma_start3A_409 = arith.constant 4 : i32
      %dma_start3A_410 = arith.constant 0 : i32
      %dma_start3A_411 = tpu.memref_slice %arg9[%dma_start3A_409, %dma_start3A_410] : memref<8x16xi32, #tpu.memory_space<vmem>> -> memref<1x16xi32, #tpu.memory_space<vmem>>
      %dma_start3A_412 = tpu.memref_squeeze %dma_start3A_411 : memref<1x16xi32, #tpu.memory_space<vmem>> -> memref<16xi32, #tpu.memory_space<vmem>>
      %dma_start3A_413 = arith.constant 0 : i32
      %dma_start3A_414 = arith.constant 0 : i32
      %dma_start3A_415 = tpu.memref_slice %arg14[%dma_start3A_413, %dma_start3A_414] : memref<10000x128xf32, #tpu.memory_space<vmem_shared>> -> memref<10000x128xf32, #tpu.memory_space<vmem_shared>>
      tpu.enqueue_indirect_dma source(%dma_start3A_415 : memref<10000x128xf32, #tpu.memory_space<vmem_shared>>) target(%arg12 : memref<16x128xf32, #tpu.memory_space<vmem>>) offsets(%dma_start3A_412 : memref<16xi32, #tpu.memory_space<vmem>>) semaphore(%arg16 : memref<!tpu.dma_semaphore, #tpu.memory_space<semaphore_mem>>)
      %dma_wait3A_416 = arith.constant 3 : i32
      %dma_wait3A_417 = arith.constant 0 : i32
      %dma_wait3A_418 = tpu.memref_slice %arg9[%dma_wait3A_416, %dma_wait3A_417] : memref<8x16xi32, #tpu.memory_space<vmem>> -> memref<1x16xi32, #tpu.memory_space<vmem>>
      %dma_wait3A_419 = tpu.memref_squeeze %dma_wait3A_418 : memref<1x16xi32, #tpu.memory_space<vmem>> -> memref<16xi32, #tpu.memory_space<vmem>>
      %dma_wait3A_420 = arith.constant 0 : i32
      %dma_wait3A_421 = arith.constant 0 : i32
      %dma_wait3A_422 = tpu.memref_slice %arg14[%dma_wait3A_420, %dma_wait3A_421] : memref<10000x128xf32, #tpu.memory_space<vmem_shared>> -> memref<10000x128xf32, #tpu.memory_space<vmem_shared>>
      tpu.wait_indirect_dma semaphore(%arg17 : memref<!tpu.dma_semaphore, #tpu.memory_space<semaphore_mem>>) src(%dma_wait3A_422 : memref<10000x128xf32, #tpu.memory_space<vmem_shared>>) dst(%arg13 : memref<16x128xf32, #tpu.memory_space<vmem>>)
      %dma_start3A_423 = arith.constant 3 : i32
      %dma_start3A_424 = arith.constant 0 : i32
      %dma_start3A_425 = tpu.memref_slice %arg11[%dma_start3A_423, %dma_start3A_424] : memref<8x16xi32, #tpu.memory_space<vmem>> -> memref<1x16xi32, #tpu.memory_space<vmem>>
      %dma_start3A_426 = tpu.memref_squeeze %dma_start3A_425 : memref<1x16xi32, #tpu.memory_space<vmem>> -> memref<16xi32, #tpu.memory_space<vmem>>
      %dma_start3A_427 = arith.constant 0 : i32
      %dma_start3A_428 = arith.constant 0 : i32
      %dma_start3A_429 = tpu.memref_slice %arg15[%dma_start3A_427, %dma_start3A_428] : memref<5120x128xf32, #tpu.memory_space<vmem_shared>> -> memref<5120x128xf32, #tpu.memory_space<vmem_shared>>
      tpu.enqueue_indirect_dma source(%arg13 : memref<16x128xf32, #tpu.memory_space<vmem>>) target(%dma_start3A_429 : memref<5120x128xf32, #tpu.memory_space<vmem_shared>>) offsets(%dma_start3A_426 : memref<16xi32, #tpu.memory_space<vmem>>) semaphore(%arg19 : memref<!tpu.dma_semaphore, #tpu.memory_space<semaphore_mem>>) {add = true}
      %dma_wait3A_430 = arith.constant 3 : i32
      %dma_wait3A_431 = arith.constant 0 : i32
      %dma_wait3A_432 = tpu.memref_slice %arg11[%dma_wait3A_430, %dma_wait3A_431] : memref<8x16xi32, #tpu.memory_space<vmem>> -> memref<1x16xi32, #tpu.memory_space<vmem>>
      %dma_wait3A_433 = tpu.memref_squeeze %dma_wait3A_432 : memref<1x16xi32, #tpu.memory_space<vmem>> -> memref<16xi32, #tpu.memory_space<vmem>>
      %dma_wait3A_434 = arith.constant 0 : i32
      %dma_wait3A_435 = arith.constant 0 : i32
      %dma_wait3A_436 = tpu.memref_slice %arg15[%dma_wait3A_434, %dma_wait3A_435] : memref<5120x128xf32, #tpu.memory_space<vmem_shared>> -> memref<5120x128xf32, #tpu.memory_space<vmem_shared>>
      tpu.wait_indirect_dma semaphore(%arg19 : memref<!tpu.dma_semaphore, #tpu.memory_space<semaphore_mem>>) src(%arg13 : memref<16x128xf32, #tpu.memory_space<vmem>>) dst(%dma_wait3A_436 : memref<5120x128xf32, #tpu.memory_space<vmem_shared>>)
      %dma_start3A_437 = arith.constant 5 : i32
      %dma_start3A_438 = arith.constant 0 : i32
      %dma_start3A_439 = tpu.memref_slice %arg9[%dma_start3A_437, %dma_start3A_438] : memref<8x16xi32, #tpu.memory_space<vmem>> -> memref<1x16xi32, #tpu.memory_space<vmem>>
      %dma_start3A_440 = tpu.memref_squeeze %dma_start3A_439 : memref<1x16xi32, #tpu.memory_space<vmem>> -> memref<16xi32, #tpu.memory_space<vmem>>
      %dma_start3A_441 = arith.constant 0 : i32
      %dma_start3A_442 = arith.constant 0 : i32
      %dma_start3A_443 = tpu.memref_slice %arg14[%dma_start3A_441, %dma_start3A_442] : memref<10000x128xf32, #tpu.memory_space<vmem_shared>> -> memref<10000x128xf32, #tpu.memory_space<vmem_shared>>
      tpu.enqueue_indirect_dma source(%dma_start3A_443 : memref<10000x128xf32, #tpu.memory_space<vmem_shared>>) target(%arg13 : memref<16x128xf32, #tpu.memory_space<vmem>>) offsets(%dma_start3A_440 : memref<16xi32, #tpu.memory_space<vmem>>) semaphore(%arg17 : memref<!tpu.dma_semaphore, #tpu.memory_space<semaphore_mem>>)
      %dma_wait3A_444 = arith.constant 4 : i32
      %dma_wait3A_445 = arith.constant 0 : i32
      %dma_wait3A_446 = tpu.memref_slice %arg9[%dma_wait3A_444, %dma_wait3A_445] : memref<8x16xi32, #tpu.memory_space<vmem>> -> memref<1x16xi32, #tpu.memory_space<vmem>>
      %dma_wait3A_447 = tpu.memref_squeeze %dma_wait3A_446 : memref<1x16xi32, #tpu.memory_space<vmem>> -> memref<16xi32, #tpu.memory_space<vmem>>
      %dma_wait3A_448 = arith.constant 0 : i32
      %dma_wait3A_449 = arith.constant 0 : i32
      %dma_wait3A_450 = tpu.memref_slice %arg14[%dma_wait3A_448, %dma_wait3A_449] : memref<10000x128xf32, #tpu.memory_space<vmem_shared>> -> memref<10000x128xf32, #tpu.memory_space<vmem_shared>>
      tpu.wait_indirect_dma semaphore(%arg16 : memref<!tpu.dma_semaphore, #tpu.memory_space<semaphore_mem>>) src(%dma_wait3A_450 : memref<10000x128xf32, #tpu.memory_space<vmem_shared>>) dst(%arg12 : memref<16x128xf32, #tpu.memory_space<vmem>>)
      %dma_start3A_451 = arith.constant 4 : i32
      %dma_start3A_452 = arith.constant 0 : i32
      %dma_start3A_453 = tpu.memref_slice %arg11[%dma_start3A_451, %dma_start3A_452] : memref<8x16xi32, #tpu.memory_space<vmem>> -> memref<1x16xi32, #tpu.memory_space<vmem>>
      %dma_start3A_454 = tpu.memref_squeeze %dma_start3A_453 : memref<1x16xi32, #tpu.memory_space<vmem>> -> memref<16xi32, #tpu.memory_space<vmem>>
      %dma_start3A_455 = arith.constant 0 : i32
      %dma_start3A_456 = arith.constant 0 : i32
      %dma_start3A_457 = tpu.memref_slice %arg15[%dma_start3A_455, %dma_start3A_456] : memref<5120x128xf32, #tpu.memory_space<vmem_shared>> -> memref<5120x128xf32, #tpu.memory_space<vmem_shared>>
      tpu.enqueue_indirect_dma source(%arg12 : memref<16x128xf32, #tpu.memory_space<vmem>>) target(%dma_start3A_457 : memref<5120x128xf32, #tpu.memory_space<vmem_shared>>) offsets(%dma_start3A_454 : memref<16xi32, #tpu.memory_space<vmem>>) semaphore(%arg18 : memref<!tpu.dma_semaphore, #tpu.memory_space<semaphore_mem>>) {add = true}
      %dma_wait3A_458 = arith.constant 4 : i32
      %dma_wait3A_459 = arith.constant 0 : i32
      %dma_wait3A_460 = tpu.memref_slice %arg11[%dma_wait3A_458, %dma_wait3A_459] : memref<8x16xi32, #tpu.memory_space<vmem>> -> memref<1x16xi32, #tpu.memory_space<vmem>>
      %dma_wait3A_461 = tpu.memref_squeeze %dma_wait3A_460 : memref<1x16xi32, #tpu.memory_space<vmem>> -> memref<16xi32, #tpu.memory_space<vmem>>
      %dma_wait3A_462 = arith.constant 0 : i32
      %dma_wait3A_463 = arith.constant 0 : i32
      %dma_wait3A_464 = tpu.memref_slice %arg15[%dma_wait3A_462, %dma_wait3A_463] : memref<5120x128xf32, #tpu.memory_space<vmem_shared>> -> memref<5120x128xf32, #tpu.memory_space<vmem_shared>>
      tpu.wait_indirect_dma semaphore(%arg18 : memref<!tpu.dma_semaphore, #tpu.memory_space<semaphore_mem>>) src(%arg12 : memref<16x128xf32, #tpu.memory_space<vmem>>) dst(%dma_wait3A_464 : memref<5120x128xf32, #tpu.memory_space<vmem_shared>>)
      %dma_start3A_465 = arith.constant 6 : i32
      %dma_start3A_466 = arith.constant 0 : i32
      %dma_start3A_467 = tpu.memref_slice %arg9[%dma_start3A_465, %dma_start3A_466] : memref<8x16xi32, #tpu.memory_space<vmem>> -> memref<1x16xi32, #tpu.memory_space<vmem>>
      %dma_start3A_468 = tpu.memref_squeeze %dma_start3A_467 : memref<1x16xi32, #tpu.memory_space<vmem>> -> memref<16xi32, #tpu.memory_space<vmem>>
      %dma_start3A_469 = arith.constant 0 : i32
      %dma_start3A_470 = arith.constant 0 : i32
      %dma_start3A_471 = tpu.memref_slice %arg14[%dma_start3A_469, %dma_start3A_470] : memref<10000x128xf32, #tpu.memory_space<vmem_shared>> -> memref<10000x128xf32, #tpu.memory_space<vmem_shared>>
      tpu.enqueue_indirect_dma source(%dma_start3A_471 : memref<10000x128xf32, #tpu.memory_space<vmem_shared>>) target(%arg12 : memref<16x128xf32, #tpu.memory_space<vmem>>) offsets(%dma_start3A_468 : memref<16xi32, #tpu.memory_space<vmem>>) semaphore(%arg16 : memref<!tpu.dma_semaphore, #tpu.memory_space<semaphore_mem>>)
      %dma_wait3A_472 = arith.constant 5 : i32
      %dma_wait3A_473 = arith.constant 0 : i32
      %dma_wait3A_474 = tpu.memref_slice %arg9[%dma_wait3A_472, %dma_wait3A_473] : memref<8x16xi32, #tpu.memory_space<vmem>> -> memref<1x16xi32, #tpu.memory_space<vmem>>
      %dma_wait3A_475 = tpu.memref_squeeze %dma_wait3A_474 : memref<1x16xi32, #tpu.memory_space<vmem>> -> memref<16xi32, #tpu.memory_space<vmem>>
      %dma_wait3A_476 = arith.constant 0 : i32
      %dma_wait3A_477 = arith.constant 0 : i32
      %dma_wait3A_478 = tpu.memref_slice %arg14[%dma_wait3A_476, %dma_wait3A_477] : memref<10000x128xf32, #tpu.memory_space<vmem_shared>> -> memref<10000x128xf32, #tpu.memory_space<vmem_shared>>
      tpu.wait_indirect_dma semaphore(%arg17 : memref<!tpu.dma_semaphore, #tpu.memory_space<semaphore_mem>>) src(%dma_wait3A_478 : memref<10000x128xf32, #tpu.memory_space<vmem_shared>>) dst(%arg13 : memref<16x128xf32, #tpu.memory_space<vmem>>)
      %dma_start3A_479 = arith.constant 5 : i32
      %dma_start3A_480 = arith.constant 0 : i32
      %dma_start3A_481 = tpu.memref_slice %arg11[%dma_start3A_479, %dma_start3A_480] : memref<8x16xi32, #tpu.memory_space<vmem>> -> memref<1x16xi32, #tpu.memory_space<vmem>>
      %dma_start3A_482 = tpu.memref_squeeze %dma_start3A_481 : memref<1x16xi32, #tpu.memory_space<vmem>> -> memref<16xi32, #tpu.memory_space<vmem>>
      %dma_start3A_483 = arith.constant 0 : i32
      %dma_start3A_484 = arith.constant 0 : i32
      %dma_start3A_485 = tpu.memref_slice %arg15[%dma_start3A_483, %dma_start3A_484] : memref<5120x128xf32, #tpu.memory_space<vmem_shared>> -> memref<5120x128xf32, #tpu.memory_space<vmem_shared>>
      tpu.enqueue_indirect_dma source(%arg13 : memref<16x128xf32, #tpu.memory_space<vmem>>) target(%dma_start3A_485 : memref<5120x128xf32, #tpu.memory_space<vmem_shared>>) offsets(%dma_start3A_482 : memref<16xi32, #tpu.memory_space<vmem>>) semaphore(%arg19 : memref<!tpu.dma_semaphore, #tpu.memory_space<semaphore_mem>>) {add = true}
      %dma_wait3A_486 = arith.constant 5 : i32
      %dma_wait3A_487 = arith.constant 0 : i32
      %dma_wait3A_488 = tpu.memref_slice %arg11[%dma_wait3A_486, %dma_wait3A_487] : memref<8x16xi32, #tpu.memory_space<vmem>> -> memref<1x16xi32, #tpu.memory_space<vmem>>
      %dma_wait3A_489 = tpu.memref_squeeze %dma_wait3A_488 : memref<1x16xi32, #tpu.memory_space<vmem>> -> memref<16xi32, #tpu.memory_space<vmem>>
      %dma_wait3A_490 = arith.constant 0 : i32
      %dma_wait3A_491 = arith.constant 0 : i32
      %dma_wait3A_492 = tpu.memref_slice %arg15[%dma_wait3A_490, %dma_wait3A_491] : memref<5120x128xf32, #tpu.memory_space<vmem_shared>> -> memref<5120x128xf32, #tpu.memory_space<vmem_shared>>
      tpu.wait_indirect_dma semaphore(%arg19 : memref<!tpu.dma_semaphore, #tpu.memory_space<semaphore_mem>>) src(%arg13 : memref<16x128xf32, #tpu.memory_space<vmem>>) dst(%dma_wait3A_492 : memref<5120x128xf32, #tpu.memory_space<vmem_shared>>)
      %dma_start3A_493 = arith.constant 7 : i32
      %dma_start3A_494 = arith.constant 0 : i32
      %dma_start3A_495 = tpu.memref_slice %arg9[%dma_start3A_493, %dma_start3A_494] : memref<8x16xi32, #tpu.memory_space<vmem>> -> memref<1x16xi32, #tpu.memory_space<vmem>>
      %dma_start3A_496 = tpu.memref_squeeze %dma_start3A_495 : memref<1x16xi32, #tpu.memory_space<vmem>> -> memref<16xi32, #tpu.memory_space<vmem>>
      %dma_start3A_497 = arith.constant 0 : i32
      %dma_start3A_498 = arith.constant 0 : i32
      %dma_start3A_499 = tpu.memref_slice %arg14[%dma_start3A_497, %dma_start3A_498] : memref<10000x128xf32, #tpu.memory_space<vmem_shared>> -> memref<10000x128xf32, #tpu.memory_space<vmem_shared>>
      tpu.enqueue_indirect_dma source(%dma_start3A_499 : memref<10000x128xf32, #tpu.memory_space<vmem_shared>>) target(%arg13 : memref<16x128xf32, #tpu.memory_space<vmem>>) offsets(%dma_start3A_496 : memref<16xi32, #tpu.memory_space<vmem>>) semaphore(%arg17 : memref<!tpu.dma_semaphore, #tpu.memory_space<semaphore_mem>>)
      %dma_wait3A_500 = arith.constant 6 : i32
      %dma_wait3A_501 = arith.constant 0 : i32
      %dma_wait3A_502 = tpu.memref_slice %arg9[%dma_wait3A_500, %dma_wait3A_501] : memref<8x16xi32, #tpu.memory_space<vmem>> -> memref<1x16xi32, #tpu.memory_space<vmem>>
      %dma_wait3A_503 = tpu.memref_squeeze %dma_wait3A_502 : memref<1x16xi32, #tpu.memory_space<vmem>> -> memref<16xi32, #tpu.memory_space<vmem>>
      %dma_wait3A_504 = arith.constant 0 : i32
      %dma_wait3A_505 = arith.constant 0 : i32
      %dma_wait3A_506 = tpu.memref_slice %arg14[%dma_wait3A_504, %dma_wait3A_505] : memref<10000x128xf32, #tpu.memory_space<vmem_shared>> -> memref<10000x128xf32, #tpu.memory_space<vmem_shared>>
      tpu.wait_indirect_dma semaphore(%arg16 : memref<!tpu.dma_semaphore, #tpu.memory_space<semaphore_mem>>) src(%dma_wait3A_506 : memref<10000x128xf32, #tpu.memory_space<vmem_shared>>) dst(%arg12 : memref<16x128xf32, #tpu.memory_space<vmem>>)
      %dma_start3A_507 = arith.constant 6 : i32
      %dma_start3A_508 = arith.constant 0 : i32
      %dma_start3A_509 = tpu.memref_slice %arg11[%dma_start3A_507, %dma_start3A_508] : memref<8x16xi32, #tpu.memory_space<vmem>> -> memref<1x16xi32, #tpu.memory_space<vmem>>
      %dma_start3A_510 = tpu.memref_squeeze %dma_start3A_509 : memref<1x16xi32, #tpu.memory_space<vmem>> -> memref<16xi32, #tpu.memory_space<vmem>>
      %dma_start3A_511 = arith.constant 0 : i32
      %dma_start3A_512 = arith.constant 0 : i32
      %dma_start3A_513 = tpu.memref_slice %arg15[%dma_start3A_511, %dma_start3A_512] : memref<5120x128xf32, #tpu.memory_space<vmem_shared>> -> memref<5120x128xf32, #tpu.memory_space<vmem_shared>>
      tpu.enqueue_indirect_dma source(%arg12 : memref<16x128xf32, #tpu.memory_space<vmem>>) target(%dma_start3A_513 : memref<5120x128xf32, #tpu.memory_space<vmem_shared>>) offsets(%dma_start3A_510 : memref<16xi32, #tpu.memory_space<vmem>>) semaphore(%arg18 : memref<!tpu.dma_semaphore, #tpu.memory_space<semaphore_mem>>) {add = true}
      %dma_wait3A_514 = arith.constant 7 : i32
      %dma_wait3A_515 = arith.constant 0 : i32
      %dma_wait3A_516 = tpu.memref_slice %arg9[%dma_wait3A_514, %dma_wait3A_515] : memref<8x16xi32, #tpu.memory_space<vmem>> -> memref<1x16xi32, #tpu.memory_space<vmem>>
      %dma_wait3A_517 = tpu.memref_squeeze %dma_wait3A_516 : memref<1x16xi32, #tpu.memory_space<vmem>> -> memref<16xi32, #tpu.memory_space<vmem>>
      %dma_wait3A_518 = arith.constant 0 : i32
      %dma_wait3A_519 = arith.constant 0 : i32
      %dma_wait3A_520 = tpu.memref_slice %arg14[%dma_wait3A_518, %dma_wait3A_519] : memref<10000x128xf32, #tpu.memory_space<vmem_shared>> -> memref<10000x128xf32, #tpu.memory_space<vmem_shared>>
      tpu.wait_indirect_dma semaphore(%arg17 : memref<!tpu.dma_semaphore, #tpu.memory_space<semaphore_mem>>) src(%dma_wait3A_520 : memref<10000x128xf32, #tpu.memory_space<vmem_shared>>) dst(%arg13 : memref<16x128xf32, #tpu.memory_space<vmem>>)
      %dma_start3A_521 = arith.constant 7 : i32
      %dma_start3A_522 = arith.constant 0 : i32
      %dma_start3A_523 = tpu.memref_slice %arg11[%dma_start3A_521, %dma_start3A_522] : memref<8x16xi32, #tpu.memory_space<vmem>> -> memref<1x16xi32, #tpu.memory_space<vmem>>
      %dma_start3A_524 = tpu.memref_squeeze %dma_start3A_523 : memref<1x16xi32, #tpu.memory_space<vmem>> -> memref<16xi32, #tpu.memory_space<vmem>>
      %dma_start3A_525 = arith.constant 0 : i32
      %dma_start3A_526 = arith.constant 0 : i32
      %dma_start3A_527 = tpu.memref_slice %arg15[%dma_start3A_525, %dma_start3A_526] : memref<5120x128xf32, #tpu.memory_space<vmem_shared>> -> memref<5120x128xf32, #tpu.memory_space<vmem_shared>>
      tpu.enqueue_indirect_dma source(%arg13 : memref<16x128xf32, #tpu.memory_space<vmem>>) target(%dma_start3A_527 : memref<5120x128xf32, #tpu.memory_space<vmem_shared>>) offsets(%dma_start3A_524 : memref<16xi32, #tpu.memory_space<vmem>>) semaphore(%arg19 : memref<!tpu.dma_semaphore, #tpu.memory_space<semaphore_mem>>) {add = true}
      %dma_wait3A_528 = arith.constant 6 : i32
      %dma_wait3A_529 = arith.constant 0 : i32
      %dma_wait3A_530 = tpu.memref_slice %arg11[%dma_wait3A_528, %dma_wait3A_529] : memref<8x16xi32, #tpu.memory_space<vmem>> -> memref<1x16xi32, #tpu.memory_space<vmem>>
      %dma_wait3A_531 = tpu.memref_squeeze %dma_wait3A_530 : memref<1x16xi32, #tpu.memory_space<vmem>> -> memref<16xi32, #tpu.memory_space<vmem>>
      %dma_wait3A_532 = arith.constant 0 : i32
      %dma_wait3A_533 = arith.constant 0 : i32
      %dma_wait3A_534 = tpu.memref_slice %arg15[%dma_wait3A_532, %dma_wait3A_533] : memref<5120x128xf32, #tpu.memory_space<vmem_shared>> -> memref<5120x128xf32, #tpu.memory_space<vmem_shared>>
      tpu.wait_indirect_dma semaphore(%arg18 : memref<!tpu.dma_semaphore, #tpu.memory_space<semaphore_mem>>) src(%arg12 : memref<16x128xf32, #tpu.memory_space<vmem>>) dst(%dma_wait3A_534 : memref<5120x128xf32, #tpu.memory_space<vmem_shared>>)
      %dma_wait3A_535 = arith.constant 7 : i32
      %dma_wait3A_536 = arith.constant 0 : i32
      %dma_wait3A_537 = tpu.memref_slice %arg11[%dma_wait3A_535, %dma_wait3A_536] : memref<8x16xi32, #tpu.memory_space<vmem>> -> memref<1x16xi32, #tpu.memory_space<vmem>>
      %dma_wait3A_538 = tpu.memref_squeeze %dma_wait3A_537 : memref<1x16xi32, #tpu.memory_space<vmem>> -> memref<16xi32, #tpu.memory_space<vmem>>
      %dma_wait3A_539 = arith.constant 0 : i32
      %dma_wait3A_540 = arith.constant 0 : i32
      %dma_wait3A_541 = tpu.memref_slice %arg15[%dma_wait3A_539, %dma_wait3A_540] : memref<5120x128xf32, #tpu.memory_space<vmem_shared>> -> memref<5120x128xf32, #tpu.memory_space<vmem_shared>>
      tpu.wait_indirect_dma semaphore(%arg19 : memref<!tpu.dma_semaphore, #tpu.memory_space<semaphore_mem>>) src(%arg13 : memref<16x128xf32, #tpu.memory_space<vmem>>) dst(%dma_wait3A_541 : memref<5120x128xf32, #tpu.memory_space<vmem_shared>>)
      %scan3A_542 = arith.constant 0 : i32
      scf.yield %scan3A_542 : i32
    }
    %scan3A_42 = arith.constant 40 : i32
    %barrier3A_43 = arith.constant 0 : index
    tpu.barrier barrier_id(%barrier3A_43)
    %mul3A_44 = arith.constant 320 : i32
    %mul3A_45 = arith.muli %arg1, %mul3A_44 : i32
    %mul3A_46 = arith.constant 320 : i32
    %mul3A_47 = arith.muli %arg1, %mul3A_46 : i32
    %run_scoped3A_48 = arith.constant 1 : i32
    "tpu.region"() ({
      %run_scoped3A_49 = tpu.sem_alloc : memref<!tpu.dma_semaphore, #tpu.memory_space<semaphore_mem>>
      %dma_start3A_50 = arith.constant 0 : i32
      %dma_start3A_51 = arith.constant 0 : i32
      %dma_start3A_52 = arith.constant 0 : i32
      %dma_start3A_53 = tpu.memref_slice %arg7[%run_scoped3A_48, %dma_start3A_50, %dma_start3A_51, %dma_start3A_52] : memref<2x2x5120x128xf32, #tpu.memory_space<hbm>> -> memref<1x2x5120x128xf32, #tpu.memory_space<hbm>>
      %dma_start3A_54 = tpu.memref_squeeze %dma_start3A_53 : memref<1x2x5120x128xf32, #tpu.memory_space<hbm>> -> memref<2x5120x128xf32, #tpu.memory_space<hbm>>
      %dma_start3A_55 = arith.constant 0 : i32
      %dma_start3A_56 = arith.constant 0 : i32
      %dma_start3A_57 = tpu.memref_slice %dma_start3A_54[%arg0, %dma_start3A_55, %dma_start3A_56] : memref<2x5120x128xf32, #tpu.memory_space<hbm>> -> memref<1x5120x128xf32, #tpu.memory_space<hbm>>
      %dma_start3A_58 = tpu.memref_squeeze %dma_start3A_57 : memref<1x5120x128xf32, #tpu.memory_space<hbm>> -> memref<5120x128xf32, #tpu.memory_space<hbm>>
      %dma_start3A_59 = arith.constant 0 : i32
      %dma_start3A_60 = tpu.memref_slice %dma_start3A_58[%mul3A_47, %dma_start3A_59] : memref<5120x128xf32, #tpu.memory_space<hbm>> -> memref<320x128xf32, #tpu.memory_space<hbm>>
      %dma_start3A_61 = arith.constant 0 : i32
      %dma_start3A_62 = tpu.memref_slice %arg15[%mul3A_45, %dma_start3A_61] : memref<5120x128xf32, #tpu.memory_space<vmem_shared>> -> memref<320x128xf32, #tpu.memory_space<vmem_shared>>
      tpu.enqueue_dma source(%dma_start3A_62 : memref<320x128xf32, #tpu.memory_space<vmem_shared>>) target(%dma_start3A_60 : memref<320x128xf32, #tpu.memory_space<hbm>>) target_semaphore(%run_scoped3A_49 : memref<!tpu.dma_semaphore, #tpu.memory_space<semaphore_mem>>)
      %dma_wait3A = arith.constant 0 : i32
      %dma_wait3A_63 = arith.constant 0 : i32
      %dma_wait3A_64 = arith.constant 0 : i32
      %dma_wait3A_65 = tpu.memref_slice %arg7[%run_scoped3A_48, %dma_wait3A, %dma_wait3A_63, %dma_wait3A_64] : memref<2x2x5120x128xf32, #tpu.memory_space<hbm>> -> memref<1x2x5120x128xf32, #tpu.memory_space<hbm>>
      %dma_wait3A_66 = tpu.memref_squeeze %dma_wait3A_65 : memref<1x2x5120x128xf32, #tpu.memory_space<hbm>> -> memref<2x5120x128xf32, #tpu.memory_space<hbm>>
      %dma_wait3A_67 = arith.constant 0 : i32
      %dma_wait3A_68 = arith.constant 0 : i32
      %dma_wait3A_69 = tpu.memref_slice %dma_wait3A_66[%arg0, %dma_wait3A_67, %dma_wait3A_68] : memref<2x5120x128xf32, #tpu.memory_space<hbm>> -> memref<1x5120x128xf32, #tpu.memory_space<hbm>>
      %dma_wait3A_70 = tpu.memref_squeeze %dma_wait3A_69 : memref<1x5120x128xf32, #tpu.memory_space<hbm>> -> memref<5120x128xf32, #tpu.memory_space<hbm>>
      %dma_wait3A_71 = arith.constant 0 : i32
      %dma_wait3A_72 = tpu.memref_slice %dma_wait3A_70[%mul3A_47, %dma_wait3A_71] : memref<5120x128xf32, #tpu.memory_space<hbm>> -> memref<320x128xf32, #tpu.memory_space<hbm>>
      %dma_wait3A_73 = arith.constant 0 : i32
      %dma_wait3A_74 = tpu.memref_slice %arg15[%mul3A_45, %dma_wait3A_73] : memref<5120x128xf32, #tpu.memory_space<vmem_shared>> -> memref<320x128xf32, #tpu.memory_space<vmem_shared>>
      tpu.wait_dma2 semaphore(%run_scoped3A_49 : memref<!tpu.dma_semaphore, #tpu.memory_space<semaphore_mem>>) src(%dma_wait3A_74 : memref<320x128xf32, #tpu.memory_space<vmem_shared>>) dst(%dma_wait3A_72 : memref<320x128xf32, #tpu.memory_space<hbm>>)
      tpu.yield
    }) : () -> ()
    return
  }
}

#map = affine_map<(d0, d1) -> (0, 0)>
#map1 = affine_map<(d0, d1) -> (0, 0, 0)>
module attributes {stable_mosaic.version = 14 : i64} {
  func.func @_sc_degree(%arg0: i32, %arg1: i32, %arg2: memref<5120x64xi32, #tpu.memory_space<hbm>>, %arg3: memref<64x128xf32, #tpu.memory_space<hbm>>, %arg4: memref<632x128xf32, #tpu.memory_space<hbm>>, %arg5: memref<2x10112x128xf32, #tpu.memory_space<hbm>>, %arg6: memref<160x64xi32, #tpu.memory_space<vmem>>, %arg7: memref<64x128xf32, #tpu.memory_space<vmem>>, %arg8: memref<10112x128xf32, #tpu.memory_space<vmem_shared>>, %arg9: memref<!tpu.dma_semaphore, #tpu.memory_space<semaphore_mem>>, %arg10: memref<!tpu.dma_semaphore, #tpu.memory_space<semaphore_mem>>, %arg11: memref<!tpu.dma_semaphore, #tpu.memory_space<semaphore_mem>>, %arg12: memref<!tpu.dma_semaphore, #tpu.memory_space<semaphore_mem>>) attributes {dimension_semantics = [#tpu.dimension_semantics<core_parallel>, #tpu.dimension_semantics<subcore_parallel>], iteration_bounds = array<i64: 2, 16>, scalar_prefetch = 0 : i64, scratch_operands = 7 : i64, tpu.core_type = #tpu.core_type<sc_vector_subcore>, window_params = [{transform_indices = #map}, {transform_indices = #map}, {transform_indices = #map}, {transform_indices = #map1}]} {
    %mul3A = arith.constant 2 : i32
    %mul3A_0 = arith.muli %arg1, %mul3A : i32
    %add3A = arith.addi %mul3A_0, %arg0 : i32
    %mul3A_1 = arith.constant 160 : i32
    %mul3A_2 = arith.muli %add3A, %mul3A_1 : i32
    "tpu.region"() ({
      %run_scoped3A = tpu.sem_alloc : memref<!tpu.dma_semaphore, #tpu.memory_space<semaphore_mem>>
      %dma_start3A = arith.constant 0 : i32
      %dma_start3A_16 = tpu.memref_slice %arg2[%mul3A_2, %dma_start3A] : memref<5120x64xi32, #tpu.memory_space<hbm>> -> memref<160x64xi32, #tpu.memory_space<hbm>>
      %dma_start3A_17 = arith.constant 0 : i32
      %dma_start3A_18 = tpu.memref_slice %arg2[%mul3A_2, %dma_start3A_17] : memref<5120x64xi32, #tpu.memory_space<hbm>> -> memref<160x64xi32, #tpu.memory_space<hbm>>
      tpu.enqueue_dma source(%dma_start3A_18 : memref<160x64xi32, #tpu.memory_space<hbm>>) target(%arg6 : memref<160x64xi32, #tpu.memory_space<vmem>>) target_semaphore(%run_scoped3A : memref<!tpu.dma_semaphore, #tpu.memory_space<semaphore_mem>>)
      %dma_wait3A = arith.constant 0 : i32
      %dma_wait3A_19 = tpu.memref_slice %arg2[%mul3A_2, %dma_wait3A] : memref<5120x64xi32, #tpu.memory_space<hbm>> -> memref<160x64xi32, #tpu.memory_space<hbm>>
      %dma_wait3A_20 = arith.constant 0 : i32
      %dma_wait3A_21 = tpu.memref_slice %arg2[%mul3A_2, %dma_wait3A_20] : memref<5120x64xi32, #tpu.memory_space<hbm>> -> memref<160x64xi32, #tpu.memory_space<hbm>>
      tpu.wait_dma2 semaphore(%run_scoped3A : memref<!tpu.dma_semaphore, #tpu.memory_space<semaphore_mem>>) src(%dma_wait3A_21 : memref<160x64xi32, #tpu.memory_space<hbm>>) dst(%arg6 : memref<160x64xi32, #tpu.memory_space<vmem>>)
      tpu.yield
    }) : () -> ()
    "tpu.region"() ({
      %run_scoped3A = tpu.sem_alloc : memref<!tpu.dma_semaphore, #tpu.memory_space<semaphore_mem>>
      tpu.enqueue_dma source(%arg3 : memref<64x128xf32, #tpu.memory_space<hbm>>) target(%arg7 : memref<64x128xf32, #tpu.memory_space<vmem>>) target_semaphore(%run_scoped3A : memref<!tpu.dma_semaphore, #tpu.memory_space<semaphore_mem>>)
      tpu.wait_dma2 semaphore(%run_scoped3A : memref<!tpu.dma_semaphore, #tpu.memory_space<semaphore_mem>>) src(%arg3 : memref<64x128xf32, #tpu.memory_space<hbm>>) dst(%arg7 : memref<64x128xf32, #tpu.memory_space<vmem>>)
      tpu.yield
    }) : () -> ()
    %mul3A_3 = arith.constant 632 : i32
    %mul3A_4 = arith.muli %arg1, %mul3A_3 : i32
    "tpu.region"() ({
      %run_scoped3A = tpu.sem_alloc : memref<!tpu.dma_semaphore, #tpu.memory_space<semaphore_mem>>
      %dma_start3A = arith.constant 0 : i32
      %dma_start3A_16 = tpu.memref_slice %arg8[%mul3A_4, %dma_start3A] : memref<10112x128xf32, #tpu.memory_space<vmem_shared>> -> memref<632x128xf32, #tpu.memory_space<vmem_shared>>
      tpu.enqueue_dma source(%arg4 : memref<632x128xf32, #tpu.memory_space<hbm>>) target(%dma_start3A_16 : memref<632x128xf32, #tpu.memory_space<vmem_shared>>) target_semaphore(%run_scoped3A : memref<!tpu.dma_semaphore, #tpu.memory_space<semaphore_mem>>)
      %dma_wait3A = arith.constant 0 : i32
      %dma_wait3A_17 = tpu.memref_slice %arg8[%mul3A_4, %dma_wait3A] : memref<10112x128xf32, #tpu.memory_space<vmem_shared>> -> memref<632x128xf32, #tpu.memory_space<vmem_shared>>
      tpu.wait_dma2 semaphore(%run_scoped3A : memref<!tpu.dma_semaphore, #tpu.memory_space<semaphore_mem>>) src(%arg4 : memref<632x128xf32, #tpu.memory_space<hbm>>) dst(%dma_wait3A_17 : memref<632x128xf32, #tpu.memory_space<vmem_shared>>)
      tpu.yield
    }) : () -> ()
    %barrier3A = arith.constant 0 : index
    tpu.barrier barrier_id(%barrier3A)
    %scan3A = arith.constant 0 : i32
    %scan3A_5 = arith.constant 0 : i32
    %scan3A_6 = arith.constant 40 : i32
    %scan3A_7 = arith.addi %scan3A_5, %scan3A_6 : i32
    %scan3A_8 = arith.constant 1 : i32
    %scan3A_9 = scf.for %scan3A_16 = %scan3A_5 to %scan3A_7 step %scan3A_8 iter_args(%scan3A_17 = %scan3A) -> (i32)  : i32 {
      %mul3A_18 = arith.constant 4 : i32
      %mul3A_19 = arith.muli %scan3A_16, %mul3A_18 : i32
      %add3A_20 = arith.constant 0 : i32
      %add3A_21 = arith.addi %mul3A_19, %add3A_20 : i32
      %dma_start3A = arith.constant 0 : i32
      %dma_start3A_22 = tpu.memref_slice %arg6[%add3A_21, %dma_start3A] : memref<160x64xi32, #tpu.memory_space<vmem>> -> memref<1x64xi32, #tpu.memory_space<vmem>>
      %dma_start3A_23 = tpu.memref_squeeze %dma_start3A_22 : memref<1x64xi32, #tpu.memory_space<vmem>> -> memref<64xi32, #tpu.memory_space<vmem>>
      %dma_start3A_24 = arith.constant 0 : i32
      %dma_start3A_25 = arith.constant 0 : i32
      %dma_start3A_26 = tpu.memref_slice %arg8[%dma_start3A_24, %dma_start3A_25] : memref<10112x128xf32, #tpu.memory_space<vmem_shared>> -> memref<10112x128xf32, #tpu.memory_space<vmem_shared>>
      tpu.enqueue_indirect_dma source(%arg7 : memref<64x128xf32, #tpu.memory_space<vmem>>) target(%dma_start3A_26 : memref<10112x128xf32, #tpu.memory_space<vmem_shared>>) offsets(%dma_start3A_23 : memref<64xi32, #tpu.memory_space<vmem>>) semaphore(%arg9 : memref<!tpu.dma_semaphore, #tpu.memory_space<semaphore_mem>>) {add = true}
      %mul3A_27 = arith.constant 4 : i32
      %mul3A_28 = arith.muli %scan3A_16, %mul3A_27 : i32
      %add3A_29 = arith.constant 1 : i32
      %add3A_30 = arith.addi %mul3A_28, %add3A_29 : i32
      %dma_start3A_31 = arith.constant 0 : i32
      %dma_start3A_32 = tpu.memref_slice %arg6[%add3A_30, %dma_start3A_31] : memref<160x64xi32, #tpu.memory_space<vmem>> -> memref<1x64xi32, #tpu.memory_space<vmem>>
      %dma_start3A_33 = tpu.memref_squeeze %dma_start3A_32 : memref<1x64xi32, #tpu.memory_space<vmem>> -> memref<64xi32, #tpu.memory_space<vmem>>
      %dma_start3A_34 = arith.constant 0 : i32
      %dma_start3A_35 = arith.constant 0 : i32
      %dma_start3A_36 = tpu.memref_slice %arg8[%dma_start3A_34, %dma_start3A_35] : memref<10112x128xf32, #tpu.memory_space<vmem_shared>> -> memref<10112x128xf32, #tpu.memory_space<vmem_shared>>
      tpu.enqueue_indirect_dma source(%arg7 : memref<64x128xf32, #tpu.memory_space<vmem>>) target(%dma_start3A_36 : memref<10112x128xf32, #tpu.memory_space<vmem_shared>>) offsets(%dma_start3A_33 : memref<64xi32, #tpu.memory_space<vmem>>) semaphore(%arg10 : memref<!tpu.dma_semaphore, #tpu.memory_space<semaphore_mem>>) {add = true}
      %mul3A_37 = arith.constant 4 : i32
      %mul3A_38 = arith.muli %scan3A_16, %mul3A_37 : i32
      %add3A_39 = arith.constant 2 : i32
      %add3A_40 = arith.addi %mul3A_38, %add3A_39 : i32
      %dma_start3A_41 = arith.constant 0 : i32
      %dma_start3A_42 = tpu.memref_slice %arg6[%add3A_40, %dma_start3A_41] : memref<160x64xi32, #tpu.memory_space<vmem>> -> memref<1x64xi32, #tpu.memory_space<vmem>>
      %dma_start3A_43 = tpu.memref_squeeze %dma_start3A_42 : memref<1x64xi32, #tpu.memory_space<vmem>> -> memref<64xi32, #tpu.memory_space<vmem>>
      %dma_start3A_44 = arith.constant 0 : i32
      %dma_start3A_45 = arith.constant 0 : i32
      %dma_start3A_46 = tpu.memref_slice %arg8[%dma_start3A_44, %dma_start3A_45] : memref<10112x128xf32, #tpu.memory_space<vmem_shared>> -> memref<10112x128xf32, #tpu.memory_space<vmem_shared>>
      tpu.enqueue_indirect_dma source(%arg7 : memref<64x128xf32, #tpu.memory_space<vmem>>) target(%dma_start3A_46 : memref<10112x128xf32, #tpu.memory_space<vmem_shared>>) offsets(%dma_start3A_43 : memref<64xi32, #tpu.memory_space<vmem>>) semaphore(%arg11 : memref<!tpu.dma_semaphore, #tpu.memory_space<semaphore_mem>>) {add = true}
      %mul3A_47 = arith.constant 4 : i32
      %mul3A_48 = arith.muli %scan3A_16, %mul3A_47 : i32
      %add3A_49 = arith.constant 3 : i32
      %add3A_50 = arith.addi %mul3A_48, %add3A_49 : i32
      %dma_start3A_51 = arith.constant 0 : i32
      %dma_start3A_52 = tpu.memref_slice %arg6[%add3A_50, %dma_start3A_51] : memref<160x64xi32, #tpu.memory_space<vmem>> -> memref<1x64xi32, #tpu.memory_space<vmem>>
      %dma_start3A_53 = tpu.memref_squeeze %dma_start3A_52 : memref<1x64xi32, #tpu.memory_space<vmem>> -> memref<64xi32, #tpu.memory_space<vmem>>
      %dma_start3A_54 = arith.constant 0 : i32
      %dma_start3A_55 = arith.constant 0 : i32
      %dma_start3A_56 = tpu.memref_slice %arg8[%dma_start3A_54, %dma_start3A_55] : memref<10112x128xf32, #tpu.memory_space<vmem_shared>> -> memref<10112x128xf32, #tpu.memory_space<vmem_shared>>
      tpu.enqueue_indirect_dma source(%arg7 : memref<64x128xf32, #tpu.memory_space<vmem>>) target(%dma_start3A_56 : memref<10112x128xf32, #tpu.memory_space<vmem_shared>>) offsets(%dma_start3A_53 : memref<64xi32, #tpu.memory_space<vmem>>) semaphore(%arg12 : memref<!tpu.dma_semaphore, #tpu.memory_space<semaphore_mem>>) {add = true}
      %mul3A_57 = arith.constant 4 : i32
      %mul3A_58 = arith.muli %scan3A_16, %mul3A_57 : i32
      %add3A_59 = arith.constant 0 : i32
      %add3A_60 = arith.addi %mul3A_58, %add3A_59 : i32
      %dma_wait3A = arith.constant 0 : i32
      %dma_wait3A_61 = tpu.memref_slice %arg6[%add3A_60, %dma_wait3A] : memref<160x64xi32, #tpu.memory_space<vmem>> -> memref<1x64xi32, #tpu.memory_space<vmem>>
      %dma_wait3A_62 = tpu.memref_squeeze %dma_wait3A_61 : memref<1x64xi32, #tpu.memory_space<vmem>> -> memref<64xi32, #tpu.memory_space<vmem>>
      %dma_wait3A_63 = arith.constant 0 : i32
      %dma_wait3A_64 = arith.constant 0 : i32
      %dma_wait3A_65 = tpu.memref_slice %arg8[%dma_wait3A_63, %dma_wait3A_64] : memref<10112x128xf32, #tpu.memory_space<vmem_shared>> -> memref<10112x128xf32, #tpu.memory_space<vmem_shared>>
      tpu.wait_indirect_dma semaphore(%arg9 : memref<!tpu.dma_semaphore, #tpu.memory_space<semaphore_mem>>) src(%arg7 : memref<64x128xf32, #tpu.memory_space<vmem>>) dst(%dma_wait3A_65 : memref<10112x128xf32, #tpu.memory_space<vmem_shared>>)
      %mul3A_66 = arith.constant 4 : i32
      %mul3A_67 = arith.muli %scan3A_16, %mul3A_66 : i32
      %add3A_68 = arith.constant 1 : i32
      %add3A_69 = arith.addi %mul3A_67, %add3A_68 : i32
      %dma_wait3A_70 = arith.constant 0 : i32
      %dma_wait3A_71 = tpu.memref_slice %arg6[%add3A_69, %dma_wait3A_70] : memref<160x64xi32, #tpu.memory_space<vmem>> -> memref<1x64xi32, #tpu.memory_space<vmem>>
      %dma_wait3A_72 = tpu.memref_squeeze %dma_wait3A_71 : memref<1x64xi32, #tpu.memory_space<vmem>> -> memref<64xi32, #tpu.memory_space<vmem>>
      %dma_wait3A_73 = arith.constant 0 : i32
      %dma_wait3A_74 = arith.constant 0 : i32
      %dma_wait3A_75 = tpu.memref_slice %arg8[%dma_wait3A_73, %dma_wait3A_74] : memref<10112x128xf32, #tpu.memory_space<vmem_shared>> -> memref<10112x128xf32, #tpu.memory_space<vmem_shared>>
      tpu.wait_indirect_dma semaphore(%arg10 : memref<!tpu.dma_semaphore, #tpu.memory_space<semaphore_mem>>) src(%arg7 : memref<64x128xf32, #tpu.memory_space<vmem>>) dst(%dma_wait3A_75 : memref<10112x128xf32, #tpu.memory_space<vmem_shared>>)
      %mul3A_76 = arith.constant 4 : i32
      %mul3A_77 = arith.muli %scan3A_16, %mul3A_76 : i32
      %add3A_78 = arith.constant 2 : i32
      %add3A_79 = arith.addi %mul3A_77, %add3A_78 : i32
      %dma_wait3A_80 = arith.constant 0 : i32
      %dma_wait3A_81 = tpu.memref_slice %arg6[%add3A_79, %dma_wait3A_80] : memref<160x64xi32, #tpu.memory_space<vmem>> -> memref<1x64xi32, #tpu.memory_space<vmem>>
      %dma_wait3A_82 = tpu.memref_squeeze %dma_wait3A_81 : memref<1x64xi32, #tpu.memory_space<vmem>> -> memref<64xi32, #tpu.memory_space<vmem>>
      %dma_wait3A_83 = arith.constant 0 : i32
      %dma_wait3A_84 = arith.constant 0 : i32
      %dma_wait3A_85 = tpu.memref_slice %arg8[%dma_wait3A_83, %dma_wait3A_84] : memref<10112x128xf32, #tpu.memory_space<vmem_shared>> -> memref<10112x128xf32, #tpu.memory_space<vmem_shared>>
      tpu.wait_indirect_dma semaphore(%arg11 : memref<!tpu.dma_semaphore, #tpu.memory_space<semaphore_mem>>) src(%arg7 : memref<64x128xf32, #tpu.memory_space<vmem>>) dst(%dma_wait3A_85 : memref<10112x128xf32, #tpu.memory_space<vmem_shared>>)
      %mul3A_86 = arith.constant 4 : i32
      %mul3A_87 = arith.muli %scan3A_16, %mul3A_86 : i32
      %add3A_88 = arith.constant 3 : i32
      %add3A_89 = arith.addi %mul3A_87, %add3A_88 : i32
      %dma_wait3A_90 = arith.constant 0 : i32
      %dma_wait3A_91 = tpu.memref_slice %arg6[%add3A_89, %dma_wait3A_90] : memref<160x64xi32, #tpu.memory_space<vmem>> -> memref<1x64xi32, #tpu.memory_space<vmem>>
      %dma_wait3A_92 = tpu.memref_squeeze %dma_wait3A_91 : memref<1x64xi32, #tpu.memory_space<vmem>> -> memref<64xi32, #tpu.memory_space<vmem>>
      %dma_wait3A_93 = arith.constant 0 : i32
      %dma_wait3A_94 = arith.constant 0 : i32
      %dma_wait3A_95 = tpu.memref_slice %arg8[%dma_wait3A_93, %dma_wait3A_94] : memref<10112x128xf32, #tpu.memory_space<vmem_shared>> -> memref<10112x128xf32, #tpu.memory_space<vmem_shared>>
      tpu.wait_indirect_dma semaphore(%arg12 : memref<!tpu.dma_semaphore, #tpu.memory_space<semaphore_mem>>) src(%arg7 : memref<64x128xf32, #tpu.memory_space<vmem>>) dst(%dma_wait3A_95 : memref<10112x128xf32, #tpu.memory_space<vmem_shared>>)
      %scan3A_96 = arith.constant 0 : i32
      scf.yield %scan3A_96 : i32
    }
    %scan3A_10 = arith.constant 40 : i32
    %barrier3A_11 = arith.constant 0 : index
    tpu.barrier barrier_id(%barrier3A_11)
    %mul3A_12 = arith.constant 632 : i32
    %mul3A_13 = arith.muli %arg1, %mul3A_12 : i32
    %mul3A_14 = arith.constant 632 : i32
    %mul3A_15 = arith.muli %arg1, %mul3A_14 : i32
    "tpu.region"() ({
      %run_scoped3A = tpu.sem_alloc : memref<!tpu.dma_semaphore, #tpu.memory_space<semaphore_mem>>
      %dma_start3A = arith.constant 0 : i32
      %dma_start3A_16 = arith.constant 0 : i32
      %dma_start3A_17 = tpu.memref_slice %arg5[%arg0, %dma_start3A, %dma_start3A_16] : memref<2x10112x128xf32, #tpu.memory_space<hbm>> -> memref<1x10112x128xf32, #tpu.memory_space<hbm>>
      %dma_start3A_18 = tpu.memref_squeeze %dma_start3A_17 : memref<1x10112x128xf32, #tpu.memory_space<hbm>> -> memref<10112x128xf32, #tpu.memory_space<hbm>>
      %dma_start3A_19 = arith.constant 0 : i32
      %dma_start3A_20 = tpu.memref_slice %dma_start3A_18[%mul3A_15, %dma_start3A_19] : memref<10112x128xf32, #tpu.memory_space<hbm>> -> memref<632x128xf32, #tpu.memory_space<hbm>>
      %dma_start3A_21 = arith.constant 0 : i32
      %dma_start3A_22 = tpu.memref_slice %arg8[%mul3A_13, %dma_start3A_21] : memref<10112x128xf32, #tpu.memory_space<vmem_shared>> -> memref<632x128xf32, #tpu.memory_space<vmem_shared>>
      tpu.enqueue_dma source(%dma_start3A_22 : memref<632x128xf32, #tpu.memory_space<vmem_shared>>) target(%dma_start3A_20 : memref<632x128xf32, #tpu.memory_space<hbm>>) target_semaphore(%run_scoped3A : memref<!tpu.dma_semaphore, #tpu.memory_space<semaphore_mem>>)
      %dma_wait3A = arith.constant 0 : i32
      %dma_wait3A_23 = arith.constant 0 : i32
      %dma_wait3A_24 = tpu.memref_slice %arg5[%arg0, %dma_wait3A, %dma_wait3A_23] : memref<2x10112x128xf32, #tpu.memory_space<hbm>> -> memref<1x10112x128xf32, #tpu.memory_space<hbm>>
      %dma_wait3A_25 = tpu.memref_squeeze %dma_wait3A_24 : memref<1x10112x128xf32, #tpu.memory_space<hbm>> -> memref<10112x128xf32, #tpu.memory_space<hbm>>
      %dma_wait3A_26 = arith.constant 0 : i32
      %dma_wait3A_27 = tpu.memref_slice %dma_wait3A_25[%mul3A_15, %dma_wait3A_26] : memref<10112x128xf32, #tpu.memory_space<hbm>> -> memref<632x128xf32, #tpu.memory_space<hbm>>
      %dma_wait3A_28 = arith.constant 0 : i32
      %dma_wait3A_29 = tpu.memref_slice %arg8[%mul3A_13, %dma_wait3A_28] : memref<10112x128xf32, #tpu.memory_space<vmem_shared>> -> memref<632x128xf32, #tpu.memory_space<vmem_shared>>
      tpu.wait_dma2 semaphore(%run_scoped3A : memref<!tpu.dma_semaphore, #tpu.memory_space<semaphore_mem>>) src(%dma_wait3A_29 : memref<632x128xf32, #tpu.memory_space<vmem_shared>>) dst(%dma_wait3A_27 : memref<632x128xf32, #tpu.memory_space<hbm>>)
      tpu.yield
    }) : () -> ()
    return
  }
}

#map = affine_map<(d0, d1) -> (0, 0)>
#map1 = affine_map<(d0, d1) -> (0, 0, 0, 0)>
module attributes {stable_mosaic.version = 14 : i64} {
  func.func @_sc_propagate(%arg0: i32, %arg1: i32, %arg2: memref<10000x128xf32, #tpu.memory_space<hbm>>, %arg3: memref<20480x16xi32, #tpu.memory_space<hbm>>, %arg4: memref<20480x16xi32, #tpu.memory_space<hbm>>, %arg5: memref<20480x16xi32, #tpu.memory_space<hbm>>, %arg6: memref<632x128xf32, #tpu.memory_space<hbm>>, %arg7: memref<2x2x5120x128xf32, #tpu.memory_space<hbm>>, %arg8: memref<8x16xi32, #tpu.memory_space<vmem>>, %arg9: memref<8x16xi32, #tpu.memory_space<vmem>>, %arg10: memref<8x16xi32, #tpu.memory_space<vmem>>, %arg11: memref<8x16xi32, #tpu.memory_space<vmem>>, %arg12: memref<16x128xf32, #tpu.memory_space<vmem>>, %arg13: memref<16x128xf32, #tpu.memory_space<vmem>>, %arg14: memref<10000x128xf32, #tpu.memory_space<vmem_shared>>, %arg15: memref<5120x128xf32, #tpu.memory_space<vmem_shared>>, %arg16: memref<!tpu.dma_semaphore, #tpu.memory_space<semaphore_mem>>, %arg17: memref<!tpu.dma_semaphore, #tpu.memory_space<semaphore_mem>>, %arg18: memref<!tpu.dma_semaphore, #tpu.memory_space<semaphore_mem>>, %arg19: memref<!tpu.dma_semaphore, #tpu.memory_space<semaphore_mem>>, %arg20: memref<!tpu.dma_semaphore, #tpu.memory_space<semaphore_mem>>, %arg21: memref<!tpu.dma_semaphore, #tpu.memory_space<semaphore_mem>>) attributes {dimension_semantics = [#tpu.dimension_semantics<core_parallel>, #tpu.dimension_semantics<subcore_parallel>], iteration_bounds = array<i64: 2, 16>, scalar_prefetch = 0 : i64, scratch_operands = 14 : i64, tpu.core_type = #tpu.core_type<sc_vector_subcore>, window_params = [{transform_indices = #map}, {transform_indices = #map}, {transform_indices = #map}, {transform_indices = #map}, {transform_indices = #map}, {transform_indices = #map1}]} {
    %mul3A = arith.constant 2 : i32
    %mul3A_0 = arith.muli %arg1, %mul3A : i32
    %add3A = arith.addi %mul3A_0, %arg0 : i32
    %mul3A_1 = arith.constant 640 : i32
    %mul3A_2 = arith.muli %add3A, %mul3A_1 : i32
    %lt3A = arith.constant 10 : i32
    %lt3A_3 = arith.cmpi slt, %arg1, %lt3A : i32
    %convert_element_type3A = arith.extui %lt3A_3 : i1 to i32
    %cond3A = arith.constant 0 : i32
    %cond3A_4 = arith.cmpi ne, %convert_element_type3A, %cond3A : i32
    scf.if %cond3A_4 {
      %mul3A_49 = arith.constant 1000 : i32
      %mul3A_50 = arith.muli %arg1, %mul3A_49 : i32
      %mul3A_51 = arith.constant 1000 : i32
      %mul3A_52 = arith.muli %arg1, %mul3A_51 : i32
      "tpu.region"() ({
        %run_scoped3A_53 = tpu.sem_alloc : memref<!tpu.dma_semaphore, #tpu.memory_space<semaphore_mem>>
        %dma_start3A_54 = arith.constant 0 : i32
        %dma_start3A_55 = tpu.memref_slice %arg14[%mul3A_52, %dma_start3A_54] : memref<10000x128xf32, #tpu.memory_space<vmem_shared>> -> memref<1000x128xf32, #tpu.memory_space<vmem_shared>>
        %dma_start3A_56 = arith.constant 0 : i32
        %dma_start3A_57 = tpu.memref_slice %arg2[%mul3A_50, %dma_start3A_56] : memref<10000x128xf32, #tpu.memory_space<hbm>> -> memref<1000x128xf32, #tpu.memory_space<hbm>>
        tpu.enqueue_dma source(%dma_start3A_57 : memref<1000x128xf32, #tpu.memory_space<hbm>>) target(%dma_start3A_55 : memref<1000x128xf32, #tpu.memory_space<vmem_shared>>) target_semaphore(%run_scoped3A_53 : memref<!tpu.dma_semaphore, #tpu.memory_space<semaphore_mem>>)
        %dma_wait3A = arith.constant 0 : i32
        %dma_wait3A_58 = tpu.memref_slice %arg14[%mul3A_52, %dma_wait3A] : memref<10000x128xf32, #tpu.memory_space<vmem_shared>> -> memref<1000x128xf32, #tpu.memory_space<vmem_shared>>
        %dma_wait3A_59 = arith.constant 0 : i32
        %dma_wait3A_60 = tpu.memref_slice %arg2[%mul3A_50, %dma_wait3A_59] : memref<10000x128xf32, #tpu.memory_space<hbm>> -> memref<1000x128xf32, #tpu.memory_space<hbm>>
        tpu.wait_dma2 semaphore(%run_scoped3A_53 : memref<!tpu.dma_semaphore, #tpu.memory_space<semaphore_mem>>) src(%dma_wait3A_60 : memref<1000x128xf32, #tpu.memory_space<hbm>>) dst(%dma_wait3A_58 : memref<1000x128xf32, #tpu.memory_space<vmem_shared>>)
        tpu.yield
      }) : () -> ()
    } else {
    }
    %mul3A_5 = arith.constant 320 : i32
    %mul3A_6 = arith.muli %arg1, %mul3A_5 : i32
    "tpu.region"() ({
      %run_scoped3A_49 = tpu.sem_alloc : memref<!tpu.dma_semaphore, #tpu.memory_space<semaphore_mem>>
      %dma_start3A_50 = arith.constant 0 : i32
      %dma_start3A_51 = tpu.memref_slice %arg15[%mul3A_6, %dma_start3A_50] : memref<5120x128xf32, #tpu.memory_space<vmem_shared>> -> memref<320x128xf32, #tpu.memory_space<vmem_shared>>
      %dma_start3A_52 = arith.constant 0 : i32
      %dma_start3A_53 = arith.constant 0 : i32
      %dma_start3A_54 = tpu.memref_slice %arg6[%dma_start3A_52, %dma_start3A_53] : memref<632x128xf32, #tpu.memory_space<hbm>> -> memref<320x128xf32, #tpu.memory_space<hbm>>
      tpu.enqueue_dma source(%dma_start3A_54 : memref<320x128xf32, #tpu.memory_space<hbm>>) target(%dma_start3A_51 : memref<320x128xf32, #tpu.memory_space<vmem_shared>>) target_semaphore(%run_scoped3A_49 : memref<!tpu.dma_semaphore, #tpu.memory_space<semaphore_mem>>)
      %dma_wait3A = arith.constant 0 : i32
      %dma_wait3A_55 = tpu.memref_slice %arg15[%mul3A_6, %dma_wait3A] : memref<5120x128xf32, #tpu.memory_space<vmem_shared>> -> memref<320x128xf32, #tpu.memory_space<vmem_shared>>
      %dma_wait3A_56 = arith.constant 0 : i32
      %dma_wait3A_57 = arith.constant 0 : i32
      %dma_wait3A_58 = tpu.memref_slice %arg6[%dma_wait3A_56, %dma_wait3A_57] : memref<632x128xf32, #tpu.memory_space<hbm>> -> memref<320x128xf32, #tpu.memory_space<hbm>>
      tpu.wait_dma2 semaphore(%run_scoped3A_49 : memref<!tpu.dma_semaphore, #tpu.memory_space<semaphore_mem>>) src(%dma_wait3A_58 : memref<320x128xf32, #tpu.memory_space<hbm>>) dst(%dma_wait3A_55 : memref<320x128xf32, #tpu.memory_space<vmem_shared>>)
      tpu.yield
    }) : () -> ()
    %barrier3A = arith.constant 0 : index
    tpu.barrier barrier_id(%barrier3A)
    %dma_start3A = arith.constant 0 : i32
    %dma_start3A_7 = tpu.memref_slice %arg3[%mul3A_2, %dma_start3A] : memref<20480x16xi32, #tpu.memory_space<hbm>> -> memref<8x16xi32, #tpu.memory_space<hbm>>
    %dma_start3A_8 = arith.constant 0 : i32
    %dma_start3A_9 = tpu.memref_slice %arg3[%mul3A_2, %dma_start3A_8] : memref<20480x16xi32, #tpu.memory_space<hbm>> -> memref<8x16xi32, #tpu.memory_space<hbm>>
    tpu.enqueue_dma source(%dma_start3A_9 : memref<8x16xi32, #tpu.memory_space<hbm>>) target(%arg8 : memref<8x16xi32, #tpu.memory_space<vmem>>) target_semaphore(%arg20 : memref<!tpu.dma_semaphore, #tpu.memory_space<semaphore_mem>>)
    %dma_start3A_10 = arith.constant 0 : i32
    %dma_start3A_11 = tpu.memref_slice %arg4[%mul3A_2, %dma_start3A_10] : memref<20480x16xi32, #tpu.memory_space<hbm>> -> memref<8x16xi32, #tpu.memory_space<hbm>>
    %dma_start3A_12 = arith.constant 0 : i32
    %dma_start3A_13 = tpu.memref_slice %arg4[%mul3A_2, %dma_start3A_12] : memref<20480x16xi32, #tpu.memory_space<hbm>> -> memref<8x16xi32, #tpu.memory_space<hbm>>
    tpu.enqueue_dma source(%dma_start3A_13 : memref<8x16xi32, #tpu.memory_space<hbm>>) target(%arg10 : memref<8x16xi32, #tpu.memory_space<vmem>>) target_semaphore(%arg20 : memref<!tpu.dma_semaphore, #tpu.memory_space<semaphore_mem>>)
    %scan3A = arith.constant 0 : i32
    %scan3A_14 = arith.constant 0 : i32
    %scan3A_15 = arith.constant 40 : i32
    %scan3A_16 = arith.addi %scan3A_14, %scan3A_15 : i32
    %scan3A_17 = arith.constant 1 : i32
    %scan3A_18 = scf.for %scan3A_49 = %scan3A_14 to %scan3A_16 step %scan3A_17 iter_args(%scan3A_50 = %scan3A) -> (i32)  : i32 {
      %mul3A_51 = arith.constant 2 : i32
      %mul3A_52 = arith.muli %scan3A_49, %mul3A_51 : i32
      %add3A_53 = arith.constant 0 : i32
      %add3A_54 = arith.addi %mul3A_52, %add3A_53 : i32
      %mul3A_55 = arith.constant 8 : i32
      %mul3A_56 = arith.muli %add3A_54, %mul3A_55 : i32
      %add3A_57 = arith.addi %mul3A_2, %mul3A_56 : i32
      %dma_wait3A = arith.constant 0 : i32
      %dma_wait3A_58 = tpu.memref_slice %arg3[%add3A_57, %dma_wait3A] : memref<20480x16xi32, #tpu.memory_space<hbm>> -> memref<8x16xi32, #tpu.memory_space<hbm>>
      %dma_wait3A_59 = arith.constant 0 : i32
      %dma_wait3A_60 = tpu.memref_slice %arg3[%add3A_57, %dma_wait3A_59] : memref<20480x16xi32, #tpu.memory_space<hbm>> -> memref<8x16xi32, #tpu.memory_space<hbm>>
      tpu.wait_dma2 semaphore(%arg20 : memref<!tpu.dma_semaphore, #tpu.memory_space<semaphore_mem>>) src(%dma_wait3A_60 : memref<8x16xi32, #tpu.memory_space<hbm>>) dst(%arg8 : memref<8x16xi32, #tpu.memory_space<vmem>>)
      %dma_wait3A_61 = arith.constant 0 : i32
      %dma_wait3A_62 = tpu.memref_slice %arg4[%add3A_57, %dma_wait3A_61] : memref<20480x16xi32, #tpu.memory_space<hbm>> -> memref<8x16xi32, #tpu.memory_space<hbm>>
      %dma_wait3A_63 = arith.constant 0 : i32
      %dma_wait3A_64 = tpu.memref_slice %arg4[%add3A_57, %dma_wait3A_63] : memref<20480x16xi32, #tpu.memory_space<hbm>> -> memref<8x16xi32, #tpu.memory_space<hbm>>
      tpu.wait_dma2 semaphore(%arg20 : memref<!tpu.dma_semaphore, #tpu.memory_space<semaphore_mem>>) src(%dma_wait3A_64 : memref<8x16xi32, #tpu.memory_space<hbm>>) dst(%arg10 : memref<8x16xi32, #tpu.memory_space<vmem>>)
      %add3A_65 = arith.constant 1 : i32
      %add3A_66 = arith.addi %add3A_54, %add3A_65 : i32
      %lt3A_67 = arith.constant 80 : i32
      %lt3A_68 = arith.cmpi slt, %add3A_66, %lt3A_67 : i32
      %convert_element_type3A_69 = arith.extui %lt3A_68 : i1 to i32
      %cond3A_70 = arith.constant 0 : i32
      %cond3A_71 = arith.cmpi ne, %convert_element_type3A_69, %cond3A_70 : i32
      scf.if %cond3A_71 {
        %add3A_543 = arith.constant 1 : i32
        %add3A_544 = arith.addi %add3A_54, %add3A_543 : i32
        %mul3A_545 = arith.constant 8 : i32
        %mul3A_546 = arith.muli %add3A_544, %mul3A_545 : i32
        %add3A_547 = arith.addi %mul3A_2, %mul3A_546 : i32
        %dma_start3A_548 = arith.constant 0 : i32
        %dma_start3A_549 = tpu.memref_slice %arg3[%add3A_547, %dma_start3A_548] : memref<20480x16xi32, #tpu.memory_space<hbm>> -> memref<8x16xi32, #tpu.memory_space<hbm>>
        %dma_start3A_550 = arith.constant 0 : i32
        %dma_start3A_551 = tpu.memref_slice %arg3[%add3A_547, %dma_start3A_550] : memref<20480x16xi32, #tpu.memory_space<hbm>> -> memref<8x16xi32, #tpu.memory_space<hbm>>
        tpu.enqueue_dma source(%dma_start3A_551 : memref<8x16xi32, #tpu.memory_space<hbm>>) target(%arg9 : memref<8x16xi32, #tpu.memory_space<vmem>>) target_semaphore(%arg21 : memref<!tpu.dma_semaphore, #tpu.memory_space<semaphore_mem>>)
        %dma_start3A_552 = arith.constant 0 : i32
        %dma_start3A_553 = tpu.memref_slice %arg4[%add3A_547, %dma_start3A_552] : memref<20480x16xi32, #tpu.memory_space<hbm>> -> memref<8x16xi32, #tpu.memory_space<hbm>>
        %dma_start3A_554 = arith.constant 0 : i32
        %dma_start3A_555 = tpu.memref_slice %arg4[%add3A_547, %dma_start3A_554] : memref<20480x16xi32, #tpu.memory_space<hbm>> -> memref<8x16xi32, #tpu.memory_space<hbm>>
        tpu.enqueue_dma source(%dma_start3A_555 : memref<8x16xi32, #tpu.memory_space<hbm>>) target(%arg11 : memref<8x16xi32, #tpu.memory_space<vmem>>) target_semaphore(%arg21 : memref<!tpu.dma_semaphore, #tpu.memory_space<semaphore_mem>>)
      } else {
      }
      %dma_start3A_72 = arith.constant 0 : i32
      %dma_start3A_73 = arith.constant 0 : i32
      %dma_start3A_74 = tpu.memref_slice %arg8[%dma_start3A_72, %dma_start3A_73] : memref<8x16xi32, #tpu.memory_space<vmem>> -> memref<1x16xi32, #tpu.memory_space<vmem>>
      %dma_start3A_75 = tpu.memref_squeeze %dma_start3A_74 : memref<1x16xi32, #tpu.memory_space<vmem>> -> memref<16xi32, #tpu.memory_space<vmem>>
      %dma_start3A_76 = arith.constant 0 : i32
      %dma_start3A_77 = arith.constant 0 : i32
      %dma_start3A_78 = tpu.memref_slice %arg14[%dma_start3A_76, %dma_start3A_77] : memref<10000x128xf32, #tpu.memory_space<vmem_shared>> -> memref<10000x128xf32, #tpu.memory_space<vmem_shared>>
      tpu.enqueue_indirect_dma source(%dma_start3A_78 : memref<10000x128xf32, #tpu.memory_space<vmem_shared>>) target(%arg12 : memref<16x128xf32, #tpu.memory_space<vmem>>) offsets(%dma_start3A_75 : memref<16xi32, #tpu.memory_space<vmem>>) semaphore(%arg16 : memref<!tpu.dma_semaphore, #tpu.memory_space<semaphore_mem>>)
      %dma_start3A_79 = arith.constant 1 : i32
      %dma_start3A_80 = arith.constant 0 : i32
      %dma_start3A_81 = tpu.memref_slice %arg8[%dma_start3A_79, %dma_start3A_80] : memref<8x16xi32, #tpu.memory_space<vmem>> -> memref<1x16xi32, #tpu.memory_space<vmem>>
      %dma_start3A_82 = tpu.memref_squeeze %dma_start3A_81 : memref<1x16xi32, #tpu.memory_space<vmem>> -> memref<16xi32, #tpu.memory_space<vmem>>
      %dma_start3A_83 = arith.constant 0 : i32
      %dma_start3A_84 = arith.constant 0 : i32
      %dma_start3A_85 = tpu.memref_slice %arg14[%dma_start3A_83, %dma_start3A_84] : memref<10000x128xf32, #tpu.memory_space<vmem_shared>> -> memref<10000x128xf32, #tpu.memory_space<vmem_shared>>
      tpu.enqueue_indirect_dma source(%dma_start3A_85 : memref<10000x128xf32, #tpu.memory_space<vmem_shared>>) target(%arg13 : memref<16x128xf32, #tpu.memory_space<vmem>>) offsets(%dma_start3A_82 : memref<16xi32, #tpu.memory_space<vmem>>) semaphore(%arg17 : memref<!tpu.dma_semaphore, #tpu.memory_space<semaphore_mem>>)
      %dma_wait3A_86 = arith.constant 0 : i32
      %dma_wait3A_87 = arith.constant 0 : i32
      %dma_wait3A_88 = tpu.memref_slice %arg8[%dma_wait3A_86, %dma_wait3A_87] : memref<8x16xi32, #tpu.memory_space<vmem>> -> memref<1x16xi32, #tpu.memory_space<vmem>>
      %dma_wait3A_89 = tpu.memref_squeeze %dma_wait3A_88 : memref<1x16xi32, #tpu.memory_space<vmem>> -> memref<16xi32, #tpu.memory_space<vmem>>
      %dma_wait3A_90 = arith.constant 0 : i32
      %dma_wait3A_91 = arith.constant 0 : i32
      %dma_wait3A_92 = tpu.memref_slice %arg14[%dma_wait3A_90, %dma_wait3A_91] : memref<10000x128xf32, #tpu.memory_space<vmem_shared>> -> memref<10000x128xf32, #tpu.memory_space<vmem_shared>>
      tpu.wait_indirect_dma semaphore(%arg16 : memref<!tpu.dma_semaphore, #tpu.memory_space<semaphore_mem>>) src(%dma_wait3A_92 : memref<10000x128xf32, #tpu.memory_space<vmem_shared>>) dst(%arg12 : memref<16x128xf32, #tpu.memory_space<vmem>>)
      %dma_start3A_93 = arith.constant 0 : i32
      %dma_start3A_94 = arith.constant 0 : i32
      %dma_start3A_95 = tpu.memref_slice %arg10[%dma_start3A_93, %dma_start3A_94] : memref<8x16xi32, #tpu.memory_space<vmem>> -> memref<1x16xi32, #tpu.memory_space<vmem>>
      %dma_start3A_96 = tpu.memref_squeeze %dma_start3A_95 : memref<1x16xi32, #tpu.memory_space<vmem>> -> memref<16xi32, #tpu.memory_space<vmem>>
      %dma_start3A_97 = arith.constant 0 : i32
      %dma_start3A_98 = arith.constant 0 : i32
      %dma_start3A_99 = tpu.memref_slice %arg15[%dma_start3A_97, %dma_start3A_98] : memref<5120x128xf32, #tpu.memory_space<vmem_shared>> -> memref<5120x128xf32, #tpu.memory_space<vmem_shared>>
      tpu.enqueue_indirect_dma source(%arg12 : memref<16x128xf32, #tpu.memory_space<vmem>>) target(%dma_start3A_99 : memref<5120x128xf32, #tpu.memory_space<vmem_shared>>) offsets(%dma_start3A_96 : memref<16xi32, #tpu.memory_space<vmem>>) semaphore(%arg18 : memref<!tpu.dma_semaphore, #tpu.memory_space<semaphore_mem>>) {add = true}
      %dma_wait3A_100 = arith.constant 0 : i32
      %dma_wait3A_101 = arith.constant 0 : i32
      %dma_wait3A_102 = tpu.memref_slice %arg10[%dma_wait3A_100, %dma_wait3A_101] : memref<8x16xi32, #tpu.memory_space<vmem>> -> memref<1x16xi32, #tpu.memory_space<vmem>>
      %dma_wait3A_103 = tpu.memref_squeeze %dma_wait3A_102 : memref<1x16xi32, #tpu.memory_space<vmem>> -> memref<16xi32, #tpu.memory_space<vmem>>
      %dma_wait3A_104 = arith.constant 0 : i32
      %dma_wait3A_105 = arith.constant 0 : i32
      %dma_wait3A_106 = tpu.memref_slice %arg15[%dma_wait3A_104, %dma_wait3A_105] : memref<5120x128xf32, #tpu.memory_space<vmem_shared>> -> memref<5120x128xf32, #tpu.memory_space<vmem_shared>>
      tpu.wait_indirect_dma semaphore(%arg18 : memref<!tpu.dma_semaphore, #tpu.memory_space<semaphore_mem>>) src(%arg12 : memref<16x128xf32, #tpu.memory_space<vmem>>) dst(%dma_wait3A_106 : memref<5120x128xf32, #tpu.memory_space<vmem_shared>>)
      %dma_start3A_107 = arith.constant 2 : i32
      %dma_start3A_108 = arith.constant 0 : i32
      %dma_start3A_109 = tpu.memref_slice %arg8[%dma_start3A_107, %dma_start3A_108] : memref<8x16xi32, #tpu.memory_space<vmem>> -> memref<1x16xi32, #tpu.memory_space<vmem>>
      %dma_start3A_110 = tpu.memref_squeeze %dma_start3A_109 : memref<1x16xi32, #tpu.memory_space<vmem>> -> memref<16xi32, #tpu.memory_space<vmem>>
      %dma_start3A_111 = arith.constant 0 : i32
      %dma_start3A_112 = arith.constant 0 : i32
      %dma_start3A_113 = tpu.memref_slice %arg14[%dma_start3A_111, %dma_start3A_112] : memref<10000x128xf32, #tpu.memory_space<vmem_shared>> -> memref<10000x128xf32, #tpu.memory_space<vmem_shared>>
      tpu.enqueue_indirect_dma source(%dma_start3A_113 : memref<10000x128xf32, #tpu.memory_space<vmem_shared>>) target(%arg12 : memref<16x128xf32, #tpu.memory_space<vmem>>) offsets(%dma_start3A_110 : memref<16xi32, #tpu.memory_space<vmem>>) semaphore(%arg16 : memref<!tpu.dma_semaphore, #tpu.memory_space<semaphore_mem>>)
      %dma_wait3A_114 = arith.constant 1 : i32
      %dma_wait3A_115 = arith.constant 0 : i32
      %dma_wait3A_116 = tpu.memref_slice %arg8[%dma_wait3A_114, %dma_wait3A_115] : memref<8x16xi32, #tpu.memory_space<vmem>> -> memref<1x16xi32, #tpu.memory_space<vmem>>
      %dma_wait3A_117 = tpu.memref_squeeze %dma_wait3A_116 : memref<1x16xi32, #tpu.memory_space<vmem>> -> memref<16xi32, #tpu.memory_space<vmem>>
      %dma_wait3A_118 = arith.constant 0 : i32
      %dma_wait3A_119 = arith.constant 0 : i32
      %dma_wait3A_120 = tpu.memref_slice %arg14[%dma_wait3A_118, %dma_wait3A_119] : memref<10000x128xf32, #tpu.memory_space<vmem_shared>> -> memref<10000x128xf32, #tpu.memory_space<vmem_shared>>
      tpu.wait_indirect_dma semaphore(%arg17 : memref<!tpu.dma_semaphore, #tpu.memory_space<semaphore_mem>>) src(%dma_wait3A_120 : memref<10000x128xf32, #tpu.memory_space<vmem_shared>>) dst(%arg13 : memref<16x128xf32, #tpu.memory_space<vmem>>)
      %dma_start3A_121 = arith.constant 1 : i32
      %dma_start3A_122 = arith.constant 0 : i32
      %dma_start3A_123 = tpu.memref_slice %arg10[%dma_start3A_121, %dma_start3A_122] : memref<8x16xi32, #tpu.memory_space<vmem>> -> memref<1x16xi32, #tpu.memory_space<vmem>>
      %dma_start3A_124 = tpu.memref_squeeze %dma_start3A_123 : memref<1x16xi32, #tpu.memory_space<vmem>> -> memref<16xi32, #tpu.memory_space<vmem>>
      %dma_start3A_125 = arith.constant 0 : i32
      %dma_start3A_126 = arith.constant 0 : i32
      %dma_start3A_127 = tpu.memref_slice %arg15[%dma_start3A_125, %dma_start3A_126] : memref<5120x128xf32, #tpu.memory_space<vmem_shared>> -> memref<5120x128xf32, #tpu.memory_space<vmem_shared>>
      tpu.enqueue_indirect_dma source(%arg13 : memref<16x128xf32, #tpu.memory_space<vmem>>) target(%dma_start3A_127 : memref<5120x128xf32, #tpu.memory_space<vmem_shared>>) offsets(%dma_start3A_124 : memref<16xi32, #tpu.memory_space<vmem>>) semaphore(%arg19 : memref<!tpu.dma_semaphore, #tpu.memory_space<semaphore_mem>>) {add = true}
      %dma_wait3A_128 = arith.constant 1 : i32
      %dma_wait3A_129 = arith.constant 0 : i32
      %dma_wait3A_130 = tpu.memref_slice %arg10[%dma_wait3A_128, %dma_wait3A_129] : memref<8x16xi32, #tpu.memory_space<vmem>> -> memref<1x16xi32, #tpu.memory_space<vmem>>
      %dma_wait3A_131 = tpu.memref_squeeze %dma_wait3A_130 : memref<1x16xi32, #tpu.memory_space<vmem>> -> memref<16xi32, #tpu.memory_space<vmem>>
      %dma_wait3A_132 = arith.constant 0 : i32
      %dma_wait3A_133 = arith.constant 0 : i32
      %dma_wait3A_134 = tpu.memref_slice %arg15[%dma_wait3A_132, %dma_wait3A_133] : memref<5120x128xf32, #tpu.memory_space<vmem_shared>> -> memref<5120x128xf32, #tpu.memory_space<vmem_shared>>
      tpu.wait_indirect_dma semaphore(%arg19 : memref<!tpu.dma_semaphore, #tpu.memory_space<semaphore_mem>>) src(%arg13 : memref<16x128xf32, #tpu.memory_space<vmem>>) dst(%dma_wait3A_134 : memref<5120x128xf32, #tpu.memory_space<vmem_shared>>)
      %dma_start3A_135 = arith.constant 3 : i32
      %dma_start3A_136 = arith.constant 0 : i32
      %dma_start3A_137 = tpu.memref_slice %arg8[%dma_start3A_135, %dma_start3A_136] : memref<8x16xi32, #tpu.memory_space<vmem>> -> memref<1x16xi32, #tpu.memory_space<vmem>>
      %dma_start3A_138 = tpu.memref_squeeze %dma_start3A_137 : memref<1x16xi32, #tpu.memory_space<vmem>> -> memref<16xi32, #tpu.memory_space<vmem>>
      %dma_start3A_139 = arith.constant 0 : i32
      %dma_start3A_140 = arith.constant 0 : i32
      %dma_start3A_141 = tpu.memref_slice %arg14[%dma_start3A_139, %dma_start3A_140] : memref<10000x128xf32, #tpu.memory_space<vmem_shared>> -> memref<10000x128xf32, #tpu.memory_space<vmem_shared>>
      tpu.enqueue_indirect_dma source(%dma_start3A_141 : memref<10000x128xf32, #tpu.memory_space<vmem_shared>>) target(%arg13 : memref<16x128xf32, #tpu.memory_space<vmem>>) offsets(%dma_start3A_138 : memref<16xi32, #tpu.memory_space<vmem>>) semaphore(%arg17 : memref<!tpu.dma_semaphore, #tpu.memory_space<semaphore_mem>>)
      %dma_wait3A_142 = arith.constant 2 : i32
      %dma_wait3A_143 = arith.constant 0 : i32
      %dma_wait3A_144 = tpu.memref_slice %arg8[%dma_wait3A_142, %dma_wait3A_143] : memref<8x16xi32, #tpu.memory_space<vmem>> -> memref<1x16xi32, #tpu.memory_space<vmem>>
      %dma_wait3A_145 = tpu.memref_squeeze %dma_wait3A_144 : memref<1x16xi32, #tpu.memory_space<vmem>> -> memref<16xi32, #tpu.memory_space<vmem>>
      %dma_wait3A_146 = arith.constant 0 : i32
      %dma_wait3A_147 = arith.constant 0 : i32
      %dma_wait3A_148 = tpu.memref_slice %arg14[%dma_wait3A_146, %dma_wait3A_147] : memref<10000x128xf32, #tpu.memory_space<vmem_shared>> -> memref<10000x128xf32, #tpu.memory_space<vmem_shared>>
      tpu.wait_indirect_dma semaphore(%arg16 : memref<!tpu.dma_semaphore, #tpu.memory_space<semaphore_mem>>) src(%dma_wait3A_148 : memref<10000x128xf32, #tpu.memory_space<vmem_shared>>) dst(%arg12 : memref<16x128xf32, #tpu.memory_space<vmem>>)
      %dma_start3A_149 = arith.constant 2 : i32
      %dma_start3A_150 = arith.constant 0 : i32
      %dma_start3A_151 = tpu.memref_slice %arg10[%dma_start3A_149, %dma_start3A_150] : memref<8x16xi32, #tpu.memory_space<vmem>> -> memref<1x16xi32, #tpu.memory_space<vmem>>
      %dma_start3A_152 = tpu.memref_squeeze %dma_start3A_151 : memref<1x16xi32, #tpu.memory_space<vmem>> -> memref<16xi32, #tpu.memory_space<vmem>>
      %dma_start3A_153 = arith.constant 0 : i32
      %dma_start3A_154 = arith.constant 0 : i32
      %dma_start3A_155 = tpu.memref_slice %arg15[%dma_start3A_153, %dma_start3A_154] : memref<5120x128xf32, #tpu.memory_space<vmem_shared>> -> memref<5120x128xf32, #tpu.memory_space<vmem_shared>>
      tpu.enqueue_indirect_dma source(%arg12 : memref<16x128xf32, #tpu.memory_space<vmem>>) target(%dma_start3A_155 : memref<5120x128xf32, #tpu.memory_space<vmem_shared>>) offsets(%dma_start3A_152 : memref<16xi32, #tpu.memory_space<vmem>>) semaphore(%arg18 : memref<!tpu.dma_semaphore, #tpu.memory_space<semaphore_mem>>) {add = true}
      %dma_wait3A_156 = arith.constant 2 : i32
      %dma_wait3A_157 = arith.constant 0 : i32
      %dma_wait3A_158 = tpu.memref_slice %arg10[%dma_wait3A_156, %dma_wait3A_157] : memref<8x16xi32, #tpu.memory_space<vmem>> -> memref<1x16xi32, #tpu.memory_space<vmem>>
      %dma_wait3A_159 = tpu.memref_squeeze %dma_wait3A_158 : memref<1x16xi32, #tpu.memory_space<vmem>> -> memref<16xi32, #tpu.memory_space<vmem>>
      %dma_wait3A_160 = arith.constant 0 : i32
      %dma_wait3A_161 = arith.constant 0 : i32
      %dma_wait3A_162 = tpu.memref_slice %arg15[%dma_wait3A_160, %dma_wait3A_161] : memref<5120x128xf32, #tpu.memory_space<vmem_shared>> -> memref<5120x128xf32, #tpu.memory_space<vmem_shared>>
      tpu.wait_indirect_dma semaphore(%arg18 : memref<!tpu.dma_semaphore, #tpu.memory_space<semaphore_mem>>) src(%arg12 : memref<16x128xf32, #tpu.memory_space<vmem>>) dst(%dma_wait3A_162 : memref<5120x128xf32, #tpu.memory_space<vmem_shared>>)
      %dma_start3A_163 = arith.constant 4 : i32
      %dma_start3A_164 = arith.constant 0 : i32
      %dma_start3A_165 = tpu.memref_slice %arg8[%dma_start3A_163, %dma_start3A_164] : memref<8x16xi32, #tpu.memory_space<vmem>> -> memref<1x16xi32, #tpu.memory_space<vmem>>
      %dma_start3A_166 = tpu.memref_squeeze %dma_start3A_165 : memref<1x16xi32, #tpu.memory_space<vmem>> -> memref<16xi32, #tpu.memory_space<vmem>>
      %dma_start3A_167 = arith.constant 0 : i32
      %dma_start3A_168 = arith.constant 0 : i32
      %dma_start3A_169 = tpu.memref_slice %arg14[%dma_start3A_167, %dma_start3A_168] : memref<10000x128xf32, #tpu.memory_space<vmem_shared>> -> memref<10000x128xf32, #tpu.memory_space<vmem_shared>>
      tpu.enqueue_indirect_dma source(%dma_start3A_169 : memref<10000x128xf32, #tpu.memory_space<vmem_shared>>) target(%arg12 : memref<16x128xf32, #tpu.memory_space<vmem>>) offsets(%dma_start3A_166 : memref<16xi32, #tpu.memory_space<vmem>>) semaphore(%arg16 : memref<!tpu.dma_semaphore, #tpu.memory_space<semaphore_mem>>)
      %dma_wait3A_170 = arith.constant 3 : i32
      %dma_wait3A_171 = arith.constant 0 : i32
      %dma_wait3A_172 = tpu.memref_slice %arg8[%dma_wait3A_170, %dma_wait3A_171] : memref<8x16xi32, #tpu.memory_space<vmem>> -> memref<1x16xi32, #tpu.memory_space<vmem>>
      %dma_wait3A_173 = tpu.memref_squeeze %dma_wait3A_172 : memref<1x16xi32, #tpu.memory_space<vmem>> -> memref<16xi32, #tpu.memory_space<vmem>>
      %dma_wait3A_174 = arith.constant 0 : i32
      %dma_wait3A_175 = arith.constant 0 : i32
      %dma_wait3A_176 = tpu.memref_slice %arg14[%dma_wait3A_174, %dma_wait3A_175] : memref<10000x128xf32, #tpu.memory_space<vmem_shared>> -> memref<10000x128xf32, #tpu.memory_space<vmem_shared>>
      tpu.wait_indirect_dma semaphore(%arg17 : memref<!tpu.dma_semaphore, #tpu.memory_space<semaphore_mem>>) src(%dma_wait3A_176 : memref<10000x128xf32, #tpu.memory_space<vmem_shared>>) dst(%arg13 : memref<16x128xf32, #tpu.memory_space<vmem>>)
      %dma_start3A_177 = arith.constant 3 : i32
      %dma_start3A_178 = arith.constant 0 : i32
      %dma_start3A_179 = tpu.memref_slice %arg10[%dma_start3A_177, %dma_start3A_178] : memref<8x16xi32, #tpu.memory_space<vmem>> -> memref<1x16xi32, #tpu.memory_space<vmem>>
      %dma_start3A_180 = tpu.memref_squeeze %dma_start3A_179 : memref<1x16xi32, #tpu.memory_space<vmem>> -> memref<16xi32, #tpu.memory_space<vmem>>
      %dma_start3A_181 = arith.constant 0 : i32
      %dma_start3A_182 = arith.constant 0 : i32
      %dma_start3A_183 = tpu.memref_slice %arg15[%dma_start3A_181, %dma_start3A_182] : memref<5120x128xf32, #tpu.memory_space<vmem_shared>> -> memref<5120x128xf32, #tpu.memory_space<vmem_shared>>
      tpu.enqueue_indirect_dma source(%arg13 : memref<16x128xf32, #tpu.memory_space<vmem>>) target(%dma_start3A_183 : memref<5120x128xf32, #tpu.memory_space<vmem_shared>>) offsets(%dma_start3A_180 : memref<16xi32, #tpu.memory_space<vmem>>) semaphore(%arg19 : memref<!tpu.dma_semaphore, #tpu.memory_space<semaphore_mem>>) {add = true}
      %dma_wait3A_184 = arith.constant 3 : i32
      %dma_wait3A_185 = arith.constant 0 : i32
      %dma_wait3A_186 = tpu.memref_slice %arg10[%dma_wait3A_184, %dma_wait3A_185] : memref<8x16xi32, #tpu.memory_space<vmem>> -> memref<1x16xi32, #tpu.memory_space<vmem>>
      %dma_wait3A_187 = tpu.memref_squeeze %dma_wait3A_186 : memref<1x16xi32, #tpu.memory_space<vmem>> -> memref<16xi32, #tpu.memory_space<vmem>>
      %dma_wait3A_188 = arith.constant 0 : i32
      %dma_wait3A_189 = arith.constant 0 : i32
      %dma_wait3A_190 = tpu.memref_slice %arg15[%dma_wait3A_188, %dma_wait3A_189] : memref<5120x128xf32, #tpu.memory_space<vmem_shared>> -> memref<5120x128xf32, #tpu.memory_space<vmem_shared>>
      tpu.wait_indirect_dma semaphore(%arg19 : memref<!tpu.dma_semaphore, #tpu.memory_space<semaphore_mem>>) src(%arg13 : memref<16x128xf32, #tpu.memory_space<vmem>>) dst(%dma_wait3A_190 : memref<5120x128xf32, #tpu.memory_space<vmem_shared>>)
      %dma_start3A_191 = arith.constant 5 : i32
      %dma_start3A_192 = arith.constant 0 : i32
      %dma_start3A_193 = tpu.memref_slice %arg8[%dma_start3A_191, %dma_start3A_192] : memref<8x16xi32, #tpu.memory_space<vmem>> -> memref<1x16xi32, #tpu.memory_space<vmem>>
      %dma_start3A_194 = tpu.memref_squeeze %dma_start3A_193 : memref<1x16xi32, #tpu.memory_space<vmem>> -> memref<16xi32, #tpu.memory_space<vmem>>
      %dma_start3A_195 = arith.constant 0 : i32
      %dma_start3A_196 = arith.constant 0 : i32
      %dma_start3A_197 = tpu.memref_slice %arg14[%dma_start3A_195, %dma_start3A_196] : memref<10000x128xf32, #tpu.memory_space<vmem_shared>> -> memref<10000x128xf32, #tpu.memory_space<vmem_shared>>
      tpu.enqueue_indirect_dma source(%dma_start3A_197 : memref<10000x128xf32, #tpu.memory_space<vmem_shared>>) target(%arg13 : memref<16x128xf32, #tpu.memory_space<vmem>>) offsets(%dma_start3A_194 : memref<16xi32, #tpu.memory_space<vmem>>) semaphore(%arg17 : memref<!tpu.dma_semaphore, #tpu.memory_space<semaphore_mem>>)
      %dma_wait3A_198 = arith.constant 4 : i32
      %dma_wait3A_199 = arith.constant 0 : i32
      %dma_wait3A_200 = tpu.memref_slice %arg8[%dma_wait3A_198, %dma_wait3A_199] : memref<8x16xi32, #tpu.memory_space<vmem>> -> memref<1x16xi32, #tpu.memory_space<vmem>>
      %dma_wait3A_201 = tpu.memref_squeeze %dma_wait3A_200 : memref<1x16xi32, #tpu.memory_space<vmem>> -> memref<16xi32, #tpu.memory_space<vmem>>
      %dma_wait3A_202 = arith.constant 0 : i32
      %dma_wait3A_203 = arith.constant 0 : i32
      %dma_wait3A_204 = tpu.memref_slice %arg14[%dma_wait3A_202, %dma_wait3A_203] : memref<10000x128xf32, #tpu.memory_space<vmem_shared>> -> memref<10000x128xf32, #tpu.memory_space<vmem_shared>>
      tpu.wait_indirect_dma semaphore(%arg16 : memref<!tpu.dma_semaphore, #tpu.memory_space<semaphore_mem>>) src(%dma_wait3A_204 : memref<10000x128xf32, #tpu.memory_space<vmem_shared>>) dst(%arg12 : memref<16x128xf32, #tpu.memory_space<vmem>>)
      %dma_start3A_205 = arith.constant 4 : i32
      %dma_start3A_206 = arith.constant 0 : i32
      %dma_start3A_207 = tpu.memref_slice %arg10[%dma_start3A_205, %dma_start3A_206] : memref<8x16xi32, #tpu.memory_space<vmem>> -> memref<1x16xi32, #tpu.memory_space<vmem>>
      %dma_start3A_208 = tpu.memref_squeeze %dma_start3A_207 : memref<1x16xi32, #tpu.memory_space<vmem>> -> memref<16xi32, #tpu.memory_space<vmem>>
      %dma_start3A_209 = arith.constant 0 : i32
      %dma_start3A_210 = arith.constant 0 : i32
      %dma_start3A_211 = tpu.memref_slice %arg15[%dma_start3A_209, %dma_start3A_210] : memref<5120x128xf32, #tpu.memory_space<vmem_shared>> -> memref<5120x128xf32, #tpu.memory_space<vmem_shared>>
      tpu.enqueue_indirect_dma source(%arg12 : memref<16x128xf32, #tpu.memory_space<vmem>>) target(%dma_start3A_211 : memref<5120x128xf32, #tpu.memory_space<vmem_shared>>) offsets(%dma_start3A_208 : memref<16xi32, #tpu.memory_space<vmem>>) semaphore(%arg18 : memref<!tpu.dma_semaphore, #tpu.memory_space<semaphore_mem>>) {add = true}
      %dma_wait3A_212 = arith.constant 4 : i32
      %dma_wait3A_213 = arith.constant 0 : i32
      %dma_wait3A_214 = tpu.memref_slice %arg10[%dma_wait3A_212, %dma_wait3A_213] : memref<8x16xi32, #tpu.memory_space<vmem>> -> memref<1x16xi32, #tpu.memory_space<vmem>>
      %dma_wait3A_215 = tpu.memref_squeeze %dma_wait3A_214 : memref<1x16xi32, #tpu.memory_space<vmem>> -> memref<16xi32, #tpu.memory_space<vmem>>
      %dma_wait3A_216 = arith.constant 0 : i32
      %dma_wait3A_217 = arith.constant 0 : i32
      %dma_wait3A_218 = tpu.memref_slice %arg15[%dma_wait3A_216, %dma_wait3A_217] : memref<5120x128xf32, #tpu.memory_space<vmem_shared>> -> memref<5120x128xf32, #tpu.memory_space<vmem_shared>>
      tpu.wait_indirect_dma semaphore(%arg18 : memref<!tpu.dma_semaphore, #tpu.memory_space<semaphore_mem>>) src(%arg12 : memref<16x128xf32, #tpu.memory_space<vmem>>) dst(%dma_wait3A_218 : memref<5120x128xf32, #tpu.memory_space<vmem_shared>>)
      %dma_start3A_219 = arith.constant 6 : i32
      %dma_start3A_220 = arith.constant 0 : i32
      %dma_start3A_221 = tpu.memref_slice %arg8[%dma_start3A_219, %dma_start3A_220] : memref<8x16xi32, #tpu.memory_space<vmem>> -> memref<1x16xi32, #tpu.memory_space<vmem>>
      %dma_start3A_222 = tpu.memref_squeeze %dma_start3A_221 : memref<1x16xi32, #tpu.memory_space<vmem>> -> memref<16xi32, #tpu.memory_space<vmem>>
      %dma_start3A_223 = arith.constant 0 : i32
      %dma_start3A_224 = arith.constant 0 : i32
      %dma_start3A_225 = tpu.memref_slice %arg14[%dma_start3A_223, %dma_start3A_224] : memref<10000x128xf32, #tpu.memory_space<vmem_shared>> -> memref<10000x128xf32, #tpu.memory_space<vmem_shared>>
      tpu.enqueue_indirect_dma source(%dma_start3A_225 : memref<10000x128xf32, #tpu.memory_space<vmem_shared>>) target(%arg12 : memref<16x128xf32, #tpu.memory_space<vmem>>) offsets(%dma_start3A_222 : memref<16xi32, #tpu.memory_space<vmem>>) semaphore(%arg16 : memref<!tpu.dma_semaphore, #tpu.memory_space<semaphore_mem>>)
      %dma_wait3A_226 = arith.constant 5 : i32
      %dma_wait3A_227 = arith.constant 0 : i32
      %dma_wait3A_228 = tpu.memref_slice %arg8[%dma_wait3A_226, %dma_wait3A_227] : memref<8x16xi32, #tpu.memory_space<vmem>> -> memref<1x16xi32, #tpu.memory_space<vmem>>
      %dma_wait3A_229 = tpu.memref_squeeze %dma_wait3A_228 : memref<1x16xi32, #tpu.memory_space<vmem>> -> memref<16xi32, #tpu.memory_space<vmem>>
      %dma_wait3A_230 = arith.constant 0 : i32
      %dma_wait3A_231 = arith.constant 0 : i32
      %dma_wait3A_232 = tpu.memref_slice %arg14[%dma_wait3A_230, %dma_wait3A_231] : memref<10000x128xf32, #tpu.memory_space<vmem_shared>> -> memref<10000x128xf32, #tpu.memory_space<vmem_shared>>
      tpu.wait_indirect_dma semaphore(%arg17 : memref<!tpu.dma_semaphore, #tpu.memory_space<semaphore_mem>>) src(%dma_wait3A_232 : memref<10000x128xf32, #tpu.memory_space<vmem_shared>>) dst(%arg13 : memref<16x128xf32, #tpu.memory_space<vmem>>)
      %dma_start3A_233 = arith.constant 5 : i32
      %dma_start3A_234 = arith.constant 0 : i32
      %dma_start3A_235 = tpu.memref_slice %arg10[%dma_start3A_233, %dma_start3A_234] : memref<8x16xi32, #tpu.memory_space<vmem>> -> memref<1x16xi32, #tpu.memory_space<vmem>>
      %dma_start3A_236 = tpu.memref_squeeze %dma_start3A_235 : memref<1x16xi32, #tpu.memory_space<vmem>> -> memref<16xi32, #tpu.memory_space<vmem>>
      %dma_start3A_237 = arith.constant 0 : i32
      %dma_start3A_238 = arith.constant 0 : i32
      %dma_start3A_239 = tpu.memref_slice %arg15[%dma_start3A_237, %dma_start3A_238] : memref<5120x128xf32, #tpu.memory_space<vmem_shared>> -> memref<5120x128xf32, #tpu.memory_space<vmem_shared>>
      tpu.enqueue_indirect_dma source(%arg13 : memref<16x128xf32, #tpu.memory_space<vmem>>) target(%dma_start3A_239 : memref<5120x128xf32, #tpu.memory_space<vmem_shared>>) offsets(%dma_start3A_236 : memref<16xi32, #tpu.memory_space<vmem>>) semaphore(%arg19 : memref<!tpu.dma_semaphore, #tpu.memory_space<semaphore_mem>>) {add = true}
      %dma_wait3A_240 = arith.constant 5 : i32
      %dma_wait3A_241 = arith.constant 0 : i32
      %dma_wait3A_242 = tpu.memref_slice %arg10[%dma_wait3A_240, %dma_wait3A_241] : memref<8x16xi32, #tpu.memory_space<vmem>> -> memref<1x16xi32, #tpu.memory_space<vmem>>
      %dma_wait3A_243 = tpu.memref_squeeze %dma_wait3A_242 : memref<1x16xi32, #tpu.memory_space<vmem>> -> memref<16xi32, #tpu.memory_space<vmem>>
      %dma_wait3A_244 = arith.constant 0 : i32
      %dma_wait3A_245 = arith.constant 0 : i32
      %dma_wait3A_246 = tpu.memref_slice %arg15[%dma_wait3A_244, %dma_wait3A_245] : memref<5120x128xf32, #tpu.memory_space<vmem_shared>> -> memref<5120x128xf32, #tpu.memory_space<vmem_shared>>
      tpu.wait_indirect_dma semaphore(%arg19 : memref<!tpu.dma_semaphore, #tpu.memory_space<semaphore_mem>>) src(%arg13 : memref<16x128xf32, #tpu.memory_space<vmem>>) dst(%dma_wait3A_246 : memref<5120x128xf32, #tpu.memory_space<vmem_shared>>)
      %dma_start3A_247 = arith.constant 7 : i32
      %dma_start3A_248 = arith.constant 0 : i32
      %dma_start3A_249 = tpu.memref_slice %arg8[%dma_start3A_247, %dma_start3A_248] : memref<8x16xi32, #tpu.memory_space<vmem>> -> memref<1x16xi32, #tpu.memory_space<vmem>>
      %dma_start3A_250 = tpu.memref_squeeze %dma_start3A_249 : memref<1x16xi32, #tpu.memory_space<vmem>> -> memref<16xi32, #tpu.memory_space<vmem>>
      %dma_start3A_251 = arith.constant 0 : i32
      %dma_start3A_252 = arith.constant 0 : i32
      %dma_start3A_253 = tpu.memref_slice %arg14[%dma_start3A_251, %dma_start3A_252] : memref<10000x128xf32, #tpu.memory_space<vmem_shared>> -> memref<10000x128xf32, #tpu.memory_space<vmem_shared>>
      tpu.enqueue_indirect_dma source(%dma_start3A_253 : memref<10000x128xf32, #tpu.memory_space<vmem_shared>>) target(%arg13 : memref<16x128xf32, #tpu.memory_space<vmem>>) offsets(%dma_start3A_250 : memref<16xi32, #tpu.memory_space<vmem>>) semaphore(%arg17 : memref<!tpu.dma_semaphore, #tpu.memory_space<semaphore_mem>>)
      %dma_wait3A_254 = arith.constant 6 : i32
      %dma_wait3A_255 = arith.constant 0 : i32
      %dma_wait3A_256 = tpu.memref_slice %arg8[%dma_wait3A_254, %dma_wait3A_255] : memref<8x16xi32, #tpu.memory_space<vmem>> -> memref<1x16xi32, #tpu.memory_space<vmem>>
      %dma_wait3A_257 = tpu.memref_squeeze %dma_wait3A_256 : memref<1x16xi32, #tpu.memory_space<vmem>> -> memref<16xi32, #tpu.memory_space<vmem>>
      %dma_wait3A_258 = arith.constant 0 : i32
      %dma_wait3A_259 = arith.constant 0 : i32
      %dma_wait3A_260 = tpu.memref_slice %arg14[%dma_wait3A_258, %dma_wait3A_259] : memref<10000x128xf32, #tpu.memory_space<vmem_shared>> -> memref<10000x128xf32, #tpu.memory_space<vmem_shared>>
      tpu.wait_indirect_dma semaphore(%arg16 : memref<!tpu.dma_semaphore, #tpu.memory_space<semaphore_mem>>) src(%dma_wait3A_260 : memref<10000x128xf32, #tpu.memory_space<vmem_shared>>) dst(%arg12 : memref<16x128xf32, #tpu.memory_space<vmem>>)
      %dma_start3A_261 = arith.constant 6 : i32
      %dma_start3A_262 = arith.constant 0 : i32
      %dma_start3A_263 = tpu.memref_slice %arg10[%dma_start3A_261, %dma_start3A_262] : memref<8x16xi32, #tpu.memory_space<vmem>> -> memref<1x16xi32, #tpu.memory_space<vmem>>
      %dma_start3A_264 = tpu.memref_squeeze %dma_start3A_263 : memref<1x16xi32, #tpu.memory_space<vmem>> -> memref<16xi32, #tpu.memory_space<vmem>>
      %dma_start3A_265 = arith.constant 0 : i32
      %dma_start3A_266 = arith.constant 0 : i32
      %dma_start3A_267 = tpu.memref_slice %arg15[%dma_start3A_265, %dma_start3A_266] : memref<5120x128xf32, #tpu.memory_space<vmem_shared>> -> memref<5120x128xf32, #tpu.memory_space<vmem_shared>>
      tpu.enqueue_indirect_dma source(%arg12 : memref<16x128xf32, #tpu.memory_space<vmem>>) target(%dma_start3A_267 : memref<5120x128xf32, #tpu.memory_space<vmem_shared>>) offsets(%dma_start3A_264 : memref<16xi32, #tpu.memory_space<vmem>>) semaphore(%arg18 : memref<!tpu.dma_semaphore, #tpu.memory_space<semaphore_mem>>) {add = true}
      %dma_wait3A_268 = arith.constant 7 : i32
      %dma_wait3A_269 = arith.constant 0 : i32
      %dma_wait3A_270 = tpu.memref_slice %arg8[%dma_wait3A_268, %dma_wait3A_269] : memref<8x16xi32, #tpu.memory_space<vmem>> -> memref<1x16xi32, #tpu.memory_space<vmem>>
      %dma_wait3A_271 = tpu.memref_squeeze %dma_wait3A_270 : memref<1x16xi32, #tpu.memory_space<vmem>> -> memref<16xi32, #tpu.memory_space<vmem>>
      %dma_wait3A_272 = arith.constant 0 : i32
      %dma_wait3A_273 = arith.constant 0 : i32
      %dma_wait3A_274 = tpu.memref_slice %arg14[%dma_wait3A_272, %dma_wait3A_273] : memref<10000x128xf32, #tpu.memory_space<vmem_shared>> -> memref<10000x128xf32, #tpu.memory_space<vmem_shared>>
      tpu.wait_indirect_dma semaphore(%arg17 : memref<!tpu.dma_semaphore, #tpu.memory_space<semaphore_mem>>) src(%dma_wait3A_274 : memref<10000x128xf32, #tpu.memory_space<vmem_shared>>) dst(%arg13 : memref<16x128xf32, #tpu.memory_space<vmem>>)
      %dma_start3A_275 = arith.constant 7 : i32
      %dma_start3A_276 = arith.constant 0 : i32
      %dma_start3A_277 = tpu.memref_slice %arg10[%dma_start3A_275, %dma_start3A_276] : memref<8x16xi32, #tpu.memory_space<vmem>> -> memref<1x16xi32, #tpu.memory_space<vmem>>
      %dma_start3A_278 = tpu.memref_squeeze %dma_start3A_277 : memref<1x16xi32, #tpu.memory_space<vmem>> -> memref<16xi32, #tpu.memory_space<vmem>>
      %dma_start3A_279 = arith.constant 0 : i32
      %dma_start3A_280 = arith.constant 0 : i32
      %dma_start3A_281 = tpu.memref_slice %arg15[%dma_start3A_279, %dma_start3A_280] : memref<5120x128xf32, #tpu.memory_space<vmem_shared>> -> memref<5120x128xf32, #tpu.memory_space<vmem_shared>>
      tpu.enqueue_indirect_dma source(%arg13 : memref<16x128xf32, #tpu.memory_space<vmem>>) target(%dma_start3A_281 : memref<5120x128xf32, #tpu.memory_space<vmem_shared>>) offsets(%dma_start3A_278 : memref<16xi32, #tpu.memory_space<vmem>>) semaphore(%arg19 : memref<!tpu.dma_semaphore, #tpu.memory_space<semaphore_mem>>) {add = true}
      %dma_wait3A_282 = arith.constant 6 : i32
      %dma_wait3A_283 = arith.constant 0 : i32
      %dma_wait3A_284 = tpu.memref_slice %arg10[%dma_wait3A_282, %dma_wait3A_283] : memref<8x16xi32, #tpu.memory_space<vmem>> -> memref<1x16xi32, #tpu.memory_space<vmem>>
      %dma_wait3A_285 = tpu.memref_squeeze %dma_wait3A_284 : memref<1x16xi32, #tpu.memory_space<vmem>> -> memref<16xi32, #tpu.memory_space<vmem>>
      %dma_wait3A_286 = arith.constant 0 : i32
      %dma_wait3A_287 = arith.constant 0 : i32
      %dma_wait3A_288 = tpu.memref_slice %arg15[%dma_wait3A_286, %dma_wait3A_287] : memref<5120x128xf32, #tpu.memory_space<vmem_shared>> -> memref<5120x128xf32, #tpu.memory_space<vmem_shared>>
      tpu.wait_indirect_dma semaphore(%arg18 : memref<!tpu.dma_semaphore, #tpu.memory_space<semaphore_mem>>) src(%arg12 : memref<16x128xf32, #tpu.memory_space<vmem>>) dst(%dma_wait3A_288 : memref<5120x128xf32, #tpu.memory_space<vmem_shared>>)
      %dma_wait3A_289 = arith.constant 7 : i32
      %dma_wait3A_290 = arith.constant 0 : i32
      %dma_wait3A_291 = tpu.memref_slice %arg10[%dma_wait3A_289, %dma_wait3A_290] : memref<8x16xi32, #tpu.memory_space<vmem>> -> memref<1x16xi32, #tpu.memory_space<vmem>>
      %dma_wait3A_292 = tpu.memref_squeeze %dma_wait3A_291 : memref<1x16xi32, #tpu.memory_space<vmem>> -> memref<16xi32, #tpu.memory_space<vmem>>
      %dma_wait3A_293 = arith.constant 0 : i32
      %dma_wait3A_294 = arith.constant 0 : i32
      %dma_wait3A_295 = tpu.memref_slice %arg15[%dma_wait3A_293, %dma_wait3A_294] : memref<5120x128xf32, #tpu.memory_space<vmem_shared>> -> memref<5120x128xf32, #tpu.memory_space<vmem_shared>>
      tpu.wait_indirect_dma semaphore(%arg19 : memref<!tpu.dma_semaphore, #tpu.memory_space<semaphore_mem>>) src(%arg13 : memref<16x128xf32, #tpu.memory_space<vmem>>) dst(%dma_wait3A_295 : memref<5120x128xf32, #tpu.memory_space<vmem_shared>>)
      %mul3A_296 = arith.constant 2 : i32
      %mul3A_297 = arith.muli %scan3A_49, %mul3A_296 : i32
      %add3A_298 = arith.constant 1 : i32
      %add3A_299 = arith.addi %mul3A_297, %add3A_298 : i32
      %mul3A_300 = arith.constant 8 : i32
      %mul3A_301 = arith.muli %add3A_299, %mul3A_300 : i32
      %add3A_302 = arith.addi %mul3A_2, %mul3A_301 : i32
      %dma_wait3A_303 = arith.constant 0 : i32
      %dma_wait3A_304 = tpu.memref_slice %arg3[%add3A_302, %dma_wait3A_303] : memref<20480x16xi32, #tpu.memory_space<hbm>> -> memref<8x16xi32, #tpu.memory_space<hbm>>
      %dma_wait3A_305 = arith.constant 0 : i32
      %dma_wait3A_306 = tpu.memref_slice %arg3[%add3A_302, %dma_wait3A_305] : memref<20480x16xi32, #tpu.memory_space<hbm>> -> memref<8x16xi32, #tpu.memory_space<hbm>>
      tpu.wait_dma2 semaphore(%arg21 : memref<!tpu.dma_semaphore, #tpu.memory_space<semaphore_mem>>) src(%dma_wait3A_306 : memref<8x16xi32, #tpu.memory_space<hbm>>) dst(%arg9 : memref<8x16xi32, #tpu.memory_space<vmem>>)
      %dma_wait3A_307 = arith.constant 0 : i32
      %dma_wait3A_308 = tpu.memref_slice %arg4[%add3A_302, %dma_wait3A_307] : memref<20480x16xi32, #tpu.memory_space<hbm>> -> memref<8x16xi32, #tpu.memory_space<hbm>>
      %dma_wait3A_309 = arith.constant 0 : i32
      %dma_wait3A_310 = tpu.memref_slice %arg4[%add3A_302, %dma_wait3A_309] : memref<20480x16xi32, #tpu.memory_space<hbm>> -> memref<8x16xi32, #tpu.memory_space<hbm>>
      tpu.wait_dma2 semaphore(%arg21 : memref<!tpu.dma_semaphore, #tpu.memory_space<semaphore_mem>>) src(%dma_wait3A_310 : memref<8x16xi32, #tpu.memory_space<hbm>>) dst(%arg11 : memref<8x16xi32, #tpu.memory_space<vmem>>)
      %add3A_311 = arith.constant 1 : i32
      %add3A_312 = arith.addi %add3A_299, %add3A_311 : i32
      %lt3A_313 = arith.constant 80 : i32
      %lt3A_314 = arith.cmpi slt, %add3A_312, %lt3A_313 : i32
      %convert_element_type3A_315 = arith.extui %lt3A_314 : i1 to i32
      %cond3A_316 = arith.constant 0 : i32
      %cond3A_317 = arith.cmpi ne, %convert_element_type3A_315, %cond3A_316 : i32
      scf.if %cond3A_317 {
        %add3A_543 = arith.constant 1 : i32
        %add3A_544 = arith.addi %add3A_299, %add3A_543 : i32
        %mul3A_545 = arith.constant 8 : i32
        %mul3A_546 = arith.muli %add3A_544, %mul3A_545 : i32
        %add3A_547 = arith.addi %mul3A_2, %mul3A_546 : i32
        %dma_start3A_548 = arith.constant 0 : i32
        %dma_start3A_549 = tpu.memref_slice %arg3[%add3A_547, %dma_start3A_548] : memref<20480x16xi32, #tpu.memory_space<hbm>> -> memref<8x16xi32, #tpu.memory_space<hbm>>
        %dma_start3A_550 = arith.constant 0 : i32
        %dma_start3A_551 = tpu.memref_slice %arg3[%add3A_547, %dma_start3A_550] : memref<20480x16xi32, #tpu.memory_space<hbm>> -> memref<8x16xi32, #tpu.memory_space<hbm>>
        tpu.enqueue_dma source(%dma_start3A_551 : memref<8x16xi32, #tpu.memory_space<hbm>>) target(%arg8 : memref<8x16xi32, #tpu.memory_space<vmem>>) target_semaphore(%arg20 : memref<!tpu.dma_semaphore, #tpu.memory_space<semaphore_mem>>)
        %dma_start3A_552 = arith.constant 0 : i32
        %dma_start3A_553 = tpu.memref_slice %arg4[%add3A_547, %dma_start3A_552] : memref<20480x16xi32, #tpu.memory_space<hbm>> -> memref<8x16xi32, #tpu.memory_space<hbm>>
        %dma_start3A_554 = arith.constant 0 : i32
        %dma_start3A_555 = tpu.memref_slice %arg4[%add3A_547, %dma_start3A_554] : memref<20480x16xi32, #tpu.memory_space<hbm>> -> memref<8x16xi32, #tpu.memory_space<hbm>>
        tpu.enqueue_dma source(%dma_start3A_555 : memref<8x16xi32, #tpu.memory_space<hbm>>) target(%arg10 : memref<8x16xi32, #tpu.memory_space<vmem>>) target_semaphore(%arg20 : memref<!tpu.dma_semaphore, #tpu.memory_space<semaphore_mem>>)
      } else {
      }
      %dma_start3A_318 = arith.constant 0 : i32
      %dma_start3A_319 = arith.constant 0 : i32
      %dma_start3A_320 = tpu.memref_slice %arg9[%dma_start3A_318, %dma_start3A_319] : memref<8x16xi32, #tpu.memory_space<vmem>> -> memref<1x16xi32, #tpu.memory_space<vmem>>
      %dma_start3A_321 = tpu.memref_squeeze %dma_start3A_320 : memref<1x16xi32, #tpu.memory_space<vmem>> -> memref<16xi32, #tpu.memory_space<vmem>>
      %dma_start3A_322 = arith.constant 0 : i32
      %dma_start3A_323 = arith.constant 0 : i32
      %dma_start3A_324 = tpu.memref_slice %arg14[%dma_start3A_322, %dma_start3A_323] : memref<10000x128xf32, #tpu.memory_space<vmem_shared>> -> memref<10000x128xf32, #tpu.memory_space<vmem_shared>>
      tpu.enqueue_indirect_dma source(%dma_start3A_324 : memref<10000x128xf32, #tpu.memory_space<vmem_shared>>) target(%arg12 : memref<16x128xf32, #tpu.memory_space<vmem>>) offsets(%dma_start3A_321 : memref<16xi32, #tpu.memory_space<vmem>>) semaphore(%arg16 : memref<!tpu.dma_semaphore, #tpu.memory_space<semaphore_mem>>)
      %dma_start3A_325 = arith.constant 1 : i32
      %dma_start3A_326 = arith.constant 0 : i32
      %dma_start3A_327 = tpu.memref_slice %arg9[%dma_start3A_325, %dma_start3A_326] : memref<8x16xi32, #tpu.memory_space<vmem>> -> memref<1x16xi32, #tpu.memory_space<vmem>>
      %dma_start3A_328 = tpu.memref_squeeze %dma_start3A_327 : memref<1x16xi32, #tpu.memory_space<vmem>> -> memref<16xi32, #tpu.memory_space<vmem>>
      %dma_start3A_329 = arith.constant 0 : i32
      %dma_start3A_330 = arith.constant 0 : i32
      %dma_start3A_331 = tpu.memref_slice %arg14[%dma_start3A_329, %dma_start3A_330] : memref<10000x128xf32, #tpu.memory_space<vmem_shared>> -> memref<10000x128xf32, #tpu.memory_space<vmem_shared>>
      tpu.enqueue_indirect_dma source(%dma_start3A_331 : memref<10000x128xf32, #tpu.memory_space<vmem_shared>>) target(%arg13 : memref<16x128xf32, #tpu.memory_space<vmem>>) offsets(%dma_start3A_328 : memref<16xi32, #tpu.memory_space<vmem>>) semaphore(%arg17 : memref<!tpu.dma_semaphore, #tpu.memory_space<semaphore_mem>>)
      %dma_wait3A_332 = arith.constant 0 : i32
      %dma_wait3A_333 = arith.constant 0 : i32
      %dma_wait3A_334 = tpu.memref_slice %arg9[%dma_wait3A_332, %dma_wait3A_333] : memref<8x16xi32, #tpu.memory_space<vmem>> -> memref<1x16xi32, #tpu.memory_space<vmem>>
      %dma_wait3A_335 = tpu.memref_squeeze %dma_wait3A_334 : memref<1x16xi32, #tpu.memory_space<vmem>> -> memref<16xi32, #tpu.memory_space<vmem>>
      %dma_wait3A_336 = arith.constant 0 : i32
      %dma_wait3A_337 = arith.constant 0 : i32
      %dma_wait3A_338 = tpu.memref_slice %arg14[%dma_wait3A_336, %dma_wait3A_337] : memref<10000x128xf32, #tpu.memory_space<vmem_shared>> -> memref<10000x128xf32, #tpu.memory_space<vmem_shared>>
      tpu.wait_indirect_dma semaphore(%arg16 : memref<!tpu.dma_semaphore, #tpu.memory_space<semaphore_mem>>) src(%dma_wait3A_338 : memref<10000x128xf32, #tpu.memory_space<vmem_shared>>) dst(%arg12 : memref<16x128xf32, #tpu.memory_space<vmem>>)
      %dma_start3A_339 = arith.constant 0 : i32
      %dma_start3A_340 = arith.constant 0 : i32
      %dma_start3A_341 = tpu.memref_slice %arg11[%dma_start3A_339, %dma_start3A_340] : memref<8x16xi32, #tpu.memory_space<vmem>> -> memref<1x16xi32, #tpu.memory_space<vmem>>
      %dma_start3A_342 = tpu.memref_squeeze %dma_start3A_341 : memref<1x16xi32, #tpu.memory_space<vmem>> -> memref<16xi32, #tpu.memory_space<vmem>>
      %dma_start3A_343 = arith.constant 0 : i32
      %dma_start3A_344 = arith.constant 0 : i32
      %dma_start3A_345 = tpu.memref_slice %arg15[%dma_start3A_343, %dma_start3A_344] : memref<5120x128xf32, #tpu.memory_space<vmem_shared>> -> memref<5120x128xf32, #tpu.memory_space<vmem_shared>>
      tpu.enqueue_indirect_dma source(%arg12 : memref<16x128xf32, #tpu.memory_space<vmem>>) target(%dma_start3A_345 : memref<5120x128xf32, #tpu.memory_space<vmem_shared>>) offsets(%dma_start3A_342 : memref<16xi32, #tpu.memory_space<vmem>>) semaphore(%arg18 : memref<!tpu.dma_semaphore, #tpu.memory_space<semaphore_mem>>) {add = true}
      %dma_wait3A_346 = arith.constant 0 : i32
      %dma_wait3A_347 = arith.constant 0 : i32
      %dma_wait3A_348 = tpu.memref_slice %arg11[%dma_wait3A_346, %dma_wait3A_347] : memref<8x16xi32, #tpu.memory_space<vmem>> -> memref<1x16xi32, #tpu.memory_space<vmem>>
      %dma_wait3A_349 = tpu.memref_squeeze %dma_wait3A_348 : memref<1x16xi32, #tpu.memory_space<vmem>> -> memref<16xi32, #tpu.memory_space<vmem>>
      %dma_wait3A_350 = arith.constant 0 : i32
      %dma_wait3A_351 = arith.constant 0 : i32
      %dma_wait3A_352 = tpu.memref_slice %arg15[%dma_wait3A_350, %dma_wait3A_351] : memref<5120x128xf32, #tpu.memory_space<vmem_shared>> -> memref<5120x128xf32, #tpu.memory_space<vmem_shared>>
      tpu.wait_indirect_dma semaphore(%arg18 : memref<!tpu.dma_semaphore, #tpu.memory_space<semaphore_mem>>) src(%arg12 : memref<16x128xf32, #tpu.memory_space<vmem>>) dst(%dma_wait3A_352 : memref<5120x128xf32, #tpu.memory_space<vmem_shared>>)
      %dma_start3A_353 = arith.constant 2 : i32
      %dma_start3A_354 = arith.constant 0 : i32
      %dma_start3A_355 = tpu.memref_slice %arg9[%dma_start3A_353, %dma_start3A_354] : memref<8x16xi32, #tpu.memory_space<vmem>> -> memref<1x16xi32, #tpu.memory_space<vmem>>
      %dma_start3A_356 = tpu.memref_squeeze %dma_start3A_355 : memref<1x16xi32, #tpu.memory_space<vmem>> -> memref<16xi32, #tpu.memory_space<vmem>>
      %dma_start3A_357 = arith.constant 0 : i32
      %dma_start3A_358 = arith.constant 0 : i32
      %dma_start3A_359 = tpu.memref_slice %arg14[%dma_start3A_357, %dma_start3A_358] : memref<10000x128xf32, #tpu.memory_space<vmem_shared>> -> memref<10000x128xf32, #tpu.memory_space<vmem_shared>>
      tpu.enqueue_indirect_dma source(%dma_start3A_359 : memref<10000x128xf32, #tpu.memory_space<vmem_shared>>) target(%arg12 : memref<16x128xf32, #tpu.memory_space<vmem>>) offsets(%dma_start3A_356 : memref<16xi32, #tpu.memory_space<vmem>>) semaphore(%arg16 : memref<!tpu.dma_semaphore, #tpu.memory_space<semaphore_mem>>)
      %dma_wait3A_360 = arith.constant 1 : i32
      %dma_wait3A_361 = arith.constant 0 : i32
      %dma_wait3A_362 = tpu.memref_slice %arg9[%dma_wait3A_360, %dma_wait3A_361] : memref<8x16xi32, #tpu.memory_space<vmem>> -> memref<1x16xi32, #tpu.memory_space<vmem>>
      %dma_wait3A_363 = tpu.memref_squeeze %dma_wait3A_362 : memref<1x16xi32, #tpu.memory_space<vmem>> -> memref<16xi32, #tpu.memory_space<vmem>>
      %dma_wait3A_364 = arith.constant 0 : i32
      %dma_wait3A_365 = arith.constant 0 : i32
      %dma_wait3A_366 = tpu.memref_slice %arg14[%dma_wait3A_364, %dma_wait3A_365] : memref<10000x128xf32, #tpu.memory_space<vmem_shared>> -> memref<10000x128xf32, #tpu.memory_space<vmem_shared>>
      tpu.wait_indirect_dma semaphore(%arg17 : memref<!tpu.dma_semaphore, #tpu.memory_space<semaphore_mem>>) src(%dma_wait3A_366 : memref<10000x128xf32, #tpu.memory_space<vmem_shared>>) dst(%arg13 : memref<16x128xf32, #tpu.memory_space<vmem>>)
      %dma_start3A_367 = arith.constant 1 : i32
      %dma_start3A_368 = arith.constant 0 : i32
      %dma_start3A_369 = tpu.memref_slice %arg11[%dma_start3A_367, %dma_start3A_368] : memref<8x16xi32, #tpu.memory_space<vmem>> -> memref<1x16xi32, #tpu.memory_space<vmem>>
      %dma_start3A_370 = tpu.memref_squeeze %dma_start3A_369 : memref<1x16xi32, #tpu.memory_space<vmem>> -> memref<16xi32, #tpu.memory_space<vmem>>
      %dma_start3A_371 = arith.constant 0 : i32
      %dma_start3A_372 = arith.constant 0 : i32
      %dma_start3A_373 = tpu.memref_slice %arg15[%dma_start3A_371, %dma_start3A_372] : memref<5120x128xf32, #tpu.memory_space<vmem_shared>> -> memref<5120x128xf32, #tpu.memory_space<vmem_shared>>
      tpu.enqueue_indirect_dma source(%arg13 : memref<16x128xf32, #tpu.memory_space<vmem>>) target(%dma_start3A_373 : memref<5120x128xf32, #tpu.memory_space<vmem_shared>>) offsets(%dma_start3A_370 : memref<16xi32, #tpu.memory_space<vmem>>) semaphore(%arg19 : memref<!tpu.dma_semaphore, #tpu.memory_space<semaphore_mem>>) {add = true}
      %dma_wait3A_374 = arith.constant 1 : i32
      %dma_wait3A_375 = arith.constant 0 : i32
      %dma_wait3A_376 = tpu.memref_slice %arg11[%dma_wait3A_374, %dma_wait3A_375] : memref<8x16xi32, #tpu.memory_space<vmem>> -> memref<1x16xi32, #tpu.memory_space<vmem>>
      %dma_wait3A_377 = tpu.memref_squeeze %dma_wait3A_376 : memref<1x16xi32, #tpu.memory_space<vmem>> -> memref<16xi32, #tpu.memory_space<vmem>>
      %dma_wait3A_378 = arith.constant 0 : i32
      %dma_wait3A_379 = arith.constant 0 : i32
      %dma_wait3A_380 = tpu.memref_slice %arg15[%dma_wait3A_378, %dma_wait3A_379] : memref<5120x128xf32, #tpu.memory_space<vmem_shared>> -> memref<5120x128xf32, #tpu.memory_space<vmem_shared>>
      tpu.wait_indirect_dma semaphore(%arg19 : memref<!tpu.dma_semaphore, #tpu.memory_space<semaphore_mem>>) src(%arg13 : memref<16x128xf32, #tpu.memory_space<vmem>>) dst(%dma_wait3A_380 : memref<5120x128xf32, #tpu.memory_space<vmem_shared>>)
      %dma_start3A_381 = arith.constant 3 : i32
      %dma_start3A_382 = arith.constant 0 : i32
      %dma_start3A_383 = tpu.memref_slice %arg9[%dma_start3A_381, %dma_start3A_382] : memref<8x16xi32, #tpu.memory_space<vmem>> -> memref<1x16xi32, #tpu.memory_space<vmem>>
      %dma_start3A_384 = tpu.memref_squeeze %dma_start3A_383 : memref<1x16xi32, #tpu.memory_space<vmem>> -> memref<16xi32, #tpu.memory_space<vmem>>
      %dma_start3A_385 = arith.constant 0 : i32
      %dma_start3A_386 = arith.constant 0 : i32
      %dma_start3A_387 = tpu.memref_slice %arg14[%dma_start3A_385, %dma_start3A_386] : memref<10000x128xf32, #tpu.memory_space<vmem_shared>> -> memref<10000x128xf32, #tpu.memory_space<vmem_shared>>
      tpu.enqueue_indirect_dma source(%dma_start3A_387 : memref<10000x128xf32, #tpu.memory_space<vmem_shared>>) target(%arg13 : memref<16x128xf32, #tpu.memory_space<vmem>>) offsets(%dma_start3A_384 : memref<16xi32, #tpu.memory_space<vmem>>) semaphore(%arg17 : memref<!tpu.dma_semaphore, #tpu.memory_space<semaphore_mem>>)
      %dma_wait3A_388 = arith.constant 2 : i32
      %dma_wait3A_389 = arith.constant 0 : i32
      %dma_wait3A_390 = tpu.memref_slice %arg9[%dma_wait3A_388, %dma_wait3A_389] : memref<8x16xi32, #tpu.memory_space<vmem>> -> memref<1x16xi32, #tpu.memory_space<vmem>>
      %dma_wait3A_391 = tpu.memref_squeeze %dma_wait3A_390 : memref<1x16xi32, #tpu.memory_space<vmem>> -> memref<16xi32, #tpu.memory_space<vmem>>
      %dma_wait3A_392 = arith.constant 0 : i32
      %dma_wait3A_393 = arith.constant 0 : i32
      %dma_wait3A_394 = tpu.memref_slice %arg14[%dma_wait3A_392, %dma_wait3A_393] : memref<10000x128xf32, #tpu.memory_space<vmem_shared>> -> memref<10000x128xf32, #tpu.memory_space<vmem_shared>>
      tpu.wait_indirect_dma semaphore(%arg16 : memref<!tpu.dma_semaphore, #tpu.memory_space<semaphore_mem>>) src(%dma_wait3A_394 : memref<10000x128xf32, #tpu.memory_space<vmem_shared>>) dst(%arg12 : memref<16x128xf32, #tpu.memory_space<vmem>>)
      %dma_start3A_395 = arith.constant 2 : i32
      %dma_start3A_396 = arith.constant 0 : i32
      %dma_start3A_397 = tpu.memref_slice %arg11[%dma_start3A_395, %dma_start3A_396] : memref<8x16xi32, #tpu.memory_space<vmem>> -> memref<1x16xi32, #tpu.memory_space<vmem>>
      %dma_start3A_398 = tpu.memref_squeeze %dma_start3A_397 : memref<1x16xi32, #tpu.memory_space<vmem>> -> memref<16xi32, #tpu.memory_space<vmem>>
      %dma_start3A_399 = arith.constant 0 : i32
      %dma_start3A_400 = arith.constant 0 : i32
      %dma_start3A_401 = tpu.memref_slice %arg15[%dma_start3A_399, %dma_start3A_400] : memref<5120x128xf32, #tpu.memory_space<vmem_shared>> -> memref<5120x128xf32, #tpu.memory_space<vmem_shared>>
      tpu.enqueue_indirect_dma source(%arg12 : memref<16x128xf32, #tpu.memory_space<vmem>>) target(%dma_start3A_401 : memref<5120x128xf32, #tpu.memory_space<vmem_shared>>) offsets(%dma_start3A_398 : memref<16xi32, #tpu.memory_space<vmem>>) semaphore(%arg18 : memref<!tpu.dma_semaphore, #tpu.memory_space<semaphore_mem>>) {add = true}
      %dma_wait3A_402 = arith.constant 2 : i32
      %dma_wait3A_403 = arith.constant 0 : i32
      %dma_wait3A_404 = tpu.memref_slice %arg11[%dma_wait3A_402, %dma_wait3A_403] : memref<8x16xi32, #tpu.memory_space<vmem>> -> memref<1x16xi32, #tpu.memory_space<vmem>>
      %dma_wait3A_405 = tpu.memref_squeeze %dma_wait3A_404 : memref<1x16xi32, #tpu.memory_space<vmem>> -> memref<16xi32, #tpu.memory_space<vmem>>
      %dma_wait3A_406 = arith.constant 0 : i32
      %dma_wait3A_407 = arith.constant 0 : i32
      %dma_wait3A_408 = tpu.memref_slice %arg15[%dma_wait3A_406, %dma_wait3A_407] : memref<5120x128xf32, #tpu.memory_space<vmem_shared>> -> memref<5120x128xf32, #tpu.memory_space<vmem_shared>>
      tpu.wait_indirect_dma semaphore(%arg18 : memref<!tpu.dma_semaphore, #tpu.memory_space<semaphore_mem>>) src(%arg12 : memref<16x128xf32, #tpu.memory_space<vmem>>) dst(%dma_wait3A_408 : memref<5120x128xf32, #tpu.memory_space<vmem_shared>>)
      %dma_start3A_409 = arith.constant 4 : i32
      %dma_start3A_410 = arith.constant 0 : i32
      %dma_start3A_411 = tpu.memref_slice %arg9[%dma_start3A_409, %dma_start3A_410] : memref<8x16xi32, #tpu.memory_space<vmem>> -> memref<1x16xi32, #tpu.memory_space<vmem>>
      %dma_start3A_412 = tpu.memref_squeeze %dma_start3A_411 : memref<1x16xi32, #tpu.memory_space<vmem>> -> memref<16xi32, #tpu.memory_space<vmem>>
      %dma_start3A_413 = arith.constant 0 : i32
      %dma_start3A_414 = arith.constant 0 : i32
      %dma_start3A_415 = tpu.memref_slice %arg14[%dma_start3A_413, %dma_start3A_414] : memref<10000x128xf32, #tpu.memory_space<vmem_shared>> -> memref<10000x128xf32, #tpu.memory_space<vmem_shared>>
      tpu.enqueue_indirect_dma source(%dma_start3A_415 : memref<10000x128xf32, #tpu.memory_space<vmem_shared>>) target(%arg12 : memref<16x128xf32, #tpu.memory_space<vmem>>) offsets(%dma_start3A_412 : memref<16xi32, #tpu.memory_space<vmem>>) semaphore(%arg16 : memref<!tpu.dma_semaphore, #tpu.memory_space<semaphore_mem>>)
      %dma_wait3A_416 = arith.constant 3 : i32
      %dma_wait3A_417 = arith.constant 0 : i32
      %dma_wait3A_418 = tpu.memref_slice %arg9[%dma_wait3A_416, %dma_wait3A_417] : memref<8x16xi32, #tpu.memory_space<vmem>> -> memref<1x16xi32, #tpu.memory_space<vmem>>
      %dma_wait3A_419 = tpu.memref_squeeze %dma_wait3A_418 : memref<1x16xi32, #tpu.memory_space<vmem>> -> memref<16xi32, #tpu.memory_space<vmem>>
      %dma_wait3A_420 = arith.constant 0 : i32
      %dma_wait3A_421 = arith.constant 0 : i32
      %dma_wait3A_422 = tpu.memref_slice %arg14[%dma_wait3A_420, %dma_wait3A_421] : memref<10000x128xf32, #tpu.memory_space<vmem_shared>> -> memref<10000x128xf32, #tpu.memory_space<vmem_shared>>
      tpu.wait_indirect_dma semaphore(%arg17 : memref<!tpu.dma_semaphore, #tpu.memory_space<semaphore_mem>>) src(%dma_wait3A_422 : memref<10000x128xf32, #tpu.memory_space<vmem_shared>>) dst(%arg13 : memref<16x128xf32, #tpu.memory_space<vmem>>)
      %dma_start3A_423 = arith.constant 3 : i32
      %dma_start3A_424 = arith.constant 0 : i32
      %dma_start3A_425 = tpu.memref_slice %arg11[%dma_start3A_423, %dma_start3A_424] : memref<8x16xi32, #tpu.memory_space<vmem>> -> memref<1x16xi32, #tpu.memory_space<vmem>>
      %dma_start3A_426 = tpu.memref_squeeze %dma_start3A_425 : memref<1x16xi32, #tpu.memory_space<vmem>> -> memref<16xi32, #tpu.memory_space<vmem>>
      %dma_start3A_427 = arith.constant 0 : i32
      %dma_start3A_428 = arith.constant 0 : i32
      %dma_start3A_429 = tpu.memref_slice %arg15[%dma_start3A_427, %dma_start3A_428] : memref<5120x128xf32, #tpu.memory_space<vmem_shared>> -> memref<5120x128xf32, #tpu.memory_space<vmem_shared>>
      tpu.enqueue_indirect_dma source(%arg13 : memref<16x128xf32, #tpu.memory_space<vmem>>) target(%dma_start3A_429 : memref<5120x128xf32, #tpu.memory_space<vmem_shared>>) offsets(%dma_start3A_426 : memref<16xi32, #tpu.memory_space<vmem>>) semaphore(%arg19 : memref<!tpu.dma_semaphore, #tpu.memory_space<semaphore_mem>>) {add = true}
      %dma_wait3A_430 = arith.constant 3 : i32
      %dma_wait3A_431 = arith.constant 0 : i32
      %dma_wait3A_432 = tpu.memref_slice %arg11[%dma_wait3A_430, %dma_wait3A_431] : memref<8x16xi32, #tpu.memory_space<vmem>> -> memref<1x16xi32, #tpu.memory_space<vmem>>
      %dma_wait3A_433 = tpu.memref_squeeze %dma_wait3A_432 : memref<1x16xi32, #tpu.memory_space<vmem>> -> memref<16xi32, #tpu.memory_space<vmem>>
      %dma_wait3A_434 = arith.constant 0 : i32
      %dma_wait3A_435 = arith.constant 0 : i32
      %dma_wait3A_436 = tpu.memref_slice %arg15[%dma_wait3A_434, %dma_wait3A_435] : memref<5120x128xf32, #tpu.memory_space<vmem_shared>> -> memref<5120x128xf32, #tpu.memory_space<vmem_shared>>
      tpu.wait_indirect_dma semaphore(%arg19 : memref<!tpu.dma_semaphore, #tpu.memory_space<semaphore_mem>>) src(%arg13 : memref<16x128xf32, #tpu.memory_space<vmem>>) dst(%dma_wait3A_436 : memref<5120x128xf32, #tpu.memory_space<vmem_shared>>)
      %dma_start3A_437 = arith.constant 5 : i32
      %dma_start3A_438 = arith.constant 0 : i32
      %dma_start3A_439 = tpu.memref_slice %arg9[%dma_start3A_437, %dma_start3A_438] : memref<8x16xi32, #tpu.memory_space<vmem>> -> memref<1x16xi32, #tpu.memory_space<vmem>>
      %dma_start3A_440 = tpu.memref_squeeze %dma_start3A_439 : memref<1x16xi32, #tpu.memory_space<vmem>> -> memref<16xi32, #tpu.memory_space<vmem>>
      %dma_start3A_441 = arith.constant 0 : i32
      %dma_start3A_442 = arith.constant 0 : i32
      %dma_start3A_443 = tpu.memref_slice %arg14[%dma_start3A_441, %dma_start3A_442] : memref<10000x128xf32, #tpu.memory_space<vmem_shared>> -> memref<10000x128xf32, #tpu.memory_space<vmem_shared>>
      tpu.enqueue_indirect_dma source(%dma_start3A_443 : memref<10000x128xf32, #tpu.memory_space<vmem_shared>>) target(%arg13 : memref<16x128xf32, #tpu.memory_space<vmem>>) offsets(%dma_start3A_440 : memref<16xi32, #tpu.memory_space<vmem>>) semaphore(%arg17 : memref<!tpu.dma_semaphore, #tpu.memory_space<semaphore_mem>>)
      %dma_wait3A_444 = arith.constant 4 : i32
      %dma_wait3A_445 = arith.constant 0 : i32
      %dma_wait3A_446 = tpu.memref_slice %arg9[%dma_wait3A_444, %dma_wait3A_445] : memref<8x16xi32, #tpu.memory_space<vmem>> -> memref<1x16xi32, #tpu.memory_space<vmem>>
      %dma_wait3A_447 = tpu.memref_squeeze %dma_wait3A_446 : memref<1x16xi32, #tpu.memory_space<vmem>> -> memref<16xi32, #tpu.memory_space<vmem>>
      %dma_wait3A_448 = arith.constant 0 : i32
      %dma_wait3A_449 = arith.constant 0 : i32
      %dma_wait3A_450 = tpu.memref_slice %arg14[%dma_wait3A_448, %dma_wait3A_449] : memref<10000x128xf32, #tpu.memory_space<vmem_shared>> -> memref<10000x128xf32, #tpu.memory_space<vmem_shared>>
      tpu.wait_indirect_dma semaphore(%arg16 : memref<!tpu.dma_semaphore, #tpu.memory_space<semaphore_mem>>) src(%dma_wait3A_450 : memref<10000x128xf32, #tpu.memory_space<vmem_shared>>) dst(%arg12 : memref<16x128xf32, #tpu.memory_space<vmem>>)
      %dma_start3A_451 = arith.constant 4 : i32
      %dma_start3A_452 = arith.constant 0 : i32
      %dma_start3A_453 = tpu.memref_slice %arg11[%dma_start3A_451, %dma_start3A_452] : memref<8x16xi32, #tpu.memory_space<vmem>> -> memref<1x16xi32, #tpu.memory_space<vmem>>
      %dma_start3A_454 = tpu.memref_squeeze %dma_start3A_453 : memref<1x16xi32, #tpu.memory_space<vmem>> -> memref<16xi32, #tpu.memory_space<vmem>>
      %dma_start3A_455 = arith.constant 0 : i32
      %dma_start3A_456 = arith.constant 0 : i32
      %dma_start3A_457 = tpu.memref_slice %arg15[%dma_start3A_455, %dma_start3A_456] : memref<5120x128xf32, #tpu.memory_space<vmem_shared>> -> memref<5120x128xf32, #tpu.memory_space<vmem_shared>>
      tpu.enqueue_indirect_dma source(%arg12 : memref<16x128xf32, #tpu.memory_space<vmem>>) target(%dma_start3A_457 : memref<5120x128xf32, #tpu.memory_space<vmem_shared>>) offsets(%dma_start3A_454 : memref<16xi32, #tpu.memory_space<vmem>>) semaphore(%arg18 : memref<!tpu.dma_semaphore, #tpu.memory_space<semaphore_mem>>) {add = true}
      %dma_wait3A_458 = arith.constant 4 : i32
      %dma_wait3A_459 = arith.constant 0 : i32
      %dma_wait3A_460 = tpu.memref_slice %arg11[%dma_wait3A_458, %dma_wait3A_459] : memref<8x16xi32, #tpu.memory_space<vmem>> -> memref<1x16xi32, #tpu.memory_space<vmem>>
      %dma_wait3A_461 = tpu.memref_squeeze %dma_wait3A_460 : memref<1x16xi32, #tpu.memory_space<vmem>> -> memref<16xi32, #tpu.memory_space<vmem>>
      %dma_wait3A_462 = arith.constant 0 : i32
      %dma_wait3A_463 = arith.constant 0 : i32
      %dma_wait3A_464 = tpu.memref_slice %arg15[%dma_wait3A_462, %dma_wait3A_463] : memref<5120x128xf32, #tpu.memory_space<vmem_shared>> -> memref<5120x128xf32, #tpu.memory_space<vmem_shared>>
      tpu.wait_indirect_dma semaphore(%arg18 : memref<!tpu.dma_semaphore, #tpu.memory_space<semaphore_mem>>) src(%arg12 : memref<16x128xf32, #tpu.memory_space<vmem>>) dst(%dma_wait3A_464 : memref<5120x128xf32, #tpu.memory_space<vmem_shared>>)
      %dma_start3A_465 = arith.constant 6 : i32
      %dma_start3A_466 = arith.constant 0 : i32
      %dma_start3A_467 = tpu.memref_slice %arg9[%dma_start3A_465, %dma_start3A_466] : memref<8x16xi32, #tpu.memory_space<vmem>> -> memref<1x16xi32, #tpu.memory_space<vmem>>
      %dma_start3A_468 = tpu.memref_squeeze %dma_start3A_467 : memref<1x16xi32, #tpu.memory_space<vmem>> -> memref<16xi32, #tpu.memory_space<vmem>>
      %dma_start3A_469 = arith.constant 0 : i32
      %dma_start3A_470 = arith.constant 0 : i32
      %dma_start3A_471 = tpu.memref_slice %arg14[%dma_start3A_469, %dma_start3A_470] : memref<10000x128xf32, #tpu.memory_space<vmem_shared>> -> memref<10000x128xf32, #tpu.memory_space<vmem_shared>>
      tpu.enqueue_indirect_dma source(%dma_start3A_471 : memref<10000x128xf32, #tpu.memory_space<vmem_shared>>) target(%arg12 : memref<16x128xf32, #tpu.memory_space<vmem>>) offsets(%dma_start3A_468 : memref<16xi32, #tpu.memory_space<vmem>>) semaphore(%arg16 : memref<!tpu.dma_semaphore, #tpu.memory_space<semaphore_mem>>)
      %dma_wait3A_472 = arith.constant 5 : i32
      %dma_wait3A_473 = arith.constant 0 : i32
      %dma_wait3A_474 = tpu.memref_slice %arg9[%dma_wait3A_472, %dma_wait3A_473] : memref<8x16xi32, #tpu.memory_space<vmem>> -> memref<1x16xi32, #tpu.memory_space<vmem>>
      %dma_wait3A_475 = tpu.memref_squeeze %dma_wait3A_474 : memref<1x16xi32, #tpu.memory_space<vmem>> -> memref<16xi32, #tpu.memory_space<vmem>>
      %dma_wait3A_476 = arith.constant 0 : i32
      %dma_wait3A_477 = arith.constant 0 : i32
      %dma_wait3A_478 = tpu.memref_slice %arg14[%dma_wait3A_476, %dma_wait3A_477] : memref<10000x128xf32, #tpu.memory_space<vmem_shared>> -> memref<10000x128xf32, #tpu.memory_space<vmem_shared>>
      tpu.wait_indirect_dma semaphore(%arg17 : memref<!tpu.dma_semaphore, #tpu.memory_space<semaphore_mem>>) src(%dma_wait3A_478 : memref<10000x128xf32, #tpu.memory_space<vmem_shared>>) dst(%arg13 : memref<16x128xf32, #tpu.memory_space<vmem>>)
      %dma_start3A_479 = arith.constant 5 : i32
      %dma_start3A_480 = arith.constant 0 : i32
      %dma_start3A_481 = tpu.memref_slice %arg11[%dma_start3A_479, %dma_start3A_480] : memref<8x16xi32, #tpu.memory_space<vmem>> -> memref<1x16xi32, #tpu.memory_space<vmem>>
      %dma_start3A_482 = tpu.memref_squeeze %dma_start3A_481 : memref<1x16xi32, #tpu.memory_space<vmem>> -> memref<16xi32, #tpu.memory_space<vmem>>
      %dma_start3A_483 = arith.constant 0 : i32
      %dma_start3A_484 = arith.constant 0 : i32
      %dma_start3A_485 = tpu.memref_slice %arg15[%dma_start3A_483, %dma_start3A_484] : memref<5120x128xf32, #tpu.memory_space<vmem_shared>> -> memref<5120x128xf32, #tpu.memory_space<vmem_shared>>
      tpu.enqueue_indirect_dma source(%arg13 : memref<16x128xf32, #tpu.memory_space<vmem>>) target(%dma_start3A_485 : memref<5120x128xf32, #tpu.memory_space<vmem_shared>>) offsets(%dma_start3A_482 : memref<16xi32, #tpu.memory_space<vmem>>) semaphore(%arg19 : memref<!tpu.dma_semaphore, #tpu.memory_space<semaphore_mem>>) {add = true}
      %dma_wait3A_486 = arith.constant 5 : i32
      %dma_wait3A_487 = arith.constant 0 : i32
      %dma_wait3A_488 = tpu.memref_slice %arg11[%dma_wait3A_486, %dma_wait3A_487] : memref<8x16xi32, #tpu.memory_space<vmem>> -> memref<1x16xi32, #tpu.memory_space<vmem>>
      %dma_wait3A_489 = tpu.memref_squeeze %dma_wait3A_488 : memref<1x16xi32, #tpu.memory_space<vmem>> -> memref<16xi32, #tpu.memory_space<vmem>>
      %dma_wait3A_490 = arith.constant 0 : i32
      %dma_wait3A_491 = arith.constant 0 : i32
      %dma_wait3A_492 = tpu.memref_slice %arg15[%dma_wait3A_490, %dma_wait3A_491] : memref<5120x128xf32, #tpu.memory_space<vmem_shared>> -> memref<5120x128xf32, #tpu.memory_space<vmem_shared>>
      tpu.wait_indirect_dma semaphore(%arg19 : memref<!tpu.dma_semaphore, #tpu.memory_space<semaphore_mem>>) src(%arg13 : memref<16x128xf32, #tpu.memory_space<vmem>>) dst(%dma_wait3A_492 : memref<5120x128xf32, #tpu.memory_space<vmem_shared>>)
      %dma_start3A_493 = arith.constant 7 : i32
      %dma_start3A_494 = arith.constant 0 : i32
      %dma_start3A_495 = tpu.memref_slice %arg9[%dma_start3A_493, %dma_start3A_494] : memref<8x16xi32, #tpu.memory_space<vmem>> -> memref<1x16xi32, #tpu.memory_space<vmem>>
      %dma_start3A_496 = tpu.memref_squeeze %dma_start3A_495 : memref<1x16xi32, #tpu.memory_space<vmem>> -> memref<16xi32, #tpu.memory_space<vmem>>
      %dma_start3A_497 = arith.constant 0 : i32
      %dma_start3A_498 = arith.constant 0 : i32
      %dma_start3A_499 = tpu.memref_slice %arg14[%dma_start3A_497, %dma_start3A_498] : memref<10000x128xf32, #tpu.memory_space<vmem_shared>> -> memref<10000x128xf32, #tpu.memory_space<vmem_shared>>
      tpu.enqueue_indirect_dma source(%dma_start3A_499 : memref<10000x128xf32, #tpu.memory_space<vmem_shared>>) target(%arg13 : memref<16x128xf32, #tpu.memory_space<vmem>>) offsets(%dma_start3A_496 : memref<16xi32, #tpu.memory_space<vmem>>) semaphore(%arg17 : memref<!tpu.dma_semaphore, #tpu.memory_space<semaphore_mem>>)
      %dma_wait3A_500 = arith.constant 6 : i32
      %dma_wait3A_501 = arith.constant 0 : i32
      %dma_wait3A_502 = tpu.memref_slice %arg9[%dma_wait3A_500, %dma_wait3A_501] : memref<8x16xi32, #tpu.memory_space<vmem>> -> memref<1x16xi32, #tpu.memory_space<vmem>>
      %dma_wait3A_503 = tpu.memref_squeeze %dma_wait3A_502 : memref<1x16xi32, #tpu.memory_space<vmem>> -> memref<16xi32, #tpu.memory_space<vmem>>
      %dma_wait3A_504 = arith.constant 0 : i32
      %dma_wait3A_505 = arith.constant 0 : i32
      %dma_wait3A_506 = tpu.memref_slice %arg14[%dma_wait3A_504, %dma_wait3A_505] : memref<10000x128xf32, #tpu.memory_space<vmem_shared>> -> memref<10000x128xf32, #tpu.memory_space<vmem_shared>>
      tpu.wait_indirect_dma semaphore(%arg16 : memref<!tpu.dma_semaphore, #tpu.memory_space<semaphore_mem>>) src(%dma_wait3A_506 : memref<10000x128xf32, #tpu.memory_space<vmem_shared>>) dst(%arg12 : memref<16x128xf32, #tpu.memory_space<vmem>>)
      %dma_start3A_507 = arith.constant 6 : i32
      %dma_start3A_508 = arith.constant 0 : i32
      %dma_start3A_509 = tpu.memref_slice %arg11[%dma_start3A_507, %dma_start3A_508] : memref<8x16xi32, #tpu.memory_space<vmem>> -> memref<1x16xi32, #tpu.memory_space<vmem>>
      %dma_start3A_510 = tpu.memref_squeeze %dma_start3A_509 : memref<1x16xi32, #tpu.memory_space<vmem>> -> memref<16xi32, #tpu.memory_space<vmem>>
      %dma_start3A_511 = arith.constant 0 : i32
      %dma_start3A_512 = arith.constant 0 : i32
      %dma_start3A_513 = tpu.memref_slice %arg15[%dma_start3A_511, %dma_start3A_512] : memref<5120x128xf32, #tpu.memory_space<vmem_shared>> -> memref<5120x128xf32, #tpu.memory_space<vmem_shared>>
      tpu.enqueue_indirect_dma source(%arg12 : memref<16x128xf32, #tpu.memory_space<vmem>>) target(%dma_start3A_513 : memref<5120x128xf32, #tpu.memory_space<vmem_shared>>) offsets(%dma_start3A_510 : memref<16xi32, #tpu.memory_space<vmem>>) semaphore(%arg18 : memref<!tpu.dma_semaphore, #tpu.memory_space<semaphore_mem>>) {add = true}
      %dma_wait3A_514 = arith.constant 7 : i32
      %dma_wait3A_515 = arith.constant 0 : i32
      %dma_wait3A_516 = tpu.memref_slice %arg9[%dma_wait3A_514, %dma_wait3A_515] : memref<8x16xi32, #tpu.memory_space<vmem>> -> memref<1x16xi32, #tpu.memory_space<vmem>>
      %dma_wait3A_517 = tpu.memref_squeeze %dma_wait3A_516 : memref<1x16xi32, #tpu.memory_space<vmem>> -> memref<16xi32, #tpu.memory_space<vmem>>
      %dma_wait3A_518 = arith.constant 0 : i32
      %dma_wait3A_519 = arith.constant 0 : i32
      %dma_wait3A_520 = tpu.memref_slice %arg14[%dma_wait3A_518, %dma_wait3A_519] : memref<10000x128xf32, #tpu.memory_space<vmem_shared>> -> memref<10000x128xf32, #tpu.memory_space<vmem_shared>>
      tpu.wait_indirect_dma semaphore(%arg17 : memref<!tpu.dma_semaphore, #tpu.memory_space<semaphore_mem>>) src(%dma_wait3A_520 : memref<10000x128xf32, #tpu.memory_space<vmem_shared>>) dst(%arg13 : memref<16x128xf32, #tpu.memory_space<vmem>>)
      %dma_start3A_521 = arith.constant 7 : i32
      %dma_start3A_522 = arith.constant 0 : i32
      %dma_start3A_523 = tpu.memref_slice %arg11[%dma_start3A_521, %dma_start3A_522] : memref<8x16xi32, #tpu.memory_space<vmem>> -> memref<1x16xi32, #tpu.memory_space<vmem>>
      %dma_start3A_524 = tpu.memref_squeeze %dma_start3A_523 : memref<1x16xi32, #tpu.memory_space<vmem>> -> memref<16xi32, #tpu.memory_space<vmem>>
      %dma_start3A_525 = arith.constant 0 : i32
      %dma_start3A_526 = arith.constant 0 : i32
      %dma_start3A_527 = tpu.memref_slice %arg15[%dma_start3A_525, %dma_start3A_526] : memref<5120x128xf32, #tpu.memory_space<vmem_shared>> -> memref<5120x128xf32, #tpu.memory_space<vmem_shared>>
      tpu.enqueue_indirect_dma source(%arg13 : memref<16x128xf32, #tpu.memory_space<vmem>>) target(%dma_start3A_527 : memref<5120x128xf32, #tpu.memory_space<vmem_shared>>) offsets(%dma_start3A_524 : memref<16xi32, #tpu.memory_space<vmem>>) semaphore(%arg19 : memref<!tpu.dma_semaphore, #tpu.memory_space<semaphore_mem>>) {add = true}
      %dma_wait3A_528 = arith.constant 6 : i32
      %dma_wait3A_529 = arith.constant 0 : i32
      %dma_wait3A_530 = tpu.memref_slice %arg11[%dma_wait3A_528, %dma_wait3A_529] : memref<8x16xi32, #tpu.memory_space<vmem>> -> memref<1x16xi32, #tpu.memory_space<vmem>>
      %dma_wait3A_531 = tpu.memref_squeeze %dma_wait3A_530 : memref<1x16xi32, #tpu.memory_space<vmem>> -> memref<16xi32, #tpu.memory_space<vmem>>
      %dma_wait3A_532 = arith.constant 0 : i32
      %dma_wait3A_533 = arith.constant 0 : i32
      %dma_wait3A_534 = tpu.memref_slice %arg15[%dma_wait3A_532, %dma_wait3A_533] : memref<5120x128xf32, #tpu.memory_space<vmem_shared>> -> memref<5120x128xf32, #tpu.memory_space<vmem_shared>>
      tpu.wait_indirect_dma semaphore(%arg18 : memref<!tpu.dma_semaphore, #tpu.memory_space<semaphore_mem>>) src(%arg12 : memref<16x128xf32, #tpu.memory_space<vmem>>) dst(%dma_wait3A_534 : memref<5120x128xf32, #tpu.memory_space<vmem_shared>>)
      %dma_wait3A_535 = arith.constant 7 : i32
      %dma_wait3A_536 = arith.constant 0 : i32
      %dma_wait3A_537 = tpu.memref_slice %arg11[%dma_wait3A_535, %dma_wait3A_536] : memref<8x16xi32, #tpu.memory_space<vmem>> -> memref<1x16xi32, #tpu.memory_space<vmem>>
      %dma_wait3A_538 = tpu.memref_squeeze %dma_wait3A_537 : memref<1x16xi32, #tpu.memory_space<vmem>> -> memref<16xi32, #tpu.memory_space<vmem>>
      %dma_wait3A_539 = arith.constant 0 : i32
      %dma_wait3A_540 = arith.constant 0 : i32
      %dma_wait3A_541 = tpu.memref_slice %arg15[%dma_wait3A_539, %dma_wait3A_540] : memref<5120x128xf32, #tpu.memory_space<vmem_shared>> -> memref<5120x128xf32, #tpu.memory_space<vmem_shared>>
      tpu.wait_indirect_dma semaphore(%arg19 : memref<!tpu.dma_semaphore, #tpu.memory_space<semaphore_mem>>) src(%arg13 : memref<16x128xf32, #tpu.memory_space<vmem>>) dst(%dma_wait3A_541 : memref<5120x128xf32, #tpu.memory_space<vmem_shared>>)
      %scan3A_542 = arith.constant 0 : i32
      scf.yield %scan3A_542 : i32
    }
    %scan3A_19 = arith.constant 40 : i32
    %barrier3A_20 = arith.constant 0 : index
    tpu.barrier barrier_id(%barrier3A_20)
    %mul3A_21 = arith.constant 320 : i32
    %mul3A_22 = arith.muli %arg1, %mul3A_21 : i32
    %mul3A_23 = arith.constant 320 : i32
    %mul3A_24 = arith.muli %arg1, %mul3A_23 : i32
    %run_scoped3A = arith.constant 0 : i32
    "tpu.region"() ({
      %run_scoped3A_49 = tpu.sem_alloc : memref<!tpu.dma_semaphore, #tpu.memory_space<semaphore_mem>>
      %dma_start3A_50 = arith.constant 0 : i32
      %dma_start3A_51 = arith.constant 0 : i32
      %dma_start3A_52 = arith.constant 0 : i32
      %dma_start3A_53 = tpu.memref_slice %arg7[%run_scoped3A, %dma_start3A_50, %dma_start3A_51, %dma_start3A_52] : memref<2x2x5120x128xf32, #tpu.memory_space<hbm>> -> memref<1x2x5120x128xf32, #tpu.memory_space<hbm>>
      %dma_start3A_54 = tpu.memref_squeeze %dma_start3A_53 : memref<1x2x5120x128xf32, #tpu.memory_space<hbm>> -> memref<2x5120x128xf32, #tpu.memory_space<hbm>>
      %dma_start3A_55 = arith.constant 0 : i32
      %dma_start3A_56 = arith.constant 0 : i32
      %dma_start3A_57 = tpu.memref_slice %dma_start3A_54[%arg0, %dma_start3A_55, %dma_start3A_56] : memref<2x5120x128xf32, #tpu.memory_space<hbm>> -> memref<1x5120x128xf32, #tpu.memory_space<hbm>>
      %dma_start3A_58 = tpu.memref_squeeze %dma_start3A_57 : memref<1x5120x128xf32, #tpu.memory_space<hbm>> -> memref<5120x128xf32, #tpu.memory_space<hbm>>
      %dma_start3A_59 = arith.constant 0 : i32
      %dma_start3A_60 = tpu.memref_slice %dma_start3A_58[%mul3A_24, %dma_start3A_59] : memref<5120x128xf32, #tpu.memory_space<hbm>> -> memref<320x128xf32, #tpu.memory_space<hbm>>
      %dma_start3A_61 = arith.constant 0 : i32
      %dma_start3A_62 = tpu.memref_slice %arg15[%mul3A_22, %dma_start3A_61] : memref<5120x128xf32, #tpu.memory_space<vmem_shared>> -> memref<320x128xf32, #tpu.memory_space<vmem_shared>>
      tpu.enqueue_dma source(%dma_start3A_62 : memref<320x128xf32, #tpu.memory_space<vmem_shared>>) target(%dma_start3A_60 : memref<320x128xf32, #tpu.memory_space<hbm>>) target_semaphore(%run_scoped3A_49 : memref<!tpu.dma_semaphore, #tpu.memory_space<semaphore_mem>>)
      %dma_wait3A = arith.constant 0 : i32
      %dma_wait3A_63 = arith.constant 0 : i32
      %dma_wait3A_64 = arith.constant 0 : i32
      %dma_wait3A_65 = tpu.memref_slice %arg7[%run_scoped3A, %dma_wait3A, %dma_wait3A_63, %dma_wait3A_64] : memref<2x2x5120x128xf32, #tpu.memory_space<hbm>> -> memref<1x2x5120x128xf32, #tpu.memory_space<hbm>>
      %dma_wait3A_66 = tpu.memref_squeeze %dma_wait3A_65 : memref<1x2x5120x128xf32, #tpu.memory_space<hbm>> -> memref<2x5120x128xf32, #tpu.memory_space<hbm>>
      %dma_wait3A_67 = arith.constant 0 : i32
      %dma_wait3A_68 = arith.constant 0 : i32
      %dma_wait3A_69 = tpu.memref_slice %dma_wait3A_66[%arg0, %dma_wait3A_67, %dma_wait3A_68] : memref<2x5120x128xf32, #tpu.memory_space<hbm>> -> memref<1x5120x128xf32, #tpu.memory_space<hbm>>
      %dma_wait3A_70 = tpu.memref_squeeze %dma_wait3A_69 : memref<1x5120x128xf32, #tpu.memory_space<hbm>> -> memref<5120x128xf32, #tpu.memory_space<hbm>>
      %dma_wait3A_71 = arith.constant 0 : i32
      %dma_wait3A_72 = tpu.memref_slice %dma_wait3A_70[%mul3A_24, %dma_wait3A_71] : memref<5120x128xf32, #tpu.memory_space<hbm>> -> memref<320x128xf32, #tpu.memory_space<hbm>>
      %dma_wait3A_73 = arith.constant 0 : i32
      %dma_wait3A_74 = tpu.memref_slice %arg15[%mul3A_22, %dma_wait3A_73] : memref<5120x128xf32, #tpu.memory_space<vmem_shared>> -> memref<320x128xf32, #tpu.memory_space<vmem_shared>>
      tpu.wait_dma2 semaphore(%run_scoped3A_49 : memref<!tpu.dma_semaphore, #tpu.memory_space<semaphore_mem>>) src(%dma_wait3A_74 : memref<320x128xf32, #tpu.memory_space<vmem_shared>>) dst(%dma_wait3A_72 : memref<320x128xf32, #tpu.memory_space<hbm>>)
      tpu.yield
    }) : () -> ()
    %mul3A_25 = arith.constant 320 : i32
    %mul3A_26 = arith.muli %arg1, %mul3A_25 : i32
    "tpu.region"() ({
      %run_scoped3A_49 = tpu.sem_alloc : memref<!tpu.dma_semaphore, #tpu.memory_space<semaphore_mem>>
      %dma_start3A_50 = arith.constant 0 : i32
      %dma_start3A_51 = tpu.memref_slice %arg15[%mul3A_26, %dma_start3A_50] : memref<5120x128xf32, #tpu.memory_space<vmem_shared>> -> memref<320x128xf32, #tpu.memory_space<vmem_shared>>
      %dma_start3A_52 = arith.constant 0 : i32
      %dma_start3A_53 = arith.constant 0 : i32
      %dma_start3A_54 = tpu.memref_slice %arg6[%dma_start3A_52, %dma_start3A_53] : memref<632x128xf32, #tpu.memory_space<hbm>> -> memref<320x128xf32, #tpu.memory_space<hbm>>
      tpu.enqueue_dma source(%dma_start3A_54 : memref<320x128xf32, #tpu.memory_space<hbm>>) target(%dma_start3A_51 : memref<320x128xf32, #tpu.memory_space<vmem_shared>>) target_semaphore(%run_scoped3A_49 : memref<!tpu.dma_semaphore, #tpu.memory_space<semaphore_mem>>)
      %dma_wait3A = arith.constant 0 : i32
      %dma_wait3A_55 = tpu.memref_slice %arg15[%mul3A_26, %dma_wait3A] : memref<5120x128xf32, #tpu.memory_space<vmem_shared>> -> memref<320x128xf32, #tpu.memory_space<vmem_shared>>
      %dma_wait3A_56 = arith.constant 0 : i32
      %dma_wait3A_57 = arith.constant 0 : i32
      %dma_wait3A_58 = tpu.memref_slice %arg6[%dma_wait3A_56, %dma_wait3A_57] : memref<632x128xf32, #tpu.memory_space<hbm>> -> memref<320x128xf32, #tpu.memory_space<hbm>>
      tpu.wait_dma2 semaphore(%run_scoped3A_49 : memref<!tpu.dma_semaphore, #tpu.memory_space<semaphore_mem>>) src(%dma_wait3A_58 : memref<320x128xf32, #tpu.memory_space<hbm>>) dst(%dma_wait3A_55 : memref<320x128xf32, #tpu.memory_space<vmem_shared>>)
      tpu.yield
    }) : () -> ()
    %barrier3A_27 = arith.constant 0 : index
    tpu.barrier barrier_id(%barrier3A_27)
    %dma_start3A_28 = arith.constant 0 : i32
    %dma_start3A_29 = tpu.memref_slice %arg3[%mul3A_2, %dma_start3A_28] : memref<20480x16xi32, #tpu.memory_space<hbm>> -> memref<8x16xi32, #tpu.memory_space<hbm>>
    %dma_start3A_30 = arith.constant 0 : i32
    %dma_start3A_31 = tpu.memref_slice %arg3[%mul3A_2, %dma_start3A_30] : memref<20480x16xi32, #tpu.memory_space<hbm>> -> memref<8x16xi32, #tpu.memory_space<hbm>>
    tpu.enqueue_dma source(%dma_start3A_31 : memref<8x16xi32, #tpu.memory_space<hbm>>) target(%arg8 : memref<8x16xi32, #tpu.memory_space<vmem>>) target_semaphore(%arg20 : memref<!tpu.dma_semaphore, #tpu.memory_space<semaphore_mem>>)
    %dma_start3A_32 = arith.constant 0 : i32
    %dma_start3A_33 = tpu.memref_slice %arg5[%mul3A_2, %dma_start3A_32] : memref<20480x16xi32, #tpu.memory_space<hbm>> -> memref<8x16xi32, #tpu.memory_space<hbm>>
    %dma_start3A_34 = arith.constant 0 : i32
    %dma_start3A_35 = tpu.memref_slice %arg5[%mul3A_2, %dma_start3A_34] : memref<20480x16xi32, #tpu.memory_space<hbm>> -> memref<8x16xi32, #tpu.memory_space<hbm>>
    tpu.enqueue_dma source(%dma_start3A_35 : memref<8x16xi32, #tpu.memory_space<hbm>>) target(%arg10 : memref<8x16xi32, #tpu.memory_space<vmem>>) target_semaphore(%arg20 : memref<!tpu.dma_semaphore, #tpu.memory_space<semaphore_mem>>)
    %scan3A_36 = arith.constant 0 : i32
    %scan3A_37 = arith.constant 0 : i32
    %scan3A_38 = arith.constant 40 : i32
    %scan3A_39 = arith.addi %scan3A_37, %scan3A_38 : i32
    %scan3A_40 = arith.constant 1 : i32
    %scan3A_41 = scf.for %scan3A_49 = %scan3A_37 to %scan3A_39 step %scan3A_40 iter_args(%scan3A_50 = %scan3A_36) -> (i32)  : i32 {
      %mul3A_51 = arith.constant 2 : i32
      %mul3A_52 = arith.muli %scan3A_49, %mul3A_51 : i32
      %add3A_53 = arith.constant 0 : i32
      %add3A_54 = arith.addi %mul3A_52, %add3A_53 : i32
      %mul3A_55 = arith.constant 8 : i32
      %mul3A_56 = arith.muli %add3A_54, %mul3A_55 : i32
      %add3A_57 = arith.addi %mul3A_2, %mul3A_56 : i32
      %dma_wait3A = arith.constant 0 : i32
      %dma_wait3A_58 = tpu.memref_slice %arg3[%add3A_57, %dma_wait3A] : memref<20480x16xi32, #tpu.memory_space<hbm>> -> memref<8x16xi32, #tpu.memory_space<hbm>>
      %dma_wait3A_59 = arith.constant 0 : i32
      %dma_wait3A_60 = tpu.memref_slice %arg3[%add3A_57, %dma_wait3A_59] : memref<20480x16xi32, #tpu.memory_space<hbm>> -> memref<8x16xi32, #tpu.memory_space<hbm>>
      tpu.wait_dma2 semaphore(%arg20 : memref<!tpu.dma_semaphore, #tpu.memory_space<semaphore_mem>>) src(%dma_wait3A_60 : memref<8x16xi32, #tpu.memory_space<hbm>>) dst(%arg8 : memref<8x16xi32, #tpu.memory_space<vmem>>)
      %dma_wait3A_61 = arith.constant 0 : i32
      %dma_wait3A_62 = tpu.memref_slice %arg5[%add3A_57, %dma_wait3A_61] : memref<20480x16xi32, #tpu.memory_space<hbm>> -> memref<8x16xi32, #tpu.memory_space<hbm>>
      %dma_wait3A_63 = arith.constant 0 : i32
      %dma_wait3A_64 = tpu.memref_slice %arg5[%add3A_57, %dma_wait3A_63] : memref<20480x16xi32, #tpu.memory_space<hbm>> -> memref<8x16xi32, #tpu.memory_space<hbm>>
      tpu.wait_dma2 semaphore(%arg20 : memref<!tpu.dma_semaphore, #tpu.memory_space<semaphore_mem>>) src(%dma_wait3A_64 : memref<8x16xi32, #tpu.memory_space<hbm>>) dst(%arg10 : memref<8x16xi32, #tpu.memory_space<vmem>>)
      %add3A_65 = arith.constant 1 : i32
      %add3A_66 = arith.addi %add3A_54, %add3A_65 : i32
      %lt3A_67 = arith.constant 80 : i32
      %lt3A_68 = arith.cmpi slt, %add3A_66, %lt3A_67 : i32
      %convert_element_type3A_69 = arith.extui %lt3A_68 : i1 to i32
      %cond3A_70 = arith.constant 0 : i32
      %cond3A_71 = arith.cmpi ne, %convert_element_type3A_69, %cond3A_70 : i32
      scf.if %cond3A_71 {
        %add3A_543 = arith.constant 1 : i32
        %add3A_544 = arith.addi %add3A_54, %add3A_543 : i32
        %mul3A_545 = arith.constant 8 : i32
        %mul3A_546 = arith.muli %add3A_544, %mul3A_545 : i32
        %add3A_547 = arith.addi %mul3A_2, %mul3A_546 : i32
        %dma_start3A_548 = arith.constant 0 : i32
        %dma_start3A_549 = tpu.memref_slice %arg3[%add3A_547, %dma_start3A_548] : memref<20480x16xi32, #tpu.memory_space<hbm>> -> memref<8x16xi32, #tpu.memory_space<hbm>>
        %dma_start3A_550 = arith.constant 0 : i32
        %dma_start3A_551 = tpu.memref_slice %arg3[%add3A_547, %dma_start3A_550] : memref<20480x16xi32, #tpu.memory_space<hbm>> -> memref<8x16xi32, #tpu.memory_space<hbm>>
        tpu.enqueue_dma source(%dma_start3A_551 : memref<8x16xi32, #tpu.memory_space<hbm>>) target(%arg9 : memref<8x16xi32, #tpu.memory_space<vmem>>) target_semaphore(%arg21 : memref<!tpu.dma_semaphore, #tpu.memory_space<semaphore_mem>>)
        %dma_start3A_552 = arith.constant 0 : i32
        %dma_start3A_553 = tpu.memref_slice %arg5[%add3A_547, %dma_start3A_552] : memref<20480x16xi32, #tpu.memory_space<hbm>> -> memref<8x16xi32, #tpu.memory_space<hbm>>
        %dma_start3A_554 = arith.constant 0 : i32
        %dma_start3A_555 = tpu.memref_slice %arg5[%add3A_547, %dma_start3A_554] : memref<20480x16xi32, #tpu.memory_space<hbm>> -> memref<8x16xi32, #tpu.memory_space<hbm>>
        tpu.enqueue_dma source(%dma_start3A_555 : memref<8x16xi32, #tpu.memory_space<hbm>>) target(%arg11 : memref<8x16xi32, #tpu.memory_space<vmem>>) target_semaphore(%arg21 : memref<!tpu.dma_semaphore, #tpu.memory_space<semaphore_mem>>)
      } else {
      }
      %dma_start3A_72 = arith.constant 0 : i32
      %dma_start3A_73 = arith.constant 0 : i32
      %dma_start3A_74 = tpu.memref_slice %arg8[%dma_start3A_72, %dma_start3A_73] : memref<8x16xi32, #tpu.memory_space<vmem>> -> memref<1x16xi32, #tpu.memory_space<vmem>>
      %dma_start3A_75 = tpu.memref_squeeze %dma_start3A_74 : memref<1x16xi32, #tpu.memory_space<vmem>> -> memref<16xi32, #tpu.memory_space<vmem>>
      %dma_start3A_76 = arith.constant 0 : i32
      %dma_start3A_77 = arith.constant 0 : i32
      %dma_start3A_78 = tpu.memref_slice %arg14[%dma_start3A_76, %dma_start3A_77] : memref<10000x128xf32, #tpu.memory_space<vmem_shared>> -> memref<10000x128xf32, #tpu.memory_space<vmem_shared>>
      tpu.enqueue_indirect_dma source(%dma_start3A_78 : memref<10000x128xf32, #tpu.memory_space<vmem_shared>>) target(%arg12 : memref<16x128xf32, #tpu.memory_space<vmem>>) offsets(%dma_start3A_75 : memref<16xi32, #tpu.memory_space<vmem>>) semaphore(%arg16 : memref<!tpu.dma_semaphore, #tpu.memory_space<semaphore_mem>>)
      %dma_start3A_79 = arith.constant 1 : i32
      %dma_start3A_80 = arith.constant 0 : i32
      %dma_start3A_81 = tpu.memref_slice %arg8[%dma_start3A_79, %dma_start3A_80] : memref<8x16xi32, #tpu.memory_space<vmem>> -> memref<1x16xi32, #tpu.memory_space<vmem>>
      %dma_start3A_82 = tpu.memref_squeeze %dma_start3A_81 : memref<1x16xi32, #tpu.memory_space<vmem>> -> memref<16xi32, #tpu.memory_space<vmem>>
      %dma_start3A_83 = arith.constant 0 : i32
      %dma_start3A_84 = arith.constant 0 : i32
      %dma_start3A_85 = tpu.memref_slice %arg14[%dma_start3A_83, %dma_start3A_84] : memref<10000x128xf32, #tpu.memory_space<vmem_shared>> -> memref<10000x128xf32, #tpu.memory_space<vmem_shared>>
      tpu.enqueue_indirect_dma source(%dma_start3A_85 : memref<10000x128xf32, #tpu.memory_space<vmem_shared>>) target(%arg13 : memref<16x128xf32, #tpu.memory_space<vmem>>) offsets(%dma_start3A_82 : memref<16xi32, #tpu.memory_space<vmem>>) semaphore(%arg17 : memref<!tpu.dma_semaphore, #tpu.memory_space<semaphore_mem>>)
      %dma_wait3A_86 = arith.constant 0 : i32
      %dma_wait3A_87 = arith.constant 0 : i32
      %dma_wait3A_88 = tpu.memref_slice %arg8[%dma_wait3A_86, %dma_wait3A_87] : memref<8x16xi32, #tpu.memory_space<vmem>> -> memref<1x16xi32, #tpu.memory_space<vmem>>
      %dma_wait3A_89 = tpu.memref_squeeze %dma_wait3A_88 : memref<1x16xi32, #tpu.memory_space<vmem>> -> memref<16xi32, #tpu.memory_space<vmem>>
      %dma_wait3A_90 = arith.constant 0 : i32
      %dma_wait3A_91 = arith.constant 0 : i32
      %dma_wait3A_92 = tpu.memref_slice %arg14[%dma_wait3A_90, %dma_wait3A_91] : memref<10000x128xf32, #tpu.memory_space<vmem_shared>> -> memref<10000x128xf32, #tpu.memory_space<vmem_shared>>
      tpu.wait_indirect_dma semaphore(%arg16 : memref<!tpu.dma_semaphore, #tpu.memory_space<semaphore_mem>>) src(%dma_wait3A_92 : memref<10000x128xf32, #tpu.memory_space<vmem_shared>>) dst(%arg12 : memref<16x128xf32, #tpu.memory_space<vmem>>)
      %dma_start3A_93 = arith.constant 0 : i32
      %dma_start3A_94 = arith.constant 0 : i32
      %dma_start3A_95 = tpu.memref_slice %arg10[%dma_start3A_93, %dma_start3A_94] : memref<8x16xi32, #tpu.memory_space<vmem>> -> memref<1x16xi32, #tpu.memory_space<vmem>>
      %dma_start3A_96 = tpu.memref_squeeze %dma_start3A_95 : memref<1x16xi32, #tpu.memory_space<vmem>> -> memref<16xi32, #tpu.memory_space<vmem>>
      %dma_start3A_97 = arith.constant 0 : i32
      %dma_start3A_98 = arith.constant 0 : i32
      %dma_start3A_99 = tpu.memref_slice %arg15[%dma_start3A_97, %dma_start3A_98] : memref<5120x128xf32, #tpu.memory_space<vmem_shared>> -> memref<5120x128xf32, #tpu.memory_space<vmem_shared>>
      tpu.enqueue_indirect_dma source(%arg12 : memref<16x128xf32, #tpu.memory_space<vmem>>) target(%dma_start3A_99 : memref<5120x128xf32, #tpu.memory_space<vmem_shared>>) offsets(%dma_start3A_96 : memref<16xi32, #tpu.memory_space<vmem>>) semaphore(%arg18 : memref<!tpu.dma_semaphore, #tpu.memory_space<semaphore_mem>>) {add = true}
      %dma_wait3A_100 = arith.constant 0 : i32
      %dma_wait3A_101 = arith.constant 0 : i32
      %dma_wait3A_102 = tpu.memref_slice %arg10[%dma_wait3A_100, %dma_wait3A_101] : memref<8x16xi32, #tpu.memory_space<vmem>> -> memref<1x16xi32, #tpu.memory_space<vmem>>
      %dma_wait3A_103 = tpu.memref_squeeze %dma_wait3A_102 : memref<1x16xi32, #tpu.memory_space<vmem>> -> memref<16xi32, #tpu.memory_space<vmem>>
      %dma_wait3A_104 = arith.constant 0 : i32
      %dma_wait3A_105 = arith.constant 0 : i32
      %dma_wait3A_106 = tpu.memref_slice %arg15[%dma_wait3A_104, %dma_wait3A_105] : memref<5120x128xf32, #tpu.memory_space<vmem_shared>> -> memref<5120x128xf32, #tpu.memory_space<vmem_shared>>
      tpu.wait_indirect_dma semaphore(%arg18 : memref<!tpu.dma_semaphore, #tpu.memory_space<semaphore_mem>>) src(%arg12 : memref<16x128xf32, #tpu.memory_space<vmem>>) dst(%dma_wait3A_106 : memref<5120x128xf32, #tpu.memory_space<vmem_shared>>)
      %dma_start3A_107 = arith.constant 2 : i32
      %dma_start3A_108 = arith.constant 0 : i32
      %dma_start3A_109 = tpu.memref_slice %arg8[%dma_start3A_107, %dma_start3A_108] : memref<8x16xi32, #tpu.memory_space<vmem>> -> memref<1x16xi32, #tpu.memory_space<vmem>>
      %dma_start3A_110 = tpu.memref_squeeze %dma_start3A_109 : memref<1x16xi32, #tpu.memory_space<vmem>> -> memref<16xi32, #tpu.memory_space<vmem>>
      %dma_start3A_111 = arith.constant 0 : i32
      %dma_start3A_112 = arith.constant 0 : i32
      %dma_start3A_113 = tpu.memref_slice %arg14[%dma_start3A_111, %dma_start3A_112] : memref<10000x128xf32, #tpu.memory_space<vmem_shared>> -> memref<10000x128xf32, #tpu.memory_space<vmem_shared>>
      tpu.enqueue_indirect_dma source(%dma_start3A_113 : memref<10000x128xf32, #tpu.memory_space<vmem_shared>>) target(%arg12 : memref<16x128xf32, #tpu.memory_space<vmem>>) offsets(%dma_start3A_110 : memref<16xi32, #tpu.memory_space<vmem>>) semaphore(%arg16 : memref<!tpu.dma_semaphore, #tpu.memory_space<semaphore_mem>>)
      %dma_wait3A_114 = arith.constant 1 : i32
      %dma_wait3A_115 = arith.constant 0 : i32
      %dma_wait3A_116 = tpu.memref_slice %arg8[%dma_wait3A_114, %dma_wait3A_115] : memref<8x16xi32, #tpu.memory_space<vmem>> -> memref<1x16xi32, #tpu.memory_space<vmem>>
      %dma_wait3A_117 = tpu.memref_squeeze %dma_wait3A_116 : memref<1x16xi32, #tpu.memory_space<vmem>> -> memref<16xi32, #tpu.memory_space<vmem>>
      %dma_wait3A_118 = arith.constant 0 : i32
      %dma_wait3A_119 = arith.constant 0 : i32
      %dma_wait3A_120 = tpu.memref_slice %arg14[%dma_wait3A_118, %dma_wait3A_119] : memref<10000x128xf32, #tpu.memory_space<vmem_shared>> -> memref<10000x128xf32, #tpu.memory_space<vmem_shared>>
      tpu.wait_indirect_dma semaphore(%arg17 : memref<!tpu.dma_semaphore, #tpu.memory_space<semaphore_mem>>) src(%dma_wait3A_120 : memref<10000x128xf32, #tpu.memory_space<vmem_shared>>) dst(%arg13 : memref<16x128xf32, #tpu.memory_space<vmem>>)
      %dma_start3A_121 = arith.constant 1 : i32
      %dma_start3A_122 = arith.constant 0 : i32
      %dma_start3A_123 = tpu.memref_slice %arg10[%dma_start3A_121, %dma_start3A_122] : memref<8x16xi32, #tpu.memory_space<vmem>> -> memref<1x16xi32, #tpu.memory_space<vmem>>
      %dma_start3A_124 = tpu.memref_squeeze %dma_start3A_123 : memref<1x16xi32, #tpu.memory_space<vmem>> -> memref<16xi32, #tpu.memory_space<vmem>>
      %dma_start3A_125 = arith.constant 0 : i32
      %dma_start3A_126 = arith.constant 0 : i32
      %dma_start3A_127 = tpu.memref_slice %arg15[%dma_start3A_125, %dma_start3A_126] : memref<5120x128xf32, #tpu.memory_space<vmem_shared>> -> memref<5120x128xf32, #tpu.memory_space<vmem_shared>>
      tpu.enqueue_indirect_dma source(%arg13 : memref<16x128xf32, #tpu.memory_space<vmem>>) target(%dma_start3A_127 : memref<5120x128xf32, #tpu.memory_space<vmem_shared>>) offsets(%dma_start3A_124 : memref<16xi32, #tpu.memory_space<vmem>>) semaphore(%arg19 : memref<!tpu.dma_semaphore, #tpu.memory_space<semaphore_mem>>) {add = true}
      %dma_wait3A_128 = arith.constant 1 : i32
      %dma_wait3A_129 = arith.constant 0 : i32
      %dma_wait3A_130 = tpu.memref_slice %arg10[%dma_wait3A_128, %dma_wait3A_129] : memref<8x16xi32, #tpu.memory_space<vmem>> -> memref<1x16xi32, #tpu.memory_space<vmem>>
      %dma_wait3A_131 = tpu.memref_squeeze %dma_wait3A_130 : memref<1x16xi32, #tpu.memory_space<vmem>> -> memref<16xi32, #tpu.memory_space<vmem>>
      %dma_wait3A_132 = arith.constant 0 : i32
      %dma_wait3A_133 = arith.constant 0 : i32
      %dma_wait3A_134 = tpu.memref_slice %arg15[%dma_wait3A_132, %dma_wait3A_133] : memref<5120x128xf32, #tpu.memory_space<vmem_shared>> -> memref<5120x128xf32, #tpu.memory_space<vmem_shared>>
      tpu.wait_indirect_dma semaphore(%arg19 : memref<!tpu.dma_semaphore, #tpu.memory_space<semaphore_mem>>) src(%arg13 : memref<16x128xf32, #tpu.memory_space<vmem>>) dst(%dma_wait3A_134 : memref<5120x128xf32, #tpu.memory_space<vmem_shared>>)
      %dma_start3A_135 = arith.constant 3 : i32
      %dma_start3A_136 = arith.constant 0 : i32
      %dma_start3A_137 = tpu.memref_slice %arg8[%dma_start3A_135, %dma_start3A_136] : memref<8x16xi32, #tpu.memory_space<vmem>> -> memref<1x16xi32, #tpu.memory_space<vmem>>
      %dma_start3A_138 = tpu.memref_squeeze %dma_start3A_137 : memref<1x16xi32, #tpu.memory_space<vmem>> -> memref<16xi32, #tpu.memory_space<vmem>>
      %dma_start3A_139 = arith.constant 0 : i32
      %dma_start3A_140 = arith.constant 0 : i32
      %dma_start3A_141 = tpu.memref_slice %arg14[%dma_start3A_139, %dma_start3A_140] : memref<10000x128xf32, #tpu.memory_space<vmem_shared>> -> memref<10000x128xf32, #tpu.memory_space<vmem_shared>>
      tpu.enqueue_indirect_dma source(%dma_start3A_141 : memref<10000x128xf32, #tpu.memory_space<vmem_shared>>) target(%arg13 : memref<16x128xf32, #tpu.memory_space<vmem>>) offsets(%dma_start3A_138 : memref<16xi32, #tpu.memory_space<vmem>>) semaphore(%arg17 : memref<!tpu.dma_semaphore, #tpu.memory_space<semaphore_mem>>)
      %dma_wait3A_142 = arith.constant 2 : i32
      %dma_wait3A_143 = arith.constant 0 : i32
      %dma_wait3A_144 = tpu.memref_slice %arg8[%dma_wait3A_142, %dma_wait3A_143] : memref<8x16xi32, #tpu.memory_space<vmem>> -> memref<1x16xi32, #tpu.memory_space<vmem>>
      %dma_wait3A_145 = tpu.memref_squeeze %dma_wait3A_144 : memref<1x16xi32, #tpu.memory_space<vmem>> -> memref<16xi32, #tpu.memory_space<vmem>>
      %dma_wait3A_146 = arith.constant 0 : i32
      %dma_wait3A_147 = arith.constant 0 : i32
      %dma_wait3A_148 = tpu.memref_slice %arg14[%dma_wait3A_146, %dma_wait3A_147] : memref<10000x128xf32, #tpu.memory_space<vmem_shared>> -> memref<10000x128xf32, #tpu.memory_space<vmem_shared>>
      tpu.wait_indirect_dma semaphore(%arg16 : memref<!tpu.dma_semaphore, #tpu.memory_space<semaphore_mem>>) src(%dma_wait3A_148 : memref<10000x128xf32, #tpu.memory_space<vmem_shared>>) dst(%arg12 : memref<16x128xf32, #tpu.memory_space<vmem>>)
      %dma_start3A_149 = arith.constant 2 : i32
      %dma_start3A_150 = arith.constant 0 : i32
      %dma_start3A_151 = tpu.memref_slice %arg10[%dma_start3A_149, %dma_start3A_150] : memref<8x16xi32, #tpu.memory_space<vmem>> -> memref<1x16xi32, #tpu.memory_space<vmem>>
      %dma_start3A_152 = tpu.memref_squeeze %dma_start3A_151 : memref<1x16xi32, #tpu.memory_space<vmem>> -> memref<16xi32, #tpu.memory_space<vmem>>
      %dma_start3A_153 = arith.constant 0 : i32
      %dma_start3A_154 = arith.constant 0 : i32
      %dma_start3A_155 = tpu.memref_slice %arg15[%dma_start3A_153, %dma_start3A_154] : memref<5120x128xf32, #tpu.memory_space<vmem_shared>> -> memref<5120x128xf32, #tpu.memory_space<vmem_shared>>
      tpu.enqueue_indirect_dma source(%arg12 : memref<16x128xf32, #tpu.memory_space<vmem>>) target(%dma_start3A_155 : memref<5120x128xf32, #tpu.memory_space<vmem_shared>>) offsets(%dma_start3A_152 : memref<16xi32, #tpu.memory_space<vmem>>) semaphore(%arg18 : memref<!tpu.dma_semaphore, #tpu.memory_space<semaphore_mem>>) {add = true}
      %dma_wait3A_156 = arith.constant 2 : i32
      %dma_wait3A_157 = arith.constant 0 : i32
      %dma_wait3A_158 = tpu.memref_slice %arg10[%dma_wait3A_156, %dma_wait3A_157] : memref<8x16xi32, #tpu.memory_space<vmem>> -> memref<1x16xi32, #tpu.memory_space<vmem>>
      %dma_wait3A_159 = tpu.memref_squeeze %dma_wait3A_158 : memref<1x16xi32, #tpu.memory_space<vmem>> -> memref<16xi32, #tpu.memory_space<vmem>>
      %dma_wait3A_160 = arith.constant 0 : i32
      %dma_wait3A_161 = arith.constant 0 : i32
      %dma_wait3A_162 = tpu.memref_slice %arg15[%dma_wait3A_160, %dma_wait3A_161] : memref<5120x128xf32, #tpu.memory_space<vmem_shared>> -> memref<5120x128xf32, #tpu.memory_space<vmem_shared>>
      tpu.wait_indirect_dma semaphore(%arg18 : memref<!tpu.dma_semaphore, #tpu.memory_space<semaphore_mem>>) src(%arg12 : memref<16x128xf32, #tpu.memory_space<vmem>>) dst(%dma_wait3A_162 : memref<5120x128xf32, #tpu.memory_space<vmem_shared>>)
      %dma_start3A_163 = arith.constant 4 : i32
      %dma_start3A_164 = arith.constant 0 : i32
      %dma_start3A_165 = tpu.memref_slice %arg8[%dma_start3A_163, %dma_start3A_164] : memref<8x16xi32, #tpu.memory_space<vmem>> -> memref<1x16xi32, #tpu.memory_space<vmem>>
      %dma_start3A_166 = tpu.memref_squeeze %dma_start3A_165 : memref<1x16xi32, #tpu.memory_space<vmem>> -> memref<16xi32, #tpu.memory_space<vmem>>
      %dma_start3A_167 = arith.constant 0 : i32
      %dma_start3A_168 = arith.constant 0 : i32
      %dma_start3A_169 = tpu.memref_slice %arg14[%dma_start3A_167, %dma_start3A_168] : memref<10000x128xf32, #tpu.memory_space<vmem_shared>> -> memref<10000x128xf32, #tpu.memory_space<vmem_shared>>
      tpu.enqueue_indirect_dma source(%dma_start3A_169 : memref<10000x128xf32, #tpu.memory_space<vmem_shared>>) target(%arg12 : memref<16x128xf32, #tpu.memory_space<vmem>>) offsets(%dma_start3A_166 : memref<16xi32, #tpu.memory_space<vmem>>) semaphore(%arg16 : memref<!tpu.dma_semaphore, #tpu.memory_space<semaphore_mem>>)
      %dma_wait3A_170 = arith.constant 3 : i32
      %dma_wait3A_171 = arith.constant 0 : i32
      %dma_wait3A_172 = tpu.memref_slice %arg8[%dma_wait3A_170, %dma_wait3A_171] : memref<8x16xi32, #tpu.memory_space<vmem>> -> memref<1x16xi32, #tpu.memory_space<vmem>>
      %dma_wait3A_173 = tpu.memref_squeeze %dma_wait3A_172 : memref<1x16xi32, #tpu.memory_space<vmem>> -> memref<16xi32, #tpu.memory_space<vmem>>
      %dma_wait3A_174 = arith.constant 0 : i32
      %dma_wait3A_175 = arith.constant 0 : i32
      %dma_wait3A_176 = tpu.memref_slice %arg14[%dma_wait3A_174, %dma_wait3A_175] : memref<10000x128xf32, #tpu.memory_space<vmem_shared>> -> memref<10000x128xf32, #tpu.memory_space<vmem_shared>>
      tpu.wait_indirect_dma semaphore(%arg17 : memref<!tpu.dma_semaphore, #tpu.memory_space<semaphore_mem>>) src(%dma_wait3A_176 : memref<10000x128xf32, #tpu.memory_space<vmem_shared>>) dst(%arg13 : memref<16x128xf32, #tpu.memory_space<vmem>>)
      %dma_start3A_177 = arith.constant 3 : i32
      %dma_start3A_178 = arith.constant 0 : i32
      %dma_start3A_179 = tpu.memref_slice %arg10[%dma_start3A_177, %dma_start3A_178] : memref<8x16xi32, #tpu.memory_space<vmem>> -> memref<1x16xi32, #tpu.memory_space<vmem>>
      %dma_start3A_180 = tpu.memref_squeeze %dma_start3A_179 : memref<1x16xi32, #tpu.memory_space<vmem>> -> memref<16xi32, #tpu.memory_space<vmem>>
      %dma_start3A_181 = arith.constant 0 : i32
      %dma_start3A_182 = arith.constant 0 : i32
      %dma_start3A_183 = tpu.memref_slice %arg15[%dma_start3A_181, %dma_start3A_182] : memref<5120x128xf32, #tpu.memory_space<vmem_shared>> -> memref<5120x128xf32, #tpu.memory_space<vmem_shared>>
      tpu.enqueue_indirect_dma source(%arg13 : memref<16x128xf32, #tpu.memory_space<vmem>>) target(%dma_start3A_183 : memref<5120x128xf32, #tpu.memory_space<vmem_shared>>) offsets(%dma_start3A_180 : memref<16xi32, #tpu.memory_space<vmem>>) semaphore(%arg19 : memref<!tpu.dma_semaphore, #tpu.memory_space<semaphore_mem>>) {add = true}
      %dma_wait3A_184 = arith.constant 3 : i32
      %dma_wait3A_185 = arith.constant 0 : i32
      %dma_wait3A_186 = tpu.memref_slice %arg10[%dma_wait3A_184, %dma_wait3A_185] : memref<8x16xi32, #tpu.memory_space<vmem>> -> memref<1x16xi32, #tpu.memory_space<vmem>>
      %dma_wait3A_187 = tpu.memref_squeeze %dma_wait3A_186 : memref<1x16xi32, #tpu.memory_space<vmem>> -> memref<16xi32, #tpu.memory_space<vmem>>
      %dma_wait3A_188 = arith.constant 0 : i32
      %dma_wait3A_189 = arith.constant 0 : i32
      %dma_wait3A_190 = tpu.memref_slice %arg15[%dma_wait3A_188, %dma_wait3A_189] : memref<5120x128xf32, #tpu.memory_space<vmem_shared>> -> memref<5120x128xf32, #tpu.memory_space<vmem_shared>>
      tpu.wait_indirect_dma semaphore(%arg19 : memref<!tpu.dma_semaphore, #tpu.memory_space<semaphore_mem>>) src(%arg13 : memref<16x128xf32, #tpu.memory_space<vmem>>) dst(%dma_wait3A_190 : memref<5120x128xf32, #tpu.memory_space<vmem_shared>>)
      %dma_start3A_191 = arith.constant 5 : i32
      %dma_start3A_192 = arith.constant 0 : i32
      %dma_start3A_193 = tpu.memref_slice %arg8[%dma_start3A_191, %dma_start3A_192] : memref<8x16xi32, #tpu.memory_space<vmem>> -> memref<1x16xi32, #tpu.memory_space<vmem>>
      %dma_start3A_194 = tpu.memref_squeeze %dma_start3A_193 : memref<1x16xi32, #tpu.memory_space<vmem>> -> memref<16xi32, #tpu.memory_space<vmem>>
      %dma_start3A_195 = arith.constant 0 : i32
      %dma_start3A_196 = arith.constant 0 : i32
      %dma_start3A_197 = tpu.memref_slice %arg14[%dma_start3A_195, %dma_start3A_196] : memref<10000x128xf32, #tpu.memory_space<vmem_shared>> -> memref<10000x128xf32, #tpu.memory_space<vmem_shared>>
      tpu.enqueue_indirect_dma source(%dma_start3A_197 : memref<10000x128xf32, #tpu.memory_space<vmem_shared>>) target(%arg13 : memref<16x128xf32, #tpu.memory_space<vmem>>) offsets(%dma_start3A_194 : memref<16xi32, #tpu.memory_space<vmem>>) semaphore(%arg17 : memref<!tpu.dma_semaphore, #tpu.memory_space<semaphore_mem>>)
      %dma_wait3A_198 = arith.constant 4 : i32
      %dma_wait3A_199 = arith.constant 0 : i32
      %dma_wait3A_200 = tpu.memref_slice %arg8[%dma_wait3A_198, %dma_wait3A_199] : memref<8x16xi32, #tpu.memory_space<vmem>> -> memref<1x16xi32, #tpu.memory_space<vmem>>
      %dma_wait3A_201 = tpu.memref_squeeze %dma_wait3A_200 : memref<1x16xi32, #tpu.memory_space<vmem>> -> memref<16xi32, #tpu.memory_space<vmem>>
      %dma_wait3A_202 = arith.constant 0 : i32
      %dma_wait3A_203 = arith.constant 0 : i32
      %dma_wait3A_204 = tpu.memref_slice %arg14[%dma_wait3A_202, %dma_wait3A_203] : memref<10000x128xf32, #tpu.memory_space<vmem_shared>> -> memref<10000x128xf32, #tpu.memory_space<vmem_shared>>
      tpu.wait_indirect_dma semaphore(%arg16 : memref<!tpu.dma_semaphore, #tpu.memory_space<semaphore_mem>>) src(%dma_wait3A_204 : memref<10000x128xf32, #tpu.memory_space<vmem_shared>>) dst(%arg12 : memref<16x128xf32, #tpu.memory_space<vmem>>)
      %dma_start3A_205 = arith.constant 4 : i32
      %dma_start3A_206 = arith.constant 0 : i32
      %dma_start3A_207 = tpu.memref_slice %arg10[%dma_start3A_205, %dma_start3A_206] : memref<8x16xi32, #tpu.memory_space<vmem>> -> memref<1x16xi32, #tpu.memory_space<vmem>>
      %dma_start3A_208 = tpu.memref_squeeze %dma_start3A_207 : memref<1x16xi32, #tpu.memory_space<vmem>> -> memref<16xi32, #tpu.memory_space<vmem>>
      %dma_start3A_209 = arith.constant 0 : i32
      %dma_start3A_210 = arith.constant 0 : i32
      %dma_start3A_211 = tpu.memref_slice %arg15[%dma_start3A_209, %dma_start3A_210] : memref<5120x128xf32, #tpu.memory_space<vmem_shared>> -> memref<5120x128xf32, #tpu.memory_space<vmem_shared>>
      tpu.enqueue_indirect_dma source(%arg12 : memref<16x128xf32, #tpu.memory_space<vmem>>) target(%dma_start3A_211 : memref<5120x128xf32, #tpu.memory_space<vmem_shared>>) offsets(%dma_start3A_208 : memref<16xi32, #tpu.memory_space<vmem>>) semaphore(%arg18 : memref<!tpu.dma_semaphore, #tpu.memory_space<semaphore_mem>>) {add = true}
      %dma_wait3A_212 = arith.constant 4 : i32
      %dma_wait3A_213 = arith.constant 0 : i32
      %dma_wait3A_214 = tpu.memref_slice %arg10[%dma_wait3A_212, %dma_wait3A_213] : memref<8x16xi32, #tpu.memory_space<vmem>> -> memref<1x16xi32, #tpu.memory_space<vmem>>
      %dma_wait3A_215 = tpu.memref_squeeze %dma_wait3A_214 : memref<1x16xi32, #tpu.memory_space<vmem>> -> memref<16xi32, #tpu.memory_space<vmem>>
      %dma_wait3A_216 = arith.constant 0 : i32
      %dma_wait3A_217 = arith.constant 0 : i32
      %dma_wait3A_218 = tpu.memref_slice %arg15[%dma_wait3A_216, %dma_wait3A_217] : memref<5120x128xf32, #tpu.memory_space<vmem_shared>> -> memref<5120x128xf32, #tpu.memory_space<vmem_shared>>
      tpu.wait_indirect_dma semaphore(%arg18 : memref<!tpu.dma_semaphore, #tpu.memory_space<semaphore_mem>>) src(%arg12 : memref<16x128xf32, #tpu.memory_space<vmem>>) dst(%dma_wait3A_218 : memref<5120x128xf32, #tpu.memory_space<vmem_shared>>)
      %dma_start3A_219 = arith.constant 6 : i32
      %dma_start3A_220 = arith.constant 0 : i32
      %dma_start3A_221 = tpu.memref_slice %arg8[%dma_start3A_219, %dma_start3A_220] : memref<8x16xi32, #tpu.memory_space<vmem>> -> memref<1x16xi32, #tpu.memory_space<vmem>>
      %dma_start3A_222 = tpu.memref_squeeze %dma_start3A_221 : memref<1x16xi32, #tpu.memory_space<vmem>> -> memref<16xi32, #tpu.memory_space<vmem>>
      %dma_start3A_223 = arith.constant 0 : i32
      %dma_start3A_224 = arith.constant 0 : i32
      %dma_start3A_225 = tpu.memref_slice %arg14[%dma_start3A_223, %dma_start3A_224] : memref<10000x128xf32, #tpu.memory_space<vmem_shared>> -> memref<10000x128xf32, #tpu.memory_space<vmem_shared>>
      tpu.enqueue_indirect_dma source(%dma_start3A_225 : memref<10000x128xf32, #tpu.memory_space<vmem_shared>>) target(%arg12 : memref<16x128xf32, #tpu.memory_space<vmem>>) offsets(%dma_start3A_222 : memref<16xi32, #tpu.memory_space<vmem>>) semaphore(%arg16 : memref<!tpu.dma_semaphore, #tpu.memory_space<semaphore_mem>>)
      %dma_wait3A_226 = arith.constant 5 : i32
      %dma_wait3A_227 = arith.constant 0 : i32
      %dma_wait3A_228 = tpu.memref_slice %arg8[%dma_wait3A_226, %dma_wait3A_227] : memref<8x16xi32, #tpu.memory_space<vmem>> -> memref<1x16xi32, #tpu.memory_space<vmem>>
      %dma_wait3A_229 = tpu.memref_squeeze %dma_wait3A_228 : memref<1x16xi32, #tpu.memory_space<vmem>> -> memref<16xi32, #tpu.memory_space<vmem>>
      %dma_wait3A_230 = arith.constant 0 : i32
      %dma_wait3A_231 = arith.constant 0 : i32
      %dma_wait3A_232 = tpu.memref_slice %arg14[%dma_wait3A_230, %dma_wait3A_231] : memref<10000x128xf32, #tpu.memory_space<vmem_shared>> -> memref<10000x128xf32, #tpu.memory_space<vmem_shared>>
      tpu.wait_indirect_dma semaphore(%arg17 : memref<!tpu.dma_semaphore, #tpu.memory_space<semaphore_mem>>) src(%dma_wait3A_232 : memref<10000x128xf32, #tpu.memory_space<vmem_shared>>) dst(%arg13 : memref<16x128xf32, #tpu.memory_space<vmem>>)
      %dma_start3A_233 = arith.constant 5 : i32
      %dma_start3A_234 = arith.constant 0 : i32
      %dma_start3A_235 = tpu.memref_slice %arg10[%dma_start3A_233, %dma_start3A_234] : memref<8x16xi32, #tpu.memory_space<vmem>> -> memref<1x16xi32, #tpu.memory_space<vmem>>
      %dma_start3A_236 = tpu.memref_squeeze %dma_start3A_235 : memref<1x16xi32, #tpu.memory_space<vmem>> -> memref<16xi32, #tpu.memory_space<vmem>>
      %dma_start3A_237 = arith.constant 0 : i32
      %dma_start3A_238 = arith.constant 0 : i32
      %dma_start3A_239 = tpu.memref_slice %arg15[%dma_start3A_237, %dma_start3A_238] : memref<5120x128xf32, #tpu.memory_space<vmem_shared>> -> memref<5120x128xf32, #tpu.memory_space<vmem_shared>>
      tpu.enqueue_indirect_dma source(%arg13 : memref<16x128xf32, #tpu.memory_space<vmem>>) target(%dma_start3A_239 : memref<5120x128xf32, #tpu.memory_space<vmem_shared>>) offsets(%dma_start3A_236 : memref<16xi32, #tpu.memory_space<vmem>>) semaphore(%arg19 : memref<!tpu.dma_semaphore, #tpu.memory_space<semaphore_mem>>) {add = true}
      %dma_wait3A_240 = arith.constant 5 : i32
      %dma_wait3A_241 = arith.constant 0 : i32
      %dma_wait3A_242 = tpu.memref_slice %arg10[%dma_wait3A_240, %dma_wait3A_241] : memref<8x16xi32, #tpu.memory_space<vmem>> -> memref<1x16xi32, #tpu.memory_space<vmem>>
      %dma_wait3A_243 = tpu.memref_squeeze %dma_wait3A_242 : memref<1x16xi32, #tpu.memory_space<vmem>> -> memref<16xi32, #tpu.memory_space<vmem>>
      %dma_wait3A_244 = arith.constant 0 : i32
      %dma_wait3A_245 = arith.constant 0 : i32
      %dma_wait3A_246 = tpu.memref_slice %arg15[%dma_wait3A_244, %dma_wait3A_245] : memref<5120x128xf32, #tpu.memory_space<vmem_shared>> -> memref<5120x128xf32, #tpu.memory_space<vmem_shared>>
      tpu.wait_indirect_dma semaphore(%arg19 : memref<!tpu.dma_semaphore, #tpu.memory_space<semaphore_mem>>) src(%arg13 : memref<16x128xf32, #tpu.memory_space<vmem>>) dst(%dma_wait3A_246 : memref<5120x128xf32, #tpu.memory_space<vmem_shared>>)
      %dma_start3A_247 = arith.constant 7 : i32
      %dma_start3A_248 = arith.constant 0 : i32
      %dma_start3A_249 = tpu.memref_slice %arg8[%dma_start3A_247, %dma_start3A_248] : memref<8x16xi32, #tpu.memory_space<vmem>> -> memref<1x16xi32, #tpu.memory_space<vmem>>
      %dma_start3A_250 = tpu.memref_squeeze %dma_start3A_249 : memref<1x16xi32, #tpu.memory_space<vmem>> -> memref<16xi32, #tpu.memory_space<vmem>>
      %dma_start3A_251 = arith.constant 0 : i32
      %dma_start3A_252 = arith.constant 0 : i32
      %dma_start3A_253 = tpu.memref_slice %arg14[%dma_start3A_251, %dma_start3A_252] : memref<10000x128xf32, #tpu.memory_space<vmem_shared>> -> memref<10000x128xf32, #tpu.memory_space<vmem_shared>>
      tpu.enqueue_indirect_dma source(%dma_start3A_253 : memref<10000x128xf32, #tpu.memory_space<vmem_shared>>) target(%arg13 : memref<16x128xf32, #tpu.memory_space<vmem>>) offsets(%dma_start3A_250 : memref<16xi32, #tpu.memory_space<vmem>>) semaphore(%arg17 : memref<!tpu.dma_semaphore, #tpu.memory_space<semaphore_mem>>)
      %dma_wait3A_254 = arith.constant 6 : i32
      %dma_wait3A_255 = arith.constant 0 : i32
      %dma_wait3A_256 = tpu.memref_slice %arg8[%dma_wait3A_254, %dma_wait3A_255] : memref<8x16xi32, #tpu.memory_space<vmem>> -> memref<1x16xi32, #tpu.memory_space<vmem>>
      %dma_wait3A_257 = tpu.memref_squeeze %dma_wait3A_256 : memref<1x16xi32, #tpu.memory_space<vmem>> -> memref<16xi32, #tpu.memory_space<vmem>>
      %dma_wait3A_258 = arith.constant 0 : i32
      %dma_wait3A_259 = arith.constant 0 : i32
      %dma_wait3A_260 = tpu.memref_slice %arg14[%dma_wait3A_258, %dma_wait3A_259] : memref<10000x128xf32, #tpu.memory_space<vmem_shared>> -> memref<10000x128xf32, #tpu.memory_space<vmem_shared>>
      tpu.wait_indirect_dma semaphore(%arg16 : memref<!tpu.dma_semaphore, #tpu.memory_space<semaphore_mem>>) src(%dma_wait3A_260 : memref<10000x128xf32, #tpu.memory_space<vmem_shared>>) dst(%arg12 : memref<16x128xf32, #tpu.memory_space<vmem>>)
      %dma_start3A_261 = arith.constant 6 : i32
      %dma_start3A_262 = arith.constant 0 : i32
      %dma_start3A_263 = tpu.memref_slice %arg10[%dma_start3A_261, %dma_start3A_262] : memref<8x16xi32, #tpu.memory_space<vmem>> -> memref<1x16xi32, #tpu.memory_space<vmem>>
      %dma_start3A_264 = tpu.memref_squeeze %dma_start3A_263 : memref<1x16xi32, #tpu.memory_space<vmem>> -> memref<16xi32, #tpu.memory_space<vmem>>
      %dma_start3A_265 = arith.constant 0 : i32
      %dma_start3A_266 = arith.constant 0 : i32
      %dma_start3A_267 = tpu.memref_slice %arg15[%dma_start3A_265, %dma_start3A_266] : memref<5120x128xf32, #tpu.memory_space<vmem_shared>> -> memref<5120x128xf32, #tpu.memory_space<vmem_shared>>
      tpu.enqueue_indirect_dma source(%arg12 : memref<16x128xf32, #tpu.memory_space<vmem>>) target(%dma_start3A_267 : memref<5120x128xf32, #tpu.memory_space<vmem_shared>>) offsets(%dma_start3A_264 : memref<16xi32, #tpu.memory_space<vmem>>) semaphore(%arg18 : memref<!tpu.dma_semaphore, #tpu.memory_space<semaphore_mem>>) {add = true}
      %dma_wait3A_268 = arith.constant 7 : i32
      %dma_wait3A_269 = arith.constant 0 : i32
      %dma_wait3A_270 = tpu.memref_slice %arg8[%dma_wait3A_268, %dma_wait3A_269] : memref<8x16xi32, #tpu.memory_space<vmem>> -> memref<1x16xi32, #tpu.memory_space<vmem>>
      %dma_wait3A_271 = tpu.memref_squeeze %dma_wait3A_270 : memref<1x16xi32, #tpu.memory_space<vmem>> -> memref<16xi32, #tpu.memory_space<vmem>>
      %dma_wait3A_272 = arith.constant 0 : i32
      %dma_wait3A_273 = arith.constant 0 : i32
      %dma_wait3A_274 = tpu.memref_slice %arg14[%dma_wait3A_272, %dma_wait3A_273] : memref<10000x128xf32, #tpu.memory_space<vmem_shared>> -> memref<10000x128xf32, #tpu.memory_space<vmem_shared>>
      tpu.wait_indirect_dma semaphore(%arg17 : memref<!tpu.dma_semaphore, #tpu.memory_space<semaphore_mem>>) src(%dma_wait3A_274 : memref<10000x128xf32, #tpu.memory_space<vmem_shared>>) dst(%arg13 : memref<16x128xf32, #tpu.memory_space<vmem>>)
      %dma_start3A_275 = arith.constant 7 : i32
      %dma_start3A_276 = arith.constant 0 : i32
      %dma_start3A_277 = tpu.memref_slice %arg10[%dma_start3A_275, %dma_start3A_276] : memref<8x16xi32, #tpu.memory_space<vmem>> -> memref<1x16xi32, #tpu.memory_space<vmem>>
      %dma_start3A_278 = tpu.memref_squeeze %dma_start3A_277 : memref<1x16xi32, #tpu.memory_space<vmem>> -> memref<16xi32, #tpu.memory_space<vmem>>
      %dma_start3A_279 = arith.constant 0 : i32
      %dma_start3A_280 = arith.constant 0 : i32
      %dma_start3A_281 = tpu.memref_slice %arg15[%dma_start3A_279, %dma_start3A_280] : memref<5120x128xf32, #tpu.memory_space<vmem_shared>> -> memref<5120x128xf32, #tpu.memory_space<vmem_shared>>
      tpu.enqueue_indirect_dma source(%arg13 : memref<16x128xf32, #tpu.memory_space<vmem>>) target(%dma_start3A_281 : memref<5120x128xf32, #tpu.memory_space<vmem_shared>>) offsets(%dma_start3A_278 : memref<16xi32, #tpu.memory_space<vmem>>) semaphore(%arg19 : memref<!tpu.dma_semaphore, #tpu.memory_space<semaphore_mem>>) {add = true}
      %dma_wait3A_282 = arith.constant 6 : i32
      %dma_wait3A_283 = arith.constant 0 : i32
      %dma_wait3A_284 = tpu.memref_slice %arg10[%dma_wait3A_282, %dma_wait3A_283] : memref<8x16xi32, #tpu.memory_space<vmem>> -> memref<1x16xi32, #tpu.memory_space<vmem>>
      %dma_wait3A_285 = tpu.memref_squeeze %dma_wait3A_284 : memref<1x16xi32, #tpu.memory_space<vmem>> -> memref<16xi32, #tpu.memory_space<vmem>>
      %dma_wait3A_286 = arith.constant 0 : i32
      %dma_wait3A_287 = arith.constant 0 : i32
      %dma_wait3A_288 = tpu.memref_slice %arg15[%dma_wait3A_286, %dma_wait3A_287] : memref<5120x128xf32, #tpu.memory_space<vmem_shared>> -> memref<5120x128xf32, #tpu.memory_space<vmem_shared>>
      tpu.wait_indirect_dma semaphore(%arg18 : memref<!tpu.dma_semaphore, #tpu.memory_space<semaphore_mem>>) src(%arg12 : memref<16x128xf32, #tpu.memory_space<vmem>>) dst(%dma_wait3A_288 : memref<5120x128xf32, #tpu.memory_space<vmem_shared>>)
      %dma_wait3A_289 = arith.constant 7 : i32
      %dma_wait3A_290 = arith.constant 0 : i32
      %dma_wait3A_291 = tpu.memref_slice %arg10[%dma_wait3A_289, %dma_wait3A_290] : memref<8x16xi32, #tpu.memory_space<vmem>> -> memref<1x16xi32, #tpu.memory_space<vmem>>
      %dma_wait3A_292 = tpu.memref_squeeze %dma_wait3A_291 : memref<1x16xi32, #tpu.memory_space<vmem>> -> memref<16xi32, #tpu.memory_space<vmem>>
      %dma_wait3A_293 = arith.constant 0 : i32
      %dma_wait3A_294 = arith.constant 0 : i32
      %dma_wait3A_295 = tpu.memref_slice %arg15[%dma_wait3A_293, %dma_wait3A_294] : memref<5120x128xf32, #tpu.memory_space<vmem_shared>> -> memref<5120x128xf32, #tpu.memory_space<vmem_shared>>
      tpu.wait_indirect_dma semaphore(%arg19 : memref<!tpu.dma_semaphore, #tpu.memory_space<semaphore_mem>>) src(%arg13 : memref<16x128xf32, #tpu.memory_space<vmem>>) dst(%dma_wait3A_295 : memref<5120x128xf32, #tpu.memory_space<vmem_shared>>)
      %mul3A_296 = arith.constant 2 : i32
      %mul3A_297 = arith.muli %scan3A_49, %mul3A_296 : i32
      %add3A_298 = arith.constant 1 : i32
      %add3A_299 = arith.addi %mul3A_297, %add3A_298 : i32
      %mul3A_300 = arith.constant 8 : i32
      %mul3A_301 = arith.muli %add3A_299, %mul3A_300 : i32
      %add3A_302 = arith.addi %mul3A_2, %mul3A_301 : i32
      %dma_wait3A_303 = arith.constant 0 : i32
      %dma_wait3A_304 = tpu.memref_slice %arg3[%add3A_302, %dma_wait3A_303] : memref<20480x16xi32, #tpu.memory_space<hbm>> -> memref<8x16xi32, #tpu.memory_space<hbm>>
      %dma_wait3A_305 = arith.constant 0 : i32
      %dma_wait3A_306 = tpu.memref_slice %arg3[%add3A_302, %dma_wait3A_305] : memref<20480x16xi32, #tpu.memory_space<hbm>> -> memref<8x16xi32, #tpu.memory_space<hbm>>
      tpu.wait_dma2 semaphore(%arg21 : memref<!tpu.dma_semaphore, #tpu.memory_space<semaphore_mem>>) src(%dma_wait3A_306 : memref<8x16xi32, #tpu.memory_space<hbm>>) dst(%arg9 : memref<8x16xi32, #tpu.memory_space<vmem>>)
      %dma_wait3A_307 = arith.constant 0 : i32
      %dma_wait3A_308 = tpu.memref_slice %arg5[%add3A_302, %dma_wait3A_307] : memref<20480x16xi32, #tpu.memory_space<hbm>> -> memref<8x16xi32, #tpu.memory_space<hbm>>
      %dma_wait3A_309 = arith.constant 0 : i32
      %dma_wait3A_310 = tpu.memref_slice %arg5[%add3A_302, %dma_wait3A_309] : memref<20480x16xi32, #tpu.memory_space<hbm>> -> memref<8x16xi32, #tpu.memory_space<hbm>>
      tpu.wait_dma2 semaphore(%arg21 : memref<!tpu.dma_semaphore, #tpu.memory_space<semaphore_mem>>) src(%dma_wait3A_310 : memref<8x16xi32, #tpu.memory_space<hbm>>) dst(%arg11 : memref<8x16xi32, #tpu.memory_space<vmem>>)
      %add3A_311 = arith.constant 1 : i32
      %add3A_312 = arith.addi %add3A_299, %add3A_311 : i32
      %lt3A_313 = arith.constant 80 : i32
      %lt3A_314 = arith.cmpi slt, %add3A_312, %lt3A_313 : i32
      %convert_element_type3A_315 = arith.extui %lt3A_314 : i1 to i32
      %cond3A_316 = arith.constant 0 : i32
      %cond3A_317 = arith.cmpi ne, %convert_element_type3A_315, %cond3A_316 : i32
      scf.if %cond3A_317 {
        %add3A_543 = arith.constant 1 : i32
        %add3A_544 = arith.addi %add3A_299, %add3A_543 : i32
        %mul3A_545 = arith.constant 8 : i32
        %mul3A_546 = arith.muli %add3A_544, %mul3A_545 : i32
        %add3A_547 = arith.addi %mul3A_2, %mul3A_546 : i32
        %dma_start3A_548 = arith.constant 0 : i32
        %dma_start3A_549 = tpu.memref_slice %arg3[%add3A_547, %dma_start3A_548] : memref<20480x16xi32, #tpu.memory_space<hbm>> -> memref<8x16xi32, #tpu.memory_space<hbm>>
        %dma_start3A_550 = arith.constant 0 : i32
        %dma_start3A_551 = tpu.memref_slice %arg3[%add3A_547, %dma_start3A_550] : memref<20480x16xi32, #tpu.memory_space<hbm>> -> memref<8x16xi32, #tpu.memory_space<hbm>>
        tpu.enqueue_dma source(%dma_start3A_551 : memref<8x16xi32, #tpu.memory_space<hbm>>) target(%arg8 : memref<8x16xi32, #tpu.memory_space<vmem>>) target_semaphore(%arg20 : memref<!tpu.dma_semaphore, #tpu.memory_space<semaphore_mem>>)
        %dma_start3A_552 = arith.constant 0 : i32
        %dma_start3A_553 = tpu.memref_slice %arg5[%add3A_547, %dma_start3A_552] : memref<20480x16xi32, #tpu.memory_space<hbm>> -> memref<8x16xi32, #tpu.memory_space<hbm>>
        %dma_start3A_554 = arith.constant 0 : i32
        %dma_start3A_555 = tpu.memref_slice %arg5[%add3A_547, %dma_start3A_554] : memref<20480x16xi32, #tpu.memory_space<hbm>> -> memref<8x16xi32, #tpu.memory_space<hbm>>
        tpu.enqueue_dma source(%dma_start3A_555 : memref<8x16xi32, #tpu.memory_space<hbm>>) target(%arg10 : memref<8x16xi32, #tpu.memory_space<vmem>>) target_semaphore(%arg20 : memref<!tpu.dma_semaphore, #tpu.memory_space<semaphore_mem>>)
      } else {
      }
      %dma_start3A_318 = arith.constant 0 : i32
      %dma_start3A_319 = arith.constant 0 : i32
      %dma_start3A_320 = tpu.memref_slice %arg9[%dma_start3A_318, %dma_start3A_319] : memref<8x16xi32, #tpu.memory_space<vmem>> -> memref<1x16xi32, #tpu.memory_space<vmem>>
      %dma_start3A_321 = tpu.memref_squeeze %dma_start3A_320 : memref<1x16xi32, #tpu.memory_space<vmem>> -> memref<16xi32, #tpu.memory_space<vmem>>
      %dma_start3A_322 = arith.constant 0 : i32
      %dma_start3A_323 = arith.constant 0 : i32
      %dma_start3A_324 = tpu.memref_slice %arg14[%dma_start3A_322, %dma_start3A_323] : memref<10000x128xf32, #tpu.memory_space<vmem_shared>> -> memref<10000x128xf32, #tpu.memory_space<vmem_shared>>
      tpu.enqueue_indirect_dma source(%dma_start3A_324 : memref<10000x128xf32, #tpu.memory_space<vmem_shared>>) target(%arg12 : memref<16x128xf32, #tpu.memory_space<vmem>>) offsets(%dma_start3A_321 : memref<16xi32, #tpu.memory_space<vmem>>) semaphore(%arg16 : memref<!tpu.dma_semaphore, #tpu.memory_space<semaphore_mem>>)
      %dma_start3A_325 = arith.constant 1 : i32
      %dma_start3A_326 = arith.constant 0 : i32
      %dma_start3A_327 = tpu.memref_slice %arg9[%dma_start3A_325, %dma_start3A_326] : memref<8x16xi32, #tpu.memory_space<vmem>> -> memref<1x16xi32, #tpu.memory_space<vmem>>
      %dma_start3A_328 = tpu.memref_squeeze %dma_start3A_327 : memref<1x16xi32, #tpu.memory_space<vmem>> -> memref<16xi32, #tpu.memory_space<vmem>>
      %dma_start3A_329 = arith.constant 0 : i32
      %dma_start3A_330 = arith.constant 0 : i32
      %dma_start3A_331 = tpu.memref_slice %arg14[%dma_start3A_329, %dma_start3A_330] : memref<10000x128xf32, #tpu.memory_space<vmem_shared>> -> memref<10000x128xf32, #tpu.memory_space<vmem_shared>>
      tpu.enqueue_indirect_dma source(%dma_start3A_331 : memref<10000x128xf32, #tpu.memory_space<vmem_shared>>) target(%arg13 : memref<16x128xf32, #tpu.memory_space<vmem>>) offsets(%dma_start3A_328 : memref<16xi32, #tpu.memory_space<vmem>>) semaphore(%arg17 : memref<!tpu.dma_semaphore, #tpu.memory_space<semaphore_mem>>)
      %dma_wait3A_332 = arith.constant 0 : i32
      %dma_wait3A_333 = arith.constant 0 : i32
      %dma_wait3A_334 = tpu.memref_slice %arg9[%dma_wait3A_332, %dma_wait3A_333] : memref<8x16xi32, #tpu.memory_space<vmem>> -> memref<1x16xi32, #tpu.memory_space<vmem>>
      %dma_wait3A_335 = tpu.memref_squeeze %dma_wait3A_334 : memref<1x16xi32, #tpu.memory_space<vmem>> -> memref<16xi32, #tpu.memory_space<vmem>>
      %dma_wait3A_336 = arith.constant 0 : i32
      %dma_wait3A_337 = arith.constant 0 : i32
      %dma_wait3A_338 = tpu.memref_slice %arg14[%dma_wait3A_336, %dma_wait3A_337] : memref<10000x128xf32, #tpu.memory_space<vmem_shared>> -> memref<10000x128xf32, #tpu.memory_space<vmem_shared>>
      tpu.wait_indirect_dma semaphore(%arg16 : memref<!tpu.dma_semaphore, #tpu.memory_space<semaphore_mem>>) src(%dma_wait3A_338 : memref<10000x128xf32, #tpu.memory_space<vmem_shared>>) dst(%arg12 : memref<16x128xf32, #tpu.memory_space<vmem>>)
      %dma_start3A_339 = arith.constant 0 : i32
      %dma_start3A_340 = arith.constant 0 : i32
      %dma_start3A_341 = tpu.memref_slice %arg11[%dma_start3A_339, %dma_start3A_340] : memref<8x16xi32, #tpu.memory_space<vmem>> -> memref<1x16xi32, #tpu.memory_space<vmem>>
      %dma_start3A_342 = tpu.memref_squeeze %dma_start3A_341 : memref<1x16xi32, #tpu.memory_space<vmem>> -> memref<16xi32, #tpu.memory_space<vmem>>
      %dma_start3A_343 = arith.constant 0 : i32
      %dma_start3A_344 = arith.constant 0 : i32
      %dma_start3A_345 = tpu.memref_slice %arg15[%dma_start3A_343, %dma_start3A_344] : memref<5120x128xf32, #tpu.memory_space<vmem_shared>> -> memref<5120x128xf32, #tpu.memory_space<vmem_shared>>
      tpu.enqueue_indirect_dma source(%arg12 : memref<16x128xf32, #tpu.memory_space<vmem>>) target(%dma_start3A_345 : memref<5120x128xf32, #tpu.memory_space<vmem_shared>>) offsets(%dma_start3A_342 : memref<16xi32, #tpu.memory_space<vmem>>) semaphore(%arg18 : memref<!tpu.dma_semaphore, #tpu.memory_space<semaphore_mem>>) {add = true}
      %dma_wait3A_346 = arith.constant 0 : i32
      %dma_wait3A_347 = arith.constant 0 : i32
      %dma_wait3A_348 = tpu.memref_slice %arg11[%dma_wait3A_346, %dma_wait3A_347] : memref<8x16xi32, #tpu.memory_space<vmem>> -> memref<1x16xi32, #tpu.memory_space<vmem>>
      %dma_wait3A_349 = tpu.memref_squeeze %dma_wait3A_348 : memref<1x16xi32, #tpu.memory_space<vmem>> -> memref<16xi32, #tpu.memory_space<vmem>>
      %dma_wait3A_350 = arith.constant 0 : i32
      %dma_wait3A_351 = arith.constant 0 : i32
      %dma_wait3A_352 = tpu.memref_slice %arg15[%dma_wait3A_350, %dma_wait3A_351] : memref<5120x128xf32, #tpu.memory_space<vmem_shared>> -> memref<5120x128xf32, #tpu.memory_space<vmem_shared>>
      tpu.wait_indirect_dma semaphore(%arg18 : memref<!tpu.dma_semaphore, #tpu.memory_space<semaphore_mem>>) src(%arg12 : memref<16x128xf32, #tpu.memory_space<vmem>>) dst(%dma_wait3A_352 : memref<5120x128xf32, #tpu.memory_space<vmem_shared>>)
      %dma_start3A_353 = arith.constant 2 : i32
      %dma_start3A_354 = arith.constant 0 : i32
      %dma_start3A_355 = tpu.memref_slice %arg9[%dma_start3A_353, %dma_start3A_354] : memref<8x16xi32, #tpu.memory_space<vmem>> -> memref<1x16xi32, #tpu.memory_space<vmem>>
      %dma_start3A_356 = tpu.memref_squeeze %dma_start3A_355 : memref<1x16xi32, #tpu.memory_space<vmem>> -> memref<16xi32, #tpu.memory_space<vmem>>
      %dma_start3A_357 = arith.constant 0 : i32
      %dma_start3A_358 = arith.constant 0 : i32
      %dma_start3A_359 = tpu.memref_slice %arg14[%dma_start3A_357, %dma_start3A_358] : memref<10000x128xf32, #tpu.memory_space<vmem_shared>> -> memref<10000x128xf32, #tpu.memory_space<vmem_shared>>
      tpu.enqueue_indirect_dma source(%dma_start3A_359 : memref<10000x128xf32, #tpu.memory_space<vmem_shared>>) target(%arg12 : memref<16x128xf32, #tpu.memory_space<vmem>>) offsets(%dma_start3A_356 : memref<16xi32, #tpu.memory_space<vmem>>) semaphore(%arg16 : memref<!tpu.dma_semaphore, #tpu.memory_space<semaphore_mem>>)
      %dma_wait3A_360 = arith.constant 1 : i32
      %dma_wait3A_361 = arith.constant 0 : i32
      %dma_wait3A_362 = tpu.memref_slice %arg9[%dma_wait3A_360, %dma_wait3A_361] : memref<8x16xi32, #tpu.memory_space<vmem>> -> memref<1x16xi32, #tpu.memory_space<vmem>>
      %dma_wait3A_363 = tpu.memref_squeeze %dma_wait3A_362 : memref<1x16xi32, #tpu.memory_space<vmem>> -> memref<16xi32, #tpu.memory_space<vmem>>
      %dma_wait3A_364 = arith.constant 0 : i32
      %dma_wait3A_365 = arith.constant 0 : i32
      %dma_wait3A_366 = tpu.memref_slice %arg14[%dma_wait3A_364, %dma_wait3A_365] : memref<10000x128xf32, #tpu.memory_space<vmem_shared>> -> memref<10000x128xf32, #tpu.memory_space<vmem_shared>>
      tpu.wait_indirect_dma semaphore(%arg17 : memref<!tpu.dma_semaphore, #tpu.memory_space<semaphore_mem>>) src(%dma_wait3A_366 : memref<10000x128xf32, #tpu.memory_space<vmem_shared>>) dst(%arg13 : memref<16x128xf32, #tpu.memory_space<vmem>>)
      %dma_start3A_367 = arith.constant 1 : i32
      %dma_start3A_368 = arith.constant 0 : i32
      %dma_start3A_369 = tpu.memref_slice %arg11[%dma_start3A_367, %dma_start3A_368] : memref<8x16xi32, #tpu.memory_space<vmem>> -> memref<1x16xi32, #tpu.memory_space<vmem>>
      %dma_start3A_370 = tpu.memref_squeeze %dma_start3A_369 : memref<1x16xi32, #tpu.memory_space<vmem>> -> memref<16xi32, #tpu.memory_space<vmem>>
      %dma_start3A_371 = arith.constant 0 : i32
      %dma_start3A_372 = arith.constant 0 : i32
      %dma_start3A_373 = tpu.memref_slice %arg15[%dma_start3A_371, %dma_start3A_372] : memref<5120x128xf32, #tpu.memory_space<vmem_shared>> -> memref<5120x128xf32, #tpu.memory_space<vmem_shared>>
      tpu.enqueue_indirect_dma source(%arg13 : memref<16x128xf32, #tpu.memory_space<vmem>>) target(%dma_start3A_373 : memref<5120x128xf32, #tpu.memory_space<vmem_shared>>) offsets(%dma_start3A_370 : memref<16xi32, #tpu.memory_space<vmem>>) semaphore(%arg19 : memref<!tpu.dma_semaphore, #tpu.memory_space<semaphore_mem>>) {add = true}
      %dma_wait3A_374 = arith.constant 1 : i32
      %dma_wait3A_375 = arith.constant 0 : i32
      %dma_wait3A_376 = tpu.memref_slice %arg11[%dma_wait3A_374, %dma_wait3A_375] : memref<8x16xi32, #tpu.memory_space<vmem>> -> memref<1x16xi32, #tpu.memory_space<vmem>>
      %dma_wait3A_377 = tpu.memref_squeeze %dma_wait3A_376 : memref<1x16xi32, #tpu.memory_space<vmem>> -> memref<16xi32, #tpu.memory_space<vmem>>
      %dma_wait3A_378 = arith.constant 0 : i32
      %dma_wait3A_379 = arith.constant 0 : i32
      %dma_wait3A_380 = tpu.memref_slice %arg15[%dma_wait3A_378, %dma_wait3A_379] : memref<5120x128xf32, #tpu.memory_space<vmem_shared>> -> memref<5120x128xf32, #tpu.memory_space<vmem_shared>>
      tpu.wait_indirect_dma semaphore(%arg19 : memref<!tpu.dma_semaphore, #tpu.memory_space<semaphore_mem>>) src(%arg13 : memref<16x128xf32, #tpu.memory_space<vmem>>) dst(%dma_wait3A_380 : memref<5120x128xf32, #tpu.memory_space<vmem_shared>>)
      %dma_start3A_381 = arith.constant 3 : i32
      %dma_start3A_382 = arith.constant 0 : i32
      %dma_start3A_383 = tpu.memref_slice %arg9[%dma_start3A_381, %dma_start3A_382] : memref<8x16xi32, #tpu.memory_space<vmem>> -> memref<1x16xi32, #tpu.memory_space<vmem>>
      %dma_start3A_384 = tpu.memref_squeeze %dma_start3A_383 : memref<1x16xi32, #tpu.memory_space<vmem>> -> memref<16xi32, #tpu.memory_space<vmem>>
      %dma_start3A_385 = arith.constant 0 : i32
      %dma_start3A_386 = arith.constant 0 : i32
      %dma_start3A_387 = tpu.memref_slice %arg14[%dma_start3A_385, %dma_start3A_386] : memref<10000x128xf32, #tpu.memory_space<vmem_shared>> -> memref<10000x128xf32, #tpu.memory_space<vmem_shared>>
      tpu.enqueue_indirect_dma source(%dma_start3A_387 : memref<10000x128xf32, #tpu.memory_space<vmem_shared>>) target(%arg13 : memref<16x128xf32, #tpu.memory_space<vmem>>) offsets(%dma_start3A_384 : memref<16xi32, #tpu.memory_space<vmem>>) semaphore(%arg17 : memref<!tpu.dma_semaphore, #tpu.memory_space<semaphore_mem>>)
      %dma_wait3A_388 = arith.constant 2 : i32
      %dma_wait3A_389 = arith.constant 0 : i32
      %dma_wait3A_390 = tpu.memref_slice %arg9[%dma_wait3A_388, %dma_wait3A_389] : memref<8x16xi32, #tpu.memory_space<vmem>> -> memref<1x16xi32, #tpu.memory_space<vmem>>
      %dma_wait3A_391 = tpu.memref_squeeze %dma_wait3A_390 : memref<1x16xi32, #tpu.memory_space<vmem>> -> memref<16xi32, #tpu.memory_space<vmem>>
      %dma_wait3A_392 = arith.constant 0 : i32
      %dma_wait3A_393 = arith.constant 0 : i32
      %dma_wait3A_394 = tpu.memref_slice %arg14[%dma_wait3A_392, %dma_wait3A_393] : memref<10000x128xf32, #tpu.memory_space<vmem_shared>> -> memref<10000x128xf32, #tpu.memory_space<vmem_shared>>
      tpu.wait_indirect_dma semaphore(%arg16 : memref<!tpu.dma_semaphore, #tpu.memory_space<semaphore_mem>>) src(%dma_wait3A_394 : memref<10000x128xf32, #tpu.memory_space<vmem_shared>>) dst(%arg12 : memref<16x128xf32, #tpu.memory_space<vmem>>)
      %dma_start3A_395 = arith.constant 2 : i32
      %dma_start3A_396 = arith.constant 0 : i32
      %dma_start3A_397 = tpu.memref_slice %arg11[%dma_start3A_395, %dma_start3A_396] : memref<8x16xi32, #tpu.memory_space<vmem>> -> memref<1x16xi32, #tpu.memory_space<vmem>>
      %dma_start3A_398 = tpu.memref_squeeze %dma_start3A_397 : memref<1x16xi32, #tpu.memory_space<vmem>> -> memref<16xi32, #tpu.memory_space<vmem>>
      %dma_start3A_399 = arith.constant 0 : i32
      %dma_start3A_400 = arith.constant 0 : i32
      %dma_start3A_401 = tpu.memref_slice %arg15[%dma_start3A_399, %dma_start3A_400] : memref<5120x128xf32, #tpu.memory_space<vmem_shared>> -> memref<5120x128xf32, #tpu.memory_space<vmem_shared>>
      tpu.enqueue_indirect_dma source(%arg12 : memref<16x128xf32, #tpu.memory_space<vmem>>) target(%dma_start3A_401 : memref<5120x128xf32, #tpu.memory_space<vmem_shared>>) offsets(%dma_start3A_398 : memref<16xi32, #tpu.memory_space<vmem>>) semaphore(%arg18 : memref<!tpu.dma_semaphore, #tpu.memory_space<semaphore_mem>>) {add = true}
      %dma_wait3A_402 = arith.constant 2 : i32
      %dma_wait3A_403 = arith.constant 0 : i32
      %dma_wait3A_404 = tpu.memref_slice %arg11[%dma_wait3A_402, %dma_wait3A_403] : memref<8x16xi32, #tpu.memory_space<vmem>> -> memref<1x16xi32, #tpu.memory_space<vmem>>
      %dma_wait3A_405 = tpu.memref_squeeze %dma_wait3A_404 : memref<1x16xi32, #tpu.memory_space<vmem>> -> memref<16xi32, #tpu.memory_space<vmem>>
      %dma_wait3A_406 = arith.constant 0 : i32
      %dma_wait3A_407 = arith.constant 0 : i32
      %dma_wait3A_408 = tpu.memref_slice %arg15[%dma_wait3A_406, %dma_wait3A_407] : memref<5120x128xf32, #tpu.memory_space<vmem_shared>> -> memref<5120x128xf32, #tpu.memory_space<vmem_shared>>
      tpu.wait_indirect_dma semaphore(%arg18 : memref<!tpu.dma_semaphore, #tpu.memory_space<semaphore_mem>>) src(%arg12 : memref<16x128xf32, #tpu.memory_space<vmem>>) dst(%dma_wait3A_408 : memref<5120x128xf32, #tpu.memory_space<vmem_shared>>)
      %dma_start3A_409 = arith.constant 4 : i32
      %dma_start3A_410 = arith.constant 0 : i32
      %dma_start3A_411 = tpu.memref_slice %arg9[%dma_start3A_409, %dma_start3A_410] : memref<8x16xi32, #tpu.memory_space<vmem>> -> memref<1x16xi32, #tpu.memory_space<vmem>>
      %dma_start3A_412 = tpu.memref_squeeze %dma_start3A_411 : memref<1x16xi32, #tpu.memory_space<vmem>> -> memref<16xi32, #tpu.memory_space<vmem>>
      %dma_start3A_413 = arith.constant 0 : i32
      %dma_start3A_414 = arith.constant 0 : i32
      %dma_start3A_415 = tpu.memref_slice %arg14[%dma_start3A_413, %dma_start3A_414] : memref<10000x128xf32, #tpu.memory_space<vmem_shared>> -> memref<10000x128xf32, #tpu.memory_space<vmem_shared>>
      tpu.enqueue_indirect_dma source(%dma_start3A_415 : memref<10000x128xf32, #tpu.memory_space<vmem_shared>>) target(%arg12 : memref<16x128xf32, #tpu.memory_space<vmem>>) offsets(%dma_start3A_412 : memref<16xi32, #tpu.memory_space<vmem>>) semaphore(%arg16 : memref<!tpu.dma_semaphore, #tpu.memory_space<semaphore_mem>>)
      %dma_wait3A_416 = arith.constant 3 : i32
      %dma_wait3A_417 = arith.constant 0 : i32
      %dma_wait3A_418 = tpu.memref_slice %arg9[%dma_wait3A_416, %dma_wait3A_417] : memref<8x16xi32, #tpu.memory_space<vmem>> -> memref<1x16xi32, #tpu.memory_space<vmem>>
      %dma_wait3A_419 = tpu.memref_squeeze %dma_wait3A_418 : memref<1x16xi32, #tpu.memory_space<vmem>> -> memref<16xi32, #tpu.memory_space<vmem>>
      %dma_wait3A_420 = arith.constant 0 : i32
      %dma_wait3A_421 = arith.constant 0 : i32
      %dma_wait3A_422 = tpu.memref_slice %arg14[%dma_wait3A_420, %dma_wait3A_421] : memref<10000x128xf32, #tpu.memory_space<vmem_shared>> -> memref<10000x128xf32, #tpu.memory_space<vmem_shared>>
      tpu.wait_indirect_dma semaphore(%arg17 : memref<!tpu.dma_semaphore, #tpu.memory_space<semaphore_mem>>) src(%dma_wait3A_422 : memref<10000x128xf32, #tpu.memory_space<vmem_shared>>) dst(%arg13 : memref<16x128xf32, #tpu.memory_space<vmem>>)
      %dma_start3A_423 = arith.constant 3 : i32
      %dma_start3A_424 = arith.constant 0 : i32
      %dma_start3A_425 = tpu.memref_slice %arg11[%dma_start3A_423, %dma_start3A_424] : memref<8x16xi32, #tpu.memory_space<vmem>> -> memref<1x16xi32, #tpu.memory_space<vmem>>
      %dma_start3A_426 = tpu.memref_squeeze %dma_start3A_425 : memref<1x16xi32, #tpu.memory_space<vmem>> -> memref<16xi32, #tpu.memory_space<vmem>>
      %dma_start3A_427 = arith.constant 0 : i32
      %dma_start3A_428 = arith.constant 0 : i32
      %dma_start3A_429 = tpu.memref_slice %arg15[%dma_start3A_427, %dma_start3A_428] : memref<5120x128xf32, #tpu.memory_space<vmem_shared>> -> memref<5120x128xf32, #tpu.memory_space<vmem_shared>>
      tpu.enqueue_indirect_dma source(%arg13 : memref<16x128xf32, #tpu.memory_space<vmem>>) target(%dma_start3A_429 : memref<5120x128xf32, #tpu.memory_space<vmem_shared>>) offsets(%dma_start3A_426 : memref<16xi32, #tpu.memory_space<vmem>>) semaphore(%arg19 : memref<!tpu.dma_semaphore, #tpu.memory_space<semaphore_mem>>) {add = true}
      %dma_wait3A_430 = arith.constant 3 : i32
      %dma_wait3A_431 = arith.constant 0 : i32
      %dma_wait3A_432 = tpu.memref_slice %arg11[%dma_wait3A_430, %dma_wait3A_431] : memref<8x16xi32, #tpu.memory_space<vmem>> -> memref<1x16xi32, #tpu.memory_space<vmem>>
      %dma_wait3A_433 = tpu.memref_squeeze %dma_wait3A_432 : memref<1x16xi32, #tpu.memory_space<vmem>> -> memref<16xi32, #tpu.memory_space<vmem>>
      %dma_wait3A_434 = arith.constant 0 : i32
      %dma_wait3A_435 = arith.constant 0 : i32
      %dma_wait3A_436 = tpu.memref_slice %arg15[%dma_wait3A_434, %dma_wait3A_435] : memref<5120x128xf32, #tpu.memory_space<vmem_shared>> -> memref<5120x128xf32, #tpu.memory_space<vmem_shared>>
      tpu.wait_indirect_dma semaphore(%arg19 : memref<!tpu.dma_semaphore, #tpu.memory_space<semaphore_mem>>) src(%arg13 : memref<16x128xf32, #tpu.memory_space<vmem>>) dst(%dma_wait3A_436 : memref<5120x128xf32, #tpu.memory_space<vmem_shared>>)
      %dma_start3A_437 = arith.constant 5 : i32
      %dma_start3A_438 = arith.constant 0 : i32
      %dma_start3A_439 = tpu.memref_slice %arg9[%dma_start3A_437, %dma_start3A_438] : memref<8x16xi32, #tpu.memory_space<vmem>> -> memref<1x16xi32, #tpu.memory_space<vmem>>
      %dma_start3A_440 = tpu.memref_squeeze %dma_start3A_439 : memref<1x16xi32, #tpu.memory_space<vmem>> -> memref<16xi32, #tpu.memory_space<vmem>>
      %dma_start3A_441 = arith.constant 0 : i32
      %dma_start3A_442 = arith.constant 0 : i32
      %dma_start3A_443 = tpu.memref_slice %arg14[%dma_start3A_441, %dma_start3A_442] : memref<10000x128xf32, #tpu.memory_space<vmem_shared>> -> memref<10000x128xf32, #tpu.memory_space<vmem_shared>>
      tpu.enqueue_indirect_dma source(%dma_start3A_443 : memref<10000x128xf32, #tpu.memory_space<vmem_shared>>) target(%arg13 : memref<16x128xf32, #tpu.memory_space<vmem>>) offsets(%dma_start3A_440 : memref<16xi32, #tpu.memory_space<vmem>>) semaphore(%arg17 : memref<!tpu.dma_semaphore, #tpu.memory_space<semaphore_mem>>)
      %dma_wait3A_444 = arith.constant 4 : i32
      %dma_wait3A_445 = arith.constant 0 : i32
      %dma_wait3A_446 = tpu.memref_slice %arg9[%dma_wait3A_444, %dma_wait3A_445] : memref<8x16xi32, #tpu.memory_space<vmem>> -> memref<1x16xi32, #tpu.memory_space<vmem>>
      %dma_wait3A_447 = tpu.memref_squeeze %dma_wait3A_446 : memref<1x16xi32, #tpu.memory_space<vmem>> -> memref<16xi32, #tpu.memory_space<vmem>>
      %dma_wait3A_448 = arith.constant 0 : i32
      %dma_wait3A_449 = arith.constant 0 : i32
      %dma_wait3A_450 = tpu.memref_slice %arg14[%dma_wait3A_448, %dma_wait3A_449] : memref<10000x128xf32, #tpu.memory_space<vmem_shared>> -> memref<10000x128xf32, #tpu.memory_space<vmem_shared>>
      tpu.wait_indirect_dma semaphore(%arg16 : memref<!tpu.dma_semaphore, #tpu.memory_space<semaphore_mem>>) src(%dma_wait3A_450 : memref<10000x128xf32, #tpu.memory_space<vmem_shared>>) dst(%arg12 : memref<16x128xf32, #tpu.memory_space<vmem>>)
      %dma_start3A_451 = arith.constant 4 : i32
      %dma_start3A_452 = arith.constant 0 : i32
      %dma_start3A_453 = tpu.memref_slice %arg11[%dma_start3A_451, %dma_start3A_452] : memref<8x16xi32, #tpu.memory_space<vmem>> -> memref<1x16xi32, #tpu.memory_space<vmem>>
      %dma_start3A_454 = tpu.memref_squeeze %dma_start3A_453 : memref<1x16xi32, #tpu.memory_space<vmem>> -> memref<16xi32, #tpu.memory_space<vmem>>
      %dma_start3A_455 = arith.constant 0 : i32
      %dma_start3A_456 = arith.constant 0 : i32
      %dma_start3A_457 = tpu.memref_slice %arg15[%dma_start3A_455, %dma_start3A_456] : memref<5120x128xf32, #tpu.memory_space<vmem_shared>> -> memref<5120x128xf32, #tpu.memory_space<vmem_shared>>
      tpu.enqueue_indirect_dma source(%arg12 : memref<16x128xf32, #tpu.memory_space<vmem>>) target(%dma_start3A_457 : memref<5120x128xf32, #tpu.memory_space<vmem_shared>>) offsets(%dma_start3A_454 : memref<16xi32, #tpu.memory_space<vmem>>) semaphore(%arg18 : memref<!tpu.dma_semaphore, #tpu.memory_space<semaphore_mem>>) {add = true}
      %dma_wait3A_458 = arith.constant 4 : i32
      %dma_wait3A_459 = arith.constant 0 : i32
      %dma_wait3A_460 = tpu.memref_slice %arg11[%dma_wait3A_458, %dma_wait3A_459] : memref<8x16xi32, #tpu.memory_space<vmem>> -> memref<1x16xi32, #tpu.memory_space<vmem>>
      %dma_wait3A_461 = tpu.memref_squeeze %dma_wait3A_460 : memref<1x16xi32, #tpu.memory_space<vmem>> -> memref<16xi32, #tpu.memory_space<vmem>>
      %dma_wait3A_462 = arith.constant 0 : i32
      %dma_wait3A_463 = arith.constant 0 : i32
      %dma_wait3A_464 = tpu.memref_slice %arg15[%dma_wait3A_462, %dma_wait3A_463] : memref<5120x128xf32, #tpu.memory_space<vmem_shared>> -> memref<5120x128xf32, #tpu.memory_space<vmem_shared>>
      tpu.wait_indirect_dma semaphore(%arg18 : memref<!tpu.dma_semaphore, #tpu.memory_space<semaphore_mem>>) src(%arg12 : memref<16x128xf32, #tpu.memory_space<vmem>>) dst(%dma_wait3A_464 : memref<5120x128xf32, #tpu.memory_space<vmem_shared>>)
      %dma_start3A_465 = arith.constant 6 : i32
      %dma_start3A_466 = arith.constant 0 : i32
      %dma_start3A_467 = tpu.memref_slice %arg9[%dma_start3A_465, %dma_start3A_466] : memref<8x16xi32, #tpu.memory_space<vmem>> -> memref<1x16xi32, #tpu.memory_space<vmem>>
      %dma_start3A_468 = tpu.memref_squeeze %dma_start3A_467 : memref<1x16xi32, #tpu.memory_space<vmem>> -> memref<16xi32, #tpu.memory_space<vmem>>
      %dma_start3A_469 = arith.constant 0 : i32
      %dma_start3A_470 = arith.constant 0 : i32
      %dma_start3A_471 = tpu.memref_slice %arg14[%dma_start3A_469, %dma_start3A_470] : memref<10000x128xf32, #tpu.memory_space<vmem_shared>> -> memref<10000x128xf32, #tpu.memory_space<vmem_shared>>
      tpu.enqueue_indirect_dma source(%dma_start3A_471 : memref<10000x128xf32, #tpu.memory_space<vmem_shared>>) target(%arg12 : memref<16x128xf32, #tpu.memory_space<vmem>>) offsets(%dma_start3A_468 : memref<16xi32, #tpu.memory_space<vmem>>) semaphore(%arg16 : memref<!tpu.dma_semaphore, #tpu.memory_space<semaphore_mem>>)
      %dma_wait3A_472 = arith.constant 5 : i32
      %dma_wait3A_473 = arith.constant 0 : i32
      %dma_wait3A_474 = tpu.memref_slice %arg9[%dma_wait3A_472, %dma_wait3A_473] : memref<8x16xi32, #tpu.memory_space<vmem>> -> memref<1x16xi32, #tpu.memory_space<vmem>>
      %dma_wait3A_475 = tpu.memref_squeeze %dma_wait3A_474 : memref<1x16xi32, #tpu.memory_space<vmem>> -> memref<16xi32, #tpu.memory_space<vmem>>
      %dma_wait3A_476 = arith.constant 0 : i32
      %dma_wait3A_477 = arith.constant 0 : i32
      %dma_wait3A_478 = tpu.memref_slice %arg14[%dma_wait3A_476, %dma_wait3A_477] : memref<10000x128xf32, #tpu.memory_space<vmem_shared>> -> memref<10000x128xf32, #tpu.memory_space<vmem_shared>>
      tpu.wait_indirect_dma semaphore(%arg17 : memref<!tpu.dma_semaphore, #tpu.memory_space<semaphore_mem>>) src(%dma_wait3A_478 : memref<10000x128xf32, #tpu.memory_space<vmem_shared>>) dst(%arg13 : memref<16x128xf32, #tpu.memory_space<vmem>>)
      %dma_start3A_479 = arith.constant 5 : i32
      %dma_start3A_480 = arith.constant 0 : i32
      %dma_start3A_481 = tpu.memref_slice %arg11[%dma_start3A_479, %dma_start3A_480] : memref<8x16xi32, #tpu.memory_space<vmem>> -> memref<1x16xi32, #tpu.memory_space<vmem>>
      %dma_start3A_482 = tpu.memref_squeeze %dma_start3A_481 : memref<1x16xi32, #tpu.memory_space<vmem>> -> memref<16xi32, #tpu.memory_space<vmem>>
      %dma_start3A_483 = arith.constant 0 : i32
      %dma_start3A_484 = arith.constant 0 : i32
      %dma_start3A_485 = tpu.memref_slice %arg15[%dma_start3A_483, %dma_start3A_484] : memref<5120x128xf32, #tpu.memory_space<vmem_shared>> -> memref<5120x128xf32, #tpu.memory_space<vmem_shared>>
      tpu.enqueue_indirect_dma source(%arg13 : memref<16x128xf32, #tpu.memory_space<vmem>>) target(%dma_start3A_485 : memref<5120x128xf32, #tpu.memory_space<vmem_shared>>) offsets(%dma_start3A_482 : memref<16xi32, #tpu.memory_space<vmem>>) semaphore(%arg19 : memref<!tpu.dma_semaphore, #tpu.memory_space<semaphore_mem>>) {add = true}
      %dma_wait3A_486 = arith.constant 5 : i32
      %dma_wait3A_487 = arith.constant 0 : i32
      %dma_wait3A_488 = tpu.memref_slice %arg11[%dma_wait3A_486, %dma_wait3A_487] : memref<8x16xi32, #tpu.memory_space<vmem>> -> memref<1x16xi32, #tpu.memory_space<vmem>>
      %dma_wait3A_489 = tpu.memref_squeeze %dma_wait3A_488 : memref<1x16xi32, #tpu.memory_space<vmem>> -> memref<16xi32, #tpu.memory_space<vmem>>
      %dma_wait3A_490 = arith.constant 0 : i32
      %dma_wait3A_491 = arith.constant 0 : i32
      %dma_wait3A_492 = tpu.memref_slice %arg15[%dma_wait3A_490, %dma_wait3A_491] : memref<5120x128xf32, #tpu.memory_space<vmem_shared>> -> memref<5120x128xf32, #tpu.memory_space<vmem_shared>>
      tpu.wait_indirect_dma semaphore(%arg19 : memref<!tpu.dma_semaphore, #tpu.memory_space<semaphore_mem>>) src(%arg13 : memref<16x128xf32, #tpu.memory_space<vmem>>) dst(%dma_wait3A_492 : memref<5120x128xf32, #tpu.memory_space<vmem_shared>>)
      %dma_start3A_493 = arith.constant 7 : i32
      %dma_start3A_494 = arith.constant 0 : i32
      %dma_start3A_495 = tpu.memref_slice %arg9[%dma_start3A_493, %dma_start3A_494] : memref<8x16xi32, #tpu.memory_space<vmem>> -> memref<1x16xi32, #tpu.memory_space<vmem>>
      %dma_start3A_496 = tpu.memref_squeeze %dma_start3A_495 : memref<1x16xi32, #tpu.memory_space<vmem>> -> memref<16xi32, #tpu.memory_space<vmem>>
      %dma_start3A_497 = arith.constant 0 : i32
      %dma_start3A_498 = arith.constant 0 : i32
      %dma_start3A_499 = tpu.memref_slice %arg14[%dma_start3A_497, %dma_start3A_498] : memref<10000x128xf32, #tpu.memory_space<vmem_shared>> -> memref<10000x128xf32, #tpu.memory_space<vmem_shared>>
      tpu.enqueue_indirect_dma source(%dma_start3A_499 : memref<10000x128xf32, #tpu.memory_space<vmem_shared>>) target(%arg13 : memref<16x128xf32, #tpu.memory_space<vmem>>) offsets(%dma_start3A_496 : memref<16xi32, #tpu.memory_space<vmem>>) semaphore(%arg17 : memref<!tpu.dma_semaphore, #tpu.memory_space<semaphore_mem>>)
      %dma_wait3A_500 = arith.constant 6 : i32
      %dma_wait3A_501 = arith.constant 0 : i32
      %dma_wait3A_502 = tpu.memref_slice %arg9[%dma_wait3A_500, %dma_wait3A_501] : memref<8x16xi32, #tpu.memory_space<vmem>> -> memref<1x16xi32, #tpu.memory_space<vmem>>
      %dma_wait3A_503 = tpu.memref_squeeze %dma_wait3A_502 : memref<1x16xi32, #tpu.memory_space<vmem>> -> memref<16xi32, #tpu.memory_space<vmem>>
      %dma_wait3A_504 = arith.constant 0 : i32
      %dma_wait3A_505 = arith.constant 0 : i32
      %dma_wait3A_506 = tpu.memref_slice %arg14[%dma_wait3A_504, %dma_wait3A_505] : memref<10000x128xf32, #tpu.memory_space<vmem_shared>> -> memref<10000x128xf32, #tpu.memory_space<vmem_shared>>
      tpu.wait_indirect_dma semaphore(%arg16 : memref<!tpu.dma_semaphore, #tpu.memory_space<semaphore_mem>>) src(%dma_wait3A_506 : memref<10000x128xf32, #tpu.memory_space<vmem_shared>>) dst(%arg12 : memref<16x128xf32, #tpu.memory_space<vmem>>)
      %dma_start3A_507 = arith.constant 6 : i32
      %dma_start3A_508 = arith.constant 0 : i32
      %dma_start3A_509 = tpu.memref_slice %arg11[%dma_start3A_507, %dma_start3A_508] : memref<8x16xi32, #tpu.memory_space<vmem>> -> memref<1x16xi32, #tpu.memory_space<vmem>>
      %dma_start3A_510 = tpu.memref_squeeze %dma_start3A_509 : memref<1x16xi32, #tpu.memory_space<vmem>> -> memref<16xi32, #tpu.memory_space<vmem>>
      %dma_start3A_511 = arith.constant 0 : i32
      %dma_start3A_512 = arith.constant 0 : i32
      %dma_start3A_513 = tpu.memref_slice %arg15[%dma_start3A_511, %dma_start3A_512] : memref<5120x128xf32, #tpu.memory_space<vmem_shared>> -> memref<5120x128xf32, #tpu.memory_space<vmem_shared>>
      tpu.enqueue_indirect_dma source(%arg12 : memref<16x128xf32, #tpu.memory_space<vmem>>) target(%dma_start3A_513 : memref<5120x128xf32, #tpu.memory_space<vmem_shared>>) offsets(%dma_start3A_510 : memref<16xi32, #tpu.memory_space<vmem>>) semaphore(%arg18 : memref<!tpu.dma_semaphore, #tpu.memory_space<semaphore_mem>>) {add = true}
      %dma_wait3A_514 = arith.constant 7 : i32
      %dma_wait3A_515 = arith.constant 0 : i32
      %dma_wait3A_516 = tpu.memref_slice %arg9[%dma_wait3A_514, %dma_wait3A_515] : memref<8x16xi32, #tpu.memory_space<vmem>> -> memref<1x16xi32, #tpu.memory_space<vmem>>
      %dma_wait3A_517 = tpu.memref_squeeze %dma_wait3A_516 : memref<1x16xi32, #tpu.memory_space<vmem>> -> memref<16xi32, #tpu.memory_space<vmem>>
      %dma_wait3A_518 = arith.constant 0 : i32
      %dma_wait3A_519 = arith.constant 0 : i32
      %dma_wait3A_520 = tpu.memref_slice %arg14[%dma_wait3A_518, %dma_wait3A_519] : memref<10000x128xf32, #tpu.memory_space<vmem_shared>> -> memref<10000x128xf32, #tpu.memory_space<vmem_shared>>
      tpu.wait_indirect_dma semaphore(%arg17 : memref<!tpu.dma_semaphore, #tpu.memory_space<semaphore_mem>>) src(%dma_wait3A_520 : memref<10000x128xf32, #tpu.memory_space<vmem_shared>>) dst(%arg13 : memref<16x128xf32, #tpu.memory_space<vmem>>)
      %dma_start3A_521 = arith.constant 7 : i32
      %dma_start3A_522 = arith.constant 0 : i32
      %dma_start3A_523 = tpu.memref_slice %arg11[%dma_start3A_521, %dma_start3A_522] : memref<8x16xi32, #tpu.memory_space<vmem>> -> memref<1x16xi32, #tpu.memory_space<vmem>>
      %dma_start3A_524 = tpu.memref_squeeze %dma_start3A_523 : memref<1x16xi32, #tpu.memory_space<vmem>> -> memref<16xi32, #tpu.memory_space<vmem>>
      %dma_start3A_525 = arith.constant 0 : i32
      %dma_start3A_526 = arith.constant 0 : i32
      %dma_start3A_527 = tpu.memref_slice %arg15[%dma_start3A_525, %dma_start3A_526] : memref<5120x128xf32, #tpu.memory_space<vmem_shared>> -> memref<5120x128xf32, #tpu.memory_space<vmem_shared>>
      tpu.enqueue_indirect_dma source(%arg13 : memref<16x128xf32, #tpu.memory_space<vmem>>) target(%dma_start3A_527 : memref<5120x128xf32, #tpu.memory_space<vmem_shared>>) offsets(%dma_start3A_524 : memref<16xi32, #tpu.memory_space<vmem>>) semaphore(%arg19 : memref<!tpu.dma_semaphore, #tpu.memory_space<semaphore_mem>>) {add = true}
      %dma_wait3A_528 = arith.constant 6 : i32
      %dma_wait3A_529 = arith.constant 0 : i32
      %dma_wait3A_530 = tpu.memref_slice %arg11[%dma_wait3A_528, %dma_wait3A_529] : memref<8x16xi32, #tpu.memory_space<vmem>> -> memref<1x16xi32, #tpu.memory_space<vmem>>
      %dma_wait3A_531 = tpu.memref_squeeze %dma_wait3A_530 : memref<1x16xi32, #tpu.memory_space<vmem>> -> memref<16xi32, #tpu.memory_space<vmem>>
      %dma_wait3A_532 = arith.constant 0 : i32
      %dma_wait3A_533 = arith.constant 0 : i32
      %dma_wait3A_534 = tpu.memref_slice %arg15[%dma_wait3A_532, %dma_wait3A_533] : memref<5120x128xf32, #tpu.memory_space<vmem_shared>> -> memref<5120x128xf32, #tpu.memory_space<vmem_shared>>
      tpu.wait_indirect_dma semaphore(%arg18 : memref<!tpu.dma_semaphore, #tpu.memory_space<semaphore_mem>>) src(%arg12 : memref<16x128xf32, #tpu.memory_space<vmem>>) dst(%dma_wait3A_534 : memref<5120x128xf32, #tpu.memory_space<vmem_shared>>)
      %dma_wait3A_535 = arith.constant 7 : i32
      %dma_wait3A_536 = arith.constant 0 : i32
      %dma_wait3A_537 = tpu.memref_slice %arg11[%dma_wait3A_535, %dma_wait3A_536] : memref<8x16xi32, #tpu.memory_space<vmem>> -> memref<1x16xi32, #tpu.memory_space<vmem>>
      %dma_wait3A_538 = tpu.memref_squeeze %dma_wait3A_537 : memref<1x16xi32, #tpu.memory_space<vmem>> -> memref<16xi32, #tpu.memory_space<vmem>>
      %dma_wait3A_539 = arith.constant 0 : i32
      %dma_wait3A_540 = arith.constant 0 : i32
      %dma_wait3A_541 = tpu.memref_slice %arg15[%dma_wait3A_539, %dma_wait3A_540] : memref<5120x128xf32, #tpu.memory_space<vmem_shared>> -> memref<5120x128xf32, #tpu.memory_space<vmem_shared>>
      tpu.wait_indirect_dma semaphore(%arg19 : memref<!tpu.dma_semaphore, #tpu.memory_space<semaphore_mem>>) src(%arg13 : memref<16x128xf32, #tpu.memory_space<vmem>>) dst(%dma_wait3A_541 : memref<5120x128xf32, #tpu.memory_space<vmem_shared>>)
      %scan3A_542 = arith.constant 0 : i32
      scf.yield %scan3A_542 : i32
    }
    %scan3A_42 = arith.constant 40 : i32
    %barrier3A_43 = arith.constant 0 : index
    tpu.barrier barrier_id(%barrier3A_43)
    %mul3A_44 = arith.constant 320 : i32
    %mul3A_45 = arith.muli %arg1, %mul3A_44 : i32
    %mul3A_46 = arith.constant 320 : i32
    %mul3A_47 = arith.muli %arg1, %mul3A_46 : i32
    %run_scoped3A_48 = arith.constant 1 : i32
    "tpu.region"() ({
      %run_scoped3A_49 = tpu.sem_alloc : memref<!tpu.dma_semaphore, #tpu.memory_space<semaphore_mem>>
      %dma_start3A_50 = arith.constant 0 : i32
      %dma_start3A_51 = arith.constant 0 : i32
      %dma_start3A_52 = arith.constant 0 : i32
      %dma_start3A_53 = tpu.memref_slice %arg7[%run_scoped3A_48, %dma_start3A_50, %dma_start3A_51, %dma_start3A_52] : memref<2x2x5120x128xf32, #tpu.memory_space<hbm>> -> memref<1x2x5120x128xf32, #tpu.memory_space<hbm>>
      %dma_start3A_54 = tpu.memref_squeeze %dma_start3A_53 : memref<1x2x5120x128xf32, #tpu.memory_space<hbm>> -> memref<2x5120x128xf32, #tpu.memory_space<hbm>>
      %dma_start3A_55 = arith.constant 0 : i32
      %dma_start3A_56 = arith.constant 0 : i32
      %dma_start3A_57 = tpu.memref_slice %dma_start3A_54[%arg0, %dma_start3A_55, %dma_start3A_56] : memref<2x5120x128xf32, #tpu.memory_space<hbm>> -> memref<1x5120x128xf32, #tpu.memory_space<hbm>>
      %dma_start3A_58 = tpu.memref_squeeze %dma_start3A_57 : memref<1x5120x128xf32, #tpu.memory_space<hbm>> -> memref<5120x128xf32, #tpu.memory_space<hbm>>
      %dma_start3A_59 = arith.constant 0 : i32
      %dma_start3A_60 = tpu.memref_slice %dma_start3A_58[%mul3A_47, %dma_start3A_59] : memref<5120x128xf32, #tpu.memory_space<hbm>> -> memref<320x128xf32, #tpu.memory_space<hbm>>
      %dma_start3A_61 = arith.constant 0 : i32
      %dma_start3A_62 = tpu.memref_slice %arg15[%mul3A_45, %dma_start3A_61] : memref<5120x128xf32, #tpu.memory_space<vmem_shared>> -> memref<320x128xf32, #tpu.memory_space<vmem_shared>>
      tpu.enqueue_dma source(%dma_start3A_62 : memref<320x128xf32, #tpu.memory_space<vmem_shared>>) target(%dma_start3A_60 : memref<320x128xf32, #tpu.memory_space<hbm>>) target_semaphore(%run_scoped3A_49 : memref<!tpu.dma_semaphore, #tpu.memory_space<semaphore_mem>>)
      %dma_wait3A = arith.constant 0 : i32
      %dma_wait3A_63 = arith.constant 0 : i32
      %dma_wait3A_64 = arith.constant 0 : i32
      %dma_wait3A_65 = tpu.memref_slice %arg7[%run_scoped3A_48, %dma_wait3A, %dma_wait3A_63, %dma_wait3A_64] : memref<2x2x5120x128xf32, #tpu.memory_space<hbm>> -> memref<1x2x5120x128xf32, #tpu.memory_space<hbm>>
      %dma_wait3A_66 = tpu.memref_squeeze %dma_wait3A_65 : memref<1x2x5120x128xf32, #tpu.memory_space<hbm>> -> memref<2x5120x128xf32, #tpu.memory_space<hbm>>
      %dma_wait3A_67 = arith.constant 0 : i32
      %dma_wait3A_68 = arith.constant 0 : i32
      %dma_wait3A_69 = tpu.memref_slice %dma_wait3A_66[%arg0, %dma_wait3A_67, %dma_wait3A_68] : memref<2x5120x128xf32, #tpu.memory_space<hbm>> -> memref<1x5120x128xf32, #tpu.memory_space<hbm>>
      %dma_wait3A_70 = tpu.memref_squeeze %dma_wait3A_69 : memref<1x5120x128xf32, #tpu.memory_space<hbm>> -> memref<5120x128xf32, #tpu.memory_space<hbm>>
      %dma_wait3A_71 = arith.constant 0 : i32
      %dma_wait3A_72 = tpu.memref_slice %dma_wait3A_70[%mul3A_47, %dma_wait3A_71] : memref<5120x128xf32, #tpu.memory_space<hbm>> -> memref<320x128xf32, #tpu.memory_space<hbm>>
      %dma_wait3A_73 = arith.constant 0 : i32
      %dma_wait3A_74 = tpu.memref_slice %arg15[%mul3A_45, %dma_wait3A_73] : memref<5120x128xf32, #tpu.memory_space<vmem_shared>> -> memref<320x128xf32, #tpu.memory_space<vmem_shared>>
      tpu.wait_dma2 semaphore(%run_scoped3A_49 : memref<!tpu.dma_semaphore, #tpu.memory_space<semaphore_mem>>) src(%dma_wait3A_74 : memref<320x128xf32, #tpu.memory_space<vmem_shared>>) dst(%dma_wait3A_72 : memref<320x128xf32, #tpu.memory_space<hbm>>)
      tpu.yield
    }) : () -> ()
    return
  }
}

module attributes {stable_mosaic.version = 14 : i64} {
  func.func @_tc1_body(%arg0: i32, %arg1: memref<2x1000x128xf32, #tpu.memory_space<vmem>>, %arg2: memref<1000x128xf32, #tpu.memory_space<vmem>>, %arg3: memref<128x128xf32, #tpu.memory_space<vmem>>, %arg4: memref<1000x128xf32, #tpu.memory_space<vmem>>, %arg5: memref<1000x1xf32, #tpu.memory_space<vmem>>) attributes {dimension_semantics = [#tpu.dimension_semantics<arbitrary>], iteration_bounds = array<i64: 10>, scalar_prefetch = 0 : i64, scratch_operands = 0 : i64, tpu.core_type = #tpu.core_type<tc>, window_params = [{transform_indices = @transform_0, window_bounds = array<i64: 2, 1000, 128>}, {transform_indices = @transform_1, window_bounds = array<i64: 1000, 128>}, {pipeline_mode = #tpu.pipeline_mode<synchronous>, transform_indices = @transform_2, window_bounds = array<i64: 128, 128>}, {transform_indices = @transform_3, window_bounds = array<i64: 1000, 128>}, {transform_indices = @transform_4, window_bounds = array<i64: 1000, 1>}]} {
    %get3A = arith.constant 0 : index
    %get3A_0 = arith.constant 0 : index
    %get3A_1 = arith.constant 0 : index
    %get3A_2 = vector.load %arg1[%get3A, %get3A_0, %get3A_1] : memref<2x1000x128xf32, #tpu.memory_space<vmem>>, vector<1x1000x1xf32>
    %get3A_3 = vector.shape_cast %get3A_2 : vector<1x1000x1xf32> to vector<1000x1xf32>
    %get3A_4 = arith.constant 1 : index
    %get3A_5 = arith.constant 0 : index
    %get3A_6 = arith.constant 0 : index
    %get3A_7 = vector.load %arg1[%get3A_4, %get3A_5, %get3A_6] : memref<2x1000x128xf32, #tpu.memory_space<vmem>>, vector<1x1000x1xf32>
    %get3A_8 = vector.shape_cast %get3A_7 : vector<1x1000x1xf32> to vector<1000x1xf32>
    %add3A = arith.addf %get3A_3, %get3A_8 : vector<1000x1xf32>
    %add3A_9 = arith.constant 1.000000e+00 : f32
    %add3A_10 = vector.broadcast %add3A_9 : f32 to vector<1000x1xf32>
    %add3A_11 = arith.addf %add3A, %add3A_10 : vector<1000x1xf32>
    %rsqrt3A = math.rsqrt %add3A_11 : vector<1000x1xf32>
    %swap3A = arith.constant 0 : index
    %swap3A_12 = arith.constant 0 : index
    %swap3A_13 = vector.load %arg5[%swap3A, %swap3A_12] : memref<1000x1xf32, #tpu.memory_space<vmem>>, vector<1000x1xf32>
    tpu.vector_store %arg5[%swap3A, %swap3A_12], %rsqrt3A {strides = array<i32>} : memref<1000x1xf32, #tpu.memory_space<vmem>>, vector<1000x1xf32>,
    %get3A_14 = arith.constant 0 : index
    %get3A_15 = arith.constant 0 : index
    %get3A_16 = vector.load %arg2[%get3A_14, %get3A_15] : memref<1000x128xf32, #tpu.memory_space<vmem>>, vector<1000x128xf32>
    %get3A_17 = arith.constant 0 : index
    %get3A_18 = arith.constant 0 : index
    %get3A_19 = vector.load %arg3[%get3A_17, %get3A_18] : memref<128x128xf32, #tpu.memory_space<vmem>>, vector<128x128xf32>
    %dot_general3A = arith.constant dense<0.000000e+00> : vector<1000x128xf32>
    %dot_general3A_20 = tpu.matmul %get3A_16, %get3A_19, %dot_general3A {dimension_numbers = #tpu.dot_dimension_numbers<[1], [0], [0], [1], [0, 0, 1, 1], [], []>, transpose_lhs_hint = false} : vector<1000x128xf32>, vector<128x128xf32>, vector<1000x128xf32> -> vector<1000x128xf32>
    %mul3A = vector.broadcast %rsqrt3A : vector<1000x1xf32> to vector<1000x128xf32>
    %mul3A_21 = arith.mulf %dot_general3A_20, %mul3A : vector<1000x128xf32>
    %swap3A_22 = arith.constant 0 : index
    %swap3A_23 = arith.constant 0 : index
    %swap3A_24 = vector.load %arg4[%swap3A_22, %swap3A_23] : memref<1000x128xf32, #tpu.memory_space<vmem>>, vector<1000x128xf32>
    tpu.vector_store %arg4[%swap3A_22, %swap3A_23], %mul3A_21 {strides = array<i32>} : memref<1000x128xf32, #tpu.memory_space<vmem>>, vector<1000x128xf32>,
    return
  }
  func.func @transform_0(%arg0: i32) -> (i32, i32, i32) {
    %c0_i32 = arith.constant 0 : i32
    %c0_i32_0 = arith.constant 0 : i32
    %c0_i32_1 = arith.constant 0 : i32
    return %c0_i32, %arg0, %c0_i32_0 : i32, i32, i32
  }
  func.func @transform_1(%arg0: i32) -> (i32, i32) {
    %c0_i32 = arith.constant 0 : i32
    %c0_i32_0 = arith.constant 0 : i32
    return %arg0, %c0_i32 : i32, i32
  }
  func.func @transform_2(%arg0: i32) -> (i32, i32) {
    %c0_i32 = arith.constant 0 : i32
    %c0_i32_0 = arith.constant 0 : i32
    %c0_i32_1 = arith.constant 0 : i32
    return %c0_i32, %c0_i32_0 : i32, i32
  }
  func.func @transform_3(%arg0: i32) -> (i32, i32) {
    %c0_i32 = arith.constant 0 : i32
    %c0_i32_0 = arith.constant 0 : i32
    return %arg0, %c0_i32 : i32, i32
  }
  func.func @transform_4(%arg0: i32) -> (i32, i32) {
    %c0_i32 = arith.constant 0 : i32
    %c0_i32_0 = arith.constant 0 : i32
    return %arg0, %c0_i32 : i32, i32
  }
}

module attributes {stable_mosaic.version = 14 : i64} {
  func.func @_tc2_body(%arg0: i32, %arg1: memref<1x2x1000x128xf32, #tpu.memory_space<vmem>>, %arg2: memref<1000x128xf32, #tpu.memory_space<vmem>>, %arg3: memref<1000x1xf32, #tpu.memory_space<vmem>>, %arg4: memref<1x128xf32, #tpu.memory_space<vmem>>, %arg5: memref<128x128xf32, #tpu.memory_space<vmem>>, %arg6: memref<1000x128xf32, #tpu.memory_space<vmem>>) attributes {dimension_semantics = [#tpu.dimension_semantics<arbitrary>], iteration_bounds = array<i64: 10>, scalar_prefetch = 0 : i64, scratch_operands = 0 : i64, tpu.core_type = #tpu.core_type<tc>, window_params = [{transform_indices = @transform_0, window_bounds = array<i64: 1, 2, 1000, 128>}, {transform_indices = @transform_1, window_bounds = array<i64: 1000, 128>}, {transform_indices = @transform_2, window_bounds = array<i64: 1000, 1>}, {pipeline_mode = #tpu.pipeline_mode<synchronous>, transform_indices = @transform_3, window_bounds = array<i64: 1, 128>}, {pipeline_mode = #tpu.pipeline_mode<synchronous>, transform_indices = @transform_4, window_bounds = array<i64: 128, 128>}, {transform_indices = @transform_5, window_bounds = array<i64: 1000, 128>}]} {
    %get3A = arith.constant 0 : index
    %get3A_0 = arith.constant 0 : index
    %get3A_1 = vector.load %arg3[%get3A, %get3A_0] : memref<1000x1xf32, #tpu.memory_space<vmem>>, vector<1000x1xf32>
    %get3A_2 = arith.constant 0 : index
    %get3A_3 = arith.constant 0 : index
    %get3A_4 = arith.constant 0 : index
    %get3A_5 = arith.constant 0 : index
    %get3A_6 = vector.load %arg1[%get3A_2, %get3A_3, %get3A_4, %get3A_5] : memref<1x2x1000x128xf32, #tpu.memory_space<vmem>>, vector<1x1x1000x128xf32>
    %get3A_7 = vector.shape_cast %get3A_6 : vector<1x1x1000x128xf32> to vector<1000x128xf32>
    %get3A_8 = arith.constant 0 : index
    %get3A_9 = arith.constant 1 : index
    %get3A_10 = arith.constant 0 : index
    %get3A_11 = arith.constant 0 : index
    %get3A_12 = vector.load %arg1[%get3A_8, %get3A_9, %get3A_10, %get3A_11] : memref<1x2x1000x128xf32, #tpu.memory_space<vmem>>, vector<1x1x1000x128xf32>
    %get3A_13 = vector.shape_cast %get3A_12 : vector<1x1x1000x128xf32> to vector<1000x128xf32>
    %add3A = arith.addf %get3A_7, %get3A_13 : vector<1000x128xf32>
    %get3A_14 = arith.constant 0 : index
    %get3A_15 = arith.constant 0 : index
    %get3A_16 = vector.load %arg2[%get3A_14, %get3A_15] : memref<1000x128xf32, #tpu.memory_space<vmem>>, vector<1000x128xf32>
    %add3A_17 = arith.addf %add3A, %get3A_16 : vector<1000x128xf32>
    %mul3A = vector.broadcast %get3A_1 : vector<1000x1xf32> to vector<1000x128xf32>
    %mul3A_18 = arith.mulf %mul3A, %add3A_17 : vector<1000x128xf32>
    %get3A_19 = arith.constant 0 : index
    %get3A_20 = arith.constant 0 : index
    %get3A_21 = vector.load %arg4[%get3A_19, %get3A_20] : memref<1x128xf32, #tpu.memory_space<vmem>>, vector<1x128xf32>
    %add3A_22 = vector.broadcast %get3A_21 : vector<1x128xf32> to vector<1000x128xf32>
    %add3A_23 = arith.addf %mul3A_18, %add3A_22 : vector<1000x128xf32>
    %max3A = arith.constant 0.000000e+00 : f32
    %max3A_24 = vector.broadcast %max3A : f32 to vector<1000x128xf32>
    %max3A_25 = arith.maximumf %add3A_23, %max3A_24 : vector<1000x128xf32>
    %get3A_26 = arith.constant 0 : index
    %get3A_27 = arith.constant 0 : index
    %get3A_28 = vector.load %arg5[%get3A_26, %get3A_27] : memref<128x128xf32, #tpu.memory_space<vmem>>, vector<128x128xf32>
    %dot_general3A = arith.constant dense<0.000000e+00> : vector<1000x128xf32>
    %dot_general3A_29 = tpu.matmul %max3A_25, %get3A_28, %dot_general3A {dimension_numbers = #tpu.dot_dimension_numbers<[1], [0], [0], [1], [0, 0, 1, 1], [], []>, transpose_lhs_hint = false} : vector<1000x128xf32>, vector<128x128xf32>, vector<1000x128xf32> -> vector<1000x128xf32>
    %mul3A_30 = vector.broadcast %get3A_1 : vector<1000x1xf32> to vector<1000x128xf32>
    %mul3A_31 = arith.mulf %dot_general3A_29, %mul3A_30 : vector<1000x128xf32>
    %swap3A = arith.constant 0 : index
    %swap3A_32 = arith.constant 0 : index
    %swap3A_33 = vector.load %arg6[%swap3A, %swap3A_32] : memref<1000x128xf32, #tpu.memory_space<vmem>>, vector<1000x128xf32>
    tpu.vector_store %arg6[%swap3A, %swap3A_32], %mul3A_31 {strides = array<i32>} : memref<1000x128xf32, #tpu.memory_space<vmem>>, vector<1000x128xf32>,
    return
  }
  func.func @transform_0(%arg0: i32) -> (i32, i32, i32, i32) {
    %jit3A = arith.constant 5 : i32
    %div3A = arith.divsi %arg0, %jit3A : i32
    %sign3A = arith.constant 0 : i32
    %sign3A_0 = arith.cmpi sgt, %arg0, %sign3A : i32
    %sign3A_1 = arith.extui %sign3A_0 : i1 to i32
    %sign3A_2 = arith.constant 0 : i32
    %sign3A_3 = arith.cmpi slt, %arg0, %sign3A_2 : i32
    %sign3A_4 = arith.extui %sign3A_3 : i1 to i32
    %sign3A_5 = arith.subi %sign3A_1, %sign3A_4 : i32
    %sign3A_6 = arith.constant 0 : i32
    %sign3A_7 = arith.cmpi sgt, %jit3A, %sign3A_6 : i32
    %sign3A_8 = arith.extui %sign3A_7 : i1 to i32
    %sign3A_9 = arith.constant 0 : i32
    %sign3A_10 = arith.cmpi slt, %jit3A, %sign3A_9 : i32
    %sign3A_11 = arith.extui %sign3A_10 : i1 to i32
    %sign3A_12 = arith.subi %sign3A_8, %sign3A_11 : i32
    %ne3A = arith.cmpi ne, %sign3A_5, %sign3A_12 : i32
    %rem3A = arith.remsi %arg0, %jit3A : i32
    %ne3A_13 = arith.constant 0 : i32
    %ne3A_14 = arith.cmpi ne, %rem3A, %ne3A_13 : i32
    %and3A = arith.andi %ne3A, %ne3A_14 : i1
    %sub3A = arith.constant 1 : i32
    %sub3A_15 = arith.subi %div3A, %sub3A : i32
    %select_n3A = arith.select %and3A, %sub3A_15, %div3A : i32
    %jit3A_16 = arith.constant 5 : i32
    %eq3A = arith.constant 0 : i32
    %eq3A_17 = arith.cmpi eq, %jit3A_16, %eq3A : i32
    %jit3A_18 = arith.constant 1 : i32
    %select_n3A_19 = arith.select %eq3A_17, %jit3A_18, %jit3A_16 : i32
    %rem3A_20 = arith.remsi %arg0, %select_n3A_19 : i32
    %ne3A_21 = arith.constant 0 : i32
    %ne3A_22 = arith.cmpi ne, %rem3A_20, %ne3A_21 : i32
    %lt3A = arith.constant 0 : i32
    %lt3A_23 = arith.cmpi slt, %rem3A_20, %lt3A : i32
    %lt3A_24 = arith.constant 0 : i32
    %lt3A_25 = arith.cmpi slt, %select_n3A_19, %lt3A_24 : i32
    %ne3A_26 = arith.xori %lt3A_23, %lt3A_25 : i1
    %and3A_27 = arith.andi %ne3A_26, %ne3A_22 : i1
    %add3A = arith.addi %rem3A_20, %select_n3A_19 : i32
    %select_n3A_28 = arith.select %and3A_27, %add3A, %rem3A_20 : i32
    %c0_i32 = arith.constant 0 : i32
    %c0_i32_29 = arith.constant 0 : i32
    %c0_i32_30 = arith.constant 0 : i32
    return %select_n3A, %c0_i32, %select_n3A_28, %c0_i32_29 : i32, i32, i32, i32
  }
  func.func @transform_1(%arg0: i32) -> (i32, i32) {
    %c0_i32 = arith.constant 0 : i32
    %c0_i32_0 = arith.constant 0 : i32
    return %arg0, %c0_i32 : i32, i32
  }
  func.func @transform_2(%arg0: i32) -> (i32, i32) {
    %c0_i32 = arith.constant 0 : i32
    %c0_i32_0 = arith.constant 0 : i32
    return %arg0, %c0_i32 : i32, i32
  }
  func.func @transform_3(%arg0: i32) -> (i32, i32) {
    %c0_i32 = arith.constant 0 : i32
    %c0_i32_0 = arith.constant 0 : i32
    %c0_i32_1 = arith.constant 0 : i32
    return %c0_i32, %c0_i32_0 : i32, i32
  }
  func.func @transform_4(%arg0: i32) -> (i32, i32) {
    %c0_i32 = arith.constant 0 : i32
    %c0_i32_0 = arith.constant 0 : i32
    %c0_i32_1 = arith.constant 0 : i32
    return %c0_i32, %c0_i32_0 : i32, i32
  }
  func.func @transform_5(%arg0: i32) -> (i32, i32) {
    %c0_i32 = arith.constant 0 : i32
    %c0_i32_0 = arith.constant 0 : i32
    return %arg0, %c0_i32 : i32, i32
  }
}

module attributes {stable_mosaic.version = 14 : i64} {
  func.func @_tc3_body(%arg0: i32, %arg1: memref<1x2x1000x128xf32, #tpu.memory_space<vmem>>, %arg2: memref<1000x128xf32, #tpu.memory_space<vmem>>, %arg3: memref<1000x1xf32, #tpu.memory_space<vmem>>, %arg4: memref<1x128xf32, #tpu.memory_space<vmem>>, %arg5: memref<1000x128xf32, #tpu.memory_space<vmem>>) attributes {dimension_semantics = [#tpu.dimension_semantics<arbitrary>], iteration_bounds = array<i64: 10>, scalar_prefetch = 0 : i64, scratch_operands = 0 : i64, tpu.core_type = #tpu.core_type<tc>, window_params = [{transform_indices = @transform_0, window_bounds = array<i64: 1, 2, 1000, 128>}, {transform_indices = @transform_1, window_bounds = array<i64: 1000, 128>}, {transform_indices = @transform_2, window_bounds = array<i64: 1000, 1>}, {pipeline_mode = #tpu.pipeline_mode<synchronous>, transform_indices = @transform_3, window_bounds = array<i64: 1, 128>}, {transform_indices = @transform_4, window_bounds = array<i64: 1000, 128>}]} {
    %get3A = arith.constant 0 : index
    %get3A_0 = arith.constant 0 : index
    %get3A_1 = vector.load %arg3[%get3A, %get3A_0] : memref<1000x1xf32, #tpu.memory_space<vmem>>, vector<1000x1xf32>
    %get3A_2 = arith.constant 0 : index
    %get3A_3 = arith.constant 0 : index
    %get3A_4 = arith.constant 0 : index
    %get3A_5 = arith.constant 0 : index
    %get3A_6 = vector.load %arg1[%get3A_2, %get3A_3, %get3A_4, %get3A_5] : memref<1x2x1000x128xf32, #tpu.memory_space<vmem>>, vector<1x1x1000x128xf32>
    %get3A_7 = vector.shape_cast %get3A_6 : vector<1x1x1000x128xf32> to vector<1000x128xf32>
    %get3A_8 = arith.constant 0 : index
    %get3A_9 = arith.constant 1 : index
    %get3A_10 = arith.constant 0 : index
    %get3A_11 = arith.constant 0 : index
    %get3A_12 = vector.load %arg1[%get3A_8, %get3A_9, %get3A_10, %get3A_11] : memref<1x2x1000x128xf32, #tpu.memory_space<vmem>>, vector<1x1x1000x128xf32>
    %get3A_13 = vector.shape_cast %get3A_12 : vector<1x1x1000x128xf32> to vector<1000x128xf32>
    %add3A = arith.addf %get3A_7, %get3A_13 : vector<1000x128xf32>
    %get3A_14 = arith.constant 0 : index
    %get3A_15 = arith.constant 0 : index
    %get3A_16 = vector.load %arg2[%get3A_14, %get3A_15] : memref<1000x128xf32, #tpu.memory_space<vmem>>, vector<1000x128xf32>
    %add3A_17 = arith.addf %add3A, %get3A_16 : vector<1000x128xf32>
    %mul3A = vector.broadcast %get3A_1 : vector<1000x1xf32> to vector<1000x128xf32>
    %mul3A_18 = arith.mulf %mul3A, %add3A_17 : vector<1000x128xf32>
    %get3A_19 = arith.constant 0 : index
    %get3A_20 = arith.constant 0 : index
    %get3A_21 = vector.load %arg4[%get3A_19, %get3A_20] : memref<1x128xf32, #tpu.memory_space<vmem>>, vector<1x128xf32>
    %add3A_22 = vector.broadcast %get3A_21 : vector<1x128xf32> to vector<1000x128xf32>
    %add3A_23 = arith.addf %mul3A_18, %add3A_22 : vector<1000x128xf32>
    %swap3A = arith.constant 0 : index
    %swap3A_24 = arith.constant 0 : index
    %swap3A_25 = vector.load %arg5[%swap3A, %swap3A_24] : memref<1000x128xf32, #tpu.memory_space<vmem>>, vector<1000x128xf32>
    tpu.vector_store %arg5[%swap3A, %swap3A_24], %add3A_23 {strides = array<i32>} : memref<1000x128xf32, #tpu.memory_space<vmem>>, vector<1000x128xf32>,
    return
  }
  func.func @transform_0(%arg0: i32) -> (i32, i32, i32, i32) {
    %jit3A = arith.constant 5 : i32
    %div3A = arith.divsi %arg0, %jit3A : i32
    %sign3A = arith.constant 0 : i32
    %sign3A_0 = arith.cmpi sgt, %arg0, %sign3A : i32
    %sign3A_1 = arith.extui %sign3A_0 : i1 to i32
    %sign3A_2 = arith.constant 0 : i32
    %sign3A_3 = arith.cmpi slt, %arg0, %sign3A_2 : i32
    %sign3A_4 = arith.extui %sign3A_3 : i1 to i32
    %sign3A_5 = arith.subi %sign3A_1, %sign3A_4 : i32
    %sign3A_6 = arith.constant 0 : i32
    %sign3A_7 = arith.cmpi sgt, %jit3A, %sign3A_6 : i32
    %sign3A_8 = arith.extui %sign3A_7 : i1 to i32
    %sign3A_9 = arith.constant 0 : i32
    %sign3A_10 = arith.cmpi slt, %jit3A, %sign3A_9 : i32
    %sign3A_11 = arith.extui %sign3A_10 : i1 to i32
    %sign3A_12 = arith.subi %sign3A_8, %sign3A_11 : i32
    %ne3A = arith.cmpi ne, %sign3A_5, %sign3A_12 : i32
    %rem3A = arith.remsi %arg0, %jit3A : i32
    %ne3A_13 = arith.constant 0 : i32
    %ne3A_14 = arith.cmpi ne, %rem3A, %ne3A_13 : i32
    %and3A = arith.andi %ne3A, %ne3A_14 : i1
    %sub3A = arith.constant 1 : i32
    %sub3A_15 = arith.subi %div3A, %sub3A : i32
    %select_n3A = arith.select %and3A, %sub3A_15, %div3A : i32
    %jit3A_16 = arith.constant 5 : i32
    %eq3A = arith.constant 0 : i32
    %eq3A_17 = arith.cmpi eq, %jit3A_16, %eq3A : i32
    %jit3A_18 = arith.constant 1 : i32
    %select_n3A_19 = arith.select %eq3A_17, %jit3A_18, %jit3A_16 : i32
    %rem3A_20 = arith.remsi %arg0, %select_n3A_19 : i32
    %ne3A_21 = arith.constant 0 : i32
    %ne3A_22 = arith.cmpi ne, %rem3A_20, %ne3A_21 : i32
    %lt3A = arith.constant 0 : i32
    %lt3A_23 = arith.cmpi slt, %rem3A_20, %lt3A : i32
    %lt3A_24 = arith.constant 0 : i32
    %lt3A_25 = arith.cmpi slt, %select_n3A_19, %lt3A_24 : i32
    %ne3A_26 = arith.xori %lt3A_23, %lt3A_25 : i1
    %and3A_27 = arith.andi %ne3A_26, %ne3A_22 : i1
    %add3A = arith.addi %rem3A_20, %select_n3A_19 : i32
    %select_n3A_28 = arith.select %and3A_27, %add3A, %rem3A_20 : i32
    %c0_i32 = arith.constant 0 : i32
    %c0_i32_29 = arith.constant 0 : i32
    %c0_i32_30 = arith.constant 0 : i32
    return %select_n3A, %c0_i32, %select_n3A_28, %c0_i32_29 : i32, i32, i32, i32
  }
  func.func @transform_1(%arg0: i32) -> (i32, i32) {
    %c0_i32 = arith.constant 0 : i32
    %c0_i32_0 = arith.constant 0 : i32
    return %arg0, %c0_i32 : i32, i32
  }
  func.func @transform_2(%arg0: i32) -> (i32, i32) {
    %c0_i32 = arith.constant 0 : i32
    %c0_i32_0 = arith.constant 0 : i32
    return %arg0, %c0_i32 : i32, i32
  }
  func.func @transform_3(%arg0: i32) -> (i32, i32) {
    %c0_i32 = arith.constant 0 : i32
    %c0_i32_0 = arith.constant 0 : i32
    %c0_i32_1 = arith.constant 0 : i32
    return %c0_i32, %c0_i32_0 : i32, i32
  }
  func.func @transform_4(%arg0: i32) -> (i32, i32) {
    %c0_i32 = arith.constant 0 : i32
    %c0_i32_0 = arith.constant 0 : i32
    return %arg0, %c0_i32 : i32, i32
  }
}

</mosaic_0001>

<sc_bundles>
// kernel: kernel.11.cloned.1.call-start
scs
__scs_entry_jumppad:
0x0: {  	(pc) =	sbr.rel $0x88, $3  }
0x1: {  	(tag) =	ssettag $0x0;
	lr =	simm.s32 $0x1  }
0x2: {  	[smem:$0x3F99] =	sst lr;
	_ =	strace $0xD0000000  }
0x3: {  	_ = 	snop  }
0x4: {  	_ = 	snop  }
0x5: {  	_ = 	snop  }
0x6: {  	_ = 	snop  }
0x7: {  	_ = 	snop  }
__scs_overlays_trampoline_lowered:
0x8: {  	[smem:$0x3FA8] =	sst s0  }
0x9: {  	[smem:$0x3FA9] =	sst s1  }
0xa: {  	[smem:$0x3FAA] =	sst s2  }
0xb: {  	[smem:$0x3FAB] =	sst s3  }
0xc: {  	[smem:$0x3FAC] =	sst s4  }
0xd: {  	[smem:$0x3FAD] =	sst s5  }
0xe: {  	[smem:$0x3FAE] =	sst s6  }
0xf: {  	[smem:$0x3FAF] =	sst s7  }
0x10: {  	[smem:$0x3FB0] =	sst s8  }
0x11: {  	[smem:$0x3FB1] =	sst s9;
	s0 =	simm.s32 @!p0 $0x0  }
0x12: {  	s1 =	sld [smem:$0x3F97];
	s0 =	simm.s32 @p0 $0x1  }
0x13: {  	[smem:$0x3FB2] =	sst s0;
	s0 =	simm.s32 @!p1 $0x0  }
0x14: {  	s2 =	sld [smem:$0x3F96];
	s0 =	simm.s32 @p1 $0x1  }
0x15: {  	[smem:$0x3FB3] =	sst s0;
	s0 =	simm.s32 @!p2 $0x0  }
0x16: {  	s3 =	sld [smem:$0x3FDB];
	s0 =	simm.s32 @p2 $0x1  }
0x17: {  	s4 =	simm.s32 $0x1BF5;
	[smem:$0x3FB5] =	sst s0  }
0x18: {  	s0 =	sld [smem:$0x3F98];
	_ =	swait.ge [sflag:s4], $0x0  }
0x19: {  	s7 =	sld [smem:$0x3F99]  }
0x1a: {  	s8 =	sadd.s32 $0xFFFFE003, lr  }
0x1b: {  	s9 =	sadd.s32 $0xFFFFFEF7, lr;
	s5 =	simm.s32 $0xFFFFFFFF;
	p2 =	slt.u32 s8, $0xFFFFF086  }
0x1c: {  	p1 =	slt.u32 s9, $0xF7A;
	s5 =	simm.s32 @!p2 $0x0  }
0x1d: {  	s5 =	simm.s32 @p1 $0x1;
	p0 =	seq.s32 s7, s2  }
0x1e: {  	s7 =	smul.u32 @!p0 $0xF7A, s2;
	p2 =	seq.s32 @!p0 s5, $0x0  }
0x1f: {  	s9 =	smul.u32 $0xF7A, s1;
	s8 =	simm.s32 @!p0 $0x1BF5;
	p2 =	por !p2, p0  }
0x20: {  	[sflag:s8] =	ssyncset.s32 @!p0 $0xFFFFF086;
	s6 =	sadd.s32 @!p0 s3, s7;
	s7 =	simm.s32 @!p0 $0x108  }
0x21: {  	s3 =	sadd.s32 s3, s9;
	s6 =	sadd.s32 @!p0 $0x88, s6;
	s7 =	simm.s32 @p2 $0x1082  }
0x22: {  	[simem:s7], [sflag:s8] =	dma.local @!p0 [hbm:s6], $0xF7A  }
0x23: {  	s9 =	sor.u32 $0xD0000000, s2;
	s6 =	simm.s32 $0x108;
	_ =	swait.ge @!p0 [sflag:s8], $0x0  }
0x24: {  	s3 =	sadd.s32 $0x88, s3;
	s6 =	simm.s32 @!p1 $0x1082;
	[sflag:s4] =	ssyncset.s32 $0xFFFFF086  }
0x25: {  	[simem:s6], [sflag:s4] =	dma.local [hbm:s3], $0xF7A  }
0x26: {  	[smem:$0x3F99] =	sst s1;
	(tag) =	ssettag s2;
	_ =	strace s9  }
0x27: {  	s1 =	sld [smem:$0x3FA9]  }
0x28: {  	s2 =	sld [smem:$0x3FAA]  }
0x29: {  	s4 =	sld [smem:$0x3FAC]  }
0x2a: {  	p0 =	seq.s32 s5, $0x0;
	s5 =	sld [smem:$0x3FAD]  }
0x2b: {  	s6 =	sld [smem:$0x3FAE]  }
0x2c: {  	s7 =	sld [smem:$0x3FAF]  }
0x2d: {  	s3 =	simm.s32 $0x108;
	s8 =	sld [smem:$0x3FB0]  }
0x2e: {  	s3 =	simm.s32 @!p0 $0x1082;
	s9 =	sld [smem:$0x3FB1]  }
0x2f: {  	lr =	sadd.s32 s0, s3;
	s0 =	sld [smem:$0x3FA8]  }
0x30: {  	s3 =	sld [smem:$0x3FAB]  }
0x31: {  	[smem:$0x3FB4] =	sst s10  }
0x32: {  	s10 =	sld [smem:$0x3FB2];
	_ =	sdelay $0x3  }
0x33: {  	p0 =	seq.s32 s10, $0x1;
	s10 =	sld [smem:$0x3FB4];
	_ =	sdelay $0x3  }
0x34: {  	[smem:$0x3FB4] =	sst s10  }
0x35: {  	s10 =	sld [smem:$0x3FB3];
	_ =	sdelay $0x3  }
0x36: {  	p1 =	seq.s32 s10, $0x1;
	s10 =	sld [smem:$0x3FB4];
	_ =	sdelay $0x3  }
0x37: {  	[smem:$0x3FB4] =	sst s10  }
0x38: {  	s10 =	sld [smem:$0x3FB5]  }
0x39: {  	_ = 	snop;
	(pc) =	sbr.ind lr, $3  }
0x3a: {  	_ = 	snop  }
0x3b: {  	_ = 	snop  }
0x3c: {  	p2 =	seq.s32 s10, $0x1;
	s10 =	sld [smem:$0x3FB4]  }
0x3d: {  	_ =	shalt  }
0x3e: {  	_ =	shalt  }
0x3f: {  	_ =	shalt  }
0x40: {  	_ =	shalt  }
0x41: {  	_ =	shalt  }
0x42: {  	_ =	shalt  }
0x43: {  	_ =	shalt  }
0x44: {  	_ =	shalt  }
0x45: {  	_ =	shalt  }
0x46: {  	_ =	shalt  }
0x47: {  	_ =	shalt  }
0x48: {  	_ =	shalt  }
0x49: {  	_ =	shalt  }
0x4a: {  	_ =	shalt  }
0x4b: {  	_ =	shalt  }
0x4c: {  	_ =	shalt  }
0x4d: {  	_ =	shalt  }
0x4e: {  	_ =	shalt  }
0x4f: {  	_ =	shalt  }
0x50: {  	_ =	shalt  }
0x51: {  	_ =	shalt  }
0x52: {  	_ =	shalt  }
0x53: {  	_ =	shalt  }
0x54: {  	_ =	shalt  }
0x55: {  	_ =	shalt  }
0x56: {  	_ =	shalt  }
0x57: {  	_ =	shalt  }
0x58: {  	_ =	shalt  }
0x59: {  	_ =	shalt  }
0x5a: {  	_ =	shalt  }
0x5b: {  	_ =	shalt  }
0x5c: {  	_ =	shalt  }
0x5d: {  	_ =	shalt  }
0x5e: {  	_ =	shalt  }
0x5f: {  	_ =	shalt  }
0x60: {  	_ =	shalt  }
0x61: {  	_ =	shalt  }
0x62: {  	_ =	shalt  }
0x63: {  	_ =	shalt  }
0x64: {  	_ =	shalt  }
0x65: {  	_ =	shalt  }
0x66: {  	_ =	shalt  }
0x67: {  	_ =	shalt  }
0x68: {  	_ =	shalt  }
0x69: {  	_ =	shalt  }
0x6a: {  	_ =	shalt  }
0x6b: {  	_ =	shalt  }
0x6c: {  	_ =	shalt  }
0x6d: {  	_ =	shalt  }
0x6e: {  	_ =	shalt  }
0x6f: {  	_ =	shalt  }
0x70: {  	_ =	shalt  }
0x71: {  	_ =	shalt  }
0x72: {  	_ =	shalt  }
0x73: {  	_ =	shalt  }
0x74: {  	_ =	shalt  }
0x75: {  	_ =	shalt  }
0x76: {  	_ =	shalt  }
0x77: {  	_ =	shalt  }
0x78: {  	_ =	shalt  }
0x79: {  	_ =	shalt  }
0x7a: {  	_ =	shalt  }
0x7b: {  	_ =	shalt  }
0x7c: {  	_ =	shalt  }
0x7d: {  	_ =	shalt  }
0x7e: {  	_ =	shalt  }
0x7f: {  	_ =	shalt  }
0x80: {  	_ =	shalt  }
0x81: {  	_ =	shalt  }
0x82: {  	_ =	shalt  }
0x83: {  	_ =	shalt  }
0x84: {  	_ =	shalt  }
0x85: {  	_ =	shalt  }
0x86: {  	_ =	shalt  }
0x87: {  	_ =	shalt  }
.Lfunc_end0:
.L_simem_size_0:
called_computation.1_lowered:
.L_overlay_start_0:
0x88: {  	s2 =	sld [smem:$0x3FD9]  }
0x89: {  	s3 =	sld [smem:$0x3FFE];
	_ =	sdelay $0x1  }
0x8a: {  	s1 =	srdreg.scid  }
0x8b: {  	s0 =	sand.u32 $0x1, s1  }
0x8c: {  	s14 =	sshll.u32 s0, $0xA;
	s2 =	sadd.s32 s3, s2  }
0x8d: {  	s2 =	sadd.s32 s2, s14  }
0x8e: {  	[smem:$0x3FC0] =	sst s2  }
0x8f: {  	_ = 	snop  }
0x90: {  	s2 =	sld [smem:$0x3FD0];
	_ =	sdelay $0x2  }
0x91: {  	s15 =	simm.s32 $0xA;
	s4 =	simm.s32 $0x10  }
0x92: {  	[smem:s4], [sflag:s15] =	dma.local [hbm:s2], $0x1  }
0x93: {  	_ =	swait.eq [sflag:s15], $0x1  }
0x94: {  	[sflag:s15] =	ssyncset.done $0x0  }
0x95: {  	[sflag:s15] =	ssyncadd.s32 $0xFFFFFFFF  }
0x96: {  	s16 =	sld [smem:$0x11];
	(tm) =	ssettm $0x1  }
0x97: {  	s17 =	sld [smem:$0x3FFB];
	_ =	sdelay $0x3  }
0x98: {  	_ =	strace s17  }
0x99: {  	s3 =	sld [smem:$0x3FFC];
	_ =	sdelay $0x3  }
0x9a: {  	_ =	strace s3  }
0x9b: {  	s3 =	sld [smem:$0x3FFD];
	_ =	sdelay $0x3  }
0x9c: {  	_ =	strace s3  }
0x9d: {  	_ =	strace $0x8FFFFFFF  }
0x9e: {  	s18 =	sld [smem:$0x3FDB];
	_ =	sdelay $0x1  }
0x9f: {  	s19 =	simm.s32 $_scs_section_size  }
0xa0: {  	s5 =	simm.s32 $_size__tile_overlayer_lowered;
	s6 =	simm.s32 $_tile_overlayer_lowered  }
0xa1: {  	s22 =	simm.s32 $0x1BFF;
	s21 =	sshll.u32 s6, $0x1;
	s3 =	sadd.s32 s19, s18  }
0xa2: {  	s7 =	simm.s32 $0x0;
	s20 =	sshll.u32 s5, $0x1;
	s5 =	sadd.s32 s21, s3  }
0xa3: {  	[timem:s7], [sflag:s22] =	dma.local [hbm:s5], s20  }
0xa4: {  	_ =	swait.ge [sflag:s22], s20  }
0xa5: {  	s4 =	ssub.s32 $0x0, s20;
	[sflag:s22] =	ssyncset.done $0x0  }
0xa6: {  	[sflag:s22] =	ssyncadd.s32 s4;
	_ =	sdelay $0x1  }
0xa7: {  	s23 =	simm.s32 $0x1B8B  }
0xa8: {  	_ =	swait.ge [sflag:s23], $0x1  }
0xa9: {  	[sflag:s23] =	ssyncset.done $0x0  }
0xaa: {  	s25 =	simm.s32 $0x1B8E;
	s24 =	sld [smem:$0x3FFE];
	[sflag:s23] =	ssyncadd.s32 $0xFFFFFFFF  }
0xab: {  	s26 =	simm.s32 $execute0_lowered;
	[smem:$0x3FD2] =	sst s25  }
0xac: {  	s5 =	sshll.u32 s26, $0x1;
	_ =	strace $0x80000049;
	[dreg:$0x1] =	wrdreg $0xFFFFFFFF  }
0xad: {  	s28 =	simm.s32 $_size_execute0_lowered;
	s3 =	sadd.s32 s3, s5;
	[dreg:$0x0] =	wrdreg $0x0  }
0xae: {  	s5 =	sshll.u32 s28, $0x1;
	[dreg:$0x2] =	wrdreg s3  }
0xaf: {  	[dreg:$0x3] =	wrdreg s5  }
0xb0: {  	[dreg:$0x4] =	wrdreg $0xC0  }
0xb1: {  	_ =	task [dreg:s7], $0x5FFFF  }
0xb2: {  	[dreg:$0x1] =	wrdreg $0xFFFFFFFF  }
0xb3: {  	[dreg:$0x0] =	wrdreg $0x60  }
0xb4: {  	[dreg:$0x2] =	wrdreg s24  }
0xb5: {  	[dreg:$0x3] =	wrdreg s16  }
0xb6: {  	[dreg:$0x4] =	wrdreg $0x20000  }
0xb7: {  	[dreg:$0x5] =	wrdreg $0x158800  }
0xb8: {  	[dreg:$0x6] =	wrdreg $0x9  }
0xb9: {  	_ =	task.clear_ibuf [dreg:s7], $0x7FFFF;
	_ =	strace $0x90000049  }
0xba: {  	s29 =	simm.s32 $0x9;
	_ =	strace $0x8000004B  }
0xbb: {  	_ =	swait.ge [sflag:s29], $0x1  }
0xbc: {  	[sflag:s29] =	ssyncadd.s32 $0xFFFFFFFF  }
0xbd: {  	_ =	strace $0x9000004B  }
0xbe: {  	_ =	sfence  }
0xbf: {  	s30 =	sld [smem:$0x0];
	_ =	sdelay $0x2  }
0xc0: {  	s31 =	sshll.u32 s1, $0xD;
	s1 =	sshrl.u32 s1, $0x2  }
0xc1: {  	s3 =	sand.u32 $0x4000, s31;
	s1 =	sadd.s32 s1, s30  }
0xc2: {  	s0 =	sor.u32 s3, s0;
	s1 =	sshll.u32 s1, $0x11  }
0xc3: {  	s0 =	sor.u32 s1, s0  }
0xc4: {  	s0 =	sadd.s32 $0x8F2B, s0  }
0xc5: {  	[sflag:s0] =	ssyncadd.remote.s32 $0x1  }
0xc6: {  	_ =	sfence.sel $0xFFFF  }
0xc7: {  	[dreg:$0x0] =	wrdreg $0xFFFFFFFF;
	(pc) =	sbr.abs _section_cstart, $3  }
0xc8: {  	[dreg:$0x1] =	wrdreg $0xFFFFFFFF  }
0xc9: {  	_ =	task.clear_ibuf [dreg:s7], $0x2FFFF;
	_ =	strace $0x9FFFFFFF  }
0xca: {  	(tm) =	ssettm $0x7FFFFFFF  }
0xcb: {  	_ =	shalt  }
tec
execute0_lowered:
.L_overlay_start_1:
0x0: {  	(tag) =	ssettag $0x1  }
0x1: {  	s0 =	rddreg [dreg:$0x0]  }
0x2: {  	s3 =	rddreg [dreg:$0x2]  }
0x3: {  	s4 =	rddreg [dreg:$0x3];
	s17 =	stileid.u32  }
0x4: {  	s5 =	simm.s32 $0x0;
	s2 =	srdreg.scid;
	s20 =	simm.s32 $0x5  }
0x5: {  	s21 =	simm.s32 $0x400;
	s29 =	simm.s32 $0x1800;
	s1 =	smul.u32 $0x3E80, s17  }
0x6: {  	s30 =	simm.s32 $0x1;
	s31 =	simm.s32 $0x3;
	s11 =	smul.u32 $0x7D000, s17  }
0x7: {  	[smem:$0x7FF] =	sst s5;
	s2 =	sand.u32 $0x1, s2;
	s15 =	smul.u32 $0x28000, s17  }
0x8: {  	s6 =	sadd.s32 $0x105C00, s0;
	s7 =	sadd.s32 $0x65C00, s0;
	s19 =	smul.u32 $0x1400, s17  }
0x9: {  	s9 =	sadd.s32 $0xB5C00, s0;
	s14 =	sshll.u32 s17, $0x1;
	s23 =	smul.u32 $0x5000, s17  }
0xa: {  	p0 =	sgt.u32 s17, $0x9;
	s25 =	sshll.u32 s17, $0x6;
	_ =	strace $0x8000004A  }
0xb: {  	s8 =	smul.u32 $0x14000, s2;
	s10 =	ssub.s32 $0x2, s2;
	s14 =	sor.u32 s2, s14  }
0xc: {  	s2 =	smul.u32 $0x2800, s2;
	s28 =	sor.u32 $0x1C07, s25;
	s25 =	simm.s32 $0x10  }
0xd: {  	s1 =	sadd.s32 s1, s0;
	s13 =	sshrl.u32 s10, $0x1;
	s11 =	sshrl.u32 s11, $0x2  }
0xe: {  	s26 =	smul.u32 $0x2800, s14;
	s18 =	sshrl.u32 s15, $0x2;
	[dreg:$0xd] =	wrdreg s28  }
0xf: {  	s15 =	simm.s32 $0xE00;
	s12 =	sadd.s32 s8, s0;
	s10 =	ssub.s32 s10, s13  }
0x10: {  	s11 =	sadd.s32 s11, s3;
	s1 =	sadd.s32 $0x2C00, s1;
	s0 =	sadd.s32 $0x17DC00, s0  }
0x11: {  	[dreg:$0x5] =	wrdreg s1;
	s1 =	sadd.s32 s18, s4;
	s22 =	sadd.s32 s6, s26  }
0x12: {  	s14 =	sadd.s32 s7, s26;
	s16 =	sadd.s32 $0x155C00, s12;
	[dreg:$0x6] =	wrdreg s1  }
0x13: {  	s24 =	sadd.s32 s9, s26;
	s7 =	sadd.s32 s23, s7;
	[dreg:$0x7] =	wrdreg s22  }
0x14: {  	s10 =	smax.u32 s10, $0x1;
	s6 =	sadd.s32 s23, s6;
	[dreg:$0x8] =	wrdreg s14  }
0x15: {  	s0 =	sadd.s32 s8, s0;
	s18 =	simm.s32 $0xD00;
	[dreg:$0x9] =	wrdreg s24  }
0x16: {  	[dreg:$0xa] =	wrdreg s10;
	s12 =	sadd.s32 s2, s7;
	s13 =	sadd.s32 s2, s6  }
0x17: {  	s1 =	sadd.s32 s23, s9;
	s22 =	simm.s32 $0xC00;
	s26 =	sadd.s32 s19, s16  }
0x18: {  	s0 =	sadd.s32 s19, s0;
	s6 =	simm.s32 $0x4;
	s19 =	simm.s32 $0x6  }
0x19: {  	s7 =	simm.s32 $0x0;
	s9 =	simm.s32 $0x600;
	s10 =	simm.s32 $0xD80  }
0x1a: {  	s16 =	simm.s32 $0x700;
	s23 =	simm.s32 $0xE80;
	s24 =	simm.s32 $0x780  }
0x1b: {  	s14 =	sadd.s32 s2, s1;
	s1 =	sshll.u32 @!p0 s17, $0x6;
	[dreg:$0xe] =	wrdreg s26  }
0x1c: {  	[dreg:$0xf] =	wrdreg s0;
	s26 =	simm.s32 $0x1000;
	s1 =	sor.u32 @!p0 $0x1C07, s1  }
0x1d: {  	s17 =	simm.s32 $0xF80;
	[dreg:$0xb] =	wrdreg s1;
	s1 =	sshrl.u32 @!p0 s11, $0x3  }
0x1e: {  	s11 =	simm.s32 $0x680;
	[dreg:$0xc] =	wrdreg s1;
	s1 =	simm.s32 $0x2  }
.LBB2_1:
0x1f: {  	[dreg:$0x10] =	wrdreg s7  }
0x20: {  	s0 =	rddreg [dreg:$0x5]  }
0x21: {  	s2 =	rddreg [dreg:$0xb]  }
0x22: {  	s7 =	rddreg [dreg:$0xc]  }
0x23: {  	[spmem:s7], [sflag:s2] =	dma.local @!p0 [hbm:s0], $0x3E80  }
0x24: {  	s0 =	simm.s32 @!p0 $0x7  }
0x25: {  	_ =	swait.ge @!p0 [sflag:s0], $0x3E80  }
0x26: {  	[sflag:s0] =	ssyncset.done @!p0 $0x0  }
0x27: {  	s7 =	rddreg [dreg:$0x6];
	[sflag:s0] =	ssyncadd.s32 @!p0 $0xFFFFC180  }
0x28: {  	s0 =	sshrl.u32 s7, $0x3;
	s7 =	rddreg [dreg:$0x1]  }
0x29: {  	s8 =	simm.s32 $0x7;
	[dreg:$0x11] =	wrdreg s0  }
0x2a: {  	[spmem:s0], [sflag:s28] =	dma.local [hbm:s7], $0x1400  }
0x2b: {  	_ =	swait.ge [sflag:s8], $0x1400  }
0x2c: {  	[sflag:s8] =	ssyncset.done $0x0  }
0x2d: {  	[sflag:s8] =	ssyncadd.s32 $0xFFFFEC00  }
0x2e: {  	[bflag:$0x0] =	sbarrier.arrive $0xFFFF  }
0x2f: {  	s2 =	rddreg [dreg:$0x7]  }
0x30: {  	[tilespmem:s5], [sflag:$0x5] =	stream.linear.gather [hbm4b:s2+s5], $0x400, $0x38;
	[tilespmem:$0x1F880] =	vst v63  }
0x31: {  	s7 =	rddreg [dreg:$0x8];
	s2 =	simm.s32 $0x800  }
0x32: {  	[tilespmem:s2], [sflag:$0x5] =	stream.linear.gather [hbm4b:s7+s5], $0x400, $0x38;
	[tilespmem:$0x1F880] =	vst v63  }
0x33: {  	_ =	swait.ge [sflag:s20], $0x400  }
0x34: {  	[sflag:s20] =	ssyncset.done $0x0  }
0x35: {  	[sflag:s20] =	ssyncadd.s32 $0xFFFFFC00  }
0x36: {  	_ =	swait.ge [sflag:s20], $0x400  }
0x37: {  	s8 =	sadd.s32 $0x0, s13;
	[sflag:s20] =	ssyncset.done $0x0  }
0x38: {  	s28 =	sadd.s32 $0x0, s12;
	s0 =	sadd.s32 $0x80, s8;
	[sflag:s20] =	ssyncadd.s32 $0xFFFFFC00  }
0x39: {  	[tilespmem:s21], [sflag:$0x6] =	stream.linear.gather [hbm4b:s0+s5], $0x400, $0x38;
	[tilespmem:$0x1F880] =	vst v63  }
0x3a: {  	s7 =	sadd.s32 $0x80, s28  }
0x3b: {  	[tilespmem:s22], [sflag:$0x6] =	stream.linear.gather [hbm4b:s7+s5], $0x400, $0x38;
	[tilespmem:$0x1F880] =	vst v63  }
0x3c: {  	_ = 	snop  }
0x3d: {  	[tilespmem:s26], [sflag:$0x1] =	stream.indirect.gather [spmem:s3], $0x80, s5, s25, $0xb8;
	[tilespmem:$0x1F880] =	vst v63  }
0x3e: {  	s8 =	simm.s32 $0x80  }
0x3f: {  	[tilespmem:s29], [sflag:$0x2] =	stream.indirect.gather [spmem:s3], $0x80, s8, s25, $0xb8;
	[tilespmem:$0x1F880] =	vst v63  }
0x40: {  	_ =	swait.ge [sflag:s30], $0x800  }
0x41: {  	[sflag:s30] =	ssyncset.done $0x0  }
0x42: {  	[sflag:s30] =	ssyncadd.s32 $0xFFFFF800  }
0x43: {  	[spmem:s4] =	stream.indirect.scatter.add.f32 [tilespmem:s26], [sflag:$0x3], $0x80, s2, s25, $0xb8;
	[tilespmem:$0x1F880] =	vst v63  }
0x44: {  	_ =	swait.ge [sflag:s31], $0x800  }
0x45: {  	[sflag:s31] =	ssyncset.done $0x0  }
0x46: {  	s7 =	simm.s32 $0x100;
	[sflag:s31] =	ssyncadd.s32 $0xFFFFF800  }
0x47: {  	[tilespmem:s26], [sflag:$0x1] =	stream.indirect.gather [spmem:s3], $0x80, s7, s25, $0xb8;
	[tilespmem:$0x1F880] =	vst v63  }
0x48: {  	_ =	swait.ge [sflag:s1], $0x800  }
0x49: {  	[sflag:s1] =	ssyncset.done $0x0  }
0x4a: {  	s8 =	simm.s32 $0x880;
	[sflag:s1] =	ssyncadd.s32 $0xFFFFF800  }
0x4b: {  	[spmem:s4] =	stream.indirect.scatter.add.f32 [tilespmem:s29], [sflag:$0x4], $0x80, s8, s25, $0xb8;
	[tilespmem:$0x1F880] =	vst v63  }
0x4c: {  	_ =	swait.ge [sflag:s6], $0x800  }
0x4d: {  	[sflag:s6] =	ssyncset.done $0x0  }
0x4e: {  	s2 =	simm.s32 $0x180;
	[sflag:s6] =	ssyncadd.s32 $0xFFFFF800  }
0x4f: {  	[tilespmem:s29], [sflag:$0x2] =	stream.indirect.gather [spmem:s3], $0x80, s2, s25, $0xb8;
	[tilespmem:$0x1F880] =	vst v63  }
0x50: {  	_ =	swait.ge [sflag:s30], $0x800  }
0x51: {  	[sflag:s30] =	ssyncset.done $0x0  }
0x52: {  	s7 =	simm.s32 $0x900;
	[sflag:s30] =	ssyncadd.s32 $0xFFFFF800  }
0x53: {  	[spmem:s4] =	stream.indirect.scatter.add.f32 [tilespmem:s26], [sflag:$0x3], $0x80, s7, s25, $0xb8;
	[tilespmem:$0x1F880] =	vst v63  }
0x54: {  	_ =	swait.ge [sflag:s31], $0x800  }
0x55: {  	[sflag:s31] =	ssyncset.done $0x0  }
0x56: {  	s8 =	simm.s32 $0x200;
	[sflag:s31] =	ssyncadd.s32 $0xFFFFF800  }
0x57: {  	[tilespmem:s26], [sflag:$0x1] =	stream.indirect.gather [spmem:s3], $0x80, s8, s25, $0xb8;
	[tilespmem:$0x1F880] =	vst v63  }
0x58: {  	_ =	swait.ge [sflag:s1], $0x800  }
0x59: {  	[sflag:s1] =	ssyncset.done $0x0  }
0x5a: {  	s2 =	simm.s32 $0x980;
	[sflag:s1] =	ssyncadd.s32 $0xFFFFF800  }
0x5b: {  	[spmem:s4] =	stream.indirect.scatter.add.f32 [tilespmem:s29], [sflag:$0x4], $0x80, s2, s25, $0xb8;
	[tilespmem:$0x1F880] =	vst v63  }
0x5c: {  	_ =	swait.ge [sflag:s6], $0x800  }
0x5d: {  	[sflag:s6] =	ssyncset.done $0x0  }
0x5e: {  	s7 =	simm.s32 $0x280;
	[sflag:s6] =	ssyncadd.s32 $0xFFFFF800  }
0x5f: {  	[tilespmem:s29], [sflag:$0x2] =	stream.indirect.gather [spmem:s3], $0x80, s7, s25, $0xb8;
	[tilespmem:$0x1F880] =	vst v63  }
0x60: {  	_ =	swait.ge [sflag:s30], $0x800  }
0x61: {  	[sflag:s30] =	ssyncset.done $0x0  }
0x62: {  	s8 =	simm.s32 $0xA00;
	[sflag:s30] =	ssyncadd.s32 $0xFFFFF800  }
0x63: {  	[spmem:s4] =	stream.indirect.scatter.add.f32 [tilespmem:s26], [sflag:$0x3], $0x80, s8, s25, $0xb8;
	[tilespmem:$0x1F880] =	vst v63  }
0x64: {  	_ =	swait.ge [sflag:s31], $0x800  }
0x65: {  	[sflag:s31] =	ssyncset.done $0x0  }
0x66: {  	s2 =	simm.s32 $0x300;
	[sflag:s31] =	ssyncadd.s32 $0xFFFFF800  }
0x67: {  	[tilespmem:s26], [sflag:$0x1] =	stream.indirect.gather [spmem:s3], $0x80, s2, s25, $0xb8;
	[tilespmem:$0x1F880] =	vst v63  }
0x68: {  	_ =	swait.ge [sflag:s1], $0x800  }
0x69: {  	[sflag:s1] =	ssyncset.done $0x0  }
0x6a: {  	s7 =	simm.s32 $0xA80;
	[sflag:s1] =	ssyncadd.s32 $0xFFFFF800  }
0x6b: {  	[spmem:s4] =	stream.indirect.scatter.add.f32 [tilespmem:s29], [sflag:$0x4], $0x80, s7, s25, $0xb8;
	[tilespmem:$0x1F880] =	vst v63  }
0x6c: {  	_ =	swait.ge [sflag:s6], $0x800  }
0x6d: {  	[sflag:s6] =	ssyncset.done $0x0  }
0x6e: {  	s8 =	simm.s32 $0x380;
	[sflag:s6] =	ssyncadd.s32 $0xFFFFF800  }
0x6f: {  	[tilespmem:s29], [sflag:$0x2] =	stream.indirect.gather [spmem:s3], $0x80, s8, s25, $0xb8;
	[tilespmem:$0x1F880] =	vst v63  }
0x70: {  	_ =	swait.ge [sflag:s30], $0x800  }
0x71: {  	[sflag:s30] =	ssyncset.done $0x0  }
0x72: {  	s2 =	simm.s32 $0xB00;
	[sflag:s30] =	ssyncadd.s32 $0xFFFFF800  }
0x73: {  	[spmem:s4] =	stream.indirect.scatter.add.f32 [tilespmem:s26], [sflag:$0x3], $0x80, s2, s25, $0xb8;
	[tilespmem:$0x1F880] =	vst v63  }
0x74: {  	_ =	swait.ge [sflag:s1], $0x800  }
0x75: {  	[sflag:s1] =	ssyncset.done $0x0  }
0x76: {  	s7 =	simm.s32 $0xB80;
	[sflag:s1] =	ssyncadd.s32 $0xFFFFF800  }
0x77: {  	[spmem:s4] =	stream.indirect.scatter.add.f32 [tilespmem:s29], [sflag:$0x4], $0x80, s7, s25, $0xb8;
	[tilespmem:$0x1F880] =	vst v63  }
0x78: {  	_ =	swait.ge [sflag:s31], $0x800  }
0x79: {  	[sflag:s31] =	ssyncset.done $0x0  }
0x7a: {  	[sflag:s31] =	ssyncadd.s32 $0xFFFFF800  }
0x7b: {  	_ =	swait.ge [sflag:s6], $0x800  }
0x7c: {  	[sflag:s6] =	ssyncset.done $0x0  }
0x7d: {  	[sflag:s6] =	ssyncadd.s32 $0xFFFFF800  }
0x7e: {  	_ =	swait.ge [sflag:s19], $0x400  }
0x7f: {  	[sflag:s19] =	ssyncset.done $0x0  }
0x80: {  	[sflag:s19] =	ssyncadd.s32 $0xFFFFFC00  }
0x81: {  	p1 =	por $0x0, $0x0;
	_ =	swait.ge [sflag:s19], $0x400  }
0x82: {  	s28 =	sadd.s32 @!p1 $0x0, s12;
	s0 =	sadd.s32 @!p1 $0x0, s13;
	[sflag:s19] =	ssyncset.done $0x0  }
0x83: {  	s0 =	sadd.s32 @!p1 $0x100, s0;
	s2 =	simm.s32 @!p1 $0x0;
	[sflag:s19] =	ssyncadd.s32 $0xFFFFFC00  }
0x84: {  	[tilespmem:s2], [sflag:$0x5] =	stream.linear.gather @!p1 [hbm4b:s0+s2], $0x400, $0x38;
	[tilespmem:$0x1F880] =	vst v63  }
0x85: {  	s0 =	sadd.s32 @!p1 $0x100, s28;
	s28 =	simm.s32 @!p1 $0x800  }
0x86: {  	[tilespmem:s28], [sflag:$0x5] =	stream.linear.gather @!p1 [hbm4b:s0+s2], $0x400, $0x38;
	[tilespmem:$0x1F880] =	vst v63  }
0x87: {  	_ = 	snop  }
0x88: {  	[tilespmem:s26], [sflag:$0x1] =	stream.indirect.gather [spmem:s3], $0x80, s21, s25, $0xb8;
	[tilespmem:$0x1F880] =	vst v63  }
0x89: {  	s8 =	simm.s32 $0x480  }
0x8a: {  	[tilespmem:s29], [sflag:$0x2] =	stream.indirect.gather [spmem:s3], $0x80, s8, s25, $0xb8;
	[tilespmem:$0x1F880] =	vst v63  }
0x8b: {  	_ =	swait.ge [sflag:s30], $0x800  }
0x8c: {  	[sflag:s30] =	ssyncset.done $0x0  }
0x8d: {  	[sflag:s30] =	ssyncadd.s32 $0xFFFFF800  }
0x8e: {  	[spmem:s4] =	stream.indirect.scatter.add.f32 [tilespmem:s26], [sflag:$0x3], $0x80, s22, s25, $0xb8;
	[tilespmem:$0x1F880] =	vst v63  }
0x8f: {  	_ =	swait.ge [sflag:s31], $0x800  }
0x90: {  	[sflag:s31] =	ssyncset.done $0x0  }
0x91: {  	s2 =	simm.s32 $0x500;
	[sflag:s31] =	ssyncadd.s32 $0xFFFFF800  }
0x92: {  	[tilespmem:s26], [sflag:$0x1] =	stream.indirect.gather [spmem:s3], $0x80, s2, s25, $0xb8;
	[tilespmem:$0x1F880] =	vst v63  }
0x93: {  	_ =	swait.ge [sflag:s1], $0x800  }
0x94: {  	[sflag:s1] =	ssyncset.done $0x0  }
0x95: {  	s7 =	simm.s32 $0xC80;
	[sflag:s1] =	ssyncadd.s32 $0xFFFFF800  }
0x96: {  	[spmem:s4] =	stream.indirect.scatter.add.f32 [tilespmem:s29], [sflag:$0x4], $0x80, s7, s25, $0xb8;
	[tilespmem:$0x1F880] =	vst v63  }
0x97: {  	_ =	swait.ge [sflag:s6], $0x800  }
0x98: {  	[sflag:s6] =	ssyncset.done $0x0  }
0x99: {  	s8 =	simm.s32 $0x580;
	[sflag:s6] =	ssyncadd.s32 $0xFFFFF800  }
0x9a: {  	[tilespmem:s29], [sflag:$0x2] =	stream.indirect.gather [spmem:s3], $0x80, s8, s25, $0xb8;
	[tilespmem:$0x1F880] =	vst v63  }
0x9b: {  	_ =	swait.ge [sflag:s30], $0x800  }
0x9c: {  	[sflag:s30] =	ssyncset.done $0x0  }
0x9d: {  	[sflag:s30] =	ssyncadd.s32 $0xFFFFF800  }
0x9e: {  	[spmem:s4] =	stream.indirect.scatter.add.f32 [tilespmem:s26], [sflag:$0x3], $0x80, s18, s25, $0xb8;
	[tilespmem:$0x1F880] =	vst v63  }
0x9f: {  	_ =	swait.ge [sflag:s31], $0x800  }
0xa0: {  	[sflag:s31] =	ssyncset.done $0x0  }
0xa1: {  	[sflag:s31] =	ssyncadd.s32 $0xFFFFF800  }
0xa2: {  	[tilespmem:s26], [sflag:$0x1] =	stream.indirect.gather [spmem:s3], $0x80, s9, s25, $0xb8;
	[tilespmem:$0x1F880] =	vst v63  }
0xa3: {  	_ =	swait.ge [sflag:s1], $0x800  }
0xa4: {  	[sflag:s1] =	ssyncset.done $0x0  }
0xa5: {  	[sflag:s1] =	ssyncadd.s32 $0xFFFFF800  }
0xa6: {  	[spmem:s4] =	stream.indirect.scatter.add.f32 [tilespmem:s29], [sflag:$0x4], $0x80, s10, s25, $0xb8;
	[tilespmem:$0x1F880] =	vst v63  }
0xa7: {  	_ =	swait.ge [sflag:s6], $0x800  }
0xa8: {  	[sflag:s6] =	ssyncset.done $0x0  }
0xa9: {  	[sflag:s6] =	ssyncadd.s32 $0xFFFFF800  }
0xaa: {  	[tilespmem:s29], [sflag:$0x2] =	stream.indirect.gather [spmem:s3], $0x80, s11, s25, $0xb8;
	[tilespmem:$0x1F880] =	vst v63  }
0xab: {  	_ =	swait.ge [sflag:s30], $0x800  }
0xac: {  	[sflag:s30] =	ssyncset.done $0x0  }
0xad: {  	[sflag:s30] =	ssyncadd.s32 $0xFFFFF800  }
0xae: {  	[spmem:s4] =	stream.indirect.scatter.add.f32 [tilespmem:s26], [sflag:$0x3], $0x80, s15, s25, $0xb8;
	[tilespmem:$0x1F880] =	vst v63  }
0xaf: {  	_ =	swait.ge [sflag:s31], $0x800  }
0xb0: {  	[sflag:s31] =	ssyncset.done $0x0  }
0xb1: {  	[sflag:s31] =	ssyncadd.s32 $0xFFFFF800  }
0xb2: {  	[tilespmem:s26], [sflag:$0x1] =	stream.indirect.gather [spmem:s3], $0x80, s16, s25, $0xb8;
	[tilespmem:$0x1F880] =	vst v63  }
0xb3: {  	_ =	swait.ge [sflag:s1], $0x800  }
0xb4: {  	[sflag:s1] =	ssyncset.done $0x0  }
0xb5: {  	[sflag:s1] =	ssyncadd.s32 $0xFFFFF800  }
0xb6: {  	[spmem:s4] =	stream.indirect.scatter.add.f32 [tilespmem:s29], [sflag:$0x4], $0x80, s23, s25, $0xb8;
	[tilespmem:$0x1F880] =	vst v63  }
0xb7: {  	_ =	swait.ge [sflag:s6], $0x800  }
0xb8: {  	[sflag:s6] =	ssyncset.done $0x0  }
0xb9: {  	[sflag:s6] =	ssyncadd.s32 $0xFFFFF800  }
0xba: {  	[tilespmem:s29], [sflag:$0x2] =	stream.indirect.gather [spmem:s3], $0x80, s24, s25, $0xb8;
	[tilespmem:$0x1F880] =	vst v63  }
0xbb: {  	_ =	swait.ge [sflag:s30], $0x800  }
0xbc: {  	[sflag:s30] =	ssyncset.done $0x0  }
0xbd: {  	s8 =	simm.s32 $0xF00;
	[sflag:s30] =	ssyncadd.s32 $0xFFFFF800  }
0xbe: {  	[spmem:s4] =	stream.indirect.scatter.add.f32 [tilespmem:s26], [sflag:$0x3], $0x80, s8, s25, $0xb8;
	[tilespmem:$0x1F880] =	vst v63  }
0xbf: {  	_ =	swait.ge [sflag:s1], $0x800  }
0xc0: {  	[sflag:s1] =	ssyncset.done $0x0  }
0xc1: {  	[sflag:s1] =	ssyncadd.s32 $0xFFFFF800  }
0xc2: {  	[spmem:s4] =	stream.indirect.scatter.add.f32 [tilespmem:s29], [sflag:$0x4], $0x80, s17, s25, $0xb8;
	[tilespmem:$0x1F880] =	vst v63  }
0xc3: {  	_ =	swait.ge [sflag:s31], $0x800  }
0xc4: {  	[sflag:s31] =	ssyncset.done $0x0  }
0xc5: {  	[sflag:s31] =	ssyncadd.s32 $0xFFFFF800  }
0xc6: {  	_ =	swait.ge [sflag:s6], $0x800  }
0xc7: {  	s28 =	simm.s32 $0x100;
	[sflag:s6] =	ssyncset.done $0x0  }
.LBB2_2:
0xc8: {  	[sflag:s6] =	ssyncadd.s32 $0xFFFFF800;
	s0 =	smov.u32 s28;
	s28 =	sadd.s32 $0x100, s28  }
0xc9: {  	_ =	swait.ge [sflag:s20], $0x400;
	p1 =	sne.s32 s28, $0x2800  }
0xca: {  	[sflag:s20] =	ssyncset.done $0x0  }
0xcb: {  	[sflag:s20] =	ssyncadd.s32 $0xFFFFFC00  }
0xcc: {  	_ =	swait.ge [sflag:s20], $0x400  }
0xcd: {  	s2 =	sadd.s32 s0, s13;
	[sflag:s20] =	ssyncset.done $0x0  }
0xce: {  	s7 =	sadd.s32 s0, s12;
	s2 =	sadd.s32 $0x80, s2;
	[sflag:s20] =	ssyncadd.s32 $0xFFFFFC00  }
0xcf: {  	[tilespmem:s21], [sflag:$0x6] =	stream.linear.gather [hbm4b:s2+s5], $0x400, $0x38;
	[tilespmem:$0x1F880] =	vst v63  }
0xd0: {  	s2 =	sadd.s32 $0x80, s7  }
0xd1: {  	[tilespmem:s22], [sflag:$0x6] =	stream.linear.gather [hbm4b:s2+s5], $0x400, $0x38;
	[tilespmem:$0x1F880] =	vst v63  }
0xd2: {  	_ = 	snop  }
0xd3: {  	[tilespmem:s26], [sflag:$0x1] =	stream.indirect.gather [spmem:s3], $0x80, s5, s25, $0xb8;
	[tilespmem:$0x1F880] =	vst v63  }
0xd4: {  	s2 =	simm.s32 $0x80  }
0xd5: {  	[tilespmem:s29], [sflag:$0x2] =	stream.indirect.gather [spmem:s3], $0x80, s2, s25, $0xb8;
	[tilespmem:$0x1F880] =	vst v63  }
0xd6: {  	_ =	swait.ge [sflag:s30], $0x800  }
0xd7: {  	[sflag:s30] =	ssyncset.done $0x0  }
0xd8: {  	s2 =	simm.s32 $0x800;
	[sflag:s30] =	ssyncadd.s32 $0xFFFFF800  }
0xd9: {  	[spmem:s4] =	stream.indirect.scatter.add.f32 [tilespmem:s26], [sflag:$0x3], $0x80, s2, s25, $0xb8;
	[tilespmem:$0x1F880] =	vst v63  }
0xda: {  	_ =	swait.ge [sflag:s31], $0x800  }
0xdb: {  	[sflag:s31] =	ssyncset.done $0x0  }
0xdc: {  	s2 =	simm.s32 $0x100;
	[sflag:s31] =	ssyncadd.s32 $0xFFFFF800  }
0xdd: {  	[tilespmem:s26], [sflag:$0x1] =	stream.indirect.gather [spmem:s3], $0x80, s2, s25, $0xb8;
	[tilespmem:$0x1F880] =	vst v63  }
0xde: {  	_ =	swait.ge [sflag:s1], $0x800  }
0xdf: {  	[sflag:s1] =	ssyncset.done $0x0  }
0xe0: {  	s2 =	simm.s32 $0x880;
	[sflag:s1] =	ssyncadd.s32 $0xFFFFF800  }
0xe1: {  	[spmem:s4] =	stream.indirect.scatter.add.f32 [tilespmem:s29], [sflag:$0x4], $0x80, s2, s25, $0xb8;
	[tilespmem:$0x1F880] =	vst v63  }
0xe2: {  	_ =	swait.ge [sflag:s6], $0x800  }
0xe3: {  	[sflag:s6] =	ssyncset.done $0x0  }
0xe4: {  	s2 =	simm.s32 $0x180;
	[sflag:s6] =	ssyncadd.s32 $0xFFFFF800  }
0xe5: {  	[tilespmem:s29], [sflag:$0x2] =	stream.indirect.gather [spmem:s3], $0x80, s2, s25, $0xb8;
	[tilespmem:$0x1F880] =	vst v63  }
0xe6: {  	_ =	swait.ge [sflag:s30], $0x800  }
0xe7: {  	[sflag:s30] =	ssyncset.done $0x0  }
0xe8: {  	s2 =	simm.s32 $0x900;
	[sflag:s30] =	ssyncadd.s32 $0xFFFFF800  }
0xe9: {  	[spmem:s4] =	stream.indirect.scatter.add.f32 [tilespmem:s26], [sflag:$0x3], $0x80, s2, s25, $0xb8;
	[tilespmem:$0x1F880] =	vst v63  }
0xea: {  	_ =	swait.ge [sflag:s31], $0x800  }
0xeb: {  	[sflag:s31] =	ssyncset.done $0x0  }
0xec: {  	s2 =	simm.s32 $0x200;
	[sflag:s31] =	ssyncadd.s32 $0xFFFFF800  }
0xed: {  	[tilespmem:s26], [sflag:$0x1] =	stream.indirect.gather [spmem:s3], $0x80, s2, s25, $0xb8;
	[tilespmem:$0x1F880] =	vst v63  }
0xee: {  	_ =	swait.ge [sflag:s1], $0x800  }
0xef: {  	[sflag:s1] =	ssyncset.done $0x0  }
0xf0: {  	s2 =	simm.s32 $0x980;
	[sflag:s1] =	ssyncadd.s32 $0xFFFFF800  }
0xf1: {  	[spmem:s4] =	stream.indirect.scatter.add.f32 [tilespmem:s29], [sflag:$0x4], $0x80, s2, s25, $0xb8;
	[tilespmem:$0x1F880] =	vst v63  }
0xf2: {  	_ =	swait.ge [sflag:s6], $0x800  }
0xf3: {  	[sflag:s6] =	ssyncset.done $0x0  }
0xf4: {  	s2 =	simm.s32 $0x280;
	[sflag:s6] =	ssyncadd.s32 $0xFFFFF800  }
0xf5: {  	[tilespmem:s29], [sflag:$0x2] =	stream.indirect.gather [spmem:s3], $0x80, s2, s25, $0xb8;
	[tilespmem:$0x1F880] =	vst v63  }
0xf6: {  	_ =	swait.ge [sflag:s30], $0x800  }
0xf7: {  	[sflag:s30] =	ssyncset.done $0x0  }
0xf8: {  	s2 =	simm.s32 $0xA00;
	[sflag:s30] =	ssyncadd.s32 $0xFFFFF800  }
0xf9: {  	[spmem:s4] =	stream.indirect.scatter.add.f32 [tilespmem:s26], [sflag:$0x3], $0x80, s2, s25, $0xb8;
	[tilespmem:$0x1F880] =	vst v63  }
0xfa: {  	_ =	swait.ge [sflag:s31], $0x800  }
0xfb: {  	[sflag:s31] =	ssyncset.done $0x0  }
0xfc: {  	s2 =	simm.s32 $0x300;
	[sflag:s31] =	ssyncadd.s32 $0xFFFFF800  }
0xfd: {  	[tilespmem:s26], [sflag:$0x1] =	stream.indirect.gather [spmem:s3], $0x80, s2, s25, $0xb8;
	[tilespmem:$0x1F880] =	vst v63  }
0xfe: {  	_ =	swait.ge [sflag:s1], $0x800  }
0xff: {  	[sflag:s1] =	ssyncset.done $0x0  }
0x100: {  	s2 =	simm.s32 $0xA80;
	[sflag:s1] =	ssyncadd.s32 $0xFFFFF800  }
0x101: {  	[spmem:s4] =	stream.indirect.scatter.add.f32 [tilespmem:s29], [sflag:$0x4], $0x80, s2, s25, $0xb8;
	[tilespmem:$0x1F880] =	vst v63  }
0x102: {  	_ =	swait.ge [sflag:s6], $0x800  }
0x103: {  	[sflag:s6] =	ssyncset.done $0x0  }
0x104: {  	s2 =	simm.s32 $0x380;
	[sflag:s6] =	ssyncadd.s32 $0xFFFFF800  }
0x105: {  	[tilespmem:s29], [sflag:$0x2] =	stream.indirect.gather [spmem:s3], $0x80, s2, s25, $0xb8;
	[tilespmem:$0x1F880] =	vst v63  }
0x106: {  	_ =	swait.ge [sflag:s30], $0x800  }
0x107: {  	[sflag:s30] =	ssyncset.done $0x0  }
0x108: {  	s2 =	simm.s32 $0xB00;
	[sflag:s30] =	ssyncadd.s32 $0xFFFFF800  }
0x109: {  	[spmem:s4] =	stream.indirect.scatter.add.f32 [tilespmem:s26], [sflag:$0x3], $0x80, s2, s25, $0xb8;
	[tilespmem:$0x1F880] =	vst v63  }
0x10a: {  	_ =	swait.ge [sflag:s1], $0x800  }
0x10b: {  	[sflag:s1] =	ssyncset.done $0x0  }
0x10c: {  	s2 =	simm.s32 $0xB80;
	[sflag:s1] =	ssyncadd.s32 $0xFFFFF800  }
0x10d: {  	[spmem:s4] =	stream.indirect.scatter.add.f32 [tilespmem:s29], [sflag:$0x4], $0x80, s2, s25, $0xb8;
	[tilespmem:$0x1F880] =	vst v63  }
0x10e: {  	_ =	swait.ge [sflag:s31], $0x800  }
0x10f: {  	[sflag:s31] =	ssyncset.done $0x0  }
0x110: {  	[sflag:s31] =	ssyncadd.s32 $0xFFFFF800  }
0x111: {  	_ =	swait.ge [sflag:s6], $0x800  }
0x112: {  	[sflag:s6] =	ssyncset.done $0x0  }
0x113: {  	[sflag:s6] =	ssyncadd.s32 $0xFFFFF800  }
0x114: {  	_ =	swait.ge [sflag:s19], $0x400  }
0x115: {  	[sflag:s19] =	ssyncset.done $0x0  }
0x116: {  	[sflag:s19] =	ssyncadd.s32 $0xFFFFFC00  }
0x117: {  	p2 =	seq.s32 s0, $0x2700;
	_ =	swait.ge [sflag:s19], $0x400  }
0x118: {  	s2 =	sadd.s32 @!p2 s0, s13;
	s0 =	sadd.s32 @!p2 s0, s12;
	[sflag:s19] =	ssyncset.done $0x0  }
0x119: {  	s7 =	simm.s32 @!p2 $0x0;
	s2 =	sadd.s32 @!p2 $0x100, s2;
	[sflag:s19] =	ssyncadd.s32 $0xFFFFFC00  }
0x11a: {  	[tilespmem:s7], [sflag:$0x5] =	stream.linear.gather @!p2 [hbm4b:s2+s7], $0x400, $0x38;
	[tilespmem:$0x1F880] =	vst v63  }
0x11b: {  	s0 =	sadd.s32 @!p2 $0x100, s0;
	s2 =	simm.s32 @!p2 $0x800  }
0x11c: {  	[tilespmem:s2], [sflag:$0x5] =	stream.linear.gather @!p2 [hbm4b:s0+s7], $0x400, $0x38;
	[tilespmem:$0x1F880] =	vst v63  }
0x11d: {  	_ = 	snop  }
0x11e: {  	[tilespmem:s26], [sflag:$0x1] =	stream.indirect.gather [spmem:s3], $0x80, s21, s25, $0xb8;
	[tilespmem:$0x1F880] =	vst v63  }
0x11f: {  	s0 =	simm.s32 $0x480  }
0x120: {  	[tilespmem:s29], [sflag:$0x2] =	stream.indirect.gather [spmem:s3], $0x80, s0, s25, $0xb8;
	[tilespmem:$0x1F880] =	vst v63  }
0x121: {  	_ =	swait.ge [sflag:s30], $0x800  }
0x122: {  	[sflag:s30] =	ssyncset.done $0x0  }
0x123: {  	[sflag:s30] =	ssyncadd.s32 $0xFFFFF800  }
0x124: {  	[spmem:s4] =	stream.indirect.scatter.add.f32 [tilespmem:s26], [sflag:$0x3], $0x80, s22, s25, $0xb8;
	[tilespmem:$0x1F880] =	vst v63  }
0x125: {  	_ =	swait.ge [sflag:s31], $0x800  }
0x126: {  	[sflag:s31] =	ssyncset.done $0x0  }
0x127: {  	s0 =	simm.s32 $0x500;
	[sflag:s31] =	ssyncadd.s32 $0xFFFFF800  }
0x128: {  	[tilespmem:s26], [sflag:$0x1] =	stream.indirect.gather [spmem:s3], $0x80, s0, s25, $0xb8;
	[tilespmem:$0x1F880] =	vst v63  }
0x129: {  	_ =	swait.ge [sflag:s1], $0x800  }
0x12a: {  	[sflag:s1] =	ssyncset.done $0x0  }
0x12b: {  	s0 =	simm.s32 $0xC80;
	[sflag:s1] =	ssyncadd.s32 $0xFFFFF800  }
0x12c: {  	[spmem:s4] =	stream.indirect.scatter.add.f32 [tilespmem:s29], [sflag:$0x4], $0x80, s0, s25, $0xb8;
	[tilespmem:$0x1F880] =	vst v63  }
0x12d: {  	_ =	swait.ge [sflag:s6], $0x800  }
0x12e: {  	[sflag:s6] =	ssyncset.done $0x0  }
0x12f: {  	s0 =	simm.s32 $0x580;
	[sflag:s6] =	ssyncadd.s32 $0xFFFFF800  }
0x130: {  	[tilespmem:s29], [sflag:$0x2] =	stream.indirect.gather [spmem:s3], $0x80, s0, s25, $0xb8;
	[tilespmem:$0x1F880] =	vst v63  }
0x131: {  	_ =	swait.ge [sflag:s30], $0x800  }
0x132: {  	[sflag:s30] =	ssyncset.done $0x0  }
0x133: {  	[sflag:s30] =	ssyncadd.s32 $0xFFFFF800  }
0x134: {  	[spmem:s4] =	stream.indirect.scatter.add.f32 [tilespmem:s26], [sflag:$0x3], $0x80, s18, s25, $0xb8;
	[tilespmem:$0x1F880] =	vst v63  }
0x135: {  	_ =	swait.ge [sflag:s31], $0x800  }
0x136: {  	[sflag:s31] =	ssyncset.done $0x0  }
0x137: {  	[sflag:s31] =	ssyncadd.s32 $0xFFFFF800  }
0x138: {  	[tilespmem:s26], [sflag:$0x1] =	stream.indirect.gather [spmem:s3], $0x80, s9, s25, $0xb8;
	[tilespmem:$0x1F880] =	vst v63  }
0x139: {  	_ =	swait.ge [sflag:s1], $0x800  }
0x13a: {  	[sflag:s1] =	ssyncset.done $0x0  }
0x13b: {  	[sflag:s1] =	ssyncadd.s32 $0xFFFFF800  }
0x13c: {  	[spmem:s4] =	stream.indirect.scatter.add.f32 [tilespmem:s29], [sflag:$0x4], $0x80, s10, s25, $0xb8;
	[tilespmem:$0x1F880] =	vst v63  }
0x13d: {  	_ =	swait.ge [sflag:s6], $0x800  }
0x13e: {  	[sflag:s6] =	ssyncset.done $0x0  }
0x13f: {  	[sflag:s6] =	ssyncadd.s32 $0xFFFFF800  }
0x140: {  	[tilespmem:s29], [sflag:$0x2] =	stream.indirect.gather [spmem:s3], $0x80, s11, s25, $0xb8;
	[tilespmem:$0x1F880] =	vst v63  }
0x141: {  	_ =	swait.ge [sflag:s30], $0x800  }
0x142: {  	[sflag:s30] =	ssyncset.done $0x0  }
0x143: {  	[sflag:s30] =	ssyncadd.s32 $0xFFFFF800  }
0x144: {  	[spmem:s4] =	stream.indirect.scatter.add.f32 [tilespmem:s26], [sflag:$0x3], $0x80, s15, s25, $0xb8;
	[tilespmem:$0x1F880] =	vst v63  }
0x145: {  	_ =	swait.ge [sflag:s31], $0x800  }
0x146: {  	[sflag:s31] =	ssyncset.done $0x0  }
0x147: {  	[sflag:s31] =	ssyncadd.s32 $0xFFFFF800  }
0x148: {  	[tilespmem:s26], [sflag:$0x1] =	stream.indirect.gather [spmem:s3], $0x80, s16, s25, $0xb8;
	[tilespmem:$0x1F880] =	vst v63  }
0x149: {  	_ =	swait.ge [sflag:s1], $0x800  }
0x14a: {  	[sflag:s1] =	ssyncset.done $0x0  }
0x14b: {  	[sflag:s1] =	ssyncadd.s32 $0xFFFFF800  }
0x14c: {  	[spmem:s4] =	stream.indirect.scatter.add.f32 [tilespmem:s29], [sflag:$0x4], $0x80, s23, s25, $0xb8;
	[tilespmem:$0x1F880] =	vst v63  }
0x14d: {  	_ =	swait.ge [sflag:s6], $0x800  }
0x14e: {  	[sflag:s6] =	ssyncset.done $0x0  }
0x14f: {  	[sflag:s6] =	ssyncadd.s32 $0xFFFFF800  }
0x150: {  	[tilespmem:s29], [sflag:$0x2] =	stream.indirect.gather [spmem:s3], $0x80, s24, s25, $0xb8;
	[tilespmem:$0x1F880] =	vst v63  }
0x151: {  	_ =	swait.ge [sflag:s30], $0x800  }
0x152: {  	[sflag:s30] =	ssyncset.done $0x0  }
0x153: {  	[sflag:s30] =	ssyncadd.s32 $0xFFFFF800  }
0x154: {  	[spmem:s4] =	stream.indirect.scatter.add.f32 [tilespmem:s26], [sflag:$0x3], $0x80, s8, s25, $0xb8;
	[tilespmem:$0x1F880] =	vst v63  }
0x155: {  	_ =	swait.ge [sflag:s1], $0x800  }
0x156: {  	[sflag:s1] =	ssyncset.done $0x0  }
0x157: {  	[sflag:s1] =	ssyncadd.s32 $0xFFFFF800  }
0x158: {  	[spmem:s4] =	stream.indirect.scatter.add.f32 [tilespmem:s29], [sflag:$0x4], $0x80, s17, s25, $0xb8;
	[tilespmem:$0x1F880] =	vst v63  }
.Ltmp0:
0x159: {  	_ =	swait.ge [sflag:s31], $0x800;
	(pc) =	sbr.rel @p1 .LBB2_2-.Ltmp0, $4  }
0x15a: {  	[sflag:s31] =	ssyncset.done $0x0  }
0x15b: {  	[sflag:s31] =	ssyncadd.s32 $0xFFFFF800  }
0x15c: {  	_ =	swait.ge [sflag:s6], $0x800  }
0x15d: {  	[sflag:s6] =	ssyncset.done $0x0  }
0x15e: {  	[sflag:s6] =	ssyncadd.s32 $0xFFFFF800  }
0x15f: {  	[bflag:$0x0] =	sbarrier.arrive $0xFFFF  }
0x160: {  	s2 =	rddreg [dreg:$0xd]  }
0x161: {  	s0 =	rddreg [dreg:$0xe]  }
0x162: {  	s7 =	simm.s32 $0x7;
	s28 =	rddreg [dreg:$0x11]  }
0x163: {  	[hbm:s0], [sflag:s2] =	dma.local [spmem:s28], $0x1400  }
0x164: {  	_ =	swait.ge [sflag:s7], $0x1400  }
0x165: {  	[sflag:s7] =	ssyncset.done $0x0  }
0x166: {  	[sflag:s7] =	ssyncadd.s32 $0xFFFFEC00  }
0x167: {  	s0 =	rddreg [dreg:$0x1]  }
0x168: {  	[spmem:s28], [sflag:s2] =	dma.local [hbm:s0], $0x1400  }
0x169: {  	_ =	swait.ge [sflag:s7], $0x1400  }
0x16a: {  	[sflag:s7] =	ssyncset.done $0x0  }
0x16b: {  	[sflag:s7] =	ssyncadd.s32 $0xFFFFEC00  }
0x16c: {  	[bflag:$0x0] =	sbarrier.arrive $0xFFFF  }
0x16d: {  	s0 =	simm.s32 $0x0;
	s7 =	rddreg [dreg:$0x7]  }
0x16e: {  	[tilespmem:s0], [sflag:$0x5] =	stream.linear.gather [hbm4b:s7+s0], $0x400, $0x38;
	[tilespmem:$0x1F880] =	vst v63  }
0x16f: {  	s2 =	rddreg [dreg:$0x9];
	s7 =	simm.s32 $0x800  }
0x170: {  	[tilespmem:s7], [sflag:$0x5] =	stream.linear.gather [hbm4b:s2+s0], $0x400, $0x38;
	[tilespmem:$0x1F880] =	vst v63  }
0x171: {  	_ =	swait.ge [sflag:s20], $0x400  }
0x172: {  	[sflag:s20] =	ssyncset.done $0x0  }
0x173: {  	[sflag:s20] =	ssyncadd.s32 $0xFFFFFC00  }
0x174: {  	_ =	swait.ge [sflag:s20], $0x400  }
0x175: {  	s2 =	sadd.s32 $0x0, s13;
	[sflag:s20] =	ssyncset.done $0x0  }
0x176: {  	s0 =	sadd.s32 $0x80, s2;
	s2 =	sadd.s32 $0x0, s14;
	[sflag:s20] =	ssyncadd.s32 $0xFFFFFC00  }
0x177: {  	[tilespmem:s21], [sflag:$0x6] =	stream.linear.gather [hbm4b:s0+s5], $0x400, $0x38;
	[tilespmem:$0x1F880] =	vst v63  }
0x178: {  	s2 =	sadd.s32 $0x80, s2  }
0x179: {  	[tilespmem:s22], [sflag:$0x6] =	stream.linear.gather [hbm4b:s2+s5], $0x400, $0x38;
	[tilespmem:$0x1F880] =	vst v63  }
0x17a: {  	_ = 	snop  }
0x17b: {  	[tilespmem:s26], [sflag:$0x1] =	stream.indirect.gather [spmem:s3], $0x80, s5, s25, $0xb8;
	[tilespmem:$0x1F880] =	vst v63  }
0x17c: {  	s2 =	simm.s32 $0x80  }
0x17d: {  	[tilespmem:s29], [sflag:$0x2] =	stream.indirect.gather [spmem:s3], $0x80, s2, s25, $0xb8;
	[tilespmem:$0x1F880] =	vst v63  }
0x17e: {  	_ =	swait.ge [sflag:s30], $0x800  }
0x17f: {  	[sflag:s30] =	ssyncset.done $0x0  }
0x180: {  	[sflag:s30] =	ssyncadd.s32 $0xFFFFF800  }
0x181: {  	[spmem:s4] =	stream.indirect.scatter.add.f32 [tilespmem:s26], [sflag:$0x3], $0x80, s7, s25, $0xb8;
	[tilespmem:$0x1F880] =	vst v63  }
0x182: {  	_ =	swait.ge [sflag:s31], $0x800  }
0x183: {  	[sflag:s31] =	ssyncset.done $0x0  }
0x184: {  	s7 =	simm.s32 $0x100;
	[sflag:s31] =	ssyncadd.s32 $0xFFFFF800  }
0x185: {  	[tilespmem:s26], [sflag:$0x1] =	stream.indirect.gather [spmem:s3], $0x80, s7, s25, $0xb8;
	[tilespmem:$0x1F880] =	vst v63  }
0x186: {  	_ =	swait.ge [sflag:s1], $0x800  }
0x187: {  	[sflag:s1] =	ssyncset.done $0x0  }
0x188: {  	s2 =	simm.s32 $0x880;
	[sflag:s1] =	ssyncadd.s32 $0xFFFFF800  }
0x189: {  	[spmem:s4] =	stream.indirect.scatter.add.f32 [tilespmem:s29], [sflag:$0x4], $0x80, s2, s25, $0xb8;
	[tilespmem:$0x1F880] =	vst v63  }
0x18a: {  	_ =	swait.ge [sflag:s6], $0x800  }
0x18b: {  	[sflag:s6] =	ssyncset.done $0x0  }
0x18c: {  	s7 =	simm.s32 $0x180;
	[sflag:s6] =	ssyncadd.s32 $0xFFFFF800  }
0x18d: {  	[tilespmem:s29], [sflag:$0x2] =	stream.indirect.gather [spmem:s3], $0x80, s7, s25, $0xb8;
	[tilespmem:$0x1F880] =	vst v63  }
0x18e: {  	_ =	swait.ge [sflag:s30], $0x800  }
0x18f: {  	[sflag:s30] =	ssyncset.done $0x0  }
0x190: {  	s2 =	simm.s32 $0x900;
	[sflag:s30] =	ssyncadd.s32 $0xFFFFF800  }
0x191: {  	[spmem:s4] =	stream.indirect.scatter.add.f32 [tilespmem:s26], [sflag:$0x3], $0x80, s2, s25, $0xb8;
	[tilespmem:$0x1F880] =	vst v63  }
0x192: {  	_ =	swait.ge [sflag:s31], $0x800  }
0x193: {  	[sflag:s31] =	ssyncset.done $0x0  }
0x194: {  	s7 =	simm.s32 $0x200;
	[sflag:s31] =	ssyncadd.s32 $0xFFFFF800  }
0x195: {  	[tilespmem:s26], [sflag:$0x1] =	stream.indirect.gather [spmem:s3], $0x80, s7, s25, $0xb8;
	[tilespmem:$0x1F880] =	vst v63  }
0x196: {  	_ =	swait.ge [sflag:s1], $0x800  }
0x197: {  	[sflag:s1] =	ssyncset.done $0x0  }
0x198: {  	s2 =	simm.s32 $0x980;
	[sflag:s1] =	ssyncadd.s32 $0xFFFFF800  }
0x199: {  	[spmem:s4] =	stream.indirect.scatter.add.f32 [tilespmem:s29], [sflag:$0x4], $0x80, s2, s25, $0xb8;
	[tilespmem:$0x1F880] =	vst v63  }
0x19a: {  	_ =	swait.ge [sflag:s6], $0x800  }
0x19b: {  	[sflag:s6] =	ssyncset.done $0x0  }
0x19c: {  	s7 =	simm.s32 $0x280;
	[sflag:s6] =	ssyncadd.s32 $0xFFFFF800  }
0x19d: {  	[tilespmem:s29], [sflag:$0x2] =	stream.indirect.gather [spmem:s3], $0x80, s7, s25, $0xb8;
	[tilespmem:$0x1F880] =	vst v63  }
0x19e: {  	_ =	swait.ge [sflag:s30], $0x800  }
0x19f: {  	[sflag:s30] =	ssyncset.done $0x0  }
0x1a0: {  	s2 =	simm.s32 $0xA00;
	[sflag:s30] =	ssyncadd.s32 $0xFFFFF800  }
0x1a1: {  	[spmem:s4] =	stream.indirect.scatter.add.f32 [tilespmem:s26], [sflag:$0x3], $0x80, s2, s25, $0xb8;
	[tilespmem:$0x1F880] =	vst v63  }
0x1a2: {  	_ =	swait.ge [sflag:s31], $0x800  }
0x1a3: {  	[sflag:s31] =	ssyncset.done $0x0  }
0x1a4: {  	s7 =	simm.s32 $0x300;
	[sflag:s31] =	ssyncadd.s32 $0xFFFFF800  }
0x1a5: {  	[tilespmem:s26], [sflag:$0x1] =	stream.indirect.gather [spmem:s3], $0x80, s7, s25, $0xb8;
	[tilespmem:$0x1F880] =	vst v63  }
0x1a6: {  	_ =	swait.ge [sflag:s1], $0x800  }
0x1a7: {  	[sflag:s1] =	ssyncset.done $0x0  }
0x1a8: {  	s2 =	simm.s32 $0xA80;
	[sflag:s1] =	ssyncadd.s32 $0xFFFFF800  }
0x1a9: {  	[spmem:s4] =	stream.indirect.scatter.add.f32 [tilespmem:s29], [sflag:$0x4], $0x80, s2, s25, $0xb8;
	[tilespmem:$0x1F880] =	vst v63  }
0x1aa: {  	_ =	swait.ge [sflag:s6], $0x800  }
0x1ab: {  	[sflag:s6] =	ssyncset.done $0x0  }
0x1ac: {  	s7 =	simm.s32 $0x380;
	[sflag:s6] =	ssyncadd.s32 $0xFFFFF800  }
0x1ad: {  	[tilespmem:s29], [sflag:$0x2] =	stream.indirect.gather [spmem:s3], $0x80, s7, s25, $0xb8;
	[tilespmem:$0x1F880] =	vst v63  }
0x1ae: {  	_ =	swait.ge [sflag:s30], $0x800  }
0x1af: {  	[sflag:s30] =	ssyncset.done $0x0  }
0x1b0: {  	s2 =	simm.s32 $0xB00;
	[sflag:s30] =	ssyncadd.s32 $0xFFFFF800  }
0x1b1: {  	[spmem:s4] =	stream.indirect.scatter.add.f32 [tilespmem:s26], [sflag:$0x3], $0x80, s2, s25, $0xb8;
	[tilespmem:$0x1F880] =	vst v63  }
0x1b2: {  	_ =	swait.ge [sflag:s1], $0x800  }
0x1b3: {  	[sflag:s1] =	ssyncset.done $0x0  }
0x1b4: {  	s7 =	simm.s32 $0xB80;
	[sflag:s1] =	ssyncadd.s32 $0xFFFFF800  }
0x1b5: {  	[spmem:s4] =	stream.indirect.scatter.add.f32 [tilespmem:s29], [sflag:$0x4], $0x80, s7, s25, $0xb8;
	[tilespmem:$0x1F880] =	vst v63  }
0x1b6: {  	_ =	swait.ge [sflag:s31], $0x800  }
0x1b7: {  	[sflag:s31] =	ssyncset.done $0x0  }
0x1b8: {  	[sflag:s31] =	ssyncadd.s32 $0xFFFFF800  }
0x1b9: {  	_ =	swait.ge [sflag:s6], $0x800  }
0x1ba: {  	[sflag:s6] =	ssyncset.done $0x0  }
0x1bb: {  	[sflag:s6] =	ssyncadd.s32 $0xFFFFF800  }
0x1bc: {  	_ =	swait.ge [sflag:s19], $0x400  }
0x1bd: {  	[sflag:s19] =	ssyncset.done $0x0  }
0x1be: {  	p1 =	por $0x0, $0x0;
	[sflag:s19] =	ssyncadd.s32 $0xFFFFFC00  }
0x1bf: {  	s0 =	sadd.s32 @!p1 $0x0, s13;
	_ =	swait.ge [sflag:s19], $0x400  }
0x1c0: {  	s0 =	sadd.s32 @!p1 $0x100, s0;
	[sflag:s19] =	ssyncset.done $0x0  }
0x1c1: {  	s2 =	sadd.s32 @!p1 $0x0, s14;
	s7 =	simm.s32 @!p1 $0x0;
	[sflag:s19] =	ssyncadd.s32 $0xFFFFFC00  }
0x1c2: {  	[tilespmem:s7], [sflag:$0x5] =	stream.linear.gather @!p1 [hbm4b:s0+s7], $0x400, $0x38;
	[tilespmem:$0x1F880] =	vst v63  }
0x1c3: {  	s0 =	sadd.s32 @!p1 $0x100, s2;
	s2 =	simm.s32 @!p1 $0x800  }
0x1c4: {  	[tilespmem:s2], [sflag:$0x5] =	stream.linear.gather @!p1 [hbm4b:s0+s7], $0x400, $0x38;
	[tilespmem:$0x1F880] =	vst v63  }
0x1c5: {  	_ = 	snop  }
0x1c6: {  	[tilespmem:s26], [sflag:$0x1] =	stream.indirect.gather [spmem:s3], $0x80, s21, s25, $0xb8;
	[tilespmem:$0x1F880] =	vst v63  }
0x1c7: {  	s2 =	simm.s32 $0x480  }
0x1c8: {  	[tilespmem:s29], [sflag:$0x2] =	stream.indirect.gather [spmem:s3], $0x80, s2, s25, $0xb8;
	[tilespmem:$0x1F880] =	vst v63  }
0x1c9: {  	_ =	swait.ge [sflag:s30], $0x800  }
0x1ca: {  	[sflag:s30] =	ssyncset.done $0x0  }
0x1cb: {  	[sflag:s30] =	ssyncadd.s32 $0xFFFFF800  }
0x1cc: {  	[spmem:s4] =	stream.indirect.scatter.add.f32 [tilespmem:s26], [sflag:$0x3], $0x80, s22, s25, $0xb8;
	[tilespmem:$0x1F880] =	vst v63  }
0x1cd: {  	_ =	swait.ge [sflag:s31], $0x800  }
0x1ce: {  	[sflag:s31] =	ssyncset.done $0x0  }
0x1cf: {  	s7 =	simm.s32 $0x500;
	[sflag:s31] =	ssyncadd.s32 $0xFFFFF800  }
0x1d0: {  	[tilespmem:s26], [sflag:$0x1] =	stream.indirect.gather [spmem:s3], $0x80, s7, s25, $0xb8;
	[tilespmem:$0x1F880] =	vst v63  }
0x1d1: {  	_ =	swait.ge [sflag:s1], $0x800  }
0x1d2: {  	[sflag:s1] =	ssyncset.done $0x0  }
0x1d3: {  	s2 =	simm.s32 $0xC80;
	[sflag:s1] =	ssyncadd.s32 $0xFFFFF800  }
0x1d4: {  	[spmem:s4] =	stream.indirect.scatter.add.f32 [tilespmem:s29], [sflag:$0x4], $0x80, s2, s25, $0xb8;
	[tilespmem:$0x1F880] =	vst v63  }
0x1d5: {  	_ =	swait.ge [sflag:s6], $0x800  }
0x1d6: {  	[sflag:s6] =	ssyncset.done $0x0  }
0x1d7: {  	s7 =	simm.s32 $0x580;
	[sflag:s6] =	ssyncadd.s32 $0xFFFFF800  }
0x1d8: {  	[tilespmem:s29], [sflag:$0x2] =	stream.indirect.gather [spmem:s3], $0x80, s7, s25, $0xb8;
	[tilespmem:$0x1F880] =	vst v63  }
0x1d9: {  	_ =	swait.ge [sflag:s30], $0x800  }
0x1da: {  	[sflag:s30] =	ssyncset.done $0x0  }
0x1db: {  	[sflag:s30] =	ssyncadd.s32 $0xFFFFF800  }
0x1dc: {  	[spmem:s4] =	stream.indirect.scatter.add.f32 [tilespmem:s26], [sflag:$0x3], $0x80, s18, s25, $0xb8;
	[tilespmem:$0x1F880] =	vst v63  }
0x1dd: {  	_ =	swait.ge [sflag:s31], $0x800  }
0x1de: {  	[sflag:s31] =	ssyncset.done $0x0  }
0x1df: {  	[sflag:s31] =	ssyncadd.s32 $0xFFFFF800  }
0x1e0: {  	[tilespmem:s26], [sflag:$0x1] =	stream.indirect.gather [spmem:s3], $0x80, s9, s25, $0xb8;
	[tilespmem:$0x1F880] =	vst v63  }
0x1e1: {  	_ =	swait.ge [sflag:s1], $0x800  }
0x1e2: {  	[sflag:s1] =	ssyncset.done $0x0  }
0x1e3: {  	[sflag:s1] =	ssyncadd.s32 $0xFFFFF800  }
0x1e4: {  	[spmem:s4] =	stream.indirect.scatter.add.f32 [tilespmem:s29], [sflag:$0x4], $0x80, s10, s25, $0xb8;
	[tilespmem:$0x1F880] =	vst v63  }
0x1e5: {  	_ =	swait.ge [sflag:s6], $0x800  }
0x1e6: {  	[sflag:s6] =	ssyncset.done $0x0  }
0x1e7: {  	[sflag:s6] =	ssyncadd.s32 $0xFFFFF800  }
0x1e8: {  	[tilespmem:s29], [sflag:$0x2] =	stream.indirect.gather [spmem:s3], $0x80, s11, s25, $0xb8;
	[tilespmem:$0x1F880] =	vst v63  }
0x1e9: {  	_ =	swait.ge [sflag:s30], $0x800  }
0x1ea: {  	[sflag:s30] =	ssyncset.done $0x0  }
0x1eb: {  	[sflag:s30] =	ssyncadd.s32 $0xFFFFF800  }
0x1ec: {  	[spmem:s4] =	stream.indirect.scatter.add.f32 [tilespmem:s26], [sflag:$0x3], $0x80, s15, s25, $0xb8;
	[tilespmem:$0x1F880] =	vst v63  }
0x1ed: {  	_ =	swait.ge [sflag:s31], $0x800  }
0x1ee: {  	[sflag:s31] =	ssyncset.done $0x0  }
0x1ef: {  	[sflag:s31] =	ssyncadd.s32 $0xFFFFF800  }
0x1f0: {  	[tilespmem:s26], [sflag:$0x1] =	stream.indirect.gather [spmem:s3], $0x80, s16, s25, $0xb8;
	[tilespmem:$0x1F880] =	vst v63  }
0x1f1: {  	_ =	swait.ge [sflag:s1], $0x800  }
0x1f2: {  	[sflag:s1] =	ssyncset.done $0x0  }
0x1f3: {  	[sflag:s1] =	ssyncadd.s32 $0xFFFFF800  }
0x1f4: {  	[spmem:s4] =	stream.indirect.scatter.add.f32 [tilespmem:s29], [sflag:$0x4], $0x80, s23, s25, $0xb8;
	[tilespmem:$0x1F880] =	vst v63  }
0x1f5: {  	_ =	swait.ge [sflag:s6], $0x800  }
0x1f6: {  	[sflag:s6] =	ssyncset.done $0x0  }
0x1f7: {  	[sflag:s6] =	ssyncadd.s32 $0xFFFFF800  }
0x1f8: {  	[tilespmem:s29], [sflag:$0x2] =	stream.indirect.gather [spmem:s3], $0x80, s24, s25, $0xb8;
	[tilespmem:$0x1F880] =	vst v63  }
0x1f9: {  	_ =	swait.ge [sflag:s30], $0x800  }
0x1fa: {  	[sflag:s30] =	ssyncset.done $0x0  }
0x1fb: {  	[sflag:s30] =	ssyncadd.s32 $0xFFFFF800  }
0x1fc: {  	[spmem:s4] =	stream.indirect.scatter.add.f32 [tilespmem:s26], [sflag:$0x3], $0x80, s8, s25, $0xb8;
	[tilespmem:$0x1F880] =	vst v63  }
0x1fd: {  	_ =	swait.ge [sflag:s1], $0x800  }
0x1fe: {  	[sflag:s1] =	ssyncset.done $0x0  }
0x1ff: {  	[sflag:s1] =	ssyncadd.s32 $0xFFFFF800  }
0x200: {  	[spmem:s4] =	stream.indirect.scatter.add.f32 [tilespmem:s29], [sflag:$0x4], $0x80, s17, s25, $0xb8;
	[tilespmem:$0x1F880] =	vst v63  }
0x201: {  	_ =	swait.ge [sflag:s31], $0x800  }
0x202: {  	[sflag:s31] =	ssyncset.done $0x0  }
0x203: {  	[sflag:s31] =	ssyncadd.s32 $0xFFFFF800  }
0x204: {  	_ =	swait.ge [sflag:s6], $0x800  }
0x205: {  	s28 =	simm.s32 $0x100;
	[sflag:s6] =	ssyncset.done $0x0  }
.LBB2_4:
0x206: {  	[sflag:s6] =	ssyncadd.s32 $0xFFFFF800;
	s0 =	smov.u32 s28;
	s28 =	sadd.s32 $0x100, s28  }
0x207: {  	_ =	swait.ge [sflag:s20], $0x400;
	p1 =	sne.s32 s28, $0x2800  }
0x208: {  	[sflag:s20] =	ssyncset.done $0x0  }
0x209: {  	[sflag:s20] =	ssyncadd.s32 $0xFFFFFC00  }
0x20a: {  	_ =	swait.ge [sflag:s20], $0x400  }
0x20b: {  	s2 =	sadd.s32 s0, s13;
	[sflag:s20] =	ssyncset.done $0x0  }
0x20c: {  	s7 =	sadd.s32 s0, s14;
	s2 =	sadd.s32 $0x80, s2;
	[sflag:s20] =	ssyncadd.s32 $0xFFFFFC00  }
0x20d: {  	[tilespmem:s21], [sflag:$0x6] =	stream.linear.gather [hbm4b:s2+s5], $0x400, $0x38;
	[tilespmem:$0x1F880] =	vst v63  }
0x20e: {  	s2 =	sadd.s32 $0x80, s7  }
0x20f: {  	[tilespmem:s22], [sflag:$0x6] =	stream.linear.gather [hbm4b:s2+s5], $0x400, $0x38;
	[tilespmem:$0x1F880] =	vst v63  }
0x210: {  	_ = 	snop  }
0x211: {  	[tilespmem:s26], [sflag:$0x1] =	stream.indirect.gather [spmem:s3], $0x80, s5, s25, $0xb8;
	[tilespmem:$0x1F880] =	vst v63  }
0x212: {  	s2 =	simm.s32 $0x80  }
0x213: {  	[tilespmem:s29], [sflag:$0x2] =	stream.indirect.gather [spmem:s3], $0x80, s2, s25, $0xb8;
	[tilespmem:$0x1F880] =	vst v63  }
0x214: {  	_ =	swait.ge [sflag:s30], $0x800  }
0x215: {  	[sflag:s30] =	ssyncset.done $0x0  }
0x216: {  	s2 =	simm.s32 $0x800;
	[sflag:s30] =	ssyncadd.s32 $0xFFFFF800  }
0x217: {  	[spmem:s4] =	stream.indirect.scatter.add.f32 [tilespmem:s26], [sflag:$0x3], $0x80, s2, s25, $0xb8;
	[tilespmem:$0x1F880] =	vst v63  }
0x218: {  	_ =	swait.ge [sflag:s31], $0x800  }
0x219: {  	[sflag:s31] =	ssyncset.done $0x0  }
0x21a: {  	s2 =	simm.s32 $0x100;
	[sflag:s31] =	ssyncadd.s32 $0xFFFFF800  }
0x21b: {  	[tilespmem:s26], [sflag:$0x1] =	stream.indirect.gather [spmem:s3], $0x80, s2, s25, $0xb8;
	[tilespmem:$0x1F880] =	vst v63  }
0x21c: {  	_ =	swait.ge [sflag:s1], $0x800  }
0x21d: {  	[sflag:s1] =	ssyncset.done $0x0  }
0x21e: {  	s2 =	simm.s32 $0x880;
	[sflag:s1] =	ssyncadd.s32 $0xFFFFF800  }
0x21f: {  	[spmem:s4] =	stream.indirect.scatter.add.f32 [tilespmem:s29], [sflag:$0x4], $0x80, s2, s25, $0xb8;
	[tilespmem:$0x1F880] =	vst v63  }
0x220: {  	_ =	swait.ge [sflag:s6], $0x800  }
0x221: {  	[sflag:s6] =	ssyncset.done $0x0  }
0x222: {  	s2 =	simm.s32 $0x180;
	[sflag:s6] =	ssyncadd.s32 $0xFFFFF800  }
0x223: {  	[tilespmem:s29], [sflag:$0x2] =	stream.indirect.gather [spmem:s3], $0x80, s2, s25, $0xb8;
	[tilespmem:$0x1F880] =	vst v63  }
0x224: {  	_ =	swait.ge [sflag:s30], $0x800  }
0x225: {  	[sflag:s30] =	ssyncset.done $0x0  }
0x226: {  	s2 =	simm.s32 $0x900;
	[sflag:s30] =	ssyncadd.s32 $0xFFFFF800  }
0x227: {  	[spmem:s4] =	stream.indirect.scatter.add.f32 [tilespmem:s26], [sflag:$0x3], $0x80, s2, s25, $0xb8;
	[tilespmem:$0x1F880] =	vst v63  }
0x228: {  	_ =	swait.ge [sflag:s31], $0x800  }
0x229: {  	[sflag:s31] =	ssyncset.done $0x0  }
0x22a: {  	s2 =	simm.s32 $0x200;
	[sflag:s31] =	ssyncadd.s32 $0xFFFFF800  }
0x22b: {  	[tilespmem:s26], [sflag:$0x1] =	stream.indirect.gather [spmem:s3], $0x80, s2, s25, $0xb8;
	[tilespmem:$0x1F880] =	vst v63  }
0x22c: {  	_ =	swait.ge [sflag:s1], $0x800  }
0x22d: {  	[sflag:s1] =	ssyncset.done $0x0  }
0x22e: {  	s2 =	simm.s32 $0x980;
	[sflag:s1] =	ssyncadd.s32 $0xFFFFF800  }
0x22f: {  	[spmem:s4] =	stream.indirect.scatter.add.f32 [tilespmem:s29], [sflag:$0x4], $0x80, s2, s25, $0xb8;
	[tilespmem:$0x1F880] =	vst v63  }
0x230: {  	_ =	swait.ge [sflag:s6], $0x800  }
0x231: {  	[sflag:s6] =	ssyncset.done $0x0  }
0x232: {  	s2 =	simm.s32 $0x280;
	[sflag:s6] =	ssyncadd.s32 $0xFFFFF800  }
0x233: {  	[tilespmem:s29], [sflag:$0x2] =	stream.indirect.gather [spmem:s3], $0x80, s2, s25, $0xb8;
	[tilespmem:$0x1F880] =	vst v63  }
0x234: {  	_ =	swait.ge [sflag:s30], $0x800  }
0x235: {  	[sflag:s30] =	ssyncset.done $0x0  }
0x236: {  	s2 =	simm.s32 $0xA00;
	[sflag:s30] =	ssyncadd.s32 $0xFFFFF800  }
0x237: {  	[spmem:s4] =	stream.indirect.scatter.add.f32 [tilespmem:s26], [sflag:$0x3], $0x80, s2, s25, $0xb8;
	[tilespmem:$0x1F880] =	vst v63  }
0x238: {  	_ =	swait.ge [sflag:s31], $0x800  }
0x239: {  	[sflag:s31] =	ssyncset.done $0x0  }
0x23a: {  	s2 =	simm.s32 $0x300;
	[sflag:s31] =	ssyncadd.s32 $0xFFFFF800  }
0x23b: {  	[tilespmem:s26], [sflag:$0x1] =	stream.indirect.gather [spmem:s3], $0x80, s2, s25, $0xb8;
	[tilespmem:$0x1F880] =	vst v63  }
0x23c: {  	_ =	swait.ge [sflag:s1], $0x800  }
0x23d: {  	[sflag:s1] =	ssyncset.done $0x0  }
0x23e: {  	s2 =	simm.s32 $0xA80;
	[sflag:s1] =	ssyncadd.s32 $0xFFFFF800  }
0x23f: {  	[spmem:s4] =	stream.indirect.scatter.add.f32 [tilespmem:s29], [sflag:$0x4], $0x80, s2, s25, $0xb8;
	[tilespmem:$0x1F880] =	vst v63  }
0x240: {  	_ =	swait.ge [sflag:s6], $0x800  }
0x241: {  	[sflag:s6] =	ssyncset.done $0x0  }
0x242: {  	s2 =	simm.s32 $0x380;
	[sflag:s6] =	ssyncadd.s32 $0xFFFFF800  }
0x243: {  	[tilespmem:s29], [sflag:$0x2] =	stream.indirect.gather [spmem:s3], $0x80, s2, s25, $0xb8;
	[tilespmem:$0x1F880] =	vst v63  }
0x244: {  	_ =	swait.ge [sflag:s30], $0x800  }
0x245: {  	[sflag:s30] =	ssyncset.done $0x0  }
0x246: {  	s2 =	simm.s32 $0xB00;
	[sflag:s30] =	ssyncadd.s32 $0xFFFFF800  }
0x247: {  	[spmem:s4] =	stream.indirect.scatter.add.f32 [tilespmem:s26], [sflag:$0x3], $0x80, s2, s25, $0xb8;
	[tilespmem:$0x1F880] =	vst v63  }
0x248: {  	_ =	swait.ge [sflag:s1], $0x800  }
0x249: {  	[sflag:s1] =	ssyncset.done $0x0  }
0x24a: {  	s2 =	simm.s32 $0xB80;
	[sflag:s1] =	ssyncadd.s32 $0xFFFFF800  }
0x24b: {  	[spmem:s4] =	stream.indirect.scatter.add.f32 [tilespmem:s29], [sflag:$0x4], $0x80, s2, s25, $0xb8;
	[tilespmem:$0x1F880] =	vst v63  }
0x24c: {  	_ =	swait.ge [sflag:s31], $0x800  }
0x24d: {  	[sflag:s31] =	ssyncset.done $0x0  }
0x24e: {  	[sflag:s31] =	ssyncadd.s32 $0xFFFFF800  }
0x24f: {  	_ =	swait.ge [sflag:s6], $0x800  }
0x250: {  	[sflag:s6] =	ssyncset.done $0x0  }
0x251: {  	[sflag:s6] =	ssyncadd.s32 $0xFFFFF800  }
0x252: {  	_ =	swait.ge [sflag:s19], $0x400  }
0x253: {  	[sflag:s19] =	ssyncset.done $0x0  }
0x254: {  	[sflag:s19] =	ssyncadd.s32 $0xFFFFFC00  }
0x255: {  	p2 =	seq.s32 s0, $0x2700;
	_ =	swait.ge [sflag:s19], $0x400  }
0x256: {  	s2 =	sadd.s32 @!p2 s0, s13;
	s0 =	sadd.s32 @!p2 s0, s14;
	[sflag:s19] =	ssyncset.done $0x0  }
0x257: {  	s7 =	simm.s32 @!p2 $0x0;
	s2 =	sadd.s32 @!p2 $0x100, s2;
	[sflag:s19] =	ssyncadd.s32 $0xFFFFFC00  }
0x258: {  	[tilespmem:s7], [sflag:$0x5] =	stream.linear.gather @!p2 [hbm4b:s2+s7], $0x400, $0x38;
	[tilespmem:$0x1F880] =	vst v63  }
0x259: {  	s0 =	sadd.s32 @!p2 $0x100, s0;
	s2 =	simm.s32 @!p2 $0x800  }
0x25a: {  	[tilespmem:s2], [sflag:$0x5] =	stream.linear.gather @!p2 [hbm4b:s0+s7], $0x400, $0x38;
	[tilespmem:$0x1F880] =	vst v63  }
0x25b: {  	_ = 	snop  }
0x25c: {  	[tilespmem:s26], [sflag:$0x1] =	stream.indirect.gather [spmem:s3], $0x80, s21, s25, $0xb8;
	[tilespmem:$0x1F880] =	vst v63  }
0x25d: {  	s0 =	simm.s32 $0x480  }
0x25e: {  	[tilespmem:s29], [sflag:$0x2] =	stream.indirect.gather [spmem:s3], $0x80, s0, s25, $0xb8;
	[tilespmem:$0x1F880] =	vst v63  }
0x25f: {  	_ =	swait.ge [sflag:s30], $0x800  }
0x260: {  	[sflag:s30] =	ssyncset.done $0x0  }
0x261: {  	[sflag:s30] =	ssyncadd.s32 $0xFFFFF800  }
0x262: {  	[spmem:s4] =	stream.indirect.scatter.add.f32 [tilespmem:s26], [sflag:$0x3], $0x80, s22, s25, $0xb8;
	[tilespmem:$0x1F880] =	vst v63  }
0x263: {  	_ =	swait.ge [sflag:s31], $0x800  }
0x264: {  	[sflag:s31] =	ssyncset.done $0x0  }
0x265: {  	s0 =	simm.s32 $0x500;
	[sflag:s31] =	ssyncadd.s32 $0xFFFFF800  }
0x266: {  	[tilespmem:s26], [sflag:$0x1] =	stream.indirect.gather [spmem:s3], $0x80, s0, s25, $0xb8;
	[tilespmem:$0x1F880] =	vst v63  }
0x267: {  	_ =	swait.ge [sflag:s1], $0x800  }
0x268: {  	[sflag:s1] =	ssyncset.done $0x0  }
0x269: {  	s0 =	simm.s32 $0xC80;
	[sflag:s1] =	ssyncadd.s32 $0xFFFFF800  }
0x26a: {  	[spmem:s4] =	stream.indirect.scatter.add.f32 [tilespmem:s29], [sflag:$0x4], $0x80, s0, s25, $0xb8;
	[tilespmem:$0x1F880] =	vst v63  }
0x26b: {  	_ =	swait.ge [sflag:s6], $0x800  }
0x26c: {  	[sflag:s6] =	ssyncset.done $0x0  }
0x26d: {  	s0 =	simm.s32 $0x580;
	[sflag:s6] =	ssyncadd.s32 $0xFFFFF800  }
0x26e: {  	[tilespmem:s29], [sflag:$0x2] =	stream.indirect.gather [spmem:s3], $0x80, s0, s25, $0xb8;
	[tilespmem:$0x1F880] =	vst v63  }
0x26f: {  	_ =	swait.ge [sflag:s30], $0x800  }
0x270: {  	[sflag:s30] =	ssyncset.done $0x0  }
0x271: {  	[sflag:s30] =	ssyncadd.s32 $0xFFFFF800  }
0x272: {  	[spmem:s4] =	stream.indirect.scatter.add.f32 [tilespmem:s26], [sflag:$0x3], $0x80, s18, s25, $0xb8;
	[tilespmem:$0x1F880] =	vst v63  }
0x273: {  	_ =	swait.ge [sflag:s31], $0x800  }
0x274: {  	[sflag:s31] =	ssyncset.done $0x0  }
0x275: {  	[sflag:s31] =	ssyncadd.s32 $0xFFFFF800  }
0x276: {  	[tilespmem:s26], [sflag:$0x1] =	stream.indirect.gather [spmem:s3], $0x80, s9, s25, $0xb8;
	[tilespmem:$0x1F880] =	vst v63  }
0x277: {  	_ =	swait.ge [sflag:s1], $0x800  }
0x278: {  	[sflag:s1] =	ssyncset.done $0x0  }
0x279: {  	[sflag:s1] =	ssyncadd.s32 $0xFFFFF800  }
0x27a: {  	[spmem:s4] =	stream.indirect.scatter.add.f32 [tilespmem:s29], [sflag:$0x4], $0x80, s10, s25, $0xb8;
	[tilespmem:$0x1F880] =	vst v63  }
0x27b: {  	_ =	swait.ge [sflag:s6], $0x800  }
0x27c: {  	[sflag:s6] =	ssyncset.done $0x0  }
0x27d: {  	[sflag:s6] =	ssyncadd.s32 $0xFFFFF800  }
0x27e: {  	[tilespmem:s29], [sflag:$0x2] =	stream.indirect.gather [spmem:s3], $0x80, s11, s25, $0xb8;
	[tilespmem:$0x1F880] =	vst v63  }
0x27f: {  	_ =	swait.ge [sflag:s30], $0x800  }
0x280: {  	[sflag:s30] =	ssyncset.done $0x0  }
0x281: {  	[sflag:s30] =	ssyncadd.s32 $0xFFFFF800  }
0x282: {  	[spmem:s4] =	stream.indirect.scatter.add.f32 [tilespmem:s26], [sflag:$0x3], $0x80, s15, s25, $0xb8;
	[tilespmem:$0x1F880] =	vst v63  }
0x283: {  	_ =	swait.ge [sflag:s31], $0x800  }
0x284: {  	[sflag:s31] =	ssyncset.done $0x0  }
0x285: {  	[sflag:s31] =	ssyncadd.s32 $0xFFFFF800  }
0x286: {  	[tilespmem:s26], [sflag:$0x1] =	stream.indirect.gather [spmem:s3], $0x80, s16, s25, $0xb8;
	[tilespmem:$0x1F880] =	vst v63  }
0x287: {  	_ =	swait.ge [sflag:s1], $0x800  }
0x288: {  	[sflag:s1] =	ssyncset.done $0x0  }
0x289: {  	[sflag:s1] =	ssyncadd.s32 $0xFFFFF800  }
0x28a: {  	[spmem:s4] =	stream.indirect.scatter.add.f32 [tilespmem:s29], [sflag:$0x4], $0x80, s23, s25, $0xb8;
	[tilespmem:$0x1F880] =	vst v63  }
0x28b: {  	_ =	swait.ge [sflag:s6], $0x800  }
0x28c: {  	[sflag:s6] =	ssyncset.done $0x0  }
0x28d: {  	[sflag:s6] =	ssyncadd.s32 $0xFFFFF800  }
0x28e: {  	[tilespmem:s29], [sflag:$0x2] =	stream.indirect.gather [spmem:s3], $0x80, s24, s25, $0xb8;
	[tilespmem:$0x1F880] =	vst v63  }
0x28f: {  	_ =	swait.ge [sflag:s30], $0x800  }
0x290: {  	[sflag:s30] =	ssyncset.done $0x0  }
0x291: {  	[sflag:s30] =	ssyncadd.s32 $0xFFFFF800  }
0x292: {  	[spmem:s4] =	stream.indirect.scatter.add.f32 [tilespmem:s26], [sflag:$0x3], $0x80, s8, s25, $0xb8;
	[tilespmem:$0x1F880] =	vst v63  }
0x293: {  	_ =	swait.ge [sflag:s1], $0x800  }
0x294: {  	[sflag:s1] =	ssyncset.done $0x0  }
0x295: {  	[sflag:s1] =	ssyncadd.s32 $0xFFFFF800  }
0x296: {  	[spmem:s4] =	stream.indirect.scatter.add.f32 [tilespmem:s29], [sflag:$0x4], $0x80, s17, s25, $0xb8;
	[tilespmem:$0x1F880] =	vst v63  }
.Ltmp1:
0x297: {  	_ =	swait.ge [sflag:s31], $0x800;
	(pc) =	sbr.rel @p1 .LBB2_4-.Ltmp1, $4  }
0x298: {  	[sflag:s31] =	ssyncset.done $0x0  }
0x299: {  	[sflag:s31] =	ssyncadd.s32 $0xFFFFF800  }
0x29a: {  	_ =	swait.ge [sflag:s6], $0x800  }
0x29b: {  	[sflag:s6] =	ssyncset.done $0x0  }
0x29c: {  	[sflag:s6] =	ssyncadd.s32 $0xFFFFF800  }
0x29d: {  	[bflag:$0x0] =	sbarrier.arrive $0xFFFF  }
0x29e: {  	s28 =	rddreg [dreg:$0xd]  }
0x29f: {  	s0 =	rddreg [dreg:$0xf]  }
0x2a0: {  	s2 =	rddreg [dreg:$0x11]  }
0x2a1: {  	[hbm:s0], [sflag:s28] =	dma.local [spmem:s2], $0x1400  }
0x2a2: {  	s2 =	simm.s32 $0x7  }
0x2a3: {  	_ =	swait.ge [sflag:s2], $0x1400  }
0x2a4: {  	s7 =	rddreg [dreg:$0x10]  }
0x2a5: {  	s8 =	rddreg [dreg:$0xa];
	s7 =	sadd.s32 $0x1, s7  }
0x2a6: {  	p1 =	sne.s32 s7, s8  }
.Ltmp2:
0x2a7: {  	_ = 	snop;
	(pc) =	sbr.rel @p1 .LBB2_1-.Ltmp2, $3  }
0x2a8: {  	_ =	sdelay $0x1  }
0x2a9: {  	[sflag:s2] =	ssyncset.done $0x0  }
0x2aa: {  	[sflag:s2] =	ssyncadd.s32 $0xFFFFEC00  }
0x2ab: {  	_ =	sfence.sel $0x180000  }
0x2ac: {  	[bflag:$0x0] =	sbarrier.arrive $0xFFFF  }
0x2ad: {  	_ =	strace $0x9000004A  }
0x2ae: {  	s0 =	stileid.u32;
	[bflag:$0x2] =	sbarrier.arrive $0xFFFF  }
0x2af: {  	p0 =	sne.s32 s0, $0x0;
	s0 =	rddreg [dreg:$0x4]  }
0x2b0: {  	s0 =	sadd.s32 @!p0 $0x100000, s0  }
0x2b1: {  	[sflag:s0] =	ssyncadd.tile.s32 @!p0 $0x1;
	_ =	shalt  }
.Lfunc_end2:
_tile_overlayer_lowered:
.L_overlay_start_2:
0x2b2: {  	(tag) =	ssettag $0x2  }
0x2b3: {  	s0 =	rddreg [dreg:$0x0];
	s2 =	stileid.u32  }
0x2b4: {  	s1 =	rddreg [dreg:$0x1];
	p0 =	sne.s32 s2, $0x0  }
0x2b5: {  	s3 =	rddreg [dreg:$0x2];
	[bflag:$0x3] =	sbarrier.arrive $0xFFFF;
	s2 =	simm.s32 @!p0 $0x1C07  }
0x2b6: {  	[timem:s3], [sflag:s2] =	dma.local @!p0 [hbm:s0], s1  }
0x2b7: {  	s0 =	simm.s32 @!p0 $0x7  }
0x2b8: {  	_ =	swait.ge @!p0 [sflag:s0], s1  }
0x2b9: {  	s1 =	ssub.s32 @!p0 $0x0, s1;
	[sflag:s0] =	ssyncset.done @!p0 $0x0  }
0x2ba: {  	[sflag:s0] =	ssyncadd.s32 @!p0 s1  }
0x2bb: {  	[bflag:$0x3] =	sbarrier.arrive $0xFFFF  }
0x2bc: {  	_ =	shalt  }

// kernel: kernel.14.cloned.1.call-start
scs
__scs_entry_jumppad:
0x0: {  	(pc) =	sbr.rel $0x88, $3  }
0x1: {  	(tag) =	ssettag $0x0;
	lr =	simm.s32 $0x1  }
0x2: {  	[smem:$0x3F99] =	sst lr;
	_ =	strace $0xD0000000  }
0x3: {  	_ = 	snop  }
0x4: {  	_ = 	snop  }
0x5: {  	_ = 	snop  }
0x6: {  	_ = 	snop  }
0x7: {  	_ = 	snop  }
__scs_overlays_trampoline_lowered:
0x8: {  	[smem:$0x3FA8] =	sst s0  }
0x9: {  	[smem:$0x3FA9] =	sst s1  }
0xa: {  	[smem:$0x3FAA] =	sst s2  }
0xb: {  	[smem:$0x3FAB] =	sst s3  }
0xc: {  	[smem:$0x3FAC] =	sst s4  }
0xd: {  	[smem:$0x3FAD] =	sst s5  }
0xe: {  	[smem:$0x3FAE] =	sst s6  }
0xf: {  	[smem:$0x3FAF] =	sst s7  }
0x10: {  	[smem:$0x3FB0] =	sst s8  }
0x11: {  	[smem:$0x3FB1] =	sst s9;
	s0 =	simm.s32 @!p0 $0x0  }
0x12: {  	s1 =	sld [smem:$0x3F97];
	s0 =	simm.s32 @p0 $0x1  }
0x13: {  	[smem:$0x3FB2] =	sst s0;
	s0 =	simm.s32 @!p1 $0x0  }
0x14: {  	s2 =	sld [smem:$0x3F96];
	s0 =	simm.s32 @p1 $0x1  }
0x15: {  	[smem:$0x3FB3] =	sst s0;
	s0 =	simm.s32 @!p2 $0x0  }
0x16: {  	s3 =	sld [smem:$0x3FDB];
	s0 =	simm.s32 @p2 $0x1  }
0x17: {  	s4 =	simm.s32 $0x1BF5;
	[smem:$0x3FB5] =	sst s0  }
0x18: {  	s0 =	sld [smem:$0x3F98];
	_ =	swait.ge [sflag:s4], $0x0  }
0x19: {  	s7 =	sld [smem:$0x3F99]  }
0x1a: {  	s8 =	sadd.s32 $0xFFFFE003, lr  }
0x1b: {  	s9 =	sadd.s32 $0xFFFFFEF7, lr;
	s5 =	simm.s32 $0xFFFFFFFF;
	p2 =	slt.u32 s8, $0xFFFFF086  }
0x1c: {  	p1 =	slt.u32 s9, $0xF7A;
	s5 =	simm.s32 @!p2 $0x0  }
0x1d: {  	s5 =	simm.s32 @p1 $0x1;
	p0 =	seq.s32 s7, s2  }
0x1e: {  	s7 =	smul.u32 @!p0 $0xF7A, s2;
	p2 =	seq.s32 @!p0 s5, $0x0  }
0x1f: {  	s9 =	smul.u32 $0xF7A, s1;
	s8 =	simm.s32 @!p0 $0x1BF5;
	p2 =	por !p2, p0  }
0x20: {  	[sflag:s8] =	ssyncset.s32 @!p0 $0xFFFFF086;
	s6 =	sadd.s32 @!p0 s3, s7;
	s7 =	simm.s32 @!p0 $0x108  }
0x21: {  	s3 =	sadd.s32 s3, s9;
	s6 =	sadd.s32 @!p0 $0x88, s6;
	s7 =	simm.s32 @p2 $0x1082  }
0x22: {  	[simem:s7], [sflag:s8] =	dma.local @!p0 [hbm:s6], $0xF7A  }
0x23: {  	s9 =	sor.u32 $0xD0000000, s2;
	s6 =	simm.s32 $0x108;
	_ =	swait.ge @!p0 [sflag:s8], $0x0  }
0x24: {  	s3 =	sadd.s32 $0x88, s3;
	s6 =	simm.s32 @!p1 $0x1082;
	[sflag:s4] =	ssyncset.s32 $0xFFFFF086  }
0x25: {  	[simem:s6], [sflag:s4] =	dma.local [hbm:s3], $0xF7A  }
0x26: {  	[smem:$0x3F99] =	sst s1;
	(tag) =	ssettag s2;
	_ =	strace s9  }
0x27: {  	s1 =	sld [smem:$0x3FA9]  }
0x28: {  	s2 =	sld [smem:$0x3FAA]  }
0x29: {  	s4 =	sld [smem:$0x3FAC]  }
0x2a: {  	p0 =	seq.s32 s5, $0x0;
	s5 =	sld [smem:$0x3FAD]  }
0x2b: {  	s6 =	sld [smem:$0x3FAE]  }
0x2c: {  	s7 =	sld [smem:$0x3FAF]  }
0x2d: {  	s3 =	simm.s32 $0x108;
	s8 =	sld [smem:$0x3FB0]  }
0x2e: {  	s3 =	simm.s32 @!p0 $0x1082;
	s9 =	sld [smem:$0x3FB1]  }
0x2f: {  	lr =	sadd.s32 s0, s3;
	s0 =	sld [smem:$0x3FA8]  }
0x30: {  	s3 =	sld [smem:$0x3FAB]  }
0x31: {  	[smem:$0x3FB4] =	sst s10  }
0x32: {  	s10 =	sld [smem:$0x3FB2];
	_ =	sdelay $0x3  }
0x33: {  	p0 =	seq.s32 s10, $0x1;
	s10 =	sld [smem:$0x3FB4];
	_ =	sdelay $0x3  }
0x34: {  	[smem:$0x3FB4] =	sst s10  }
0x35: {  	s10 =	sld [smem:$0x3FB3];
	_ =	sdelay $0x3  }
0x36: {  	p1 =	seq.s32 s10, $0x1;
	s10 =	sld [smem:$0x3FB4];
	_ =	sdelay $0x3  }
0x37: {  	[smem:$0x3FB4] =	sst s10  }
0x38: {  	s10 =	sld [smem:$0x3FB5]  }
0x39: {  	_ = 	snop;
	(pc) =	sbr.ind lr, $3  }
0x3a: {  	_ = 	snop  }
0x3b: {  	_ = 	snop  }
0x3c: {  	p2 =	seq.s32 s10, $0x1;
	s10 =	sld [smem:$0x3FB4]  }
0x3d: {  	_ =	shalt  }
0x3e: {  	_ =	shalt  }
0x3f: {  	_ =	shalt  }
0x40: {  	_ =	shalt  }
0x41: {  	_ =	shalt  }
0x42: {  	_ =	shalt  }
0x43: {  	_ =	shalt  }
0x44: {  	_ =	shalt  }
0x45: {  	_ =	shalt  }
0x46: {  	_ =	shalt  }
0x47: {  	_ =	shalt  }
0x48: {  	_ =	shalt  }
0x49: {  	_ =	shalt  }
0x4a: {  	_ =	shalt  }
0x4b: {  	_ =	shalt  }
0x4c: {  	_ =	shalt  }
0x4d: {  	_ =	shalt  }
0x4e: {  	_ =	shalt  }
0x4f: {  	_ =	shalt  }
0x50: {  	_ =	shalt  }
0x51: {  	_ =	shalt  }
0x52: {  	_ =	shalt  }
0x53: {  	_ =	shalt  }
0x54: {  	_ =	shalt  }
0x55: {  	_ =	shalt  }
0x56: {  	_ =	shalt  }
0x57: {  	_ =	shalt  }
0x58: {  	_ =	shalt  }
0x59: {  	_ =	shalt  }
0x5a: {  	_ =	shalt  }
0x5b: {  	_ =	shalt  }
0x5c: {  	_ =	shalt  }
0x5d: {  	_ =	shalt  }
0x5e: {  	_ =	shalt  }
0x5f: {  	_ =	shalt  }
0x60: {  	_ =	shalt  }
0x61: {  	_ =	shalt  }
0x62: {  	_ =	shalt  }
0x63: {  	_ =	shalt  }
0x64: {  	_ =	shalt  }
0x65: {  	_ =	shalt  }
0x66: {  	_ =	shalt  }
0x67: {  	_ =	shalt  }
0x68: {  	_ =	shalt  }
0x69: {  	_ =	shalt  }
0x6a: {  	_ =	shalt  }
0x6b: {  	_ =	shalt  }
0x6c: {  	_ =	shalt  }
0x6d: {  	_ =	shalt  }
0x6e: {  	_ =	shalt  }
0x6f: {  	_ =	shalt  }
0x70: {  	_ =	shalt  }
0x71: {  	_ =	shalt  }
0x72: {  	_ =	shalt  }
0x73: {  	_ =	shalt  }
0x74: {  	_ =	shalt  }
0x75: {  	_ =	shalt  }
0x76: {  	_ =	shalt  }
0x77: {  	_ =	shalt  }
0x78: {  	_ =	shalt  }
0x79: {  	_ =	shalt  }
0x7a: {  	_ =	shalt  }
0x7b: {  	_ =	shalt  }
0x7c: {  	_ =	shalt  }
0x7d: {  	_ =	shalt  }
0x7e: {  	_ =	shalt  }
0x7f: {  	_ =	shalt  }
0x80: {  	_ =	shalt  }
0x81: {  	_ =	shalt  }
0x82: {  	_ =	shalt  }
0x83: {  	_ =	shalt  }
0x84: {  	_ =	shalt  }
0x85: {  	_ =	shalt  }
0x86: {  	_ =	shalt  }
0x87: {  	_ =	shalt  }
.Lfunc_end0:
.L_simem_size_0:
called_computation.2_lowered:
.L_overlay_start_0:
0x88: {  	s2 =	sld [smem:$0x3FD9]  }
0x89: {  	s3 =	sld [smem:$0x3FFE];
	_ =	sdelay $0x1  }
0x8a: {  	s1 =	srdreg.scid  }
0x8b: {  	s0 =	sand.u32 $0x1, s1  }
0x8c: {  	s14 =	sshll.u32 s0, $0xA;
	s2 =	sadd.s32 s3, s2  }
0x8d: {  	s2 =	sadd.s32 s2, s14  }
0x8e: {  	[smem:$0x3FC0] =	sst s2  }
0x8f: {  	_ = 	snop  }
0x90: {  	s2 =	sld [smem:$0x3FD0];
	_ =	sdelay $0x2  }
0x91: {  	s15 =	simm.s32 $0xA;
	s4 =	simm.s32 $0x10  }
0x92: {  	[smem:s4], [sflag:s15] =	dma.local [hbm:s2], $0x1  }
0x93: {  	_ =	swait.eq [sflag:s15], $0x1  }
0x94: {  	[sflag:s15] =	ssyncset.done $0x0  }
0x95: {  	[sflag:s15] =	ssyncadd.s32 $0xFFFFFFFF  }
0x96: {  	s16 =	sld [smem:$0x11];
	(tm) =	ssettm $0x1  }
0x97: {  	s17 =	sld [smem:$0x3FFB];
	_ =	sdelay $0x3  }
0x98: {  	_ =	strace s17  }
0x99: {  	s3 =	sld [smem:$0x3FFC];
	_ =	sdelay $0x3  }
0x9a: {  	_ =	strace s3  }
0x9b: {  	s3 =	sld [smem:$0x3FFD];
	_ =	sdelay $0x3  }
0x9c: {  	_ =	strace s3  }
0x9d: {  	_ =	strace $0x8FFFFFFF  }
0x9e: {  	s18 =	sld [smem:$0x3FDB];
	_ =	sdelay $0x1  }
0x9f: {  	s19 =	simm.s32 $_scs_section_size  }
0xa0: {  	s5 =	simm.s32 $_size__tile_overlayer_lowered;
	s6 =	simm.s32 $_tile_overlayer_lowered  }
0xa1: {  	s22 =	simm.s32 $0x1BFF;
	s21 =	sshll.u32 s6, $0x1;
	s3 =	sadd.s32 s19, s18  }
0xa2: {  	s7 =	simm.s32 $0x0;
	s20 =	sshll.u32 s5, $0x1;
	s5 =	sadd.s32 s21, s3  }
0xa3: {  	[timem:s7], [sflag:s22] =	dma.local [hbm:s5], s20  }
0xa4: {  	_ =	swait.ge [sflag:s22], s20  }
0xa5: {  	s4 =	ssub.s32 $0x0, s20;
	[sflag:s22] =	ssyncset.done $0x0  }
0xa6: {  	[sflag:s22] =	ssyncadd.s32 s4;
	_ =	sdelay $0x1  }
0xa7: {  	s23 =	simm.s32 $0x1B8B  }
0xa8: {  	_ =	swait.ge [sflag:s23], $0x1  }
0xa9: {  	[sflag:s23] =	ssyncset.done $0x0  }
0xaa: {  	s25 =	simm.s32 $0x1B8E;
	s24 =	sld [smem:$0x3FFE];
	[sflag:s23] =	ssyncadd.s32 $0xFFFFFFFF  }
0xab: {  	s26 =	simm.s32 $execute0_lowered;
	[smem:$0x3FD2] =	sst s25  }
0xac: {  	s5 =	sshll.u32 s26, $0x1;
	_ =	strace $0x8000004C;
	[dreg:$0x1] =	wrdreg $0xFFFFFFFF  }
0xad: {  	s28 =	simm.s32 $_size_execute0_lowered;
	s3 =	sadd.s32 s3, s5;
	[dreg:$0x0] =	wrdreg $0x0  }
0xae: {  	s5 =	sshll.u32 s28, $0x1;
	[dreg:$0x2] =	wrdreg s3  }
0xaf: {  	[dreg:$0x3] =	wrdreg s5  }
0xb0: {  	[dreg:$0x4] =	wrdreg $0xC0  }
0xb1: {  	_ =	task [dreg:s7], $0x5FFFF  }
0xb2: {  	[dreg:$0x1] =	wrdreg $0xFFFFFFFF  }
0xb3: {  	[dreg:$0x0] =	wrdreg $0x60  }
0xb4: {  	[dreg:$0x2] =	wrdreg s24  }
0xb5: {  	[dreg:$0x3] =	wrdreg s16  }
0xb6: {  	[dreg:$0x4] =	wrdreg $0x20000  }
0xb7: {  	[dreg:$0x5] =	wrdreg $0x158800  }
0xb8: {  	[dreg:$0x6] =	wrdreg $0x9  }
0xb9: {  	_ =	task.clear_ibuf [dreg:s7], $0x7FFFF;
	_ =	strace $0x9000004C  }
0xba: {  	s29 =	simm.s32 $0x9;
	_ =	strace $0x8000004E  }
0xbb: {  	_ =	swait.ge [sflag:s29], $0x1  }
0xbc: {  	[sflag:s29] =	ssyncadd.s32 $0xFFFFFFFF  }
0xbd: {  	_ =	strace $0x9000004E  }
0xbe: {  	_ =	sfence  }
0xbf: {  	s30 =	sld [smem:$0x0];
	_ =	sdelay $0x2  }
0xc0: {  	s31 =	sshll.u32 s1, $0xD;
	s1 =	sshrl.u32 s1, $0x2  }
0xc1: {  	s3 =	sand.u32 $0x4000, s31;
	s1 =	sadd.s32 s1, s30  }
0xc2: {  	s0 =	sor.u32 s3, s0;
	s1 =	sshll.u32 s1, $0x11  }
0xc3: {  	s0 =	sor.u32 s1, s0  }
0xc4: {  	s0 =	sadd.s32 $0x8F2B, s0  }
0xc5: {  	[sflag:s0] =	ssyncadd.remote.s32 $0x1  }
0xc6: {  	_ =	sfence.sel $0xFFFF  }
0xc7: {  	[dreg:$0x0] =	wrdreg $0xFFFFFFFF;
	(pc) =	sbr.abs _section_cstart, $3  }
0xc8: {  	[dreg:$0x1] =	wrdreg $0xFFFFFFFF  }
0xc9: {  	_ =	task.clear_ibuf [dreg:s7], $0x2FFFF;
	_ =	strace $0x9FFFFFFF  }
0xca: {  	(tm) =	ssettm $0x7FFFFFFF  }
0xcb: {  	_ =	shalt  }
tec
execute0_lowered:
.L_overlay_start_1:
0x0: {  	(tag) =	ssettag $0x1  }
0x1: {  	s0 =	rddreg [dreg:$0x0]  }
0x2: {  	s3 =	rddreg [dreg:$0x2]  }
0x3: {  	s4 =	rddreg [dreg:$0x3];
	s17 =	stileid.u32  }
0x4: {  	s5 =	simm.s32 $0x0;
	s2 =	srdreg.scid;
	s20 =	simm.s32 $0x5  }
0x5: {  	s21 =	simm.s32 $0x400;
	s29 =	simm.s32 $0x1800;
	s1 =	smul.u32 $0x3E80, s17  }
0x6: {  	s30 =	simm.s32 $0x1;
	s31 =	simm.s32 $0x3;
	s11 =	smul.u32 $0x7D000, s17  }
0x7: {  	[smem:$0x7FF] =	sst s5;
	s2 =	sand.u32 $0x1, s2;
	s15 =	smul.u32 $0x28000, s17  }
0x8: {  	s6 =	sadd.s32 $0x105C00, s0;
	s7 =	sadd.s32 $0x65C00, s0;
	s19 =	smul.u32 $0x1400, s17  }
0x9: {  	s9 =	sadd.s32 $0xB5C00, s0;
	s14 =	sshll.u32 s17, $0x1;
	s23 =	smul.u32 $0x5000, s17  }
0xa: {  	p0 =	sgt.u32 s17, $0x9;
	s25 =	sshll.u32 s17, $0x6;
	_ =	strace $0x8000004D  }
0xb: {  	s8 =	smul.u32 $0x14000, s2;
	s10 =	ssub.s32 $0x2, s2;
	s14 =	sor.u32 s2, s14  }
0xc: {  	s2 =	smul.u32 $0x2800, s2;
	s28 =	sor.u32 $0x1C07, s25;
	s25 =	simm.s32 $0x10  }
0xd: {  	s1 =	sadd.s32 s1, s0;
	s13 =	sshrl.u32 s10, $0x1;
	s11 =	sshrl.u32 s11, $0x2  }
0xe: {  	s26 =	smul.u32 $0x2800, s14;
	s18 =	sshrl.u32 s15, $0x2;
	[dreg:$0xd] =	wrdreg s28  }
0xf: {  	s15 =	simm.s32 $0xE00;
	s12 =	sadd.s32 s8, s0;
	s10 =	ssub.s32 s10, s13  }
0x10: {  	s11 =	sadd.s32 s11, s3;
	s1 =	sadd.s32 $0x2C00, s1;
	s0 =	sadd.s32 $0x17DC00, s0  }
0x11: {  	[dreg:$0x5] =	wrdreg s1;
	s1 =	sadd.s32 s18, s4;
	s22 =	sadd.s32 s6, s26  }
0x12: {  	s14 =	sadd.s32 s7, s26;
	s16 =	sadd.s32 $0x155C00, s12;
	[dreg:$0x6] =	wrdreg s1  }
0x13: {  	s24 =	sadd.s32 s9, s26;
	s7 =	sadd.s32 s23, s7;
	[dreg:$0x7] =	wrdreg s22  }
0x14: {  	s10 =	smax.u32 s10, $0x1;
	s6 =	sadd.s32 s23, s6;
	[dreg:$0x8] =	wrdreg s14  }
0x15: {  	s0 =	sadd.s32 s8, s0;
	s18 =	simm.s32 $0xD00;
	[dreg:$0x9] =	wrdreg s24  }
0x16: {  	[dreg:$0xa] =	wrdreg s10;
	s12 =	sadd.s32 s2, s7;
	s13 =	sadd.s32 s2, s6  }
0x17: {  	s1 =	sadd.s32 s23, s9;
	s22 =	simm.s32 $0xC00;
	s26 =	sadd.s32 s19, s16  }
0x18: {  	s0 =	sadd.s32 s19, s0;
	s6 =	simm.s32 $0x4;
	s19 =	simm.s32 $0x6  }
0x19: {  	s7 =	simm.s32 $0x0;
	s9 =	simm.s32 $0x600;
	s10 =	simm.s32 $0xD80  }
0x1a: {  	s16 =	simm.s32 $0x700;
	s23 =	simm.s32 $0xE80;
	s24 =	simm.s32 $0x780  }
0x1b: {  	s14 =	sadd.s32 s2, s1;
	s1 =	sshll.u32 @!p0 s17, $0x6;
	[dreg:$0xe] =	wrdreg s26  }
0x1c: {  	[dreg:$0xf] =	wrdreg s0;
	s26 =	simm.s32 $0x1000;
	s1 =	sor.u32 @!p0 $0x1C07, s1  }
0x1d: {  	s17 =	simm.s32 $0xF80;
	[dreg:$0xb] =	wrdreg s1;
	s1 =	sshrl.u32 @!p0 s11, $0x3  }
0x1e: {  	s11 =	simm.s32 $0x680;
	[dreg:$0xc] =	wrdreg s1;
	s1 =	simm.s32 $0x2  }
.LBB2_1:
0x1f: {  	[dreg:$0x10] =	wrdreg s7  }
0x20: {  	s0 =	rddreg [dreg:$0x5]  }
0x21: {  	s2 =	rddreg [dreg:$0xb]  }
0x22: {  	s7 =	rddreg [dreg:$0xc]  }
0x23: {  	[spmem:s7], [sflag:s2] =	dma.local @!p0 [hbm:s0], $0x3E80  }
0x24: {  	s0 =	simm.s32 @!p0 $0x7  }
0x25: {  	_ =	swait.ge @!p0 [sflag:s0], $0x3E80  }
0x26: {  	[sflag:s0] =	ssyncset.done @!p0 $0x0  }
0x27: {  	s7 =	rddreg [dreg:$0x6];
	[sflag:s0] =	ssyncadd.s32 @!p0 $0xFFFFC180  }
0x28: {  	s0 =	sshrl.u32 s7, $0x3;
	s7 =	rddreg [dreg:$0x1]  }
0x29: {  	s8 =	simm.s32 $0x7;
	[dreg:$0x11] =	wrdreg s0  }
0x2a: {  	[spmem:s0], [sflag:s28] =	dma.local [hbm:s7], $0x1400  }
0x2b: {  	_ =	swait.ge [sflag:s8], $0x1400  }
0x2c: {  	[sflag:s8] =	ssyncset.done $0x0  }
0x2d: {  	[sflag:s8] =	ssyncadd.s32 $0xFFFFEC00  }
0x2e: {  	[bflag:$0x0] =	sbarrier.arrive $0xFFFF  }
0x2f: {  	s2 =	rddreg [dreg:$0x7]  }
0x30: {  	[tilespmem:s5], [sflag:$0x5] =	stream.linear.gather [hbm4b:s2+s5], $0x400, $0x38;
	[tilespmem:$0x1F880] =	vst v63  }
0x31: {  	s7 =	rddreg [dreg:$0x8];
	s2 =	simm.s32 $0x800  }
0x32: {  	[tilespmem:s2], [sflag:$0x5] =	stream.linear.gather [hbm4b:s7+s5], $0x400, $0x38;
	[tilespmem:$0x1F880] =	vst v63  }
0x33: {  	_ =	swait.ge [sflag:s20], $0x400  }
0x34: {  	[sflag:s20] =	ssyncset.done $0x0  }
0x35: {  	[sflag:s20] =	ssyncadd.s32 $0xFFFFFC00  }
0x36: {  	_ =	swait.ge [sflag:s20], $0x400  }
0x37: {  	s8 =	sadd.s32 $0x0, s13;
	[sflag:s20] =	ssyncset.done $0x0  }
0x38: {  	s28 =	sadd.s32 $0x0, s12;
	s0 =	sadd.s32 $0x80, s8;
	[sflag:s20] =	ssyncadd.s32 $0xFFFFFC00  }
0x39: {  	[tilespmem:s21], [sflag:$0x6] =	stream.linear.gather [hbm4b:s0+s5], $0x400, $0x38;
	[tilespmem:$0x1F880] =	vst v63  }
0x3a: {  	s7 =	sadd.s32 $0x80, s28  }
0x3b: {  	[tilespmem:s22], [sflag:$0x6] =	stream.linear.gather [hbm4b:s7+s5], $0x400, $0x38;
	[tilespmem:$0x1F880] =	vst v63  }
0x3c: {  	_ = 	snop  }
0x3d: {  	[tilespmem:s26], [sflag:$0x1] =	stream.indirect.gather [spmem:s3], $0x80, s5, s25, $0xb8;
	[tilespmem:$0x1F880] =	vst v63  }
0x3e: {  	s8 =	simm.s32 $0x80  }
0x3f: {  	[tilespmem:s29], [sflag:$0x2] =	stream.indirect.gather [spmem:s3], $0x80, s8, s25, $0xb8;
	[tilespmem:$0x1F880] =	vst v63  }
0x40: {  	_ =	swait.ge [sflag:s30], $0x800  }
0x41: {  	[sflag:s30] =	ssyncset.done $0x0  }
0x42: {  	[sflag:s30] =	ssyncadd.s32 $0xFFFFF800  }
0x43: {  	[spmem:s4] =	stream.indirect.scatter.add.f32 [tilespmem:s26], [sflag:$0x3], $0x80, s2, s25, $0xb8;
	[tilespmem:$0x1F880] =	vst v63  }
0x44: {  	_ =	swait.ge [sflag:s31], $0x800  }
0x45: {  	[sflag:s31] =	ssyncset.done $0x0  }
0x46: {  	s7 =	simm.s32 $0x100;
	[sflag:s31] =	ssyncadd.s32 $0xFFFFF800  }
0x47: {  	[tilespmem:s26], [sflag:$0x1] =	stream.indirect.gather [spmem:s3], $0x80, s7, s25, $0xb8;
	[tilespmem:$0x1F880] =	vst v63  }
0x48: {  	_ =	swait.ge [sflag:s1], $0x800  }
0x49: {  	[sflag:s1] =	ssyncset.done $0x0  }
0x4a: {  	s8 =	simm.s32 $0x880;
	[sflag:s1] =	ssyncadd.s32 $0xFFFFF800  }
0x4b: {  	[spmem:s4] =	stream.indirect.scatter.add.f32 [tilespmem:s29], [sflag:$0x4], $0x80, s8, s25, $0xb8;
	[tilespmem:$0x1F880] =	vst v63  }
0x4c: {  	_ =	swait.ge [sflag:s6], $0x800  }
0x4d: {  	[sflag:s6] =	ssyncset.done $0x0  }
0x4e: {  	s2 =	simm.s32 $0x180;
	[sflag:s6] =	ssyncadd.s32 $0xFFFFF800  }
0x4f: {  	[tilespmem:s29], [sflag:$0x2] =	stream.indirect.gather [spmem:s3], $0x80, s2, s25, $0xb8;
	[tilespmem:$0x1F880] =	vst v63  }
0x50: {  	_ =	swait.ge [sflag:s30], $0x800  }
0x51: {  	[sflag:s30] =	ssyncset.done $0x0  }
0x52: {  	s7 =	simm.s32 $0x900;
	[sflag:s30] =	ssyncadd.s32 $0xFFFFF800  }
0x53: {  	[spmem:s4] =	stream.indirect.scatter.add.f32 [tilespmem:s26], [sflag:$0x3], $0x80, s7, s25, $0xb8;
	[tilespmem:$0x1F880] =	vst v63  }
0x54: {  	_ =	swait.ge [sflag:s31], $0x800  }
0x55: {  	[sflag:s31] =	ssyncset.done $0x0  }
0x56: {  	s8 =	simm.s32 $0x200;
	[sflag:s31] =	ssyncadd.s32 $0xFFFFF800  }
0x57: {  	[tilespmem:s26], [sflag:$0x1] =	stream.indirect.gather [spmem:s3], $0x80, s8, s25, $0xb8;
	[tilespmem:$0x1F880] =	vst v63  }
0x58: {  	_ =	swait.ge [sflag:s1], $0x800  }
0x59: {  	[sflag:s1] =	ssyncset.done $0x0  }
0x5a: {  	s2 =	simm.s32 $0x980;
	[sflag:s1] =	ssyncadd.s32 $0xFFFFF800  }
0x5b: {  	[spmem:s4] =	stream.indirect.scatter.add.f32 [tilespmem:s29], [sflag:$0x4], $0x80, s2, s25, $0xb8;
	[tilespmem:$0x1F880] =	vst v63  }
0x5c: {  	_ =	swait.ge [sflag:s6], $0x800  }
0x5d: {  	[sflag:s6] =	ssyncset.done $0x0  }
0x5e: {  	s7 =	simm.s32 $0x280;
	[sflag:s6] =	ssyncadd.s32 $0xFFFFF800  }
0x5f: {  	[tilespmem:s29], [sflag:$0x2] =	stream.indirect.gather [spmem:s3], $0x80, s7, s25, $0xb8;
	[tilespmem:$0x1F880] =	vst v63  }
0x60: {  	_ =	swait.ge [sflag:s30], $0x800  }
0x61: {  	[sflag:s30] =	ssyncset.done $0x0  }
0x62: {  	s8 =	simm.s32 $0xA00;
	[sflag:s30] =	ssyncadd.s32 $0xFFFFF800  }
0x63: {  	[spmem:s4] =	stream.indirect.scatter.add.f32 [tilespmem:s26], [sflag:$0x3], $0x80, s8, s25, $0xb8;
	[tilespmem:$0x1F880] =	vst v63  }
0x64: {  	_ =	swait.ge [sflag:s31], $0x800  }
0x65: {  	[sflag:s31] =	ssyncset.done $0x0  }
0x66: {  	s2 =	simm.s32 $0x300;
	[sflag:s31] =	ssyncadd.s32 $0xFFFFF800  }
0x67: {  	[tilespmem:s26], [sflag:$0x1] =	stream.indirect.gather [spmem:s3], $0x80, s2, s25, $0xb8;
	[tilespmem:$0x1F880] =	vst v63  }
0x68: {  	_ =	swait.ge [sflag:s1], $0x800  }
0x69: {  	[sflag:s1] =	ssyncset.done $0x0  }
0x6a: {  	s7 =	simm.s32 $0xA80;
	[sflag:s1] =	ssyncadd.s32 $0xFFFFF800  }
0x6b: {  	[spmem:s4] =	stream.indirect.scatter.add.f32 [tilespmem:s29], [sflag:$0x4], $0x80, s7, s25, $0xb8;
	[tilespmem:$0x1F880] =	vst v63  }
0x6c: {  	_ =	swait.ge [sflag:s6], $0x800  }
0x6d: {  	[sflag:s6] =	ssyncset.done $0x0  }
0x6e: {  	s8 =	simm.s32 $0x380;
	[sflag:s6] =	ssyncadd.s32 $0xFFFFF800  }
0x6f: {  	[tilespmem:s29], [sflag:$0x2] =	stream.indirect.gather [spmem:s3], $0x80, s8, s25, $0xb8;
	[tilespmem:$0x1F880] =	vst v63  }
0x70: {  	_ =	swait.ge [sflag:s30], $0x800  }
0x71: {  	[sflag:s30] =	ssyncset.done $0x0  }
0x72: {  	s2 =	simm.s32 $0xB00;
	[sflag:s30] =	ssyncadd.s32 $0xFFFFF800  }
0x73: {  	[spmem:s4] =	stream.indirect.scatter.add.f32 [tilespmem:s26], [sflag:$0x3], $0x80, s2, s25, $0xb8;
	[tilespmem:$0x1F880] =	vst v63  }
0x74: {  	_ =	swait.ge [sflag:s1], $0x800  }
0x75: {  	[sflag:s1] =	ssyncset.done $0x0  }
0x76: {  	s7 =	simm.s32 $0xB80;
	[sflag:s1] =	ssyncadd.s32 $0xFFFFF800  }
0x77: {  	[spmem:s4] =	stream.indirect.scatter.add.f32 [tilespmem:s29], [sflag:$0x4], $0x80, s7, s25, $0xb8;
	[tilespmem:$0x1F880] =	vst v63  }
0x78: {  	_ =	swait.ge [sflag:s31], $0x800  }
0x79: {  	[sflag:s31] =	ssyncset.done $0x0  }
0x7a: {  	[sflag:s31] =	ssyncadd.s32 $0xFFFFF800  }
0x7b: {  	_ =	swait.ge [sflag:s6], $0x800  }
0x7c: {  	[sflag:s6] =	ssyncset.done $0x0  }
0x7d: {  	[sflag:s6] =	ssyncadd.s32 $0xFFFFF800  }
0x7e: {  	_ =	swait.ge [sflag:s19], $0x400  }
0x7f: {  	[sflag:s19] =	ssyncset.done $0x0  }
0x80: {  	[sflag:s19] =	ssyncadd.s32 $0xFFFFFC00  }
0x81: {  	p1 =	por $0x0, $0x0;
	_ =	swait.ge [sflag:s19], $0x400  }
0x82: {  	s28 =	sadd.s32 @!p1 $0x0, s12;
	s0 =	sadd.s32 @!p1 $0x0, s13;
	[sflag:s19] =	ssyncset.done $0x0  }
0x83: {  	s0 =	sadd.s32 @!p1 $0x100, s0;
	s2 =	simm.s32 @!p1 $0x0;
	[sflag:s19] =	ssyncadd.s32 $0xFFFFFC00  }
0x84: {  	[tilespmem:s2], [sflag:$0x5] =	stream.linear.gather @!p1 [hbm4b:s0+s2], $0x400, $0x38;
	[tilespmem:$0x1F880] =	vst v63  }
0x85: {  	s0 =	sadd.s32 @!p1 $0x100, s28;
	s28 =	simm.s32 @!p1 $0x800  }
0x86: {  	[tilespmem:s28], [sflag:$0x5] =	stream.linear.gather @!p1 [hbm4b:s0+s2], $0x400, $0x38;
	[tilespmem:$0x1F880] =	vst v63  }
0x87: {  	_ = 	snop  }
0x88: {  	[tilespmem:s26], [sflag:$0x1] =	stream.indirect.gather [spmem:s3], $0x80, s21, s25, $0xb8;
	[tilespmem:$0x1F880] =	vst v63  }
0x89: {  	s8 =	simm.s32 $0x480  }
0x8a: {  	[tilespmem:s29], [sflag:$0x2] =	stream.indirect.gather [spmem:s3], $0x80, s8, s25, $0xb8;
	[tilespmem:$0x1F880] =	vst v63  }
0x8b: {  	_ =	swait.ge [sflag:s30], $0x800  }
0x8c: {  	[sflag:s30] =	ssyncset.done $0x0  }
0x8d: {  	[sflag:s30] =	ssyncadd.s32 $0xFFFFF800  }
0x8e: {  	[spmem:s4] =	stream.indirect.scatter.add.f32 [tilespmem:s26], [sflag:$0x3], $0x80, s22, s25, $0xb8;
	[tilespmem:$0x1F880] =	vst v63  }
0x8f: {  	_ =	swait.ge [sflag:s31], $0x800  }
0x90: {  	[sflag:s31] =	ssyncset.done $0x0  }
0x91: {  	s2 =	simm.s32 $0x500;
	[sflag:s31] =	ssyncadd.s32 $0xFFFFF800  }
0x92: {  	[tilespmem:s26], [sflag:$0x1] =	stream.indirect.gather [spmem:s3], $0x80, s2, s25, $0xb8;
	[tilespmem:$0x1F880] =	vst v63  }
0x93: {  	_ =	swait.ge [sflag:s1], $0x800  }
0x94: {  	[sflag:s1] =	ssyncset.done $0x0  }
0x95: {  	s7 =	simm.s32 $0xC80;
	[sflag:s1] =	ssyncadd.s32 $0xFFFFF800  }
0x96: {  	[spmem:s4] =	stream.indirect.scatter.add.f32 [tilespmem:s29], [sflag:$0x4], $0x80, s7, s25, $0xb8;
	[tilespmem:$0x1F880] =	vst v63  }
0x97: {  	_ =	swait.ge [sflag:s6], $0x800  }
0x98: {  	[sflag:s6] =	ssyncset.done $0x0  }
0x99: {  	s8 =	simm.s32 $0x580;
	[sflag:s6] =	ssyncadd.s32 $0xFFFFF800  }
0x9a: {  	[tilespmem:s29], [sflag:$0x2] =	stream.indirect.gather [spmem:s3], $0x80, s8, s25, $0xb8;
	[tilespmem:$0x1F880] =	vst v63  }
0x9b: {  	_ =	swait.ge [sflag:s30], $0x800  }
0x9c: {  	[sflag:s30] =	ssyncset.done $0x0  }
0x9d: {  	[sflag:s30] =	ssyncadd.s32 $0xFFFFF800  }
0x9e: {  	[spmem:s4] =	stream.indirect.scatter.add.f32 [tilespmem:s26], [sflag:$0x3], $0x80, s18, s25, $0xb8;
	[tilespmem:$0x1F880] =	vst v63  }
0x9f: {  	_ =	swait.ge [sflag:s31], $0x800  }
0xa0: {  	[sflag:s31] =	ssyncset.done $0x0  }
0xa1: {  	[sflag:s31] =	ssyncadd.s32 $0xFFFFF800  }
0xa2: {  	[tilespmem:s26], [sflag:$0x1] =	stream.indirect.gather [spmem:s3], $0x80, s9, s25, $0xb8;
	[tilespmem:$0x1F880] =	vst v63  }
0xa3: {  	_ =	swait.ge [sflag:s1], $0x800  }
0xa4: {  	[sflag:s1] =	ssyncset.done $0x0  }
0xa5: {  	[sflag:s1] =	ssyncadd.s32 $0xFFFFF800  }
0xa6: {  	[spmem:s4] =	stream.indirect.scatter.add.f32 [tilespmem:s29], [sflag:$0x4], $0x80, s10, s25, $0xb8;
	[tilespmem:$0x1F880] =	vst v63  }
0xa7: {  	_ =	swait.ge [sflag:s6], $0x800  }
0xa8: {  	[sflag:s6] =	ssyncset.done $0x0  }
0xa9: {  	[sflag:s6] =	ssyncadd.s32 $0xFFFFF800  }
0xaa: {  	[tilespmem:s29], [sflag:$0x2] =	stream.indirect.gather [spmem:s3], $0x80, s11, s25, $0xb8;
	[tilespmem:$0x1F880] =	vst v63  }
0xab: {  	_ =	swait.ge [sflag:s30], $0x800  }
0xac: {  	[sflag:s30] =	ssyncset.done $0x0  }
0xad: {  	[sflag:s30] =	ssyncadd.s32 $0xFFFFF800  }
0xae: {  	[spmem:s4] =	stream.indirect.scatter.add.f32 [tilespmem:s26], [sflag:$0x3], $0x80, s15, s25, $0xb8;
	[tilespmem:$0x1F880] =	vst v63  }
0xaf: {  	_ =	swait.ge [sflag:s31], $0x800  }
0xb0: {  	[sflag:s31] =	ssyncset.done $0x0  }
0xb1: {  	[sflag:s31] =	ssyncadd.s32 $0xFFFFF800  }
0xb2: {  	[tilespmem:s26], [sflag:$0x1] =	stream.indirect.gather [spmem:s3], $0x80, s16, s25, $0xb8;
	[tilespmem:$0x1F880] =	vst v63  }
0xb3: {  	_ =	swait.ge [sflag:s1], $0x800  }
0xb4: {  	[sflag:s1] =	ssyncset.done $0x0  }
0xb5: {  	[sflag:s1] =	ssyncadd.s32 $0xFFFFF800  }
0xb6: {  	[spmem:s4] =	stream.indirect.scatter.add.f32 [tilespmem:s29], [sflag:$0x4], $0x80, s23, s25, $0xb8;
	[tilespmem:$0x1F880] =	vst v63  }
0xb7: {  	_ =	swait.ge [sflag:s6], $0x800  }
0xb8: {  	[sflag:s6] =	ssyncset.done $0x0  }
0xb9: {  	[sflag:s6] =	ssyncadd.s32 $0xFFFFF800  }
0xba: {  	[tilespmem:s29], [sflag:$0x2] =	stream.indirect.gather [spmem:s3], $0x80, s24, s25, $0xb8;
	[tilespmem:$0x1F880] =	vst v63  }
0xbb: {  	_ =	swait.ge [sflag:s30], $0x800  }
0xbc: {  	[sflag:s30] =	ssyncset.done $0x0  }
0xbd: {  	s8 =	simm.s32 $0xF00;
	[sflag:s30] =	ssyncadd.s32 $0xFFFFF800  }
0xbe: {  	[spmem:s4] =	stream.indirect.scatter.add.f32 [tilespmem:s26], [sflag:$0x3], $0x80, s8, s25, $0xb8;
	[tilespmem:$0x1F880] =	vst v63  }
0xbf: {  	_ =	swait.ge [sflag:s1], $0x800  }
0xc0: {  	[sflag:s1] =	ssyncset.done $0x0  }
0xc1: {  	[sflag:s1] =	ssyncadd.s32 $0xFFFFF800  }
0xc2: {  	[spmem:s4] =	stream.indirect.scatter.add.f32 [tilespmem:s29], [sflag:$0x4], $0x80, s17, s25, $0xb8;
	[tilespmem:$0x1F880] =	vst v63  }
0xc3: {  	_ =	swait.ge [sflag:s31], $0x800  }
0xc4: {  	[sflag:s31] =	ssyncset.done $0x0  }
0xc5: {  	[sflag:s31] =	ssyncadd.s32 $0xFFFFF800  }
0xc6: {  	_ =	swait.ge [sflag:s6], $0x800  }
0xc7: {  	s28 =	simm.s32 $0x100;
	[sflag:s6] =	ssyncset.done $0x0  }
.LBB2_2:
0xc8: {  	[sflag:s6] =	ssyncadd.s32 $0xFFFFF800;
	s0 =	smov.u32 s28;
	s28 =	sadd.s32 $0x100, s28  }
0xc9: {  	_ =	swait.ge [sflag:s20], $0x400;
	p1 =	sne.s32 s28, $0x2800  }
0xca: {  	[sflag:s20] =	ssyncset.done $0x0  }
0xcb: {  	[sflag:s20] =	ssyncadd.s32 $0xFFFFFC00  }
0xcc: {  	_ =	swait.ge [sflag:s20], $0x400  }
0xcd: {  	s2 =	sadd.s32 s0, s13;
	[sflag:s20] =	ssyncset.done $0x0  }
0xce: {  	s7 =	sadd.s32 s0, s12;
	s2 =	sadd.s32 $0x80, s2;
	[sflag:s20] =	ssyncadd.s32 $0xFFFFFC00  }
0xcf: {  	[tilespmem:s21], [sflag:$0x6] =	stream.linear.gather [hbm4b:s2+s5], $0x400, $0x38;
	[tilespmem:$0x1F880] =	vst v63  }
0xd0: {  	s2 =	sadd.s32 $0x80, s7  }
0xd1: {  	[tilespmem:s22], [sflag:$0x6] =	stream.linear.gather [hbm4b:s2+s5], $0x400, $0x38;
	[tilespmem:$0x1F880] =	vst v63  }
0xd2: {  	_ = 	snop  }
0xd3: {  	[tilespmem:s26], [sflag:$0x1] =	stream.indirect.gather [spmem:s3], $0x80, s5, s25, $0xb8;
	[tilespmem:$0x1F880] =	vst v63  }
0xd4: {  	s2 =	simm.s32 $0x80  }
0xd5: {  	[tilespmem:s29], [sflag:$0x2] =	stream.indirect.gather [spmem:s3], $0x80, s2, s25, $0xb8;
	[tilespmem:$0x1F880] =	vst v63  }
0xd6: {  	_ =	swait.ge [sflag:s30], $0x800  }
0xd7: {  	[sflag:s30] =	ssyncset.done $0x0  }
0xd8: {  	s2 =	simm.s32 $0x800;
	[sflag:s30] =	ssyncadd.s32 $0xFFFFF800  }
0xd9: {  	[spmem:s4] =	stream.indirect.scatter.add.f32 [tilespmem:s26], [sflag:$0x3], $0x80, s2, s25, $0xb8;
	[tilespmem:$0x1F880] =	vst v63  }
0xda: {  	_ =	swait.ge [sflag:s31], $0x800  }
0xdb: {  	[sflag:s31] =	ssyncset.done $0x0  }
0xdc: {  	s2 =	simm.s32 $0x100;
	[sflag:s31] =	ssyncadd.s32 $0xFFFFF800  }
0xdd: {  	[tilespmem:s26], [sflag:$0x1] =	stream.indirect.gather [spmem:s3], $0x80, s2, s25, $0xb8;
	[tilespmem:$0x1F880] =	vst v63  }
0xde: {  	_ =	swait.ge [sflag:s1], $0x800  }
0xdf: {  	[sflag:s1] =	ssyncset.done $0x0  }
0xe0: {  	s2 =	simm.s32 $0x880;
	[sflag:s1] =	ssyncadd.s32 $0xFFFFF800  }
0xe1: {  	[spmem:s4] =	stream.indirect.scatter.add.f32 [tilespmem:s29], [sflag:$0x4], $0x80, s2, s25, $0xb8;
	[tilespmem:$0x1F880] =	vst v63  }
0xe2: {  	_ =	swait.ge [sflag:s6], $0x800  }
0xe3: {  	[sflag:s6] =	ssyncset.done $0x0  }
0xe4: {  	s2 =	simm.s32 $0x180;
	[sflag:s6] =	ssyncadd.s32 $0xFFFFF800  }
0xe5: {  	[tilespmem:s29], [sflag:$0x2] =	stream.indirect.gather [spmem:s3], $0x80, s2, s25, $0xb8;
	[tilespmem:$0x1F880] =	vst v63  }
0xe6: {  	_ =	swait.ge [sflag:s30], $0x800  }
0xe7: {  	[sflag:s30] =	ssyncset.done $0x0  }
0xe8: {  	s2 =	simm.s32 $0x900;
	[sflag:s30] =	ssyncadd.s32 $0xFFFFF800  }
0xe9: {  	[spmem:s4] =	stream.indirect.scatter.add.f32 [tilespmem:s26], [sflag:$0x3], $0x80, s2, s25, $0xb8;
	[tilespmem:$0x1F880] =	vst v63  }
0xea: {  	_ =	swait.ge [sflag:s31], $0x800  }
0xeb: {  	[sflag:s31] =	ssyncset.done $0x0  }
0xec: {  	s2 =	simm.s32 $0x200;
	[sflag:s31] =	ssyncadd.s32 $0xFFFFF800  }
0xed: {  	[tilespmem:s26], [sflag:$0x1] =	stream.indirect.gather [spmem:s3], $0x80, s2, s25, $0xb8;
	[tilespmem:$0x1F880] =	vst v63  }
0xee: {  	_ =	swait.ge [sflag:s1], $0x800  }
0xef: {  	[sflag:s1] =	ssyncset.done $0x0  }
0xf0: {  	s2 =	simm.s32 $0x980;
	[sflag:s1] =	ssyncadd.s32 $0xFFFFF800  }
0xf1: {  	[spmem:s4] =	stream.indirect.scatter.add.f32 [tilespmem:s29], [sflag:$0x4], $0x80, s2, s25, $0xb8;
	[tilespmem:$0x1F880] =	vst v63  }
0xf2: {  	_ =	swait.ge [sflag:s6], $0x800  }
0xf3: {  	[sflag:s6] =	ssyncset.done $0x0  }
0xf4: {  	s2 =	simm.s32 $0x280;
	[sflag:s6] =	ssyncadd.s32 $0xFFFFF800  }
0xf5: {  	[tilespmem:s29], [sflag:$0x2] =	stream.indirect.gather [spmem:s3], $0x80, s2, s25, $0xb8;
	[tilespmem:$0x1F880] =	vst v63  }
0xf6: {  	_ =	swait.ge [sflag:s30], $0x800  }
0xf7: {  	[sflag:s30] =	ssyncset.done $0x0  }
0xf8: {  	s2 =	simm.s32 $0xA00;
	[sflag:s30] =	ssyncadd.s32 $0xFFFFF800  }
0xf9: {  	[spmem:s4] =	stream.indirect.scatter.add.f32 [tilespmem:s26], [sflag:$0x3], $0x80, s2, s25, $0xb8;
	[tilespmem:$0x1F880] =	vst v63  }
0xfa: {  	_ =	swait.ge [sflag:s31], $0x800  }
0xfb: {  	[sflag:s31] =	ssyncset.done $0x0  }
0xfc: {  	s2 =	simm.s32 $0x300;
	[sflag:s31] =	ssyncadd.s32 $0xFFFFF800  }
0xfd: {  	[tilespmem:s26], [sflag:$0x1] =	stream.indirect.gather [spmem:s3], $0x80, s2, s25, $0xb8;
	[tilespmem:$0x1F880] =	vst v63  }
0xfe: {  	_ =	swait.ge [sflag:s1], $0x800  }
0xff: {  	[sflag:s1] =	ssyncset.done $0x0  }
0x100: {  	s2 =	simm.s32 $0xA80;
	[sflag:s1] =	ssyncadd.s32 $0xFFFFF800  }
0x101: {  	[spmem:s4] =	stream.indirect.scatter.add.f32 [tilespmem:s29], [sflag:$0x4], $0x80, s2, s25, $0xb8;
	[tilespmem:$0x1F880] =	vst v63  }
0x102: {  	_ =	swait.ge [sflag:s6], $0x800  }
0x103: {  	[sflag:s6] =	ssyncset.done $0x0  }
0x104: {  	s2 =	simm.s32 $0x380;
	[sflag:s6] =	ssyncadd.s32 $0xFFFFF800  }
0x105: {  	[tilespmem:s29], [sflag:$0x2] =	stream.indirect.gather [spmem:s3], $0x80, s2, s25, $0xb8;
	[tilespmem:$0x1F880] =	vst v63  }
0x106: {  	_ =	swait.ge [sflag:s30], $0x800  }
0x107: {  	[sflag:s30] =	ssyncset.done $0x0  }
0x108: {  	s2 =	simm.s32 $0xB00;
	[sflag:s30] =	ssyncadd.s32 $0xFFFFF800  }
0x109: {  	[spmem:s4] =	stream.indirect.scatter.add.f32 [tilespmem:s26], [sflag:$0x3], $0x80, s2, s25, $0xb8;
	[tilespmem:$0x1F880] =	vst v63  }
0x10a: {  	_ =	swait.ge [sflag:s1], $0x800  }
0x10b: {  	[sflag:s1] =	ssyncset.done $0x0  }
0x10c: {  	s2 =	simm.s32 $0xB80;
	[sflag:s1] =	ssyncadd.s32 $0xFFFFF800  }
0x10d: {  	[spmem:s4] =	stream.indirect.scatter.add.f32 [tilespmem:s29], [sflag:$0x4], $0x80, s2, s25, $0xb8;
	[tilespmem:$0x1F880] =	vst v63  }
0x10e: {  	_ =	swait.ge [sflag:s31], $0x800  }
0x10f: {  	[sflag:s31] =	ssyncset.done $0x0  }
0x110: {  	[sflag:s31] =	ssyncadd.s32 $0xFFFFF800  }
0x111: {  	_ =	swait.ge [sflag:s6], $0x800  }
0x112: {  	[sflag:s6] =	ssyncset.done $0x0  }
0x113: {  	[sflag:s6] =	ssyncadd.s32 $0xFFFFF800  }
0x114: {  	_ =	swait.ge [sflag:s19], $0x400  }
0x115: {  	[sflag:s19] =	ssyncset.done $0x0  }
0x116: {  	[sflag:s19] =	ssyncadd.s32 $0xFFFFFC00  }
0x117: {  	p2 =	seq.s32 s0, $0x2700;
	_ =	swait.ge [sflag:s19], $0x400  }
0x118: {  	s2 =	sadd.s32 @!p2 s0, s13;
	s0 =	sadd.s32 @!p2 s0, s12;
	[sflag:s19] =	ssyncset.done $0x0  }
0x119: {  	s7 =	simm.s32 @!p2 $0x0;
	s2 =	sadd.s32 @!p2 $0x100, s2;
	[sflag:s19] =	ssyncadd.s32 $0xFFFFFC00  }
0x11a: {  	[tilespmem:s7], [sflag:$0x5] =	stream.linear.gather @!p2 [hbm4b:s2+s7], $0x400, $0x38;
	[tilespmem:$0x1F880] =	vst v63  }
0x11b: {  	s0 =	sadd.s32 @!p2 $0x100, s0;
	s2 =	simm.s32 @!p2 $0x800  }
0x11c: {  	[tilespmem:s2], [sflag:$0x5] =	stream.linear.gather @!p2 [hbm4b:s0+s7], $0x400, $0x38;
	[tilespmem:$0x1F880] =	vst v63  }
0x11d: {  	_ = 	snop  }
0x11e: {  	[tilespmem:s26], [sflag:$0x1] =	stream.indirect.gather [spmem:s3], $0x80, s21, s25, $0xb8;
	[tilespmem:$0x1F880] =	vst v63  }
0x11f: {  	s0 =	simm.s32 $0x480  }
0x120: {  	[tilespmem:s29], [sflag:$0x2] =	stream.indirect.gather [spmem:s3], $0x80, s0, s25, $0xb8;
	[tilespmem:$0x1F880] =	vst v63  }
0x121: {  	_ =	swait.ge [sflag:s30], $0x800  }
0x122: {  	[sflag:s30] =	ssyncset.done $0x0  }
0x123: {  	[sflag:s30] =	ssyncadd.s32 $0xFFFFF800  }
0x124: {  	[spmem:s4] =	stream.indirect.scatter.add.f32 [tilespmem:s26], [sflag:$0x3], $0x80, s22, s25, $0xb8;
	[tilespmem:$0x1F880] =	vst v63  }
0x125: {  	_ =	swait.ge [sflag:s31], $0x800  }
0x126: {  	[sflag:s31] =	ssyncset.done $0x0  }
0x127: {  	s0 =	simm.s32 $0x500;
	[sflag:s31] =	ssyncadd.s32 $0xFFFFF800  }
0x128: {  	[tilespmem:s26], [sflag:$0x1] =	stream.indirect.gather [spmem:s3], $0x80, s0, s25, $0xb8;
	[tilespmem:$0x1F880] =	vst v63  }
0x129: {  	_ =	swait.ge [sflag:s1], $0x800  }
0x12a: {  	[sflag:s1] =	ssyncset.done $0x0  }
0x12b: {  	s0 =	simm.s32 $0xC80;
	[sflag:s1] =	ssyncadd.s32 $0xFFFFF800  }
0x12c: {  	[spmem:s4] =	stream.indirect.scatter.add.f32 [tilespmem:s29], [sflag:$0x4], $0x80, s0, s25, $0xb8;
	[tilespmem:$0x1F880] =	vst v63  }
0x12d: {  	_ =	swait.ge [sflag:s6], $0x800  }
0x12e: {  	[sflag:s6] =	ssyncset.done $0x0  }
0x12f: {  	s0 =	simm.s32 $0x580;
	[sflag:s6] =	ssyncadd.s32 $0xFFFFF800  }
0x130: {  	[tilespmem:s29], [sflag:$0x2] =	stream.indirect.gather [spmem:s3], $0x80, s0, s25, $0xb8;
	[tilespmem:$0x1F880] =	vst v63  }
0x131: {  	_ =	swait.ge [sflag:s30], $0x800  }
0x132: {  	[sflag:s30] =	ssyncset.done $0x0  }
0x133: {  	[sflag:s30] =	ssyncadd.s32 $0xFFFFF800  }
0x134: {  	[spmem:s4] =	stream.indirect.scatter.add.f32 [tilespmem:s26], [sflag:$0x3], $0x80, s18, s25, $0xb8;
	[tilespmem:$0x1F880] =	vst v63  }
0x135: {  	_ =	swait.ge [sflag:s31], $0x800  }
0x136: {  	[sflag:s31] =	ssyncset.done $0x0  }
0x137: {  	[sflag:s31] =	ssyncadd.s32 $0xFFFFF800  }
0x138: {  	[tilespmem:s26], [sflag:$0x1] =	stream.indirect.gather [spmem:s3], $0x80, s9, s25, $0xb8;
	[tilespmem:$0x1F880] =	vst v63  }
0x139: {  	_ =	swait.ge [sflag:s1], $0x800  }
0x13a: {  	[sflag:s1] =	ssyncset.done $0x0  }
0x13b: {  	[sflag:s1] =	ssyncadd.s32 $0xFFFFF800  }
0x13c: {  	[spmem:s4] =	stream.indirect.scatter.add.f32 [tilespmem:s29], [sflag:$0x4], $0x80, s10, s25, $0xb8;
	[tilespmem:$0x1F880] =	vst v63  }
0x13d: {  	_ =	swait.ge [sflag:s6], $0x800  }
0x13e: {  	[sflag:s6] =	ssyncset.done $0x0  }
0x13f: {  	[sflag:s6] =	ssyncadd.s32 $0xFFFFF800  }
0x140: {  	[tilespmem:s29], [sflag:$0x2] =	stream.indirect.gather [spmem:s3], $0x80, s11, s25, $0xb8;
	[tilespmem:$0x1F880] =	vst v63  }
0x141: {  	_ =	swait.ge [sflag:s30], $0x800  }
0x142: {  	[sflag:s30] =	ssyncset.done $0x0  }
0x143: {  	[sflag:s30] =	ssyncadd.s32 $0xFFFFF800  }
0x144: {  	[spmem:s4] =	stream.indirect.scatter.add.f32 [tilespmem:s26], [sflag:$0x3], $0x80, s15, s25, $0xb8;
	[tilespmem:$0x1F880] =	vst v63  }
0x145: {  	_ =	swait.ge [sflag:s31], $0x800  }
0x146: {  	[sflag:s31] =	ssyncset.done $0x0  }
0x147: {  	[sflag:s31] =	ssyncadd.s32 $0xFFFFF800  }
0x148: {  	[tilespmem:s26], [sflag:$0x1] =	stream.indirect.gather [spmem:s3], $0x80, s16, s25, $0xb8;
	[tilespmem:$0x1F880] =	vst v63  }
0x149: {  	_ =	swait.ge [sflag:s1], $0x800  }
0x14a: {  	[sflag:s1] =	ssyncset.done $0x0  }
0x14b: {  	[sflag:s1] =	ssyncadd.s32 $0xFFFFF800  }
0x14c: {  	[spmem:s4] =	stream.indirect.scatter.add.f32 [tilespmem:s29], [sflag:$0x4], $0x80, s23, s25, $0xb8;
	[tilespmem:$0x1F880] =	vst v63  }
0x14d: {  	_ =	swait.ge [sflag:s6], $0x800  }
0x14e: {  	[sflag:s6] =	ssyncset.done $0x0  }
0x14f: {  	[sflag:s6] =	ssyncadd.s32 $0xFFFFF800  }
0x150: {  	[tilespmem:s29], [sflag:$0x2] =	stream.indirect.gather [spmem:s3], $0x80, s24, s25, $0xb8;
	[tilespmem:$0x1F880] =	vst v63  }
0x151: {  	_ =	swait.ge [sflag:s30], $0x800  }
0x152: {  	[sflag:s30] =	ssyncset.done $0x0  }
0x153: {  	[sflag:s30] =	ssyncadd.s32 $0xFFFFF800  }
0x154: {  	[spmem:s4] =	stream.indirect.scatter.add.f32 [tilespmem:s26], [sflag:$0x3], $0x80, s8, s25, $0xb8;
	[tilespmem:$0x1F880] =	vst v63  }
0x155: {  	_ =	swait.ge [sflag:s1], $0x800  }
0x156: {  	[sflag:s1] =	ssyncset.done $0x0  }
0x157: {  	[sflag:s1] =	ssyncadd.s32 $0xFFFFF800  }
0x158: {  	[spmem:s4] =	stream.indirect.scatter.add.f32 [tilespmem:s29], [sflag:$0x4], $0x80, s17, s25, $0xb8;
	[tilespmem:$0x1F880] =	vst v63  }
.Ltmp0:
0x159: {  	_ =	swait.ge [sflag:s31], $0x800;
	(pc) =	sbr.rel @p1 .LBB2_2-.Ltmp0, $4  }
0x15a: {  	[sflag:s31] =	ssyncset.done $0x0  }
0x15b: {  	[sflag:s31] =	ssyncadd.s32 $0xFFFFF800  }
0x15c: {  	_ =	swait.ge [sflag:s6], $0x800  }
0x15d: {  	[sflag:s6] =	ssyncset.done $0x0  }
0x15e: {  	[sflag:s6] =	ssyncadd.s32 $0xFFFFF800  }
0x15f: {  	[bflag:$0x0] =	sbarrier.arrive $0xFFFF  }
0x160: {  	s2 =	rddreg [dreg:$0xd]  }
0x161: {  	s0 =	rddreg [dreg:$0xe]  }
0x162: {  	s7 =	simm.s32 $0x7;
	s28 =	rddreg [dreg:$0x11]  }
0x163: {  	[hbm:s0], [sflag:s2] =	dma.local [spmem:s28], $0x1400  }
0x164: {  	_ =	swait.ge [sflag:s7], $0x1400  }
0x165: {  	[sflag:s7] =	ssyncset.done $0x0  }
0x166: {  	[sflag:s7] =	ssyncadd.s32 $0xFFFFEC00  }
0x167: {  	s0 =	rddreg [dreg:$0x1]  }
0x168: {  	[spmem:s28], [sflag:s2] =	dma.local [hbm:s0], $0x1400  }
0x169: {  	_ =	swait.ge [sflag:s7], $0x1400  }
0x16a: {  	[sflag:s7] =	ssyncset.done $0x0  }
0x16b: {  	[sflag:s7] =	ssyncadd.s32 $0xFFFFEC00  }
0x16c: {  	[bflag:$0x0] =	sbarrier.arrive $0xFFFF  }
0x16d: {  	s0 =	simm.s32 $0x0;
	s7 =	rddreg [dreg:$0x7]  }
0x16e: {  	[tilespmem:s0], [sflag:$0x5] =	stream.linear.gather [hbm4b:s7+s0], $0x400, $0x38;
	[tilespmem:$0x1F880] =	vst v63  }
0x16f: {  	s2 =	rddreg [dreg:$0x9];
	s7 =	simm.s32 $0x800  }
0x170: {  	[tilespmem:s7], [sflag:$0x5] =	stream.linear.gather [hbm4b:s2+s0], $0x400, $0x38;
	[tilespmem:$0x1F880] =	vst v63  }
0x171: {  	_ =	swait.ge [sflag:s20], $0x400  }
0x172: {  	[sflag:s20] =	ssyncset.done $0x0  }
0x173: {  	[sflag:s20] =	ssyncadd.s32 $0xFFFFFC00  }
0x174: {  	_ =	swait.ge [sflag:s20], $0x400  }
0x175: {  	s2 =	sadd.s32 $0x0, s13;
	[sflag:s20] =	ssyncset.done $0x0  }
0x176: {  	s0 =	sadd.s32 $0x80, s2;
	s2 =	sadd.s32 $0x0, s14;
	[sflag:s20] =	ssyncadd.s32 $0xFFFFFC00  }
0x177: {  	[tilespmem:s21], [sflag:$0x6] =	stream.linear.gather [hbm4b:s0+s5], $0x400, $0x38;
	[tilespmem:$0x1F880] =	vst v63  }
0x178: {  	s2 =	sadd.s32 $0x80, s2  }
0x179: {  	[tilespmem:s22], [sflag:$0x6] =	stream.linear.gather [hbm4b:s2+s5], $0x400, $0x38;
	[tilespmem:$0x1F880] =	vst v63  }
0x17a: {  	_ = 	snop  }
0x17b: {  	[tilespmem:s26], [sflag:$0x1] =	stream.indirect.gather [spmem:s3], $0x80, s5, s25, $0xb8;
	[tilespmem:$0x1F880] =	vst v63  }
0x17c: {  	s2 =	simm.s32 $0x80  }
0x17d: {  	[tilespmem:s29], [sflag:$0x2] =	stream.indirect.gather [spmem:s3], $0x80, s2, s25, $0xb8;
	[tilespmem:$0x1F880] =	vst v63  }
0x17e: {  	_ =	swait.ge [sflag:s30], $0x800  }
0x17f: {  	[sflag:s30] =	ssyncset.done $0x0  }
0x180: {  	[sflag:s30] =	ssyncadd.s32 $0xFFFFF800  }
0x181: {  	[spmem:s4] =	stream.indirect.scatter.add.f32 [tilespmem:s26], [sflag:$0x3], $0x80, s7, s25, $0xb8;
	[tilespmem:$0x1F880] =	vst v63  }
0x182: {  	_ =	swait.ge [sflag:s31], $0x800  }
0x183: {  	[sflag:s31] =	ssyncset.done $0x0  }
0x184: {  	s7 =	simm.s32 $0x100;
	[sflag:s31] =	ssyncadd.s32 $0xFFFFF800  }
0x185: {  	[tilespmem:s26], [sflag:$0x1] =	stream.indirect.gather [spmem:s3], $0x80, s7, s25, $0xb8;
	[tilespmem:$0x1F880] =	vst v63  }
0x186: {  	_ =	swait.ge [sflag:s1], $0x800  }
0x187: {  	[sflag:s1] =	ssyncset.done $0x0  }
0x188: {  	s2 =	simm.s32 $0x880;
	[sflag:s1] =	ssyncadd.s32 $0xFFFFF800  }
0x189: {  	[spmem:s4] =	stream.indirect.scatter.add.f32 [tilespmem:s29], [sflag:$0x4], $0x80, s2, s25, $0xb8;
	[tilespmem:$0x1F880] =	vst v63  }
0x18a: {  	_ =	swait.ge [sflag:s6], $0x800  }
0x18b: {  	[sflag:s6] =	ssyncset.done $0x0  }
0x18c: {  	s7 =	simm.s32 $0x180;
	[sflag:s6] =	ssyncadd.s32 $0xFFFFF800  }
0x18d: {  	[tilespmem:s29], [sflag:$0x2] =	stream.indirect.gather [spmem:s3], $0x80, s7, s25, $0xb8;
	[tilespmem:$0x1F880] =	vst v63  }
0x18e: {  	_ =	swait.ge [sflag:s30], $0x800  }
0x18f: {  	[sflag:s30] =	ssyncset.done $0x0  }
0x190: {  	s2 =	simm.s32 $0x900;
	[sflag:s30] =	ssyncadd.s32 $0xFFFFF800  }
0x191: {  	[spmem:s4] =	stream.indirect.scatter.add.f32 [tilespmem:s26], [sflag:$0x3], $0x80, s2, s25, $0xb8;
	[tilespmem:$0x1F880] =	vst v63  }
0x192: {  	_ =	swait.ge [sflag:s31], $0x800  }
0x193: {  	[sflag:s31] =	ssyncset.done $0x0  }
0x194: {  	s7 =	simm.s32 $0x200;
	[sflag:s31] =	ssyncadd.s32 $0xFFFFF800  }
0x195: {  	[tilespmem:s26], [sflag:$0x1] =	stream.indirect.gather [spmem:s3], $0x80, s7, s25, $0xb8;
	[tilespmem:$0x1F880] =	vst v63  }
0x196: {  	_ =	swait.ge [sflag:s1], $0x800  }
0x197: {  	[sflag:s1] =	ssyncset.done $0x0  }
0x198: {  	s2 =	simm.s32 $0x980;
	[sflag:s1] =	ssyncadd.s32 $0xFFFFF800  }
0x199: {  	[spmem:s4] =	stream.indirect.scatter.add.f32 [tilespmem:s29], [sflag:$0x4], $0x80, s2, s25, $0xb8;
	[tilespmem:$0x1F880] =	vst v63  }
0x19a: {  	_ =	swait.ge [sflag:s6], $0x800  }
0x19b: {  	[sflag:s6] =	ssyncset.done $0x0  }
0x19c: {  	s7 =	simm.s32 $0x280;
	[sflag:s6] =	ssyncadd.s32 $0xFFFFF800  }
0x19d: {  	[tilespmem:s29], [sflag:$0x2] =	stream.indirect.gather [spmem:s3], $0x80, s7, s25, $0xb8;
	[tilespmem:$0x1F880] =	vst v63  }
0x19e: {  	_ =	swait.ge [sflag:s30], $0x800  }
0x19f: {  	[sflag:s30] =	ssyncset.done $0x0  }
0x1a0: {  	s2 =	simm.s32 $0xA00;
	[sflag:s30] =	ssyncadd.s32 $0xFFFFF800  }
0x1a1: {  	[spmem:s4] =	stream.indirect.scatter.add.f32 [tilespmem:s26], [sflag:$0x3], $0x80, s2, s25, $0xb8;
	[tilespmem:$0x1F880] =	vst v63  }
0x1a2: {  	_ =	swait.ge [sflag:s31], $0x800  }
0x1a3: {  	[sflag:s31] =	ssyncset.done $0x0  }
0x1a4: {  	s7 =	simm.s32 $0x300;
	[sflag:s31] =	ssyncadd.s32 $0xFFFFF800  }
0x1a5: {  	[tilespmem:s26], [sflag:$0x1] =	stream.indirect.gather [spmem:s3], $0x80, s7, s25, $0xb8;
	[tilespmem:$0x1F880] =	vst v63  }
0x1a6: {  	_ =	swait.ge [sflag:s1], $0x800  }
0x1a7: {  	[sflag:s1] =	ssyncset.done $0x0  }
0x1a8: {  	s2 =	simm.s32 $0xA80;
	[sflag:s1] =	ssyncadd.s32 $0xFFFFF800  }
0x1a9: {  	[spmem:s4] =	stream.indirect.scatter.add.f32 [tilespmem:s29], [sflag:$0x4], $0x80, s2, s25, $0xb8;
	[tilespmem:$0x1F880] =	vst v63  }
0x1aa: {  	_ =	swait.ge [sflag:s6], $0x800  }
0x1ab: {  	[sflag:s6] =	ssyncset.done $0x0  }
0x1ac: {  	s7 =	simm.s32 $0x380;
	[sflag:s6] =	ssyncadd.s32 $0xFFFFF800  }
0x1ad: {  	[tilespmem:s29], [sflag:$0x2] =	stream.indirect.gather [spmem:s3], $0x80, s7, s25, $0xb8;
	[tilespmem:$0x1F880] =	vst v63  }
0x1ae: {  	_ =	swait.ge [sflag:s30], $0x800  }
0x1af: {  	[sflag:s30] =	ssyncset.done $0x0  }
0x1b0: {  	s2 =	simm.s32 $0xB00;
	[sflag:s30] =	ssyncadd.s32 $0xFFFFF800  }
0x1b1: {  	[spmem:s4] =	stream.indirect.scatter.add.f32 [tilespmem:s26], [sflag:$0x3], $0x80, s2, s25, $0xb8;
	[tilespmem:$0x1F880] =	vst v63  }
0x1b2: {  	_ =	swait.ge [sflag:s1], $0x800  }
0x1b3: {  	[sflag:s1] =	ssyncset.done $0x0  }
0x1b4: {  	s7 =	simm.s32 $0xB80;
	[sflag:s1] =	ssyncadd.s32 $0xFFFFF800  }
0x1b5: {  	[spmem:s4] =	stream.indirect.scatter.add.f32 [tilespmem:s29], [sflag:$0x4], $0x80, s7, s25, $0xb8;
	[tilespmem:$0x1F880] =	vst v63  }
0x1b6: {  	_ =	swait.ge [sflag:s31], $0x800  }
0x1b7: {  	[sflag:s31] =	ssyncset.done $0x0  }
0x1b8: {  	[sflag:s31] =	ssyncadd.s32 $0xFFFFF800  }
0x1b9: {  	_ =	swait.ge [sflag:s6], $0x800  }
0x1ba: {  	[sflag:s6] =	ssyncset.done $0x0  }
0x1bb: {  	[sflag:s6] =	ssyncadd.s32 $0xFFFFF800  }
0x1bc: {  	_ =	swait.ge [sflag:s19], $0x400  }
0x1bd: {  	[sflag:s19] =	ssyncset.done $0x0  }
0x1be: {  	p1 =	por $0x0, $0x0;
	[sflag:s19] =	ssyncadd.s32 $0xFFFFFC00  }
0x1bf: {  	s0 =	sadd.s32 @!p1 $0x0, s13;
	_ =	swait.ge [sflag:s19], $0x400  }
0x1c0: {  	s0 =	sadd.s32 @!p1 $0x100, s0;
	[sflag:s19] =	ssyncset.done $0x0  }
0x1c1: {  	s2 =	sadd.s32 @!p1 $0x0, s14;
	s7 =	simm.s32 @!p1 $0x0;
	[sflag:s19] =	ssyncadd.s32 $0xFFFFFC00  }
0x1c2: {  	[tilespmem:s7], [sflag:$0x5] =	stream.linear.gather @!p1 [hbm4b:s0+s7], $0x400, $0x38;
	[tilespmem:$0x1F880] =	vst v63  }
0x1c3: {  	s0 =	sadd.s32 @!p1 $0x100, s2;
	s2 =	simm.s32 @!p1 $0x800  }
0x1c4: {  	[tilespmem:s2], [sflag:$0x5] =	stream.linear.gather @!p1 [hbm4b:s0+s7], $0x400, $0x38;
	[tilespmem:$0x1F880] =	vst v63  }
0x1c5: {  	_ = 	snop  }
0x1c6: {  	[tilespmem:s26], [sflag:$0x1] =	stream.indirect.gather [spmem:s3], $0x80, s21, s25, $0xb8;
	[tilespmem:$0x1F880] =	vst v63  }
0x1c7: {  	s2 =	simm.s32 $0x480  }
0x1c8: {  	[tilespmem:s29], [sflag:$0x2] =	stream.indirect.gather [spmem:s3], $0x80, s2, s25, $0xb8;
	[tilespmem:$0x1F880] =	vst v63  }
0x1c9: {  	_ =	swait.ge [sflag:s30], $0x800  }
0x1ca: {  	[sflag:s30] =	ssyncset.done $0x0  }
0x1cb: {  	[sflag:s30] =	ssyncadd.s32 $0xFFFFF800  }
0x1cc: {  	[spmem:s4] =	stream.indirect.scatter.add.f32 [tilespmem:s26], [sflag:$0x3], $0x80, s22, s25, $0xb8;
	[tilespmem:$0x1F880] =	vst v63  }
0x1cd: {  	_ =	swait.ge [sflag:s31], $0x800  }
0x1ce: {  	[sflag:s31] =	ssyncset.done $0x0  }
0x1cf: {  	s7 =	simm.s32 $0x500;
	[sflag:s31] =	ssyncadd.s32 $0xFFFFF800  }
0x1d0: {  	[tilespmem:s26], [sflag:$0x1] =	stream.indirect.gather [spmem:s3], $0x80, s7, s25, $0xb8;
	[tilespmem:$0x1F880] =	vst v63  }
0x1d1: {  	_ =	swait.ge [sflag:s1], $0x800  }
0x1d2: {  	[sflag:s1] =	ssyncset.done $0x0  }
0x1d3: {  	s2 =	simm.s32 $0xC80;
	[sflag:s1] =	ssyncadd.s32 $0xFFFFF800  }
0x1d4: {  	[spmem:s4] =	stream.indirect.scatter.add.f32 [tilespmem:s29], [sflag:$0x4], $0x80, s2, s25, $0xb8;
	[tilespmem:$0x1F880] =	vst v63  }
0x1d5: {  	_ =	swait.ge [sflag:s6], $0x800  }
0x1d6: {  	[sflag:s6] =	ssyncset.done $0x0  }
0x1d7: {  	s7 =	simm.s32 $0x580;
	[sflag:s6] =	ssyncadd.s32 $0xFFFFF800  }
0x1d8: {  	[tilespmem:s29], [sflag:$0x2] =	stream.indirect.gather [spmem:s3], $0x80, s7, s25, $0xb8;
	[tilespmem:$0x1F880] =	vst v63  }
0x1d9: {  	_ =	swait.ge [sflag:s30], $0x800  }
0x1da: {  	[sflag:s30] =	ssyncset.done $0x0  }
0x1db: {  	[sflag:s30] =	ssyncadd.s32 $0xFFFFF800  }
0x1dc: {  	[spmem:s4] =	stream.indirect.scatter.add.f32 [tilespmem:s26], [sflag:$0x3], $0x80, s18, s25, $0xb8;
	[tilespmem:$0x1F880] =	vst v63  }
0x1dd: {  	_ =	swait.ge [sflag:s31], $0x800  }
0x1de: {  	[sflag:s31] =	ssyncset.done $0x0  }
0x1df: {  	[sflag:s31] =	ssyncadd.s32 $0xFFFFF800  }
0x1e0: {  	[tilespmem:s26], [sflag:$0x1] =	stream.indirect.gather [spmem:s3], $0x80, s9, s25, $0xb8;
	[tilespmem:$0x1F880] =	vst v63  }
0x1e1: {  	_ =	swait.ge [sflag:s1], $0x800  }
0x1e2: {  	[sflag:s1] =	ssyncset.done $0x0  }
0x1e3: {  	[sflag:s1] =	ssyncadd.s32 $0xFFFFF800  }
0x1e4: {  	[spmem:s4] =	stream.indirect.scatter.add.f32 [tilespmem:s29], [sflag:$0x4], $0x80, s10, s25, $0xb8;
	[tilespmem:$0x1F880] =	vst v63  }
0x1e5: {  	_ =	swait.ge [sflag:s6], $0x800  }
0x1e6: {  	[sflag:s6] =	ssyncset.done $0x0  }
0x1e7: {  	[sflag:s6] =	ssyncadd.s32 $0xFFFFF800  }
0x1e8: {  	[tilespmem:s29], [sflag:$0x2] =	stream.indirect.gather [spmem:s3], $0x80, s11, s25, $0xb8;
	[tilespmem:$0x1F880] =	vst v63  }
0x1e9: {  	_ =	swait.ge [sflag:s30], $0x800  }
0x1ea: {  	[sflag:s30] =	ssyncset.done $0x0  }
0x1eb: {  	[sflag:s30] =	ssyncadd.s32 $0xFFFFF800  }
0x1ec: {  	[spmem:s4] =	stream.indirect.scatter.add.f32 [tilespmem:s26], [sflag:$0x3], $0x80, s15, s25, $0xb8;
	[tilespmem:$0x1F880] =	vst v63  }
0x1ed: {  	_ =	swait.ge [sflag:s31], $0x800  }
0x1ee: {  	[sflag:s31] =	ssyncset.done $0x0  }
0x1ef: {  	[sflag:s31] =	ssyncadd.s32 $0xFFFFF800  }
0x1f0: {  	[tilespmem:s26], [sflag:$0x1] =	stream.indirect.gather [spmem:s3], $0x80, s16, s25, $0xb8;
	[tilespmem:$0x1F880] =	vst v63  }
0x1f1: {  	_ =	swait.ge [sflag:s1], $0x800  }
0x1f2: {  	[sflag:s1] =	ssyncset.done $0x0  }
0x1f3: {  	[sflag:s1] =	ssyncadd.s32 $0xFFFFF800  }
0x1f4: {  	[spmem:s4] =	stream.indirect.scatter.add.f32 [tilespmem:s29], [sflag:$0x4], $0x80, s23, s25, $0xb8;
	[tilespmem:$0x1F880] =	vst v63  }
0x1f5: {  	_ =	swait.ge [sflag:s6], $0x800  }
0x1f6: {  	[sflag:s6] =	ssyncset.done $0x0  }
0x1f7: {  	[sflag:s6] =	ssyncadd.s32 $0xFFFFF800  }
0x1f8: {  	[tilespmem:s29], [sflag:$0x2] =	stream.indirect.gather [spmem:s3], $0x80, s24, s25, $0xb8;
	[tilespmem:$0x1F880] =	vst v63  }
0x1f9: {  	_ =	swait.ge [sflag:s30], $0x800  }
0x1fa: {  	[sflag:s30] =	ssyncset.done $0x0  }
0x1fb: {  	[sflag:s30] =	ssyncadd.s32 $0xFFFFF800  }
0x1fc: {  	[spmem:s4] =	stream.indirect.scatter.add.f32 [tilespmem:s26], [sflag:$0x3], $0x80, s8, s25, $0xb8;
	[tilespmem:$0x1F880] =	vst v63  }
0x1fd: {  	_ =	swait.ge [sflag:s1], $0x800  }
0x1fe: {  	[sflag:s1] =	ssyncset.done $0x0  }
0x1ff: {  	[sflag:s1] =	ssyncadd.s32 $0xFFFFF800  }
0x200: {  	[spmem:s4] =	stream.indirect.scatter.add.f32 [tilespmem:s29], [sflag:$0x4], $0x80, s17, s25, $0xb8;
	[tilespmem:$0x1F880] =	vst v63  }
0x201: {  	_ =	swait.ge [sflag:s31], $0x800  }
0x202: {  	[sflag:s31] =	ssyncset.done $0x0  }
0x203: {  	[sflag:s31] =	ssyncadd.s32 $0xFFFFF800  }
0x204: {  	_ =	swait.ge [sflag:s6], $0x800  }
0x205: {  	s28 =	simm.s32 $0x100;
	[sflag:s6] =	ssyncset.done $0x0  }
.LBB2_4:
0x206: {  	[sflag:s6] =	ssyncadd.s32 $0xFFFFF800;
	s0 =	smov.u32 s28;
	s28 =	sadd.s32 $0x100, s28  }
0x207: {  	_ =	swait.ge [sflag:s20], $0x400;
	p1 =	sne.s32 s28, $0x2800  }
0x208: {  	[sflag:s20] =	ssyncset.done $0x0  }
0x209: {  	[sflag:s20] =	ssyncadd.s32 $0xFFFFFC00  }
0x20a: {  	_ =	swait.ge [sflag:s20], $0x400  }
0x20b: {  	s2 =	sadd.s32 s0, s13;
	[sflag:s20] =	ssyncset.done $0x0  }
0x20c: {  	s7 =	sadd.s32 s0, s14;
	s2 =	sadd.s32 $0x80, s2;
	[sflag:s20] =	ssyncadd.s32 $0xFFFFFC00  }
0x20d: {  	[tilespmem:s21], [sflag:$0x6] =	stream.linear.gather [hbm4b:s2+s5], $0x400, $0x38;
	[tilespmem:$0x1F880] =	vst v63  }
0x20e: {  	s2 =	sadd.s32 $0x80, s7  }
0x20f: {  	[tilespmem:s22], [sflag:$0x6] =	stream.linear.gather [hbm4b:s2+s5], $0x400, $0x38;
	[tilespmem:$0x1F880] =	vst v63  }
0x210: {  	_ = 	snop  }
0x211: {  	[tilespmem:s26], [sflag:$0x1] =	stream.indirect.gather [spmem:s3], $0x80, s5, s25, $0xb8;
	[tilespmem:$0x1F880] =	vst v63  }
0x212: {  	s2 =	simm.s32 $0x80  }
0x213: {  	[tilespmem:s29], [sflag:$0x2] =	stream.indirect.gather [spmem:s3], $0x80, s2, s25, $0xb8;
	[tilespmem:$0x1F880] =	vst v63  }
0x214: {  	_ =	swait.ge [sflag:s30], $0x800  }
0x215: {  	[sflag:s30] =	ssyncset.done $0x0  }
0x216: {  	s2 =	simm.s32 $0x800;
	[sflag:s30] =	ssyncadd.s32 $0xFFFFF800  }
0x217: {  	[spmem:s4] =	stream.indirect.scatter.add.f32 [tilespmem:s26], [sflag:$0x3], $0x80, s2, s25, $0xb8;
	[tilespmem:$0x1F880] =	vst v63  }
0x218: {  	_ =	swait.ge [sflag:s31], $0x800  }
0x219: {  	[sflag:s31] =	ssyncset.done $0x0  }
0x21a: {  	s2 =	simm.s32 $0x100;
	[sflag:s31] =	ssyncadd.s32 $0xFFFFF800  }
0x21b: {  	[tilespmem:s26], [sflag:$0x1] =	stream.indirect.gather [spmem:s3], $0x80, s2, s25, $0xb8;
	[tilespmem:$0x1F880] =	vst v63  }
0x21c: {  	_ =	swait.ge [sflag:s1], $0x800  }
0x21d: {  	[sflag:s1] =	ssyncset.done $0x0  }
0x21e: {  	s2 =	simm.s32 $0x880;
	[sflag:s1] =	ssyncadd.s32 $0xFFFFF800  }
0x21f: {  	[spmem:s4] =	stream.indirect.scatter.add.f32 [tilespmem:s29], [sflag:$0x4], $0x80, s2, s25, $0xb8;
	[tilespmem:$0x1F880] =	vst v63  }
0x220: {  	_ =	swait.ge [sflag:s6], $0x800  }
0x221: {  	[sflag:s6] =	ssyncset.done $0x0  }
0x222: {  	s2 =	simm.s32 $0x180;
	[sflag:s6] =	ssyncadd.s32 $0xFFFFF800  }
0x223: {  	[tilespmem:s29], [sflag:$0x2] =	stream.indirect.gather [spmem:s3], $0x80, s2, s25, $0xb8;
	[tilespmem:$0x1F880] =	vst v63  }
0x224: {  	_ =	swait.ge [sflag:s30], $0x800  }
0x225: {  	[sflag:s30] =	ssyncset.done $0x0  }
0x226: {  	s2 =	simm.s32 $0x900;
	[sflag:s30] =	ssyncadd.s32 $0xFFFFF800  }
0x227: {  	[spmem:s4] =	stream.indirect.scatter.add.f32 [tilespmem:s26], [sflag:$0x3], $0x80, s2, s25, $0xb8;
	[tilespmem:$0x1F880] =	vst v63  }
0x228: {  	_ =	swait.ge [sflag:s31], $0x800  }
0x229: {  	[sflag:s31] =	ssyncset.done $0x0  }
0x22a: {  	s2 =	simm.s32 $0x200;
	[sflag:s31] =	ssyncadd.s32 $0xFFFFF800  }
0x22b: {  	[tilespmem:s26], [sflag:$0x1] =	stream.indirect.gather [spmem:s3], $0x80, s2, s25, $0xb8;
	[tilespmem:$0x1F880] =	vst v63  }
0x22c: {  	_ =	swait.ge [sflag:s1], $0x800  }
0x22d: {  	[sflag:s1] =	ssyncset.done $0x0  }
0x22e: {  	s2 =	simm.s32 $0x980;
	[sflag:s1] =	ssyncadd.s32 $0xFFFFF800  }
0x22f: {  	[spmem:s4] =	stream.indirect.scatter.add.f32 [tilespmem:s29], [sflag:$0x4], $0x80, s2, s25, $0xb8;
	[tilespmem:$0x1F880] =	vst v63  }
0x230: {  	_ =	swait.ge [sflag:s6], $0x800  }
0x231: {  	[sflag:s6] =	ssyncset.done $0x0  }
0x232: {  	s2 =	simm.s32 $0x280;
	[sflag:s6] =	ssyncadd.s32 $0xFFFFF800  }
0x233: {  	[tilespmem:s29], [sflag:$0x2] =	stream.indirect.gather [spmem:s3], $0x80, s2, s25, $0xb8;
	[tilespmem:$0x1F880] =	vst v63  }
0x234: {  	_ =	swait.ge [sflag:s30], $0x800  }
0x235: {  	[sflag:s30] =	ssyncset.done $0x0  }
0x236: {  	s2 =	simm.s32 $0xA00;
	[sflag:s30] =	ssyncadd.s32 $0xFFFFF800  }
0x237: {  	[spmem:s4] =	stream.indirect.scatter.add.f32 [tilespmem:s26], [sflag:$0x3], $0x80, s2, s25, $0xb8;
	[tilespmem:$0x1F880] =	vst v63  }
0x238: {  	_ =	swait.ge [sflag:s31], $0x800  }
0x239: {  	[sflag:s31] =	ssyncset.done $0x0  }
0x23a: {  	s2 =	simm.s32 $0x300;
	[sflag:s31] =	ssyncadd.s32 $0xFFFFF800  }
0x23b: {  	[tilespmem:s26], [sflag:$0x1] =	stream.indirect.gather [spmem:s3], $0x80, s2, s25, $0xb8;
	[tilespmem:$0x1F880] =	vst v63  }
0x23c: {  	_ =	swait.ge [sflag:s1], $0x800  }
0x23d: {  	[sflag:s1] =	ssyncset.done $0x0  }
0x23e: {  	s2 =	simm.s32 $0xA80;
	[sflag:s1] =	ssyncadd.s32 $0xFFFFF800  }
0x23f: {  	[spmem:s4] =	stream.indirect.scatter.add.f32 [tilespmem:s29], [sflag:$0x4], $0x80, s2, s25, $0xb8;
	[tilespmem:$0x1F880] =	vst v63  }
0x240: {  	_ =	swait.ge [sflag:s6], $0x800  }
0x241: {  	[sflag:s6] =	ssyncset.done $0x0  }
0x242: {  	s2 =	simm.s32 $0x380;
	[sflag:s6] =	ssyncadd.s32 $0xFFFFF800  }
0x243: {  	[tilespmem:s29], [sflag:$0x2] =	stream.indirect.gather [spmem:s3], $0x80, s2, s25, $0xb8;
	[tilespmem:$0x1F880] =	vst v63  }
0x244: {  	_ =	swait.ge [sflag:s30], $0x800  }
0x245: {  	[sflag:s30] =	ssyncset.done $0x0  }
0x246: {  	s2 =	simm.s32 $0xB00;
	[sflag:s30] =	ssyncadd.s32 $0xFFFFF800  }
0x247: {  	[spmem:s4] =	stream.indirect.scatter.add.f32 [tilespmem:s26], [sflag:$0x3], $0x80, s2, s25, $0xb8;
	[tilespmem:$0x1F880] =	vst v63  }
0x248: {  	_ =	swait.ge [sflag:s1], $0x800  }
0x249: {  	[sflag:s1] =	ssyncset.done $0x0  }
0x24a: {  	s2 =	simm.s32 $0xB80;
	[sflag:s1] =	ssyncadd.s32 $0xFFFFF800  }
0x24b: {  	[spmem:s4] =	stream.indirect.scatter.add.f32 [tilespmem:s29], [sflag:$0x4], $0x80, s2, s25, $0xb8;
	[tilespmem:$0x1F880] =	vst v63  }
0x24c: {  	_ =	swait.ge [sflag:s31], $0x800  }
0x24d: {  	[sflag:s31] =	ssyncset.done $0x0  }
0x24e: {  	[sflag:s31] =	ssyncadd.s32 $0xFFFFF800  }
0x24f: {  	_ =	swait.ge [sflag:s6], $0x800  }
0x250: {  	[sflag:s6] =	ssyncset.done $0x0  }
0x251: {  	[sflag:s6] =	ssyncadd.s32 $0xFFFFF800  }
0x252: {  	_ =	swait.ge [sflag:s19], $0x400  }
0x253: {  	[sflag:s19] =	ssyncset.done $0x0  }
0x254: {  	[sflag:s19] =	ssyncadd.s32 $0xFFFFFC00  }
0x255: {  	p2 =	seq.s32 s0, $0x2700;
	_ =	swait.ge [sflag:s19], $0x400  }
0x256: {  	s2 =	sadd.s32 @!p2 s0, s13;
	s0 =	sadd.s32 @!p2 s0, s14;
	[sflag:s19] =	ssyncset.done $0x0  }
0x257: {  	s7 =	simm.s32 @!p2 $0x0;
	s2 =	sadd.s32 @!p2 $0x100, s2;
	[sflag:s19] =	ssyncadd.s32 $0xFFFFFC00  }
0x258: {  	[tilespmem:s7], [sflag:$0x5] =	stream.linear.gather @!p2 [hbm4b:s2+s7], $0x400, $0x38;
	[tilespmem:$0x1F880] =	vst v63  }
0x259: {  	s0 =	sadd.s32 @!p2 $0x100, s0;
	s2 =	simm.s32 @!p2 $0x800  }
0x25a: {  	[tilespmem:s2], [sflag:$0x5] =	stream.linear.gather @!p2 [hbm4b:s0+s7], $0x400, $0x38;
	[tilespmem:$0x1F880] =	vst v63  }
0x25b: {  	_ = 	snop  }
0x25c: {  	[tilespmem:s26], [sflag:$0x1] =	stream.indirect.gather [spmem:s3], $0x80, s21, s25, $0xb8;
	[tilespmem:$0x1F880] =	vst v63  }
0x25d: {  	s0 =	simm.s32 $0x480  }
0x25e: {  	[tilespmem:s29], [sflag:$0x2] =	stream.indirect.gather [spmem:s3], $0x80, s0, s25, $0xb8;
	[tilespmem:$0x1F880] =	vst v63  }
0x25f: {  	_ =	swait.ge [sflag:s30], $0x800  }
0x260: {  	[sflag:s30] =	ssyncset.done $0x0  }
0x261: {  	[sflag:s30] =	ssyncadd.s32 $0xFFFFF800  }
0x262: {  	[spmem:s4] =	stream.indirect.scatter.add.f32 [tilespmem:s26], [sflag:$0x3], $0x80, s22, s25, $0xb8;
	[tilespmem:$0x1F880] =	vst v63  }
0x263: {  	_ =	swait.ge [sflag:s31], $0x800  }
0x264: {  	[sflag:s31] =	ssyncset.done $0x0  }
0x265: {  	s0 =	simm.s32 $0x500;
	[sflag:s31] =	ssyncadd.s32 $0xFFFFF800  }
0x266: {  	[tilespmem:s26], [sflag:$0x1] =	stream.indirect.gather [spmem:s3], $0x80, s0, s25, $0xb8;
	[tilespmem:$0x1F880] =	vst v63  }
0x267: {  	_ =	swait.ge [sflag:s1], $0x800  }
0x268: {  	[sflag:s1] =	ssyncset.done $0x0  }
0x269: {  	s0 =	simm.s32 $0xC80;
	[sflag:s1] =	ssyncadd.s32 $0xFFFFF800  }
0x26a: {  	[spmem:s4] =	stream.indirect.scatter.add.f32 [tilespmem:s29], [sflag:$0x4], $0x80, s0, s25, $0xb8;
	[tilespmem:$0x1F880] =	vst v63  }
0x26b: {  	_ =	swait.ge [sflag:s6], $0x800  }
0x26c: {  	[sflag:s6] =	ssyncset.done $0x0  }
0x26d: {  	s0 =	simm.s32 $0x580;
	[sflag:s6] =	ssyncadd.s32 $0xFFFFF800  }
0x26e: {  	[tilespmem:s29], [sflag:$0x2] =	stream.indirect.gather [spmem:s3], $0x80, s0, s25, $0xb8;
	[tilespmem:$0x1F880] =	vst v63  }
0x26f: {  	_ =	swait.ge [sflag:s30], $0x800  }
0x270: {  	[sflag:s30] =	ssyncset.done $0x0  }
0x271: {  	[sflag:s30] =	ssyncadd.s32 $0xFFFFF800  }
0x272: {  	[spmem:s4] =	stream.indirect.scatter.add.f32 [tilespmem:s26], [sflag:$0x3], $0x80, s18, s25, $0xb8;
	[tilespmem:$0x1F880] =	vst v63  }
0x273: {  	_ =	swait.ge [sflag:s31], $0x800  }
0x274: {  	[sflag:s31] =	ssyncset.done $0x0  }
0x275: {  	[sflag:s31] =	ssyncadd.s32 $0xFFFFF800  }
0x276: {  	[tilespmem:s26], [sflag:$0x1] =	stream.indirect.gather [spmem:s3], $0x80, s9, s25, $0xb8;
	[tilespmem:$0x1F880] =	vst v63  }
0x277: {  	_ =	swait.ge [sflag:s1], $0x800  }
0x278: {  	[sflag:s1] =	ssyncset.done $0x0  }
0x279: {  	[sflag:s1] =	ssyncadd.s32 $0xFFFFF800  }
0x27a: {  	[spmem:s4] =	stream.indirect.scatter.add.f32 [tilespmem:s29], [sflag:$0x4], $0x80, s10, s25, $0xb8;
	[tilespmem:$0x1F880] =	vst v63  }
0x27b: {  	_ =	swait.ge [sflag:s6], $0x800  }
0x27c: {  	[sflag:s6] =	ssyncset.done $0x0  }
0x27d: {  	[sflag:s6] =	ssyncadd.s32 $0xFFFFF800  }
0x27e: {  	[tilespmem:s29], [sflag:$0x2] =	stream.indirect.gather [spmem:s3], $0x80, s11, s25, $0xb8;
	[tilespmem:$0x1F880] =	vst v63  }
0x27f: {  	_ =	swait.ge [sflag:s30], $0x800  }
0x280: {  	[sflag:s30] =	ssyncset.done $0x0  }
0x281: {  	[sflag:s30] =	ssyncadd.s32 $0xFFFFF800  }
0x282: {  	[spmem:s4] =	stream.indirect.scatter.add.f32 [tilespmem:s26], [sflag:$0x3], $0x80, s15, s25, $0xb8;
	[tilespmem:$0x1F880] =	vst v63  }
0x283: {  	_ =	swait.ge [sflag:s31], $0x800  }
0x284: {  	[sflag:s31] =	ssyncset.done $0x0  }
0x285: {  	[sflag:s31] =	ssyncadd.s32 $0xFFFFF800  }
0x286: {  	[tilespmem:s26], [sflag:$0x1] =	stream.indirect.gather [spmem:s3], $0x80, s16, s25, $0xb8;
	[tilespmem:$0x1F880] =	vst v63  }
0x287: {  	_ =	swait.ge [sflag:s1], $0x800  }
0x288: {  	[sflag:s1] =	ssyncset.done $0x0  }
0x289: {  	[sflag:s1] =	ssyncadd.s32 $0xFFFFF800  }
0x28a: {  	[spmem:s4] =	stream.indirect.scatter.add.f32 [tilespmem:s29], [sflag:$0x4], $0x80, s23, s25, $0xb8;
	[tilespmem:$0x1F880] =	vst v63  }
0x28b: {  	_ =	swait.ge [sflag:s6], $0x800  }
0x28c: {  	[sflag:s6] =	ssyncset.done $0x0  }
0x28d: {  	[sflag:s6] =	ssyncadd.s32 $0xFFFFF800  }
0x28e: {  	[tilespmem:s29], [sflag:$0x2] =	stream.indirect.gather [spmem:s3], $0x80, s24, s25, $0xb8;
	[tilespmem:$0x1F880] =	vst v63  }
0x28f: {  	_ =	swait.ge [sflag:s30], $0x800  }
0x290: {  	[sflag:s30] =	ssyncset.done $0x0  }
0x291: {  	[sflag:s30] =	ssyncadd.s32 $0xFFFFF800  }
0x292: {  	[spmem:s4] =	stream.indirect.scatter.add.f32 [tilespmem:s26], [sflag:$0x3], $0x80, s8, s25, $0xb8;
	[tilespmem:$0x1F880] =	vst v63  }
0x293: {  	_ =	swait.ge [sflag:s1], $0x800  }
0x294: {  	[sflag:s1] =	ssyncset.done $0x0  }
0x295: {  	[sflag:s1] =	ssyncadd.s32 $0xFFFFF800  }
0x296: {  	[spmem:s4] =	stream.indirect.scatter.add.f32 [tilespmem:s29], [sflag:$0x4], $0x80, s17, s25, $0xb8;
	[tilespmem:$0x1F880] =	vst v63  }
.Ltmp1:
0x297: {  	_ =	swait.ge [sflag:s31], $0x800;
	(pc) =	sbr.rel @p1 .LBB2_4-.Ltmp1, $4  }
0x298: {  	[sflag:s31] =	ssyncset.done $0x0  }
0x299: {  	[sflag:s31] =	ssyncadd.s32 $0xFFFFF800  }
0x29a: {  	_ =	swait.ge [sflag:s6], $0x800  }
0x29b: {  	[sflag:s6] =	ssyncset.done $0x0  }
0x29c: {  	[sflag:s6] =	ssyncadd.s32 $0xFFFFF800  }
0x29d: {  	[bflag:$0x0] =	sbarrier.arrive $0xFFFF  }
0x29e: {  	s28 =	rddreg [dreg:$0xd]  }
0x29f: {  	s0 =	rddreg [dreg:$0xf]  }
0x2a0: {  	s2 =	rddreg [dreg:$0x11]  }
0x2a1: {  	[hbm:s0], [sflag:s28] =	dma.local [spmem:s2], $0x1400  }
0x2a2: {  	s2 =	simm.s32 $0x7  }
0x2a3: {  	_ =	swait.ge [sflag:s2], $0x1400  }
0x2a4: {  	s7 =	rddreg [dreg:$0x10]  }
0x2a5: {  	s8 =	rddreg [dreg:$0xa];
	s7 =	sadd.s32 $0x1, s7  }
0x2a6: {  	p1 =	sne.s32 s7, s8  }
.Ltmp2:
0x2a7: {  	_ = 	snop;
	(pc) =	sbr.rel @p1 .LBB2_1-.Ltmp2, $3  }
0x2a8: {  	_ =	sdelay $0x1  }
0x2a9: {  	[sflag:s2] =	ssyncset.done $0x0  }
0x2aa: {  	[sflag:s2] =	ssyncadd.s32 $0xFFFFEC00  }
0x2ab: {  	_ =	sfence.sel $0x180000  }
0x2ac: {  	[bflag:$0x0] =	sbarrier.arrive $0xFFFF  }
0x2ad: {  	_ =	strace $0x9000004D  }
0x2ae: {  	s0 =	stileid.u32;
	[bflag:$0x2] =	sbarrier.arrive $0xFFFF  }
0x2af: {  	p0 =	sne.s32 s0, $0x0;
	s0 =	rddreg [dreg:$0x4]  }
0x2b0: {  	s0 =	sadd.s32 @!p0 $0x100000, s0  }
0x2b1: {  	[sflag:s0] =	ssyncadd.tile.s32 @!p0 $0x1;
	_ =	shalt  }
.Lfunc_end2:
_tile_overlayer_lowered:
.L_overlay_start_2:
0x2b2: {  	(tag) =	ssettag $0x2  }
0x2b3: {  	s0 =	rddreg [dreg:$0x0];
	s2 =	stileid.u32  }
0x2b4: {  	s1 =	rddreg [dreg:$0x1];
	p0 =	sne.s32 s2, $0x0  }
0x2b5: {  	s3 =	rddreg [dreg:$0x2];
	[bflag:$0x3] =	sbarrier.arrive $0xFFFF;
	s2 =	simm.s32 @!p0 $0x1C07  }
0x2b6: {  	[timem:s3], [sflag:s2] =	dma.local @!p0 [hbm:s0], s1  }
0x2b7: {  	s0 =	simm.s32 @!p0 $0x7  }
0x2b8: {  	_ =	swait.ge @!p0 [sflag:s0], s1  }
0x2b9: {  	s1 =	ssub.s32 @!p0 $0x0, s1;
	[sflag:s0] =	ssyncset.done @!p0 $0x0  }
0x2ba: {  	[sflag:s0] =	ssyncadd.s32 @!p0 s1  }
0x2bb: {  	[bflag:$0x3] =	sbarrier.arrive $0xFFFF  }
0x2bc: {  	_ =	shalt  }

// kernel: kernel.8.cloned.1.call-start
scs
__scs_entry_jumppad:
0x0: {  	(pc) =	sbr.rel $0x88, $3  }
0x1: {  	(tag) =	ssettag $0x0;
	lr =	simm.s32 $0x1  }
0x2: {  	[smem:$0x3F99] =	sst lr;
	_ =	strace $0xD0000000  }
0x3: {  	_ = 	snop  }
0x4: {  	_ = 	snop  }
0x5: {  	_ = 	snop  }
0x6: {  	_ = 	snop  }
0x7: {  	_ = 	snop  }
__scs_overlays_trampoline_lowered:
0x8: {  	[smem:$0x3FA8] =	sst s0  }
0x9: {  	[smem:$0x3FA9] =	sst s1  }
0xa: {  	[smem:$0x3FAA] =	sst s2  }
0xb: {  	[smem:$0x3FAB] =	sst s3  }
0xc: {  	[smem:$0x3FAC] =	sst s4  }
0xd: {  	[smem:$0x3FAD] =	sst s5  }
0xe: {  	[smem:$0x3FAE] =	sst s6  }
0xf: {  	[smem:$0x3FAF] =	sst s7  }
0x10: {  	[smem:$0x3FB0] =	sst s8  }
0x11: {  	[smem:$0x3FB1] =	sst s9;
	s0 =	simm.s32 @!p0 $0x0  }
0x12: {  	s1 =	sld [smem:$0x3F97];
	s0 =	simm.s32 @p0 $0x1  }
0x13: {  	[smem:$0x3FB2] =	sst s0;
	s0 =	simm.s32 @!p1 $0x0  }
0x14: {  	s2 =	sld [smem:$0x3F96];
	s0 =	simm.s32 @p1 $0x1  }
0x15: {  	[smem:$0x3FB3] =	sst s0;
	s0 =	simm.s32 @!p2 $0x0  }
0x16: {  	s3 =	sld [smem:$0x3FDB];
	s0 =	simm.s32 @p2 $0x1  }
0x17: {  	s4 =	simm.s32 $0x1BF5;
	[smem:$0x3FB5] =	sst s0  }
0x18: {  	s0 =	sld [smem:$0x3F98];
	_ =	swait.ge [sflag:s4], $0x0  }
0x19: {  	s7 =	sld [smem:$0x3F99]  }
0x1a: {  	s8 =	sadd.s32 $0xFFFFE003, lr  }
0x1b: {  	s9 =	sadd.s32 $0xFFFFFEF7, lr;
	s5 =	simm.s32 $0xFFFFFFFF;
	p2 =	slt.u32 s8, $0xFFFFF086  }
0x1c: {  	p1 =	slt.u32 s9, $0xF7A;
	s5 =	simm.s32 @!p2 $0x0  }
0x1d: {  	s5 =	simm.s32 @p1 $0x1;
	p0 =	seq.s32 s7, s2  }
0x1e: {  	s7 =	smul.u32 @!p0 $0xF7A, s2;
	p2 =	seq.s32 @!p0 s5, $0x0  }
0x1f: {  	s9 =	smul.u32 $0xF7A, s1;
	s8 =	simm.s32 @!p0 $0x1BF5;
	p2 =	por !p2, p0  }
0x20: {  	[sflag:s8] =	ssyncset.s32 @!p0 $0xFFFFF086;
	s6 =	sadd.s32 @!p0 s3, s7;
	s7 =	simm.s32 @!p0 $0x108  }
0x21: {  	s3 =	sadd.s32 s3, s9;
	s6 =	sadd.s32 @!p0 $0x88, s6;
	s7 =	simm.s32 @p2 $0x1082  }
0x22: {  	[simem:s7], [sflag:s8] =	dma.local @!p0 [hbm:s6], $0xF7A  }
0x23: {  	s9 =	sor.u32 $0xD0000000, s2;
	s6 =	simm.s32 $0x108;
	_ =	swait.ge @!p0 [sflag:s8], $0x0  }
0x24: {  	s3 =	sadd.s32 $0x88, s3;
	s6 =	simm.s32 @!p1 $0x1082;
	[sflag:s4] =	ssyncset.s32 $0xFFFFF086  }
0x25: {  	[simem:s6], [sflag:s4] =	dma.local [hbm:s3], $0xF7A  }
0x26: {  	[smem:$0x3F99] =	sst s1;
	(tag) =	ssettag s2;
	_ =	strace s9  }
0x27: {  	s1 =	sld [smem:$0x3FA9]  }
0x28: {  	s2 =	sld [smem:$0x3FAA]  }
0x29: {  	s4 =	sld [smem:$0x3FAC]  }
0x2a: {  	p0 =	seq.s32 s5, $0x0;
	s5 =	sld [smem:$0x3FAD]  }
0x2b: {  	s6 =	sld [smem:$0x3FAE]  }
0x2c: {  	s7 =	sld [smem:$0x3FAF]  }
0x2d: {  	s3 =	simm.s32 $0x108;
	s8 =	sld [smem:$0x3FB0]  }
0x2e: {  	s3 =	simm.s32 @!p0 $0x1082;
	s9 =	sld [smem:$0x3FB1]  }
0x2f: {  	lr =	sadd.s32 s0, s3;
	s0 =	sld [smem:$0x3FA8]  }
0x30: {  	s3 =	sld [smem:$0x3FAB]  }
0x31: {  	[smem:$0x3FB4] =	sst s10  }
0x32: {  	s10 =	sld [smem:$0x3FB2];
	_ =	sdelay $0x3  }
0x33: {  	p0 =	seq.s32 s10, $0x1;
	s10 =	sld [smem:$0x3FB4];
	_ =	sdelay $0x3  }
0x34: {  	[smem:$0x3FB4] =	sst s10  }
0x35: {  	s10 =	sld [smem:$0x3FB3];
	_ =	sdelay $0x3  }
0x36: {  	p1 =	seq.s32 s10, $0x1;
	s10 =	sld [smem:$0x3FB4];
	_ =	sdelay $0x3  }
0x37: {  	[smem:$0x3FB4] =	sst s10  }
0x38: {  	s10 =	sld [smem:$0x3FB5]  }
0x39: {  	_ = 	snop;
	(pc) =	sbr.ind lr, $3  }
0x3a: {  	_ = 	snop  }
0x3b: {  	_ = 	snop  }
0x3c: {  	p2 =	seq.s32 s10, $0x1;
	s10 =	sld [smem:$0x3FB4]  }
0x3d: {  	_ =	shalt  }
0x3e: {  	_ =	shalt  }
0x3f: {  	_ =	shalt  }
0x40: {  	_ =	shalt  }
0x41: {  	_ =	shalt  }
0x42: {  	_ =	shalt  }
0x43: {  	_ =	shalt  }
0x44: {  	_ =	shalt  }
0x45: {  	_ =	shalt  }
0x46: {  	_ =	shalt  }
0x47: {  	_ =	shalt  }
0x48: {  	_ =	shalt  }
0x49: {  	_ =	shalt  }
0x4a: {  	_ =	shalt  }
0x4b: {  	_ =	shalt  }
0x4c: {  	_ =	shalt  }
0x4d: {  	_ =	shalt  }
0x4e: {  	_ =	shalt  }
0x4f: {  	_ =	shalt  }
0x50: {  	_ =	shalt  }
0x51: {  	_ =	shalt  }
0x52: {  	_ =	shalt  }
0x53: {  	_ =	shalt  }
0x54: {  	_ =	shalt  }
0x55: {  	_ =	shalt  }
0x56: {  	_ =	shalt  }
0x57: {  	_ =	shalt  }
0x58: {  	_ =	shalt  }
0x59: {  	_ =	shalt  }
0x5a: {  	_ =	shalt  }
0x5b: {  	_ =	shalt  }
0x5c: {  	_ =	shalt  }
0x5d: {  	_ =	shalt  }
0x5e: {  	_ =	shalt  }
0x5f: {  	_ =	shalt  }
0x60: {  	_ =	shalt  }
0x61: {  	_ =	shalt  }
0x62: {  	_ =	shalt  }
0x63: {  	_ =	shalt  }
0x64: {  	_ =	shalt  }
0x65: {  	_ =	shalt  }
0x66: {  	_ =	shalt  }
0x67: {  	_ =	shalt  }
0x68: {  	_ =	shalt  }
0x69: {  	_ =	shalt  }
0x6a: {  	_ =	shalt  }
0x6b: {  	_ =	shalt  }
0x6c: {  	_ =	shalt  }
0x6d: {  	_ =	shalt  }
0x6e: {  	_ =	shalt  }
0x6f: {  	_ =	shalt  }
0x70: {  	_ =	shalt  }
0x71: {  	_ =	shalt  }
0x72: {  	_ =	shalt  }
0x73: {  	_ =	shalt  }
0x74: {  	_ =	shalt  }
0x75: {  	_ =	shalt  }
0x76: {  	_ =	shalt  }
0x77: {  	_ =	shalt  }
0x78: {  	_ =	shalt  }
0x79: {  	_ =	shalt  }
0x7a: {  	_ =	shalt  }
0x7b: {  	_ =	shalt  }
0x7c: {  	_ =	shalt  }
0x7d: {  	_ =	shalt  }
0x7e: {  	_ =	shalt  }
0x7f: {  	_ =	shalt  }
0x80: {  	_ =	shalt  }
0x81: {  	_ =	shalt  }
0x82: {  	_ =	shalt  }
0x83: {  	_ =	shalt  }
0x84: {  	_ =	shalt  }
0x85: {  	_ =	shalt  }
0x86: {  	_ =	shalt  }
0x87: {  	_ =	shalt  }
.Lfunc_end0:
.L_simem_size_0:
called_computation_lowered:
.L_overlay_start_0:
0x88: {  	s2 =	sld [smem:$0x3FD9]  }
0x89: {  	s3 =	sld [smem:$0x3FFE];
	_ =	sdelay $0x1  }
0x8a: {  	s1 =	srdreg.scid  }
0x8b: {  	s0 =	sand.u32 $0x1, s1  }
0x8c: {  	s14 =	sshll.u32 s0, $0xA;
	s2 =	sadd.s32 s3, s2  }
0x8d: {  	s2 =	sadd.s32 s2, s14  }
0x8e: {  	[smem:$0x3FC0] =	sst s2  }
0x8f: {  	_ = 	snop  }
0x90: {  	s2 =	sld [smem:$0x3FD0];
	_ =	sdelay $0x2  }
0x91: {  	s15 =	simm.s32 $0xA;
	s4 =	simm.s32 $0x10  }
0x92: {  	[smem:s4], [sflag:s15] =	dma.local [hbm:s2], $0x1  }
0x93: {  	_ =	swait.eq [sflag:s15], $0x1  }
0x94: {  	[sflag:s15] =	ssyncset.done $0x0  }
0x95: {  	s16 =	sld [smem:$0x10];
	[sflag:s15] =	ssyncadd.s32 $0xFFFFFFFF  }
0x96: {  	s17 =	sld [smem:$0x11];
	(tm) =	ssettm $0x1  }
0x97: {  	s18 =	sld [smem:$0x3FFB];
	_ =	sdelay $0x3  }
0x98: {  	_ =	strace s18  }
0x99: {  	s4 =	sld [smem:$0x3FFC];
	_ =	sdelay $0x3  }
0x9a: {  	_ =	strace s4  }
0x9b: {  	s4 =	sld [smem:$0x3FFD];
	_ =	sdelay $0x3  }
0x9c: {  	_ =	strace s4  }
0x9d: {  	_ =	strace $0x8FFFFFFF  }
0x9e: {  	s19 =	sld [smem:$0x3FDB];
	_ =	sdelay $0x1  }
0x9f: {  	s5 =	simm.s32 $_scs_section_size  }
0xa0: {  	s6 =	simm.s32 $_size__tile_overlayer_lowered;
	s7 =	simm.s32 $_tile_overlayer_lowered  }
0xa1: {  	s22 =	simm.s32 $0x1BFF;
	s21 =	sshll.u32 s7, $0x1;
	s4 =	sadd.s32 s5, s19  }
0xa2: {  	s8 =	simm.s32 $0x0;
	s20 =	sshll.u32 s6, $0x1;
	s6 =	sadd.s32 s21, s4  }
0xa3: {  	[timem:s8], [sflag:s22] =	dma.local [hbm:s6], s20  }
0xa4: {  	_ =	swait.ge [sflag:s22], s20  }
0xa5: {  	s5 =	ssub.s32 $0x0, s20;
	[sflag:s22] =	ssyncset.done $0x0  }
0xa6: {  	[sflag:s22] =	ssyncadd.s32 s5;
	_ =	sdelay $0x1  }
0xa7: {  	s23 =	simm.s32 $0x1B8B  }
0xa8: {  	_ =	swait.ge [sflag:s23], $0x1  }
0xa9: {  	[sflag:s23] =	ssyncset.done $0x0  }
0xaa: {  	s25 =	simm.s32 $0x1B8E;
	s24 =	sld [smem:$0x3FFE];
	[sflag:s23] =	ssyncadd.s32 $0xFFFFFFFF  }
0xab: {  	s26 =	simm.s32 $execute0_lowered;
	[smem:$0x3FD2] =	sst s25  }
0xac: {  	s6 =	sshll.u32 s26, $0x1;
	_ =	strace $0x80000046;
	[dreg:$0x1] =	wrdreg $0xFFFFFFFF  }
0xad: {  	s28 =	simm.s32 $_size_execute0_lowered;
	s4 =	sadd.s32 s4, s6;
	[dreg:$0x0] =	wrdreg $0x0  }
0xae: {  	s6 =	sshll.u32 s28, $0x1;
	[dreg:$0x2] =	wrdreg s4  }
0xaf: {  	[dreg:$0x3] =	wrdreg s6  }
0xb0: {  	[dreg:$0x4] =	wrdreg $0xC0  }
0xb1: {  	_ =	task [dreg:s8], $0x5FFFF  }
0xb2: {  	[dreg:$0x1] =	wrdreg $0xFFFFFFFF  }
0xb3: {  	[dreg:$0x0] =	wrdreg $0x60  }
0xb4: {  	[dreg:$0x2] =	wrdreg s24  }
0xb5: {  	[dreg:$0x3] =	wrdreg s16  }
0xb6: {  	[dreg:$0x4] =	wrdreg s17  }
0xb7: {  	[dreg:$0x5] =	wrdreg $0x70000  }
0xb8: {  	[dreg:$0x6] =	wrdreg $0x9  }
0xb9: {  	_ =	task.clear_ibuf [dreg:s8], $0x7FFFF;
	_ =	strace $0x90000046  }
0xba: {  	s29 =	simm.s32 $0x9;
	_ =	strace $0x80000048  }
0xbb: {  	_ =	swait.ge [sflag:s29], $0x1  }
0xbc: {  	[sflag:s29] =	ssyncadd.s32 $0xFFFFFFFF  }
0xbd: {  	_ =	strace $0x90000048  }
0xbe: {  	_ =	sfence  }
0xbf: {  	s30 =	sld [smem:$0x0];
	_ =	sdelay $0x2  }
0xc0: {  	s31 =	sshll.u32 s1, $0xD;
	s1 =	sshrl.u32 s1, $0x2  }
0xc1: {  	s3 =	sand.u32 $0x4000, s31;
	s1 =	sadd.s32 s1, s30  }
0xc2: {  	s0 =	sor.u32 s3, s0;
	s1 =	sshll.u32 s1, $0x11  }
0xc3: {  	s0 =	sor.u32 s1, s0  }
0xc4: {  	s0 =	sadd.s32 $0x8F2B, s0  }
0xc5: {  	[sflag:s0] =	ssyncadd.remote.s32 $0x1  }
0xc6: {  	_ =	sfence.sel $0xFFFF  }
0xc7: {  	[dreg:$0x0] =	wrdreg $0xFFFFFFFF;
	(pc) =	sbr.abs _section_cstart, $3  }
0xc8: {  	[dreg:$0x1] =	wrdreg $0xFFFFFFFF  }
0xc9: {  	_ =	task.clear_ibuf [dreg:s8], $0x2FFFF;
	_ =	strace $0x9FFFFFFF  }
0xca: {  	(tm) =	ssettm $0x7FFFFFFF  }
0xcb: {  	_ =	shalt  }
tec
execute0_lowered:
.L_overlay_start_1:
0x0: {  	(tag) =	ssettag $0x1  }
0x1: {  	s6 =	rddreg [dreg:$0x0]  }
0x2: {  	s1 =	rddreg [dreg:$0x1]  }
0x3: {  	s2 =	srdreg.scid;
	s3 =	rddreg [dreg:$0x2]  }
0x4: {  	s0 =	stileid.u32;
	s4 =	rddreg [dreg:$0x3]  }
0x5: {  	s5 =	simm.s32 $0x0;
	s12 =	simm.s32 $0x40;
	s13 =	simm.s32 $0x1  }
0x6: {  	s14 =	simm.s32 $0x2;
	s15 =	simm.s32 $0x3;
	s16 =	simm.s32 $0x4  }
0x7: {  	s7 =	sand.u32 $0x1, s2;
	s29 =	sshll.u32 s0, $0x1;
	s10 =	smul.u32 $0x4F000, s0  }
0x8: {  	[smem:$0x7FF] =	sst s5;
	s18 =	smul.u32 $0x2780, s0;
	s31 =	sshll.u32 s0, $0x6  }
0x9: {  	s2 =	sor.u32 s7, s29;
	s9 =	smul.u32 $0x27800, s7;
	s7 =	ssub.s32 $0x2, s7  }
0xa: {  	s8 =	smul.u32 $0xA00, s2;
	s2 =	rddreg [dreg:$0x4];
	_ =	strace $0x80000047  }
0xb: {  	s30 =	sshrl.u32 s7, $0x1;
	s10 =	sshrl.u32 s10, $0x2;
	s9 =	sadd.s32 s9, s6  }
0xc: {  	s7 =	ssub.s32 s7, s30;
	s11 =	sadd.s32 s10, s4;
	s10 =	sor.u32 $0x1C05, s31  }
0xd: {  	s8 =	sadd.s32 s8, s6;
	s17 =	sadd.s32 $0x16C00, s9;
	s7 =	smax.u32 s7, $0x1  }
0xe: {  	s9 =	simm.s32 $0x5000;
	s11 =	sshrl.u32 s11, $0x3;
	s6 =	sadd.s32 $0x2C00, s8  }
0xf: {  	s8 =	simm.s32 $0x5;
	s17 =	sadd.s32 s18, s17;
	s18 =	simm.s32 $0x0  }
.LBB2_1:
0x10: {  	[tilespmem:s5], [sflag:$0x5] =	stream.linear.gather [hbm4b:s6+s5], $0x5000, $0x38;
	[tilespmem:$0x1AC00] =	vst v63  }
0x11: {  	_ =	swait.ge [sflag:s8], $0x5000  }
0x12: {  	[sflag:s8] =	ssyncset.done $0x0  }
0x13: {  	[sflag:s8] =	ssyncadd.s32 $0xFFFFB000  }
0x14: {  	[tilespmem:s9], [sflag:$0x5] =	stream.linear.gather [hbm4b:s1+s5], $0x2000, $0x38;
	[tilespmem:$0x1AC00] =	vst v63  }
0x15: {  	_ =	swait.ge [sflag:s8], $0x2000  }
0x16: {  	[sflag:s8] =	ssyncset.done $0x0  }
0x17: {  	[sflag:s8] =	ssyncadd.s32 $0xFFFFE000  }
0x18: {  	[spmem:s11], [sflag:s10] =	dma.local [hbm:s3], $0x2780  }
0x19: {  	_ =	swait.ge [sflag:s8], $0x2780  }
0x1a: {  	[sflag:s8] =	ssyncset.done $0x0  }
0x1b: {  	[sflag:s8] =	ssyncadd.s32 $0xFFFFD880  }
0x1c: {  	s19 =	simm.s32 $0x0;
	[bflag:$0x0] =	sbarrier.arrive $0xFFFF  }
0x1d: {  	[spmem:s4] =	stream.indirect.scatter.add.f32 [tilespmem:s9], [sflag:$0x1], $0x80, s19, s12, $0xb8;
	[tilespmem:$0x1AC00] =	vst v63  }
0x1e: {  	s29 =	simm.s32 $0x80  }
0x1f: {  	[spmem:s4] =	stream.indirect.scatter.add.f32 [tilespmem:s9], [sflag:$0x2], $0x80, s29, s12, $0xb8;
	[tilespmem:$0x1AC00] =	vst v63  }
0x20: {  	s30 =	simm.s32 $0x100  }
0x21: {  	[spmem:s4] =	stream.indirect.scatter.add.f32 [tilespmem:s9], [sflag:$0x3], $0x80, s30, s12, $0xb8;
	[tilespmem:$0x1AC00] =	vst v63  }
0x22: {  	s31 =	simm.s32 $0x180  }
0x23: {  	[spmem:s4] =	stream.indirect.scatter.add.f32 [tilespmem:s9], [sflag:$0x4], $0x80, s31, s12, $0xb8;
	[tilespmem:$0x1AC00] =	vst v63  }
0x24: {  	_ =	swait.ge [sflag:s13], $0x2000  }
0x25: {  	[sflag:s13] =	ssyncset.done $0x0  }
0x26: {  	[sflag:s13] =	ssyncadd.s32 $0xFFFFE000  }
0x27: {  	_ =	swait.ge [sflag:s14], $0x2000  }
0x28: {  	[sflag:s14] =	ssyncset.done $0x0  }
0x29: {  	[sflag:s14] =	ssyncadd.s32 $0xFFFFE000  }
0x2a: {  	_ =	swait.ge [sflag:s15], $0x2000  }
0x2b: {  	[sflag:s15] =	ssyncset.done $0x0  }
0x2c: {  	[sflag:s15] =	ssyncadd.s32 $0xFFFFE000  }
0x2d: {  	_ =	swait.ge [sflag:s16], $0x2000  }
0x2e: {  	s20 =	simm.s32 $0x1000;
	s19 =	simm.s32 $0x800;
	[sflag:s16] =	ssyncset.done $0x0  }
.LBB2_2:
0x2f: {  	s21 =	sshra.s32 s19, $0x2  }
0x30: {  	[sflag:s16] =	ssyncadd.s32 $0xFFFFE000;
	s19 =	smov.u32 s20;
	s22 =	sadd.s32 $0x800, s20  }
0x31: {  	[spmem:s4] =	stream.indirect.scatter.add.f32 [tilespmem:s9], [sflag:$0x1], $0x80, s21, s12, $0xb8;
	[tilespmem:$0x1AC00] =	vst v63  }
0x32: {  	p0 =	sne.s32 s20, $0x13800;
	s20 =	sadd.s32 $0x80, s21  }
0x33: {  	[spmem:s4] =	stream.indirect.scatter.add.f32 [tilespmem:s9], [sflag:$0x2], $0x80, s20, s12, $0xb8;
	[tilespmem:$0x1AC00] =	vst v63  }
0x34: {  	s20 =	sadd.s32 $0x100, s21  }
0x35: {  	[spmem:s4] =	stream.indirect.scatter.add.f32 [tilespmem:s9], [sflag:$0x3], $0x80, s20, s12, $0xb8;
	[tilespmem:$0x1AC00] =	vst v63  }
0x36: {  	s20 =	sadd.s32 $0x180, s21  }
0x37: {  	[spmem:s4] =	stream.indirect.scatter.add.f32 [tilespmem:s9], [sflag:$0x4], $0x80, s20, s12, $0xb8;
	[tilespmem:$0x1AC00] =	vst v63  }
0x38: {  	_ =	swait.ge [sflag:s13], $0x2000  }
0x39: {  	[sflag:s13] =	ssyncset.done $0x0  }
0x3a: {  	[sflag:s13] =	ssyncadd.s32 $0xFFFFE000  }
0x3b: {  	_ =	swait.ge [sflag:s14], $0x2000  }
0x3c: {  	[sflag:s14] =	ssyncset.done $0x0  }
0x3d: {  	[sflag:s14] =	ssyncadd.s32 $0xFFFFE000  }
.Ltmp0:
0x3e: {  	_ =	swait.ge [sflag:s15], $0x2000;
	(pc) =	sbr.rel @p0 .LBB2_2-.Ltmp0, $4  }
0x3f: {  	[sflag:s15] =	ssyncset.done $0x0  }
0x40: {  	[sflag:s15] =	ssyncadd.s32 $0xFFFFE000  }
0x41: {  	_ =	swait.ge [sflag:s16], $0x2000  }
0x42: {  	s20 =	smov.u32 s22;
	[sflag:s16] =	ssyncset.done $0x0  }
0x43: {  	s19 =	sshra.s32 s19, $0x2;
	[sflag:s16] =	ssyncadd.s32 $0xFFFFE000  }
0x44: {  	[spmem:s4] =	stream.indirect.scatter.add.f32 [tilespmem:s9], [sflag:$0x1], $0x80, s19, s12, $0xb8;
	[tilespmem:$0x1AC00] =	vst v63  }
0x45: {  	s20 =	sadd.s32 $0x80, s19  }
0x46: {  	[spmem:s4] =	stream.indirect.scatter.add.f32 [tilespmem:s9], [sflag:$0x2], $0x80, s20, s12, $0xb8;
	[tilespmem:$0x1AC00] =	vst v63  }
0x47: {  	s31 =	sadd.s32 $0x100, s19  }
0x48: {  	[spmem:s4] =	stream.indirect.scatter.add.f32 [tilespmem:s9], [sflag:$0x3], $0x80, s31, s12, $0xb8;
	[tilespmem:$0x1AC00] =	vst v63  }
0x49: {  	s19 =	sadd.s32 $0x180, s19  }
0x4a: {  	[spmem:s4] =	stream.indirect.scatter.add.f32 [tilespmem:s9], [sflag:$0x4], $0x80, s19, s12, $0xb8;
	[tilespmem:$0x1AC00] =	vst v63  }
0x4b: {  	_ =	swait.ge [sflag:s13], $0x2000  }
0x4c: {  	[sflag:s13] =	ssyncset.done $0x0  }
0x4d: {  	[sflag:s13] =	ssyncadd.s32 $0xFFFFE000  }
0x4e: {  	_ =	swait.ge [sflag:s14], $0x2000  }
0x4f: {  	[sflag:s14] =	ssyncset.done $0x0  }
0x50: {  	[sflag:s14] =	ssyncadd.s32 $0xFFFFE000  }
0x51: {  	_ =	swait.ge [sflag:s15], $0x2000  }
0x52: {  	[sflag:s15] =	ssyncset.done $0x0  }
0x53: {  	[sflag:s15] =	ssyncadd.s32 $0xFFFFE000  }
0x54: {  	_ =	swait.ge [sflag:s16], $0x2000  }
0x55: {  	s18 =	sadd.s32 $0x1, s18;
	[sflag:s16] =	ssyncset.done $0x0  }
0x56: {  	p0 =	sne.s32 s18, s7;
	[sflag:s16] =	ssyncadd.s32 $0xFFFFE000  }
.Ltmp1:
0x57: {  	[bflag:$0x0] =	sbarrier.arrive $0xFFFF;
	(pc) =	sbr.rel @p0 .LBB2_1-.Ltmp1, $4  }
0x58: {  	[hbm:s17], [sflag:s10] =	dma.local [spmem:s11], $0x2780  }
0x59: {  	_ =	swait.ge [sflag:s8], $0x2780  }
0x5a: {  	[sflag:s8] =	ssyncset.done $0x0  }
0x5b: {  	[sflag:s8] =	ssyncadd.s32 $0xFFFFD880  }
0x5c: {  	_ =	sfence.sel $0x180000  }
0x5d: {  	[bflag:$0x0] =	sbarrier.arrive $0xFFFF  }
0x5e: {  	p0 =	sne.s32 s0, $0x0;
	_ =	strace $0x90000047  }
0x5f: {  	s0 =	sadd.s32 @!p0 $0x100000, s2;
	[bflag:$0x2] =	sbarrier.arrive $0xFFFF  }
0x60: {  	[sflag:s0] =	ssyncadd.tile.s32 @!p0 $0x1;
	_ =	shalt  }
.Lfunc_end2:
_tile_overlayer_lowered:
.L_overlay_start_2:
0x61: {  	(tag) =	ssettag $0x2  }
0x62: {  	s0 =	rddreg [dreg:$0x0];
	s2 =	stileid.u32  }
0x63: {  	s1 =	rddreg [dreg:$0x1];
	p0 =	sne.s32 s2, $0x0  }
0x64: {  	s3 =	rddreg [dreg:$0x2];
	[bflag:$0x3] =	sbarrier.arrive $0xFFFF;
	s2 =	simm.s32 @!p0 $0x1C05  }
0x65: {  	[timem:s3], [sflag:s2] =	dma.local @!p0 [hbm:s0], s1  }
0x66: {  	s0 =	simm.s32 @!p0 $0x5  }
0x67: {  	_ =	swait.ge @!p0 [sflag:s0], s1  }
0x68: {  	s1 =	ssub.s32 @!p0 $0x0, s1;
	[sflag:s0] =	ssyncset.done @!p0 $0x0  }
0x69: {  	[sflag:s0] =	ssyncadd.s32 @!p0 s1  }
0x6a: {  	[bflag:$0x3] =	sbarrier.arrive $0xFFFF  }
0x6b: {  	_ =	shalt  }

</sc_bundles>
